<compile_context>
chip_gen: v7x
topology: tpu7x:2x2x1
jax: 0.10.2.dev20260603
libtpu: 0.0.44.dev20260713+nightly
codegen_flags: <defaults>
</compile_context>

<pallas_src>
import jax
import jax.numpy as jnp
from jax import lax
from jax.experimental import pallas as pl
from jax.experimental.pallas import tpu as pltpu
from jax.experimental.pallas import tpu_sc as plsc

N = 10000
E = 160000
T = 12
F = 32
D = T * F
DQ = D // 4

NS = 16
CH = 40
LCH = 256
NBUF = 2
EP = NS * CH * LCH
NPAD = 10112
SLAB = NPAD // NS
BN = 400
BNP = 632
GRID_N = N // BN
GRID_P = NPAD // BNP

_sc_mesh = plsc.VectorSubcoreMesh(core_axis_name="c", subcore_axis_name="s")
_sc_params = pltpu.CompilerParams(use_tc_tiling_on_sc=False)


def _deg_body(srcI, dstI, ones_h, z8, degS, degD, idx_v, ones_v, deg_sh):
    c = lax.axis_index("c")
    s = lax.axis_index("s")
    sl = pl.ds(s * SLAB, SLAB)
    pltpu.sync_copy(z8, deg_sh.at[sl])
    pltpu.sync_copy(ones_h, ones_v)

    @pl.when(c == 0)
    def _():
        pltpu.sync_copy(srcI.at[s], idx_v)

    @pl.when(c == 1)
    def _():
        pltpu.sync_copy(dstI.at[s], idx_v)

    plsc.subcore_barrier()

    def body(j, carry):
        pltpu.sync_copy(ones_v, deg_sh.at[idx_v.at[j]], add=True)
        return carry

    lax.fori_loop(0, CH, body, 0)
    plsc.subcore_barrier()

    @pl.when(c == 0)
    def _():
        pltpu.sync_copy(deg_sh.at[sl], degS.at[sl])

    @pl.when(c == 1)
    def _():
        pltpu.sync_copy(deg_sh.at[sl], degD.at[sl])


_deg_call = pl.kernel(
    _deg_body,
    out_type=(
        jax.ShapeDtypeStruct((NPAD, 8), jnp.float32),
        jax.ShapeDtypeStruct((NPAD, 8), jnp.float32),
    ),
    mesh=_sc_mesh,
    scratch_types=[
        pltpu.VMEM((CH, LCH), jnp.int32),
        pltpu.VMEM((LCH, 8), jnp.float32),
        pltpu.VMEM_SHARED((NPAD, 8), jnp.float32),
    ],
    compiler_params=_sc_params,
)


def _agg_body(t0, t1, t2, t3, srcI, dstI, zrows, a0, a1, a2, a3,
              src_v, dst_v, rows, agg_sh, gsems, ssems):
    c = lax.axis_index("c")
    s = lax.axis_index("s")
    sl = pl.ds(s * SLAB, SLAB)
    pltpu.sync_copy(srcI.at[s], src_v)
    pltpu.sync_copy(dstI.at[s], dst_v)

    def quarter(tab, aout):
        pltpu.sync_copy(zrows, agg_sh.at[sl])
        plsc.subcore_barrier()
        for b in range(NBUF):
            pltpu.async_copy(tab.at[src_v.at[b]], rows.at[b], gsems.at[b])

        def body(i, carry):
            for b in range(NBUF):
                j = NBUF * i + b

                @pl.when(j < CH)
                def _():
                    pltpu.make_async_copy(
                        tab.at[src_v.at[j]], rows.at[b], gsems.at[b]).wait()
                    pltpu.async_copy(rows.at[b], agg_sh.at[dst_v.at[j]],
                                     ssems.at[b], add=True)

                    @pl.when(j + NBUF < CH)
                    def _():
                        pltpu.make_async_copy(
                            rows.at[b], agg_sh.at[dst_v.at[j]],
                            ssems.at[b]).wait()
                        pltpu.async_copy(tab.at[src_v.at[j + NBUF]],
                                         rows.at[b], gsems.at[b])

            return carry

        lax.fori_loop(0, (CH + NBUF - 1) // NBUF, body, 0)
        for b in range(NBUF):
            pltpu.make_async_copy(
                rows.at[b], agg_sh.at[dst_v.at[CH - NBUF + b]],
                ssems.at[b]).wait()
        plsc.subcore_barrier()
        pltpu.sync_copy(agg_sh.at[sl], aout.at[sl])

    @pl.when(c == 0)
    def _():
        quarter(t0, a0)
        quarter(t1, a1)

    @pl.when(c == 1)
    def _():
        quarter(t2, a2)
        quarter(t3, a3)


_agg_call = pl.kernel(
    _agg_body,
    out_type=tuple(jax.ShapeDtypeStruct((NPAD, DQ), jnp.float32)
                   for _ in range(4)),
    mesh=_sc_mesh,
    scratch_types=[
        pltpu.VMEM((CH, LCH), jnp.int32),
        pltpu.VMEM((CH, LCH), jnp.int32),
        pltpu.VMEM((NBUF, LCH, DQ), jnp.float32),
        pltpu.VMEM_SHARED((NPAD, DQ), jnp.float32),
        pltpu.SemaphoreType.DMA((NBUF,)),
        pltpu.SemaphoreType.DMA((NBUF,)),
    ],
    compiler_params=_sc_params,
)


def _store_quarters(hw, orefs):
    for q, oref in enumerate(orefs):
        oref[...] = hw[:, q * DQ:(q + 1) * DQ]


def _first_body(x_ref, dS_ref, w_ref, o0_ref, o1_ref, o2_ref, o3_ref):
    sn = lax.rsqrt(jnp.maximum(dS_ref[:, :1], 1.0))
    hw = jnp.dot(x_ref[...], w_ref[...],
                 preferred_element_type=jnp.float32) * sn
    _store_quarters(hw, (o0_ref, o1_ref, o2_ref, o3_ref))


def _mid_body(a0_ref, a1_ref, a2_ref, a3_ref, dD_ref, dS_ref, w_ref, b_ref,
              o0_ref, o1_ref, o2_ref, o3_ref):
    agg = jnp.concatenate(
        [a0_ref[...], a1_ref[...], a2_ref[...], a3_ref[...]], axis=1)
    dn = lax.rsqrt(jnp.maximum(dD_ref[:, :1], 1.0))
    h = jnp.maximum(agg * dn + b_ref[...], 0.0)
    sn = lax.rsqrt(jnp.maximum(dS_ref[:, :1], 1.0))
    hw = jnp.dot(h, w_ref[...], preferred_element_type=jnp.float32) * sn
    _store_quarters(hw, (o0_ref, o1_ref, o2_ref, o3_ref))


def _last_body(a0_ref, a1_ref, a2_ref, a3_ref, dD_ref, b_ref, wt_ref, cb_ref,
               o_ref):
    agg = jnp.concatenate(
        [a0_ref[...], a1_ref[...], a2_ref[...], a3_ref[...]], axis=1)
    dn = lax.rsqrt(jnp.maximum(dD_ref[:, :1], 1.0))
    h = agg * dn + b_ref[...]
    o_ref[...] = jnp.dot(h, wt_ref[...],
                         preferred_element_type=jnp.float32) + cb_ref[...]


def _row_spec(bn, width):
    return pl.BlockSpec((bn, width), lambda i: (i, 0))


_wbig_spec = pl.BlockSpec((D, D), lambda i: (0, 0))
_b_spec = pl.BlockSpec((1, D), lambda i: (0, 0))


def _quarter_shapes(n):
    return tuple(jax.ShapeDtypeStruct((n, DQ), jnp.float32) for _ in range(4))


def _first_call(x, degS, Wbig):
    return pl.pallas_call(
        _first_body,
        grid=(GRID_N,),
        in_specs=[_row_spec(BN, D), _row_spec(BN, 8), _wbig_spec],
        out_specs=tuple(_row_spec(BN, DQ) for _ in range(4)),
        out_shape=_quarter_shapes(N),
    )(x, degS, Wbig)


def _mid_call(a, degD, degS, Wbig, bvec):
    return pl.pallas_call(
        _mid_body,
        grid=(GRID_P,),
        in_specs=[_row_spec(BNP, DQ)] * 4 + [_row_spec(BNP, 8),
                                             _row_spec(BNP, 8),
                                             _wbig_spec, _b_spec],
        out_specs=tuple(_row_spec(BNP, DQ) for _ in range(4)),
        out_shape=_quarter_shapes(NPAD),
    )(*a, degD, degS, Wbig, bvec)


def _last_call(a, degD, bvec, WT, cb):
    return pl.pallas_call(
        _last_body,
        grid=(GRID_P,),
        in_specs=[_row_spec(BNP, DQ)] * 4 + [_row_spec(BNP, 8), _b_spec,
                                             _wbig_spec, _b_spec],
        out_specs=_row_spec(BNP, D),
        out_shape=jax.ShapeDtypeStruct((NPAD, D), jnp.float32),
    )(*a, degD, bvec, WT, cb)


@jax.jit
def kernel(temporal_features, edge_index, W1, b1, W2, b2, W3, b3, conv_w, conv_b):
    x = jnp.transpose(temporal_features, (0, 2, 1)).reshape(N, D)
    src = edge_index[0]
    dst = edge_index[1]
    pad = EP - E
    srcA = jnp.concatenate([src, jnp.zeros((pad,), jnp.int32)]).reshape(NS, CH, LCH)
    srcD = jnp.concatenate([src, jnp.full((pad,), N, jnp.int32)]).reshape(NS, CH, LCH)
    dstI = jnp.concatenate([dst, jnp.full((pad,), N, jnp.int32)]).reshape(NS, CH, LCH)

    ones8 = jnp.ones((LCH, 8), jnp.float32)
    z8 = jnp.zeros((SLAB, 8), jnp.float32)
    zrows = jnp.zeros((SLAB, DQ), jnp.float32)

    eyeT = jnp.eye(T, dtype=jnp.float32)
    W1big = jnp.kron(eyeT, W1)
    W2big = jnp.kron(eyeT, W2)
    W3big = jnp.kron(eyeT, W3)
    WT = sum(jnp.kron(jnp.eye(T, k=1 - k, dtype=jnp.float32),
                      conv_w[:, :, k].T) for k in range(3))
    b1t = jnp.tile(b1, T).reshape(1, D)
    b2t = jnp.tile(b2, T).reshape(1, D)
    b3t = jnp.tile(b3, T).reshape(1, D)
    cbt = jnp.tile(conv_b, T).reshape(1, D)

    degS, degD = _deg_call(srcD, dstI, ones8, z8)

    def agg(ts):
        a = _agg_call(*ts, srcA, dstI, zrows)
        return a

    t = _first_call(x, degS[:N], W1big)
    a = agg(t)
    t = _mid_call(a, degD, degS, W2big, b1t)
    a = agg(t)
    t = _mid_call(a, degD, degS, W3big, b2t)
    a = agg(t)

    y = _last_call(a, degD, b3t, WT, cbt)
    return jnp.transpose(y[:N].reshape(N, T, F), (0, 2, 1))

# --- scband reference (transcript-rebuilt; emitter-appended) ---
"""Pipeline reference for scband-stblock-38783554683504 (READ-ONLY COPY).

The authoritative reference and input builder live on the scoring server;
editing this copy changes nothing except your own understanding.
"""

import jax, jax.numpy as jnp
import numpy as np

N = 10000
E = 160000
F_IN = 32
F_OUT = 32
T_IN = 12
# GCN(f_in, [(f_in*(4-i)+f_out*i)//4 for i in (1,4)], f_out) -> hidden dims [H1, H2], 3 graph-conv layers
H1 = (F_IN * 3 + F_OUT * 1) // 4  # 32
H2 = (F_IN * 0 + F_OUT * 4) // 4  # 32


def _init_w(key, fan_in, fan_out):
    return (jax.random.normal(key, (fan_in, fan_out), dtype=jnp.float32) / np.sqrt(fan_in)).astype(jnp.float32)


def setup_inputs(seed: int = 0) -> dict:
    key = jax.random.key(seed)
    ks = jax.random.split(key, 12)
    temporal_features = jax.random.normal(ks[0], (N, F_IN, T_IN), dtype=jnp.float32)
    edge_index = jax.random.randint(ks[1], (2, E), 0, N, dtype=jnp.int32)
    W1 = _init_w(ks[2], F_IN, H1)
    b1 = jnp.zeros((H1,), dtype=jnp.float32)
    W2 = _init_w(ks[3], H1, H2)
    b2 = jnp.zeros((H2,), dtype=jnp.float32)
    W3 = _init_w(ks[4], H2, F_OUT)
    b3 = jnp.zeros((F_OUT,), dtype=jnp.float32)
    conv_w = (jax.random.normal(ks[5], (F_OUT, F_OUT, 3), dtype=jnp.float32) / np.sqrt(F_OUT * 3)).astype(jnp.float32)
    conv_b = jnp.zeros((F_OUT,), dtype=jnp.float32)
    return {"temporal_features": temporal_features, "edge_index": edge_index,
            "W1": W1, "b1": b1, "W2": W2, "b2": b2, "W3": W3, "b3": b3,
            "conv_w": conv_w, "conv_b": conv_b}


def reference(temporal_features, edge_index, W1, b1, W2, b2, W3, b3, conv_w, conv_b):
    # [N, f_in, t_in] -> [N, t_in, f_in] (transpose(-2, -1))
    x = jnp.transpose(temporal_features, (0, 2, 1))
    src = edge_index[0]
    dst = edge_index[1]
    ones = jnp.ones((E,), dtype=jnp.float32)
    out_deg = jax.ops.segment_sum(ones, src, num_segments=N)
    in_deg = jax.ops.segment_sum(ones, dst, num_segments=N)
    src_norm = 1.0 / jnp.sqrt(jnp.clip(out_deg, 1.0))
    dst_norm = 1.0 / jnp.sqrt(jnp.clip(in_deg, 1.0))

    def gcn_layer(h, W, b):
        # symmetric-normalized graph convolution: D^-1/2 A D^-1/2 (h W) + b
        hw = jnp.einsum('ntf,fo->nto', h, W)
        msg = hw[src] * src_norm[src][:, None, None]
        agg = jax.ops.segment_sum(msg, dst, num_segments=N)
        return agg * dst_norm[:, None, None] + b[None, None, :]

    h = jax.nn.relu(gcn_layer(x, W1, b1))
    h = jax.nn.relu(gcn_layer(h, W2, b2))
    h = gcn_layer(h, W3, b3)            # [N, t_in, f_out]
    h = jnp.transpose(h, (0, 2, 1))     # [N, f_out, t_in]
    # Conv1d(f_out, f_out, kernel=3, padding=1) over the time axis
    out = jax.lax.conv_general_dilated(
        h, conv_w, window_strides=(1,), padding=[(1, 1)],
        dimension_numbers=('NCH', 'OIH', 'NCH'))
    out = out + conv_b[None, :, None]
    return out

if __name__ == "__main__":
    import jax
    _d = setup_inputs()
    print(jax.jit(kernel)(*tuple(_d.values())))

</pallas_src>

<mosaic_0001>
#map = affine_map<(d0, d1) -> (0, 0)>
#map1 = affine_map<(d0, d1) -> (0, 0, 0)>
module attributes {stable_mosaic.version = 14 : i64} {
  func.func @_agg_body(%arg0: i32, %arg1: i32, %arg2: memref<10112x96xf32, #tpu.memory_space<hbm>>, %arg3: memref<10112x96xf32, #tpu.memory_space<hbm>>, %arg4: memref<10112x96xf32, #tpu.memory_space<hbm>>, %arg5: memref<10112x96xf32, #tpu.memory_space<hbm>>, %arg6: memref<16x40x256xi32, #tpu.memory_space<hbm>>, %arg7: memref<16x40x256xi32, #tpu.memory_space<hbm>>, %arg8: memref<632x96xf32, #tpu.memory_space<hbm>>, %arg9: memref<10112x96xf32, #tpu.memory_space<hbm>>, %arg10: memref<10112x96xf32, #tpu.memory_space<hbm>>, %arg11: memref<10112x96xf32, #tpu.memory_space<hbm>>, %arg12: memref<10112x96xf32, #tpu.memory_space<hbm>>, %arg13: memref<40x256xi32, #tpu.memory_space<vmem>>, %arg14: memref<40x256xi32, #tpu.memory_space<vmem>>, %arg15: memref<2x256x96xf32, #tpu.memory_space<vmem>>, %arg16: memref<10112x96xf32, #tpu.memory_space<vmem_shared>>, %arg17: memref<2x!tpu.dma_semaphore, #tpu.memory_space<semaphore_mem>>, %arg18: memref<2x!tpu.dma_semaphore, #tpu.memory_space<semaphore_mem>>) attributes {dimension_semantics = [#tpu.dimension_semantics<core_parallel>, #tpu.dimension_semantics<subcore_parallel>], iteration_bounds = array<i64: 2, 16>, scalar_prefetch = 0 : i64, scratch_operands = 6 : i64, tpu.core_type = #tpu.core_type<sc_vector_subcore>, window_params = [{transform_indices = #map}, {transform_indices = #map}, {transform_indices = #map}, {transform_indices = #map}, {transform_indices = #map1}, {transform_indices = #map1}, {transform_indices = #map}, {transform_indices = #map}, {transform_indices = #map}, {transform_indices = #map}, {transform_indices = #map}]} {
    %mul3A = arith.constant 632 : i32
    %mul3A_0 = arith.muli %arg1, %mul3A : i32
    "tpu.region"() ({
      %run_scoped3A = tpu.sem_alloc : memref<!tpu.dma_semaphore, #tpu.memory_space<semaphore_mem>>
      %dma_start3A = arith.constant 0 : i32
      %dma_start3A_8 = arith.constant 0 : i32
      %dma_start3A_9 = tpu.memref_slice %arg6[%arg1, %dma_start3A, %dma_start3A_8] : memref<16x40x256xi32, #tpu.memory_space<hbm>> -> memref<1x40x256xi32, #tpu.memory_space<hbm>>
      %dma_start3A_10 = tpu.memref_squeeze %dma_start3A_9 : memref<1x40x256xi32, #tpu.memory_space<hbm>> -> memref<40x256xi32, #tpu.memory_space<hbm>>
      %dma_start3A_11 = arith.constant 0 : i32
      %dma_start3A_12 = arith.constant 0 : i32
      %dma_start3A_13 = tpu.memref_slice %arg6[%arg1, %dma_start3A_11, %dma_start3A_12] : memref<16x40x256xi32, #tpu.memory_space<hbm>> -> memref<1x40x256xi32, #tpu.memory_space<hbm>>
      %dma_start3A_14 = tpu.memref_squeeze %dma_start3A_13 : memref<1x40x256xi32, #tpu.memory_space<hbm>> -> memref<40x256xi32, #tpu.memory_space<hbm>>
      tpu.enqueue_dma source(%dma_start3A_14 : memref<40x256xi32, #tpu.memory_space<hbm>>) target(%arg13 : memref<40x256xi32, #tpu.memory_space<vmem>>) target_semaphore(%run_scoped3A : memref<!tpu.dma_semaphore, #tpu.memory_space<semaphore_mem>>)
      %dma_wait3A = arith.constant 0 : i32
      %dma_wait3A_15 = arith.constant 0 : i32
      %dma_wait3A_16 = tpu.memref_slice %arg6[%arg1, %dma_wait3A, %dma_wait3A_15] : memref<16x40x256xi32, #tpu.memory_space<hbm>> -> memref<1x40x256xi32, #tpu.memory_space<hbm>>
      %dma_wait3A_17 = tpu.memref_squeeze %dma_wait3A_16 : memref<1x40x256xi32, #tpu.memory_space<hbm>> -> memref<40x256xi32, #tpu.memory_space<hbm>>
      %dma_wait3A_18 = arith.constant 0 : i32
      %dma_wait3A_19 = arith.constant 0 : i32
      %dma_wait3A_20 = tpu.memref_slice %arg6[%arg1, %dma_wait3A_18, %dma_wait3A_19] : memref<16x40x256xi32, #tpu.memory_space<hbm>> -> memref<1x40x256xi32, #tpu.memory_space<hbm>>
      %dma_wait3A_21 = tpu.memref_squeeze %dma_wait3A_20 : memref<1x40x256xi32, #tpu.memory_space<hbm>> -> memref<40x256xi32, #tpu.memory_space<hbm>>
      tpu.wait_dma2 semaphore(%run_scoped3A : memref<!tpu.dma_semaphore, #tpu.memory_space<semaphore_mem>>) src(%dma_wait3A_21 : memref<40x256xi32, #tpu.memory_space<hbm>>) dst(%arg13 : memref<40x256xi32, #tpu.memory_space<vmem>>)
      tpu.yield
    }) : () -> ()
    "tpu.region"() ({
      %run_scoped3A = tpu.sem_alloc : memref<!tpu.dma_semaphore, #tpu.memory_space<semaphore_mem>>
      %dma_start3A = arith.constant 0 : i32
      %dma_start3A_8 = arith.constant 0 : i32
      %dma_start3A_9 = tpu.memref_slice %arg7[%arg1, %dma_start3A, %dma_start3A_8] : memref<16x40x256xi32, #tpu.memory_space<hbm>> -> memref<1x40x256xi32, #tpu.memory_space<hbm>>
      %dma_start3A_10 = tpu.memref_squeeze %dma_start3A_9 : memref<1x40x256xi32, #tpu.memory_space<hbm>> -> memref<40x256xi32, #tpu.memory_space<hbm>>
      %dma_start3A_11 = arith.constant 0 : i32
      %dma_start3A_12 = arith.constant 0 : i32
      %dma_start3A_13 = tpu.memref_slice %arg7[%arg1, %dma_start3A_11, %dma_start3A_12] : memref<16x40x256xi32, #tpu.memory_space<hbm>> -> memref<1x40x256xi32, #tpu.memory_space<hbm>>
      %dma_start3A_14 = tpu.memref_squeeze %dma_start3A_13 : memref<1x40x256xi32, #tpu.memory_space<hbm>> -> memref<40x256xi32, #tpu.memory_space<hbm>>
      tpu.enqueue_dma source(%dma_start3A_14 : memref<40x256xi32, #tpu.memory_space<hbm>>) target(%arg14 : memref<40x256xi32, #tpu.memory_space<vmem>>) target_semaphore(%run_scoped3A : memref<!tpu.dma_semaphore, #tpu.memory_space<semaphore_mem>>)
      %dma_wait3A = arith.constant 0 : i32
      %dma_wait3A_15 = arith.constant 0 : i32
      %dma_wait3A_16 = tpu.memref_slice %arg7[%arg1, %dma_wait3A, %dma_wait3A_15] : memref<16x40x256xi32, #tpu.memory_space<hbm>> -> memref<1x40x256xi32, #tpu.memory_space<hbm>>
      %dma_wait3A_17 = tpu.memref_squeeze %dma_wait3A_16 : memref<1x40x256xi32, #tpu.memory_space<hbm>> -> memref<40x256xi32, #tpu.memory_space<hbm>>
      %dma_wait3A_18 = arith.constant 0 : i32
      %dma_wait3A_19 = arith.constant 0 : i32
      %dma_wait3A_20 = tpu.memref_slice %arg7[%arg1, %dma_wait3A_18, %dma_wait3A_19] : memref<16x40x256xi32, #tpu.memory_space<hbm>> -> memref<1x40x256xi32, #tpu.memory_space<hbm>>
      %dma_wait3A_21 = tpu.memref_squeeze %dma_wait3A_20 : memref<1x40x256xi32, #tpu.memory_space<hbm>> -> memref<40x256xi32, #tpu.memory_space<hbm>>
      tpu.wait_dma2 semaphore(%run_scoped3A : memref<!tpu.dma_semaphore, #tpu.memory_space<semaphore_mem>>) src(%dma_wait3A_21 : memref<40x256xi32, #tpu.memory_space<hbm>>) dst(%arg14 : memref<40x256xi32, #tpu.memory_space<vmem>>)
      tpu.yield
    }) : () -> ()
    %eq3A = arith.constant 0 : i32
    %eq3A_1 = arith.cmpi eq, %arg0, %eq3A : i32
    %convert_element_type3A = arith.extui %eq3A_1 : i1 to i32
    %cond3A = arith.constant 0 : i32
    %cond3A_2 = arith.cmpi ne, %convert_element_type3A, %cond3A : i32
    scf.if %cond3A_2 {
      "tpu.region"() ({
        %run_scoped3A = tpu.sem_alloc : memref<!tpu.dma_semaphore, #tpu.memory_space<semaphore_mem>>
        %dma_start3A_140 = arith.constant 0 : i32
        %dma_start3A_141 = tpu.memref_slice %arg16[%mul3A_0, %dma_start3A_140] : memref<10112x96xf32, #tpu.memory_space<vmem_shared>> -> memref<632x96xf32, #tpu.memory_space<vmem_shared>>
        tpu.enqueue_dma source(%arg8 : memref<632x96xf32, #tpu.memory_space<hbm>>) target(%dma_start3A_141 : memref<632x96xf32, #tpu.memory_space<vmem_shared>>) target_semaphore(%run_scoped3A : memref<!tpu.dma_semaphore, #tpu.memory_space<semaphore_mem>>)
        %dma_wait3A_142 = arith.constant 0 : i32
        %dma_wait3A_143 = tpu.memref_slice %arg16[%mul3A_0, %dma_wait3A_142] : memref<10112x96xf32, #tpu.memory_space<vmem_shared>> -> memref<632x96xf32, #tpu.memory_space<vmem_shared>>
        tpu.wait_dma2 semaphore(%run_scoped3A : memref<!tpu.dma_semaphore, #tpu.memory_space<semaphore_mem>>) src(%arg8 : memref<632x96xf32, #tpu.memory_space<hbm>>) dst(%dma_wait3A_143 : memref<632x96xf32, #tpu.memory_space<vmem_shared>>)
        tpu.yield
      }) : () -> ()
      %barrier3A = arith.constant 0 : index
      tpu.barrier barrier_id(%barrier3A)
      %dma_start3A = arith.constant 0 : i32
      %dma_start3A_8 = arith.constant 0 : i32
      %dma_start3A_9 = arith.constant 0 : i32
      %dma_start3A_10 = arith.constant 0 : i32
      %dma_start3A_11 = arith.constant 0 : i32
      %dma_start3A_12 = tpu.memref_slice %arg15[%dma_start3A_8, %dma_start3A_10, %dma_start3A_11] : memref<2x256x96xf32, #tpu.memory_space<vmem>> -> memref<1x256x96xf32, #tpu.memory_space<vmem>>
      %dma_start3A_13 = tpu.memref_squeeze %dma_start3A_12 : memref<1x256x96xf32, #tpu.memory_space<vmem>> -> memref<256x96xf32, #tpu.memory_space<vmem>>
      %dma_start3A_14 = arith.constant 0 : i32
      %dma_start3A_15 = tpu.memref_slice %arg13[%dma_start3A, %dma_start3A_14] : memref<40x256xi32, #tpu.memory_space<vmem>> -> memref<1x256xi32, #tpu.memory_space<vmem>>
      %dma_start3A_16 = tpu.memref_squeeze %dma_start3A_15 : memref<1x256xi32, #tpu.memory_space<vmem>> -> memref<256xi32, #tpu.memory_space<vmem>>
      %dma_start3A_17 = arith.constant 0 : i32
      %dma_start3A_18 = arith.constant 0 : i32
      %dma_start3A_19 = tpu.memref_slice %arg2[%dma_start3A_17, %dma_start3A_18] : memref<10112x96xf32, #tpu.memory_space<hbm>> -> memref<10112x96xf32, #tpu.memory_space<hbm>>
      %dma_start3A_20 = tpu.memref_slice %arg17[%dma_start3A_9] : memref<2x!tpu.dma_semaphore, #tpu.memory_space<semaphore_mem>> -> memref<1x!tpu.dma_semaphore, #tpu.memory_space<semaphore_mem>>
      %dma_start3A_21 = tpu.memref_squeeze %dma_start3A_20 : memref<1x!tpu.dma_semaphore, #tpu.memory_space<semaphore_mem>> -> memref<!tpu.dma_semaphore, #tpu.memory_space<semaphore_mem>>
      tpu.enqueue_indirect_dma source(%dma_start3A_19 : memref<10112x96xf32, #tpu.memory_space<hbm>>) target(%dma_start3A_13 : memref<256x96xf32, #tpu.memory_space<vmem>>) offsets(%dma_start3A_16 : memref<256xi32, #tpu.memory_space<vmem>>) semaphore(%dma_start3A_21 : memref<!tpu.dma_semaphore, #tpu.memory_space<semaphore_mem>>)
      %dma_start3A_22 = arith.constant 1 : i32
      %dma_start3A_23 = arith.constant 1 : i32
      %dma_start3A_24 = arith.constant 1 : i32
      %dma_start3A_25 = arith.constant 0 : i32
      %dma_start3A_26 = arith.constant 0 : i32
      %dma_start3A_27 = tpu.memref_slice %arg15[%dma_start3A_23, %dma_start3A_25, %dma_start3A_26] : memref<2x256x96xf32, #tpu.memory_space<vmem>> -> memref<1x256x96xf32, #tpu.memory_space<vmem>>
      %dma_start3A_28 = tpu.memref_squeeze %dma_start3A_27 : memref<1x256x96xf32, #tpu.memory_space<vmem>> -> memref<256x96xf32, #tpu.memory_space<vmem>>
      %dma_start3A_29 = arith.constant 0 : i32
      %dma_start3A_30 = tpu.memref_slice %arg13[%dma_start3A_22, %dma_start3A_29] : memref<40x256xi32, #tpu.memory_space<vmem>> -> memref<1x256xi32, #tpu.memory_space<vmem>>
      %dma_start3A_31 = tpu.memref_squeeze %dma_start3A_30 : memref<1x256xi32, #tpu.memory_space<vmem>> -> memref<256xi32, #tpu.memory_space<vmem>>
      %dma_start3A_32 = arith.constant 0 : i32
      %dma_start3A_33 = arith.constant 0 : i32
      %dma_start3A_34 = tpu.memref_slice %arg2[%dma_start3A_32, %dma_start3A_33] : memref<10112x96xf32, #tpu.memory_space<hbm>> -> memref<10112x96xf32, #tpu.memory_space<hbm>>
      %dma_start3A_35 = tpu.memref_slice %arg17[%dma_start3A_24] : memref<2x!tpu.dma_semaphore, #tpu.memory_space<semaphore_mem>> -> memref<1x!tpu.dma_semaphore, #tpu.memory_space<semaphore_mem>>
      %dma_start3A_36 = tpu.memref_squeeze %dma_start3A_35 : memref<1x!tpu.dma_semaphore, #tpu.memory_space<semaphore_mem>> -> memref<!tpu.dma_semaphore, #tpu.memory_space<semaphore_mem>>
      tpu.enqueue_indirect_dma source(%dma_start3A_34 : memref<10112x96xf32, #tpu.memory_space<hbm>>) target(%dma_start3A_28 : memref<256x96xf32, #tpu.memory_space<vmem>>) offsets(%dma_start3A_31 : memref<256xi32, #tpu.memory_space<vmem>>) semaphore(%dma_start3A_36 : memref<!tpu.dma_semaphore, #tpu.memory_space<semaphore_mem>>)
      %scan3A = arith.constant 0 : i32
      %scan3A_37 = arith.constant 0 : i32
      %scan3A_38 = arith.constant 20 : i32
      %scan3A_39 = arith.addi %scan3A_37, %scan3A_38 : i32
      %scan3A_40 = arith.constant 1 : i32
      scf.for %scan3A_140 = %scan3A_37 to %scan3A_39 step %scan3A_40  : i32 {
        %mul3A_141 = arith.constant 2 : i32
        %mul3A_142 = arith.muli %mul3A_141, %scan3A_140 : i32
        %add3A = arith.constant 0 : i32
        %add3A_143 = arith.addi %mul3A_142, %add3A : i32
        %lt3A = arith.constant 40 : i32
        %lt3A_144 = arith.cmpi slt, %add3A_143, %lt3A : i32
        %convert_element_type3A_145 = arith.extui %lt3A_144 : i1 to i32
        %cond3A_146 = arith.constant 0 : i32
        %cond3A_147 = arith.cmpi ne, %convert_element_type3A_145, %cond3A_146 : i32
        scf.if %cond3A_147 {
          %dma_wait3A_157 = arith.constant 0 : i32
          %dma_wait3A_158 = arith.constant 0 : i32
          %dma_wait3A_159 = arith.constant 0 : i32
          %dma_wait3A_160 = arith.constant 0 : i32
          %dma_wait3A_161 = tpu.memref_slice %arg15[%dma_wait3A_157, %dma_wait3A_159, %dma_wait3A_160] : memref<2x256x96xf32, #tpu.memory_space<vmem>> -> memref<1x256x96xf32, #tpu.memory_space<vmem>>
          %dma_wait3A_162 = tpu.memref_squeeze %dma_wait3A_161 : memref<1x256x96xf32, #tpu.memory_space<vmem>> -> memref<256x96xf32, #tpu.memory_space<vmem>>
          %dma_wait3A_163 = arith.constant 0 : i32
          %dma_wait3A_164 = tpu.memref_slice %arg13[%add3A_143, %dma_wait3A_163] : memref<40x256xi32, #tpu.memory_space<vmem>> -> memref<1x256xi32, #tpu.memory_space<vmem>>
          %dma_wait3A_165 = tpu.memref_squeeze %dma_wait3A_164 : memref<1x256xi32, #tpu.memory_space<vmem>> -> memref<256xi32, #tpu.memory_space<vmem>>
          %dma_wait3A_166 = arith.constant 0 : i32
          %dma_wait3A_167 = arith.constant 0 : i32
          %dma_wait3A_168 = tpu.memref_slice %arg2[%dma_wait3A_166, %dma_wait3A_167] : memref<10112x96xf32, #tpu.memory_space<hbm>> -> memref<10112x96xf32, #tpu.memory_space<hbm>>
          %dma_wait3A_169 = tpu.memref_slice %arg17[%dma_wait3A_158] : memref<2x!tpu.dma_semaphore, #tpu.memory_space<semaphore_mem>> -> memref<1x!tpu.dma_semaphore, #tpu.memory_space<semaphore_mem>>
          %dma_wait3A_170 = tpu.memref_squeeze %dma_wait3A_169 : memref<1x!tpu.dma_semaphore, #tpu.memory_space<semaphore_mem>> -> memref<!tpu.dma_semaphore, #tpu.memory_space<semaphore_mem>>
          tpu.wait_indirect_dma semaphore(%dma_wait3A_170 : memref<!tpu.dma_semaphore, #tpu.memory_space<semaphore_mem>>) src(%dma_wait3A_168 : memref<10112x96xf32, #tpu.memory_space<hbm>>) dst(%dma_wait3A_162 : memref<256x96xf32, #tpu.memory_space<vmem>>)
          %dma_start3A_171 = arith.constant 0 : i32
          %dma_start3A_172 = arith.constant 0 : i32
          %dma_start3A_173 = arith.constant 0 : i32
          %dma_start3A_174 = arith.constant 0 : i32
          %dma_start3A_175 = tpu.memref_slice %arg15[%dma_start3A_171, %dma_start3A_173, %dma_start3A_174] : memref<2x256x96xf32, #tpu.memory_space<vmem>> -> memref<1x256x96xf32, #tpu.memory_space<vmem>>
          %dma_start3A_176 = tpu.memref_squeeze %dma_start3A_175 : memref<1x256x96xf32, #tpu.memory_space<vmem>> -> memref<256x96xf32, #tpu.memory_space<vmem>>
          %dma_start3A_177 = arith.constant 0 : i32
          %dma_start3A_178 = tpu.memref_slice %arg14[%add3A_143, %dma_start3A_177] : memref<40x256xi32, #tpu.memory_space<vmem>> -> memref<1x256xi32, #tpu.memory_space<vmem>>
          %dma_start3A_179 = tpu.memref_squeeze %dma_start3A_178 : memref<1x256xi32, #tpu.memory_space<vmem>> -> memref<256xi32, #tpu.memory_space<vmem>>
          %dma_start3A_180 = arith.constant 0 : i32
          %dma_start3A_181 = arith.constant 0 : i32
          %dma_start3A_182 = tpu.memref_slice %arg16[%dma_start3A_180, %dma_start3A_181] : memref<10112x96xf32, #tpu.memory_space<vmem_shared>> -> memref<10112x96xf32, #tpu.memory_space<vmem_shared>>
          %dma_start3A_183 = tpu.memref_slice %arg18[%dma_start3A_172] : memref<2x!tpu.dma_semaphore, #tpu.memory_space<semaphore_mem>> -> memref<1x!tpu.dma_semaphore, #tpu.memory_space<semaphore_mem>>
          %dma_start3A_184 = tpu.memref_squeeze %dma_start3A_183 : memref<1x!tpu.dma_semaphore, #tpu.memory_space<semaphore_mem>> -> memref<!tpu.dma_semaphore, #tpu.memory_space<semaphore_mem>>
          tpu.enqueue_indirect_dma source(%dma_start3A_176 : memref<256x96xf32, #tpu.memory_space<vmem>>) target(%dma_start3A_182 : memref<10112x96xf32, #tpu.memory_space<vmem_shared>>) offsets(%dma_start3A_179 : memref<256xi32, #tpu.memory_space<vmem>>) semaphore(%dma_start3A_184 : memref<!tpu.dma_semaphore, #tpu.memory_space<semaphore_mem>>) {add = true}
          %add3A_185 = arith.constant 2 : i32
          %add3A_186 = arith.addi %add3A_143, %add3A_185 : i32
          %lt3A_187 = arith.constant 40 : i32
          %lt3A_188 = arith.cmpi slt, %add3A_186, %lt3A_187 : i32
          %convert_element_type3A_189 = arith.extui %lt3A_188 : i1 to i32
          %cond3A_190 = arith.constant 0 : i32
          %cond3A_191 = arith.cmpi ne, %convert_element_type3A_189, %cond3A_190 : i32
          scf.if %cond3A_191 {
            %dma_wait3A_192 = arith.constant 0 : i32
            %dma_wait3A_193 = arith.constant 0 : i32
            %dma_wait3A_194 = arith.constant 0 : i32
            %dma_wait3A_195 = arith.constant 0 : i32
            %dma_wait3A_196 = tpu.memref_slice %arg15[%dma_wait3A_192, %dma_wait3A_194, %dma_wait3A_195] : memref<2x256x96xf32, #tpu.memory_space<vmem>> -> memref<1x256x96xf32, #tpu.memory_space<vmem>>
            %dma_wait3A_197 = tpu.memref_squeeze %dma_wait3A_196 : memref<1x256x96xf32, #tpu.memory_space<vmem>> -> memref<256x96xf32, #tpu.memory_space<vmem>>
            %dma_wait3A_198 = arith.constant 0 : i32
            %dma_wait3A_199 = tpu.memref_slice %arg14[%add3A_143, %dma_wait3A_198] : memref<40x256xi32, #tpu.memory_space<vmem>> -> memref<1x256xi32, #tpu.memory_space<vmem>>
            %dma_wait3A_200 = tpu.memref_squeeze %dma_wait3A_199 : memref<1x256xi32, #tpu.memory_space<vmem>> -> memref<256xi32, #tpu.memory_space<vmem>>
            %dma_wait3A_201 = arith.constant 0 : i32
            %dma_wait3A_202 = arith.constant 0 : i32
            %dma_wait3A_203 = tpu.memref_slice %arg16[%dma_wait3A_201, %dma_wait3A_202] : memref<10112x96xf32, #tpu.memory_space<vmem_shared>> -> memref<10112x96xf32, #tpu.memory_space<vmem_shared>>
            %dma_wait3A_204 = tpu.memref_slice %arg18[%dma_wait3A_193] : memref<2x!tpu.dma_semaphore, #tpu.memory_space<semaphore_mem>> -> memref<1x!tpu.dma_semaphore, #tpu.memory_space<semaphore_mem>>
            %dma_wait3A_205 = tpu.memref_squeeze %dma_wait3A_204 : memref<1x!tpu.dma_semaphore, #tpu.memory_space<semaphore_mem>> -> memref<!tpu.dma_semaphore, #tpu.memory_space<semaphore_mem>>
            tpu.wait_indirect_dma semaphore(%dma_wait3A_205 : memref<!tpu.dma_semaphore, #tpu.memory_space<semaphore_mem>>) src(%dma_wait3A_197 : memref<256x96xf32, #tpu.memory_space<vmem>>) dst(%dma_wait3A_203 : memref<10112x96xf32, #tpu.memory_space<vmem_shared>>)
            %add3A_206 = arith.constant 2 : i32
            %add3A_207 = arith.addi %add3A_143, %add3A_206 : i32
            %dma_start3A_208 = arith.constant 0 : i32
            %dma_start3A_209 = arith.constant 0 : i32
            %dma_start3A_210 = arith.constant 0 : i32
            %dma_start3A_211 = arith.constant 0 : i32
            %dma_start3A_212 = tpu.memref_slice %arg15[%dma_start3A_208, %dma_start3A_210, %dma_start3A_211] : memref<2x256x96xf32, #tpu.memory_space<vmem>> -> memref<1x256x96xf32, #tpu.memory_space<vmem>>
            %dma_start3A_213 = tpu.memref_squeeze %dma_start3A_212 : memref<1x256x96xf32, #tpu.memory_space<vmem>> -> memref<256x96xf32, #tpu.memory_space<vmem>>
            %dma_start3A_214 = arith.constant 0 : i32
            %dma_start3A_215 = tpu.memref_slice %arg13[%add3A_207, %dma_start3A_214] : memref<40x256xi32, #tpu.memory_space<vmem>> -> memref<1x256xi32, #tpu.memory_space<vmem>>
            %dma_start3A_216 = tpu.memref_squeeze %dma_start3A_215 : memref<1x256xi32, #tpu.memory_space<vmem>> -> memref<256xi32, #tpu.memory_space<vmem>>
            %dma_start3A_217 = arith.constant 0 : i32
            %dma_start3A_218 = arith.constant 0 : i32
            %dma_start3A_219 = tpu.memref_slice %arg2[%dma_start3A_217, %dma_start3A_218] : memref<10112x96xf32, #tpu.memory_space<hbm>> -> memref<10112x96xf32, #tpu.memory_space<hbm>>
            %dma_start3A_220 = tpu.memref_slice %arg17[%dma_start3A_209] : memref<2x!tpu.dma_semaphore, #tpu.memory_space<semaphore_mem>> -> memref<1x!tpu.dma_semaphore, #tpu.memory_space<semaphore_mem>>
            %dma_start3A_221 = tpu.memref_squeeze %dma_start3A_220 : memref<1x!tpu.dma_semaphore, #tpu.memory_space<semaphore_mem>> -> memref<!tpu.dma_semaphore, #tpu.memory_space<semaphore_mem>>
            tpu.enqueue_indirect_dma source(%dma_start3A_219 : memref<10112x96xf32, #tpu.memory_space<hbm>>) target(%dma_start3A_213 : memref<256x96xf32, #tpu.memory_space<vmem>>) offsets(%dma_start3A_216 : memref<256xi32, #tpu.memory_space<vmem>>) semaphore(%dma_start3A_221 : memref<!tpu.dma_semaphore, #tpu.memory_space<semaphore_mem>>)
          } else {
          }
        } else {
        }
        %mul3A_148 = arith.constant 2 : i32
        %mul3A_149 = arith.muli %mul3A_148, %scan3A_140 : i32
        %add3A_150 = arith.constant 1 : i32
        %add3A_151 = arith.addi %mul3A_149, %add3A_150 : i32
        %lt3A_152 = arith.constant 40 : i32
        %lt3A_153 = arith.cmpi slt, %add3A_151, %lt3A_152 : i32
        %convert_element_type3A_154 = arith.extui %lt3A_153 : i1 to i32
        %cond3A_155 = arith.constant 0 : i32
        %cond3A_156 = arith.cmpi ne, %convert_element_type3A_154, %cond3A_155 : i32
        scf.if %cond3A_156 {
          %dma_wait3A_157 = arith.constant 1 : i32
          %dma_wait3A_158 = arith.constant 1 : i32
          %dma_wait3A_159 = arith.constant 0 : i32
          %dma_wait3A_160 = arith.constant 0 : i32
          %dma_wait3A_161 = tpu.memref_slice %arg15[%dma_wait3A_157, %dma_wait3A_159, %dma_wait3A_160] : memref<2x256x96xf32, #tpu.memory_space<vmem>> -> memref<1x256x96xf32, #tpu.memory_space<vmem>>
          %dma_wait3A_162 = tpu.memref_squeeze %dma_wait3A_161 : memref<1x256x96xf32, #tpu.memory_space<vmem>> -> memref<256x96xf32, #tpu.memory_space<vmem>>
          %dma_wait3A_163 = arith.constant 0 : i32
          %dma_wait3A_164 = tpu.memref_slice %arg13[%add3A_151, %dma_wait3A_163] : memref<40x256xi32, #tpu.memory_space<vmem>> -> memref<1x256xi32, #tpu.memory_space<vmem>>
          %dma_wait3A_165 = tpu.memref_squeeze %dma_wait3A_164 : memref<1x256xi32, #tpu.memory_space<vmem>> -> memref<256xi32, #tpu.memory_space<vmem>>
          %dma_wait3A_166 = arith.constant 0 : i32
          %dma_wait3A_167 = arith.constant 0 : i32
          %dma_wait3A_168 = tpu.memref_slice %arg2[%dma_wait3A_166, %dma_wait3A_167] : memref<10112x96xf32, #tpu.memory_space<hbm>> -> memref<10112x96xf32, #tpu.memory_space<hbm>>
          %dma_wait3A_169 = tpu.memref_slice %arg17[%dma_wait3A_158] : memref<2x!tpu.dma_semaphore, #tpu.memory_space<semaphore_mem>> -> memref<1x!tpu.dma_semaphore, #tpu.memory_space<semaphore_mem>>
          %dma_wait3A_170 = tpu.memref_squeeze %dma_wait3A_169 : memref<1x!tpu.dma_semaphore, #tpu.memory_space<semaphore_mem>> -> memref<!tpu.dma_semaphore, #tpu.memory_space<semaphore_mem>>
          tpu.wait_indirect_dma semaphore(%dma_wait3A_170 : memref<!tpu.dma_semaphore, #tpu.memory_space<semaphore_mem>>) src(%dma_wait3A_168 : memref<10112x96xf32, #tpu.memory_space<hbm>>) dst(%dma_wait3A_162 : memref<256x96xf32, #tpu.memory_space<vmem>>)
          %dma_start3A_171 = arith.constant 1 : i32
          %dma_start3A_172 = arith.constant 1 : i32
          %dma_start3A_173 = arith.constant 0 : i32
          %dma_start3A_174 = arith.constant 0 : i32
          %dma_start3A_175 = tpu.memref_slice %arg15[%dma_start3A_171, %dma_start3A_173, %dma_start3A_174] : memref<2x256x96xf32, #tpu.memory_space<vmem>> -> memref<1x256x96xf32, #tpu.memory_space<vmem>>
          %dma_start3A_176 = tpu.memref_squeeze %dma_start3A_175 : memref<1x256x96xf32, #tpu.memory_space<vmem>> -> memref<256x96xf32, #tpu.memory_space<vmem>>
          %dma_start3A_177 = arith.constant 0 : i32
          %dma_start3A_178 = tpu.memref_slice %arg14[%add3A_151, %dma_start3A_177] : memref<40x256xi32, #tpu.memory_space<vmem>> -> memref<1x256xi32, #tpu.memory_space<vmem>>
          %dma_start3A_179 = tpu.memref_squeeze %dma_start3A_178 : memref<1x256xi32, #tpu.memory_space<vmem>> -> memref<256xi32, #tpu.memory_space<vmem>>
          %dma_start3A_180 = arith.constant 0 : i32
          %dma_start3A_181 = arith.constant 0 : i32
          %dma_start3A_182 = tpu.memref_slice %arg16[%dma_start3A_180, %dma_start3A_181] : memref<10112x96xf32, #tpu.memory_space<vmem_shared>> -> memref<10112x96xf32, #tpu.memory_space<vmem_shared>>
          %dma_start3A_183 = tpu.memref_slice %arg18[%dma_start3A_172] : memref<2x!tpu.dma_semaphore, #tpu.memory_space<semaphore_mem>> -> memref<1x!tpu.dma_semaphore, #tpu.memory_space<semaphore_mem>>
          %dma_start3A_184 = tpu.memref_squeeze %dma_start3A_183 : memref<1x!tpu.dma_semaphore, #tpu.memory_space<semaphore_mem>> -> memref<!tpu.dma_semaphore, #tpu.memory_space<semaphore_mem>>
          tpu.enqueue_indirect_dma source(%dma_start3A_176 : memref<256x96xf32, #tpu.memory_space<vmem>>) target(%dma_start3A_182 : memref<10112x96xf32, #tpu.memory_space<vmem_shared>>) offsets(%dma_start3A_179 : memref<256xi32, #tpu.memory_space<vmem>>) semaphore(%dma_start3A_184 : memref<!tpu.dma_semaphore, #tpu.memory_space<semaphore_mem>>) {add = true}
          %add3A_185 = arith.constant 2 : i32
          %add3A_186 = arith.addi %add3A_151, %add3A_185 : i32
          %lt3A_187 = arith.constant 40 : i32
          %lt3A_188 = arith.cmpi slt, %add3A_186, %lt3A_187 : i32
          %convert_element_type3A_189 = arith.extui %lt3A_188 : i1 to i32
          %cond3A_190 = arith.constant 0 : i32
          %cond3A_191 = arith.cmpi ne, %convert_element_type3A_189, %cond3A_190 : i32
          scf.if %cond3A_191 {
            %dma_wait3A_192 = arith.constant 1 : i32
            %dma_wait3A_193 = arith.constant 1 : i32
            %dma_wait3A_194 = arith.constant 0 : i32
            %dma_wait3A_195 = arith.constant 0 : i32
            %dma_wait3A_196 = tpu.memref_slice %arg15[%dma_wait3A_192, %dma_wait3A_194, %dma_wait3A_195] : memref<2x256x96xf32, #tpu.memory_space<vmem>> -> memref<1x256x96xf32, #tpu.memory_space<vmem>>
            %dma_wait3A_197 = tpu.memref_squeeze %dma_wait3A_196 : memref<1x256x96xf32, #tpu.memory_space<vmem>> -> memref<256x96xf32, #tpu.memory_space<vmem>>
            %dma_wait3A_198 = arith.constant 0 : i32
            %dma_wait3A_199 = tpu.memref_slice %arg14[%add3A_151, %dma_wait3A_198] : memref<40x256xi32, #tpu.memory_space<vmem>> -> memref<1x256xi32, #tpu.memory_space<vmem>>
            %dma_wait3A_200 = tpu.memref_squeeze %dma_wait3A_199 : memref<1x256xi32, #tpu.memory_space<vmem>> -> memref<256xi32, #tpu.memory_space<vmem>>
            %dma_wait3A_201 = arith.constant 0 : i32
            %dma_wait3A_202 = arith.constant 0 : i32
            %dma_wait3A_203 = tpu.memref_slice %arg16[%dma_wait3A_201, %dma_wait3A_202] : memref<10112x96xf32, #tpu.memory_space<vmem_shared>> -> memref<10112x96xf32, #tpu.memory_space<vmem_shared>>
            %dma_wait3A_204 = tpu.memref_slice %arg18[%dma_wait3A_193] : memref<2x!tpu.dma_semaphore, #tpu.memory_space<semaphore_mem>> -> memref<1x!tpu.dma_semaphore, #tpu.memory_space<semaphore_mem>>
            %dma_wait3A_205 = tpu.memref_squeeze %dma_wait3A_204 : memref<1x!tpu.dma_semaphore, #tpu.memory_space<semaphore_mem>> -> memref<!tpu.dma_semaphore, #tpu.memory_space<semaphore_mem>>
            tpu.wait_indirect_dma semaphore(%dma_wait3A_205 : memref<!tpu.dma_semaphore, #tpu.memory_space<semaphore_mem>>) src(%dma_wait3A_197 : memref<256x96xf32, #tpu.memory_space<vmem>>) dst(%dma_wait3A_203 : memref<10112x96xf32, #tpu.memory_space<vmem_shared>>)
            %add3A_206 = arith.constant 2 : i32
            %add3A_207 = arith.addi %add3A_151, %add3A_206 : i32
            %dma_start3A_208 = arith.constant 1 : i32
            %dma_start3A_209 = arith.constant 1 : i32
            %dma_start3A_210 = arith.constant 0 : i32
            %dma_start3A_211 = arith.constant 0 : i32
            %dma_start3A_212 = tpu.memref_slice %arg15[%dma_start3A_208, %dma_start3A_210, %dma_start3A_211] : memref<2x256x96xf32, #tpu.memory_space<vmem>> -> memref<1x256x96xf32, #tpu.memory_space<vmem>>
            %dma_start3A_213 = tpu.memref_squeeze %dma_start3A_212 : memref<1x256x96xf32, #tpu.memory_space<vmem>> -> memref<256x96xf32, #tpu.memory_space<vmem>>
            %dma_start3A_214 = arith.constant 0 : i32
            %dma_start3A_215 = tpu.memref_slice %arg13[%add3A_207, %dma_start3A_214] : memref<40x256xi32, #tpu.memory_space<vmem>> -> memref<1x256xi32, #tpu.memory_space<vmem>>
            %dma_start3A_216 = tpu.memref_squeeze %dma_start3A_215 : memref<1x256xi32, #tpu.memory_space<vmem>> -> memref<256xi32, #tpu.memory_space<vmem>>
            %dma_start3A_217 = arith.constant 0 : i32
            %dma_start3A_218 = arith.constant 0 : i32
            %dma_start3A_219 = tpu.memref_slice %arg2[%dma_start3A_217, %dma_start3A_218] : memref<10112x96xf32, #tpu.memory_space<hbm>> -> memref<10112x96xf32, #tpu.memory_space<hbm>>
            %dma_start3A_220 = tpu.memref_slice %arg17[%dma_start3A_209] : memref<2x!tpu.dma_semaphore, #tpu.memory_space<semaphore_mem>> -> memref<1x!tpu.dma_semaphore, #tpu.memory_space<semaphore_mem>>
            %dma_start3A_221 = tpu.memref_squeeze %dma_start3A_220 : memref<1x!tpu.dma_semaphore, #tpu.memory_space<semaphore_mem>> -> memref<!tpu.dma_semaphore, #tpu.memory_space<semaphore_mem>>
            tpu.enqueue_indirect_dma source(%dma_start3A_219 : memref<10112x96xf32, #tpu.memory_space<hbm>>) target(%dma_start3A_213 : memref<256x96xf32, #tpu.memory_space<vmem>>) offsets(%dma_start3A_216 : memref<256xi32, #tpu.memory_space<vmem>>) semaphore(%dma_start3A_221 : memref<!tpu.dma_semaphore, #tpu.memory_space<semaphore_mem>>)
          } else {
          }
        } else {
        }
      }
      %scan3A_41 = arith.constant 20 : i32
      %dma_wait3A = arith.constant 0 : i32
      %dma_wait3A_42 = arith.constant 38 : i32
      %dma_wait3A_43 = arith.constant 0 : i32
      %dma_wait3A_44 = arith.constant 0 : i32
      %dma_wait3A_45 = arith.constant 0 : i32
      %dma_wait3A_46 = tpu.memref_slice %arg15[%dma_wait3A, %dma_wait3A_44, %dma_wait3A_45] : memref<2x256x96xf32, #tpu.memory_space<vmem>> -> memref<1x256x96xf32, #tpu.memory_space<vmem>>
      %dma_wait3A_47 = tpu.memref_squeeze %dma_wait3A_46 : memref<1x256x96xf32, #tpu.memory_space<vmem>> -> memref<256x96xf32, #tpu.memory_space<vmem>>
      %dma_wait3A_48 = arith.constant 0 : i32
      %dma_wait3A_49 = tpu.memref_slice %arg14[%dma_wait3A_42, %dma_wait3A_48] : memref<40x256xi32, #tpu.memory_space<vmem>> -> memref<1x256xi32, #tpu.memory_space<vmem>>
      %dma_wait3A_50 = tpu.memref_squeeze %dma_wait3A_49 : memref<1x256xi32, #tpu.memory_space<vmem>> -> memref<256xi32, #tpu.memory_space<vmem>>
      %dma_wait3A_51 = arith.constant 0 : i32
      %dma_wait3A_52 = arith.constant 0 : i32
      %dma_wait3A_53 = tpu.memref_slice %arg16[%dma_wait3A_51, %dma_wait3A_52] : memref<10112x96xf32, #tpu.memory_space<vmem_shared>> -> memref<10112x96xf32, #tpu.memory_space<vmem_shared>>
      %dma_wait3A_54 = tpu.memref_slice %arg18[%dma_wait3A_43] : memref<2x!tpu.dma_semaphore, #tpu.memory_space<semaphore_mem>> -> memref<1x!tpu.dma_semaphore, #tpu.memory_space<semaphore_mem>>
      %dma_wait3A_55 = tpu.memref_squeeze %dma_wait3A_54 : memref<1x!tpu.dma_semaphore, #tpu.memory_space<semaphore_mem>> -> memref<!tpu.dma_semaphore, #tpu.memory_space<semaphore_mem>>
      tpu.wait_indirect_dma semaphore(%dma_wait3A_55 : memref<!tpu.dma_semaphore, #tpu.memory_space<semaphore_mem>>) src(%dma_wait3A_47 : memref<256x96xf32, #tpu.memory_space<vmem>>) dst(%dma_wait3A_53 : memref<10112x96xf32, #tpu.memory_space<vmem_shared>>)
      %dma_wait3A_56 = arith.constant 1 : i32
      %dma_wait3A_57 = arith.constant 39 : i32
      %dma_wait3A_58 = arith.constant 1 : i32
      %dma_wait3A_59 = arith.constant 0 : i32
      %dma_wait3A_60 = arith.constant 0 : i32
      %dma_wait3A_61 = tpu.memref_slice %arg15[%dma_wait3A_56, %dma_wait3A_59, %dma_wait3A_60] : memref<2x256x96xf32, #tpu.memory_space<vmem>> -> memref<1x256x96xf32, #tpu.memory_space<vmem>>
      %dma_wait3A_62 = tpu.memref_squeeze %dma_wait3A_61 : memref<1x256x96xf32, #tpu.memory_space<vmem>> -> memref<256x96xf32, #tpu.memory_space<vmem>>
      %dma_wait3A_63 = arith.constant 0 : i32
      %dma_wait3A_64 = tpu.memref_slice %arg14[%dma_wait3A_57, %dma_wait3A_63] : memref<40x256xi32, #tpu.memory_space<vmem>> -> memref<1x256xi32, #tpu.memory_space<vmem>>
      %dma_wait3A_65 = tpu.memref_squeeze %dma_wait3A_64 : memref<1x256xi32, #tpu.memory_space<vmem>> -> memref<256xi32, #tpu.memory_space<vmem>>
      %dma_wait3A_66 = arith.constant 0 : i32
      %dma_wait3A_67 = arith.constant 0 : i32
      %dma_wait3A_68 = tpu.memref_slice %arg16[%dma_wait3A_66, %dma_wait3A_67] : memref<10112x96xf32, #tpu.memory_space<vmem_shared>> -> memref<10112x96xf32, #tpu.memory_space<vmem_shared>>
      %dma_wait3A_69 = tpu.memref_slice %arg18[%dma_wait3A_58] : memref<2x!tpu.dma_semaphore, #tpu.memory_space<semaphore_mem>> -> memref<1x!tpu.dma_semaphore, #tpu.memory_space<semaphore_mem>>
      %dma_wait3A_70 = tpu.memref_squeeze %dma_wait3A_69 : memref<1x!tpu.dma_semaphore, #tpu.memory_space<semaphore_mem>> -> memref<!tpu.dma_semaphore, #tpu.memory_space<semaphore_mem>>
      tpu.wait_indirect_dma semaphore(%dma_wait3A_70 : memref<!tpu.dma_semaphore, #tpu.memory_space<semaphore_mem>>) src(%dma_wait3A_62 : memref<256x96xf32, #tpu.memory_space<vmem>>) dst(%dma_wait3A_68 : memref<10112x96xf32, #tpu.memory_space<vmem_shared>>)
      %barrier3A_71 = arith.constant 0 : index
      tpu.barrier barrier_id(%barrier3A_71)
      "tpu.region"() ({
        %run_scoped3A = tpu.sem_alloc : memref<!tpu.dma_semaphore, #tpu.memory_space<semaphore_mem>>
        %dma_start3A_140 = arith.constant 0 : i32
        %dma_start3A_141 = tpu.memref_slice %arg9[%mul3A_0, %dma_start3A_140] : memref<10112x96xf32, #tpu.memory_space<hbm>> -> memref<632x96xf32, #tpu.memory_space<hbm>>
        %dma_start3A_142 = arith.constant 0 : i32
        %dma_start3A_143 = tpu.memref_slice %arg16[%mul3A_0, %dma_start3A_142] : memref<10112x96xf32, #tpu.memory_space<vmem_shared>> -> memref<632x96xf32, #tpu.memory_space<vmem_shared>>
        tpu.enqueue_dma source(%dma_start3A_143 : memref<632x96xf32, #tpu.memory_space<vmem_shared>>) target(%dma_start3A_141 : memref<632x96xf32, #tpu.memory_space<hbm>>) target_semaphore(%run_scoped3A : memref<!tpu.dma_semaphore, #tpu.memory_space<semaphore_mem>>)
        %dma_wait3A_144 = arith.constant 0 : i32
        %dma_wait3A_145 = tpu.memref_slice %arg9[%mul3A_0, %dma_wait3A_144] : memref<10112x96xf32, #tpu.memory_space<hbm>> -> memref<632x96xf32, #tpu.memory_space<hbm>>
        %dma_wait3A_146 = arith.constant 0 : i32
        %dma_wait3A_147 = tpu.memref_slice %arg16[%mul3A_0, %dma_wait3A_146] : memref<10112x96xf32, #tpu.memory_space<vmem_shared>> -> memref<632x96xf32, #tpu.memory_space<vmem_shared>>
        tpu.wait_dma2 semaphore(%run_scoped3A : memref<!tpu.dma_semaphore, #tpu.memory_space<semaphore_mem>>) src(%dma_wait3A_147 : memref<632x96xf32, #tpu.memory_space<vmem_shared>>) dst(%dma_wait3A_145 : memref<632x96xf32, #tpu.memory_space<hbm>>)
        tpu.yield
      }) : () -> ()
      "tpu.region"() ({
        %run_scoped3A = tpu.sem_alloc : memref<!tpu.dma_semaphore, #tpu.memory_space<semaphore_mem>>
        %dma_start3A_140 = arith.constant 0 : i32
        %dma_start3A_141 = tpu.memref_slice %arg16[%mul3A_0, %dma_start3A_140] : memref<10112x96xf32, #tpu.memory_space<vmem_shared>> -> memref<632x96xf32, #tpu.memory_space<vmem_shared>>
        tpu.enqueue_dma source(%arg8 : memref<632x96xf32, #tpu.memory_space<hbm>>) target(%dma_start3A_141 : memref<632x96xf32, #tpu.memory_space<vmem_shared>>) target_semaphore(%run_scoped3A : memref<!tpu.dma_semaphore, #tpu.memory_space<semaphore_mem>>)
        %dma_wait3A_142 = arith.constant 0 : i32
        %dma_wait3A_143 = tpu.memref_slice %arg16[%mul3A_0, %dma_wait3A_142] : memref<10112x96xf32, #tpu.memory_space<vmem_shared>> -> memref<632x96xf32, #tpu.memory_space<vmem_shared>>
        tpu.wait_dma2 semaphore(%run_scoped3A : memref<!tpu.dma_semaphore, #tpu.memory_space<semaphore_mem>>) src(%arg8 : memref<632x96xf32, #tpu.memory_space<hbm>>) dst(%dma_wait3A_143 : memref<632x96xf32, #tpu.memory_space<vmem_shared>>)
        tpu.yield
      }) : () -> ()
      %barrier3A_72 = arith.constant 0 : index
      tpu.barrier barrier_id(%barrier3A_72)
      %dma_start3A_73 = arith.constant 0 : i32
      %dma_start3A_74 = arith.constant 0 : i32
      %dma_start3A_75 = arith.constant 0 : i32
      %dma_start3A_76 = arith.constant 0 : i32
      %dma_start3A_77 = arith.constant 0 : i32
      %dma_start3A_78 = tpu.memref_slice %arg15[%dma_start3A_74, %dma_start3A_76, %dma_start3A_77] : memref<2x256x96xf32, #tpu.memory_space<vmem>> -> memref<1x256x96xf32, #tpu.memory_space<vmem>>
      %dma_start3A_79 = tpu.memref_squeeze %dma_start3A_78 : memref<1x256x96xf32, #tpu.memory_space<vmem>> -> memref<256x96xf32, #tpu.memory_space<vmem>>
      %dma_start3A_80 = arith.constant 0 : i32
      %dma_start3A_81 = tpu.memref_slice %arg13[%dma_start3A_73, %dma_start3A_80] : memref<40x256xi32, #tpu.memory_space<vmem>> -> memref<1x256xi32, #tpu.memory_space<vmem>>
      %dma_start3A_82 = tpu.memref_squeeze %dma_start3A_81 : memref<1x256xi32, #tpu.memory_space<vmem>> -> memref<256xi32, #tpu.memory_space<vmem>>
      %dma_start3A_83 = arith.constant 0 : i32
      %dma_start3A_84 = arith.constant 0 : i32
      %dma_start3A_85 = tpu.memref_slice %arg3[%dma_start3A_83, %dma_start3A_84] : memref<10112x96xf32, #tpu.memory_space<hbm>> -> memref<10112x96xf32, #tpu.memory_space<hbm>>
      %dma_start3A_86 = tpu.memref_slice %arg17[%dma_start3A_75] : memref<2x!tpu.dma_semaphore, #tpu.memory_space<semaphore_mem>> -> memref<1x!tpu.dma_semaphore, #tpu.memory_space<semaphore_mem>>
      %dma_start3A_87 = tpu.memref_squeeze %dma_start3A_86 : memref<1x!tpu.dma_semaphore, #tpu.memory_space<semaphore_mem>> -> memref<!tpu.dma_semaphore, #tpu.memory_space<semaphore_mem>>
      tpu.enqueue_indirect_dma source(%dma_start3A_85 : memref<10112x96xf32, #tpu.memory_space<hbm>>) target(%dma_start3A_79 : memref<256x96xf32, #tpu.memory_space<vmem>>) offsets(%dma_start3A_82 : memref<256xi32, #tpu.memory_space<vmem>>) semaphore(%dma_start3A_87 : memref<!tpu.dma_semaphore, #tpu.memory_space<semaphore_mem>>)
      %dma_start3A_88 = arith.constant 1 : i32
      %dma_start3A_89 = arith.constant 1 : i32
      %dma_start3A_90 = arith.constant 1 : i32
      %dma_start3A_91 = arith.constant 0 : i32
      %dma_start3A_92 = arith.constant 0 : i32
      %dma_start3A_93 = tpu.memref_slice %arg15[%dma_start3A_89, %dma_start3A_91, %dma_start3A_92] : memref<2x256x96xf32, #tpu.memory_space<vmem>> -> memref<1x256x96xf32, #tpu.memory_space<vmem>>
      %dma_start3A_94 = tpu.memref_squeeze %dma_start3A_93 : memref<1x256x96xf32, #tpu.memory_space<vmem>> -> memref<256x96xf32, #tpu.memory_space<vmem>>
      %dma_start3A_95 = arith.constant 0 : i32
      %dma_start3A_96 = tpu.memref_slice %arg13[%dma_start3A_88, %dma_start3A_95] : memref<40x256xi32, #tpu.memory_space<vmem>> -> memref<1x256xi32, #tpu.memory_space<vmem>>
      %dma_start3A_97 = tpu.memref_squeeze %dma_start3A_96 : memref<1x256xi32, #tpu.memory_space<vmem>> -> memref<256xi32, #tpu.memory_space<vmem>>
      %dma_start3A_98 = arith.constant 0 : i32
      %dma_start3A_99 = arith.constant 0 : i32
      %dma_start3A_100 = tpu.memref_slice %arg3[%dma_start3A_98, %dma_start3A_99] : memref<10112x96xf32, #tpu.memory_space<hbm>> -> memref<10112x96xf32, #tpu.memory_space<hbm>>
      %dma_start3A_101 = tpu.memref_slice %arg17[%dma_start3A_90] : memref<2x!tpu.dma_semaphore, #tpu.memory_space<semaphore_mem>> -> memref<1x!tpu.dma_semaphore, #tpu.memory_space<semaphore_mem>>
      %dma_start3A_102 = tpu.memref_squeeze %dma_start3A_101 : memref<1x!tpu.dma_semaphore, #tpu.memory_space<semaphore_mem>> -> memref<!tpu.dma_semaphore, #tpu.memory_space<semaphore_mem>>
      tpu.enqueue_indirect_dma source(%dma_start3A_100 : memref<10112x96xf32, #tpu.memory_space<hbm>>) target(%dma_start3A_94 : memref<256x96xf32, #tpu.memory_space<vmem>>) offsets(%dma_start3A_97 : memref<256xi32, #tpu.memory_space<vmem>>) semaphore(%dma_start3A_102 : memref<!tpu.dma_semaphore, #tpu.memory_space<semaphore_mem>>)
      %scan3A_103 = arith.constant 0 : i32
      %scan3A_104 = arith.constant 0 : i32
      %scan3A_105 = arith.constant 20 : i32
      %scan3A_106 = arith.addi %scan3A_104, %scan3A_105 : i32
      %scan3A_107 = arith.constant 1 : i32
      scf.for %scan3A_140 = %scan3A_104 to %scan3A_106 step %scan3A_107  : i32 {
        %mul3A_141 = arith.constant 2 : i32
        %mul3A_142 = arith.muli %mul3A_141, %scan3A_140 : i32
        %add3A = arith.constant 0 : i32
        %add3A_143 = arith.addi %mul3A_142, %add3A : i32
        %lt3A = arith.constant 40 : i32
        %lt3A_144 = arith.cmpi slt, %add3A_143, %lt3A : i32
        %convert_element_type3A_145 = arith.extui %lt3A_144 : i1 to i32
        %cond3A_146 = arith.constant 0 : i32
        %cond3A_147 = arith.cmpi ne, %convert_element_type3A_145, %cond3A_146 : i32
        scf.if %cond3A_147 {
          %dma_wait3A_157 = arith.constant 0 : i32
          %dma_wait3A_158 = arith.constant 0 : i32
          %dma_wait3A_159 = arith.constant 0 : i32
          %dma_wait3A_160 = arith.constant 0 : i32
          %dma_wait3A_161 = tpu.memref_slice %arg15[%dma_wait3A_157, %dma_wait3A_159, %dma_wait3A_160] : memref<2x256x96xf32, #tpu.memory_space<vmem>> -> memref<1x256x96xf32, #tpu.memory_space<vmem>>
          %dma_wait3A_162 = tpu.memref_squeeze %dma_wait3A_161 : memref<1x256x96xf32, #tpu.memory_space<vmem>> -> memref<256x96xf32, #tpu.memory_space<vmem>>
          %dma_wait3A_163 = arith.constant 0 : i32
          %dma_wait3A_164 = tpu.memref_slice %arg13[%add3A_143, %dma_wait3A_163] : memref<40x256xi32, #tpu.memory_space<vmem>> -> memref<1x256xi32, #tpu.memory_space<vmem>>
          %dma_wait3A_165 = tpu.memref_squeeze %dma_wait3A_164 : memref<1x256xi32, #tpu.memory_space<vmem>> -> memref<256xi32, #tpu.memory_space<vmem>>
          %dma_wait3A_166 = arith.constant 0 : i32
          %dma_wait3A_167 = arith.constant 0 : i32
          %dma_wait3A_168 = tpu.memref_slice %arg3[%dma_wait3A_166, %dma_wait3A_167] : memref<10112x96xf32, #tpu.memory_space<hbm>> -> memref<10112x96xf32, #tpu.memory_space<hbm>>
          %dma_wait3A_169 = tpu.memref_slice %arg17[%dma_wait3A_158] : memref<2x!tpu.dma_semaphore, #tpu.memory_space<semaphore_mem>> -> memref<1x!tpu.dma_semaphore, #tpu.memory_space<semaphore_mem>>
          %dma_wait3A_170 = tpu.memref_squeeze %dma_wait3A_169 : memref<1x!tpu.dma_semaphore, #tpu.memory_space<semaphore_mem>> -> memref<!tpu.dma_semaphore, #tpu.memory_space<semaphore_mem>>
          tpu.wait_indirect_dma semaphore(%dma_wait3A_170 : memref<!tpu.dma_semaphore, #tpu.memory_space<semaphore_mem>>) src(%dma_wait3A_168 : memref<10112x96xf32, #tpu.memory_space<hbm>>) dst(%dma_wait3A_162 : memref<256x96xf32, #tpu.memory_space<vmem>>)
          %dma_start3A_171 = arith.constant 0 : i32
          %dma_start3A_172 = arith.constant 0 : i32
          %dma_start3A_173 = arith.constant 0 : i32
          %dma_start3A_174 = arith.constant 0 : i32
          %dma_start3A_175 = tpu.memref_slice %arg15[%dma_start3A_171, %dma_start3A_173, %dma_start3A_174] : memref<2x256x96xf32, #tpu.memory_space<vmem>> -> memref<1x256x96xf32, #tpu.memory_space<vmem>>
          %dma_start3A_176 = tpu.memref_squeeze %dma_start3A_175 : memref<1x256x96xf32, #tpu.memory_space<vmem>> -> memref<256x96xf32, #tpu.memory_space<vmem>>
          %dma_start3A_177 = arith.constant 0 : i32
          %dma_start3A_178 = tpu.memref_slice %arg14[%add3A_143, %dma_start3A_177] : memref<40x256xi32, #tpu.memory_space<vmem>> -> memref<1x256xi32, #tpu.memory_space<vmem>>
          %dma_start3A_179 = tpu.memref_squeeze %dma_start3A_178 : memref<1x256xi32, #tpu.memory_space<vmem>> -> memref<256xi32, #tpu.memory_space<vmem>>
          %dma_start3A_180 = arith.constant 0 : i32
          %dma_start3A_181 = arith.constant 0 : i32
          %dma_start3A_182 = tpu.memref_slice %arg16[%dma_start3A_180, %dma_start3A_181] : memref<10112x96xf32, #tpu.memory_space<vmem_shared>> -> memref<10112x96xf32, #tpu.memory_space<vmem_shared>>
          %dma_start3A_183 = tpu.memref_slice %arg18[%dma_start3A_172] : memref<2x!tpu.dma_semaphore, #tpu.memory_space<semaphore_mem>> -> memref<1x!tpu.dma_semaphore, #tpu.memory_space<semaphore_mem>>
          %dma_start3A_184 = tpu.memref_squeeze %dma_start3A_183 : memref<1x!tpu.dma_semaphore, #tpu.memory_space<semaphore_mem>> -> memref<!tpu.dma_semaphore, #tpu.memory_space<semaphore_mem>>
          tpu.enqueue_indirect_dma source(%dma_start3A_176 : memref<256x96xf32, #tpu.memory_space<vmem>>) target(%dma_start3A_182 : memref<10112x96xf32, #tpu.memory_space<vmem_shared>>) offsets(%dma_start3A_179 : memref<256xi32, #tpu.memory_space<vmem>>) semaphore(%dma_start3A_184 : memref<!tpu.dma_semaphore, #tpu.memory_space<semaphore_mem>>) {add = true}
          %add3A_185 = arith.constant 2 : i32
          %add3A_186 = arith.addi %add3A_143, %add3A_185 : i32
          %lt3A_187 = arith.constant 40 : i32
          %lt3A_188 = arith.cmpi slt, %add3A_186, %lt3A_187 : i32
          %convert_element_type3A_189 = arith.extui %lt3A_188 : i1 to i32
          %cond3A_190 = arith.constant 0 : i32
          %cond3A_191 = arith.cmpi ne, %convert_element_type3A_189, %cond3A_190 : i32
          scf.if %cond3A_191 {
            %dma_wait3A_192 = arith.constant 0 : i32
            %dma_wait3A_193 = arith.constant 0 : i32
            %dma_wait3A_194 = arith.constant 0 : i32
            %dma_wait3A_195 = arith.constant 0 : i32
            %dma_wait3A_196 = tpu.memref_slice %arg15[%dma_wait3A_192, %dma_wait3A_194, %dma_wait3A_195] : memref<2x256x96xf32, #tpu.memory_space<vmem>> -> memref<1x256x96xf32, #tpu.memory_space<vmem>>
            %dma_wait3A_197 = tpu.memref_squeeze %dma_wait3A_196 : memref<1x256x96xf32, #tpu.memory_space<vmem>> -> memref<256x96xf32, #tpu.memory_space<vmem>>
            %dma_wait3A_198 = arith.constant 0 : i32
            %dma_wait3A_199 = tpu.memref_slice %arg14[%add3A_143, %dma_wait3A_198] : memref<40x256xi32, #tpu.memory_space<vmem>> -> memref<1x256xi32, #tpu.memory_space<vmem>>
            %dma_wait3A_200 = tpu.memref_squeeze %dma_wait3A_199 : memref<1x256xi32, #tpu.memory_space<vmem>> -> memref<256xi32, #tpu.memory_space<vmem>>
            %dma_wait3A_201 = arith.constant 0 : i32
            %dma_wait3A_202 = arith.constant 0 : i32
            %dma_wait3A_203 = tpu.memref_slice %arg16[%dma_wait3A_201, %dma_wait3A_202] : memref<10112x96xf32, #tpu.memory_space<vmem_shared>> -> memref<10112x96xf32, #tpu.memory_space<vmem_shared>>
            %dma_wait3A_204 = tpu.memref_slice %arg18[%dma_wait3A_193] : memref<2x!tpu.dma_semaphore, #tpu.memory_space<semaphore_mem>> -> memref<1x!tpu.dma_semaphore, #tpu.memory_space<semaphore_mem>>
            %dma_wait3A_205 = tpu.memref_squeeze %dma_wait3A_204 : memref<1x!tpu.dma_semaphore, #tpu.memory_space<semaphore_mem>> -> memref<!tpu.dma_semaphore, #tpu.memory_space<semaphore_mem>>
            tpu.wait_indirect_dma semaphore(%dma_wait3A_205 : memref<!tpu.dma_semaphore, #tpu.memory_space<semaphore_mem>>) src(%dma_wait3A_197 : memref<256x96xf32, #tpu.memory_space<vmem>>) dst(%dma_wait3A_203 : memref<10112x96xf32, #tpu.memory_space<vmem_shared>>)
            %add3A_206 = arith.constant 2 : i32
            %add3A_207 = arith.addi %add3A_143, %add3A_206 : i32
            %dma_start3A_208 = arith.constant 0 : i32
            %dma_start3A_209 = arith.constant 0 : i32
            %dma_start3A_210 = arith.constant 0 : i32
            %dma_start3A_211 = arith.constant 0 : i32
            %dma_start3A_212 = tpu.memref_slice %arg15[%dma_start3A_208, %dma_start3A_210, %dma_start3A_211] : memref<2x256x96xf32, #tpu.memory_space<vmem>> -> memref<1x256x96xf32, #tpu.memory_space<vmem>>
            %dma_start3A_213 = tpu.memref_squeeze %dma_start3A_212 : memref<1x256x96xf32, #tpu.memory_space<vmem>> -> memref<256x96xf32, #tpu.memory_space<vmem>>
            %dma_start3A_214 = arith.constant 0 : i32
            %dma_start3A_215 = tpu.memref_slice %arg13[%add3A_207, %dma_start3A_214] : memref<40x256xi32, #tpu.memory_space<vmem>> -> memref<1x256xi32, #tpu.memory_space<vmem>>
            %dma_start3A_216 = tpu.memref_squeeze %dma_start3A_215 : memref<1x256xi32, #tpu.memory_space<vmem>> -> memref<256xi32, #tpu.memory_space<vmem>>
            %dma_start3A_217 = arith.constant 0 : i32
            %dma_start3A_218 = arith.constant 0 : i32
            %dma_start3A_219 = tpu.memref_slice %arg3[%dma_start3A_217, %dma_start3A_218] : memref<10112x96xf32, #tpu.memory_space<hbm>> -> memref<10112x96xf32, #tpu.memory_space<hbm>>
            %dma_start3A_220 = tpu.memref_slice %arg17[%dma_start3A_209] : memref<2x!tpu.dma_semaphore, #tpu.memory_space<semaphore_mem>> -> memref<1x!tpu.dma_semaphore, #tpu.memory_space<semaphore_mem>>
            %dma_start3A_221 = tpu.memref_squeeze %dma_start3A_220 : memref<1x!tpu.dma_semaphore, #tpu.memory_space<semaphore_mem>> -> memref<!tpu.dma_semaphore, #tpu.memory_space<semaphore_mem>>
            tpu.enqueue_indirect_dma source(%dma_start3A_219 : memref<10112x96xf32, #tpu.memory_space<hbm>>) target(%dma_start3A_213 : memref<256x96xf32, #tpu.memory_space<vmem>>) offsets(%dma_start3A_216 : memref<256xi32, #tpu.memory_space<vmem>>) semaphore(%dma_start3A_221 : memref<!tpu.dma_semaphore, #tpu.memory_space<semaphore_mem>>)
          } else {
          }
        } else {
        }
        %mul3A_148 = arith.constant 2 : i32
        %mul3A_149 = arith.muli %mul3A_148, %scan3A_140 : i32
        %add3A_150 = arith.constant 1 : i32
        %add3A_151 = arith.addi %mul3A_149, %add3A_150 : i32
        %lt3A_152 = arith.constant 40 : i32
        %lt3A_153 = arith.cmpi slt, %add3A_151, %lt3A_152 : i32
        %convert_element_type3A_154 = arith.extui %lt3A_153 : i1 to i32
        %cond3A_155 = arith.constant 0 : i32
        %cond3A_156 = arith.cmpi ne, %convert_element_type3A_154, %cond3A_155 : i32
        scf.if %cond3A_156 {
          %dma_wait3A_157 = arith.constant 1 : i32
          %dma_wait3A_158 = arith.constant 1 : i32
          %dma_wait3A_159 = arith.constant 0 : i32
          %dma_wait3A_160 = arith.constant 0 : i32
          %dma_wait3A_161 = tpu.memref_slice %arg15[%dma_wait3A_157, %dma_wait3A_159, %dma_wait3A_160] : memref<2x256x96xf32, #tpu.memory_space<vmem>> -> memref<1x256x96xf32, #tpu.memory_space<vmem>>
          %dma_wait3A_162 = tpu.memref_squeeze %dma_wait3A_161 : memref<1x256x96xf32, #tpu.memory_space<vmem>> -> memref<256x96xf32, #tpu.memory_space<vmem>>
          %dma_wait3A_163 = arith.constant 0 : i32
          %dma_wait3A_164 = tpu.memref_slice %arg13[%add3A_151, %dma_wait3A_163] : memref<40x256xi32, #tpu.memory_space<vmem>> -> memref<1x256xi32, #tpu.memory_space<vmem>>
          %dma_wait3A_165 = tpu.memref_squeeze %dma_wait3A_164 : memref<1x256xi32, #tpu.memory_space<vmem>> -> memref<256xi32, #tpu.memory_space<vmem>>
          %dma_wait3A_166 = arith.constant 0 : i32
          %dma_wait3A_167 = arith.constant 0 : i32
          %dma_wait3A_168 = tpu.memref_slice %arg3[%dma_wait3A_166, %dma_wait3A_167] : memref<10112x96xf32, #tpu.memory_space<hbm>> -> memref<10112x96xf32, #tpu.memory_space<hbm>>
          %dma_wait3A_169 = tpu.memref_slice %arg17[%dma_wait3A_158] : memref<2x!tpu.dma_semaphore, #tpu.memory_space<semaphore_mem>> -> memref<1x!tpu.dma_semaphore, #tpu.memory_space<semaphore_mem>>
          %dma_wait3A_170 = tpu.memref_squeeze %dma_wait3A_169 : memref<1x!tpu.dma_semaphore, #tpu.memory_space<semaphore_mem>> -> memref<!tpu.dma_semaphore, #tpu.memory_space<semaphore_mem>>
          tpu.wait_indirect_dma semaphore(%dma_wait3A_170 : memref<!tpu.dma_semaphore, #tpu.memory_space<semaphore_mem>>) src(%dma_wait3A_168 : memref<10112x96xf32, #tpu.memory_space<hbm>>) dst(%dma_wait3A_162 : memref<256x96xf32, #tpu.memory_space<vmem>>)
          %dma_start3A_171 = arith.constant 1 : i32
          %dma_start3A_172 = arith.constant 1 : i32
          %dma_start3A_173 = arith.constant 0 : i32
          %dma_start3A_174 = arith.constant 0 : i32
          %dma_start3A_175 = tpu.memref_slice %arg15[%dma_start3A_171, %dma_start3A_173, %dma_start3A_174] : memref<2x256x96xf32, #tpu.memory_space<vmem>> -> memref<1x256x96xf32, #tpu.memory_space<vmem>>
          %dma_start3A_176 = tpu.memref_squeeze %dma_start3A_175 : memref<1x256x96xf32, #tpu.memory_space<vmem>> -> memref<256x96xf32, #tpu.memory_space<vmem>>
          %dma_start3A_177 = arith.constant 0 : i32
          %dma_start3A_178 = tpu.memref_slice %arg14[%add3A_151, %dma_start3A_177] : memref<40x256xi32, #tpu.memory_space<vmem>> -> memref<1x256xi32, #tpu.memory_space<vmem>>
          %dma_start3A_179 = tpu.memref_squeeze %dma_start3A_178 : memref<1x256xi32, #tpu.memory_space<vmem>> -> memref<256xi32, #tpu.memory_space<vmem>>
          %dma_start3A_180 = arith.constant 0 : i32
          %dma_start3A_181 = arith.constant 0 : i32
          %dma_start3A_182 = tpu.memref_slice %arg16[%dma_start3A_180, %dma_start3A_181] : memref<10112x96xf32, #tpu.memory_space<vmem_shared>> -> memref<10112x96xf32, #tpu.memory_space<vmem_shared>>
          %dma_start3A_183 = tpu.memref_slice %arg18[%dma_start3A_172] : memref<2x!tpu.dma_semaphore, #tpu.memory_space<semaphore_mem>> -> memref<1x!tpu.dma_semaphore, #tpu.memory_space<semaphore_mem>>
          %dma_start3A_184 = tpu.memref_squeeze %dma_start3A_183 : memref<1x!tpu.dma_semaphore, #tpu.memory_space<semaphore_mem>> -> memref<!tpu.dma_semaphore, #tpu.memory_space<semaphore_mem>>
          tpu.enqueue_indirect_dma source(%dma_start3A_176 : memref<256x96xf32, #tpu.memory_space<vmem>>) target(%dma_start3A_182 : memref<10112x96xf32, #tpu.memory_space<vmem_shared>>) offsets(%dma_start3A_179 : memref<256xi32, #tpu.memory_space<vmem>>) semaphore(%dma_start3A_184 : memref<!tpu.dma_semaphore, #tpu.memory_space<semaphore_mem>>) {add = true}
          %add3A_185 = arith.constant 2 : i32
          %add3A_186 = arith.addi %add3A_151, %add3A_185 : i32
          %lt3A_187 = arith.constant 40 : i32
          %lt3A_188 = arith.cmpi slt, %add3A_186, %lt3A_187 : i32
          %convert_element_type3A_189 = arith.extui %lt3A_188 : i1 to i32
          %cond3A_190 = arith.constant 0 : i32
          %cond3A_191 = arith.cmpi ne, %convert_element_type3A_189, %cond3A_190 : i32
          scf.if %cond3A_191 {
            %dma_wait3A_192 = arith.constant 1 : i32
            %dma_wait3A_193 = arith.constant 1 : i32
            %dma_wait3A_194 = arith.constant 0 : i32
            %dma_wait3A_195 = arith.constant 0 : i32
            %dma_wait3A_196 = tpu.memref_slice %arg15[%dma_wait3A_192, %dma_wait3A_194, %dma_wait3A_195] : memref<2x256x96xf32, #tpu.memory_space<vmem>> -> memref<1x256x96xf32, #tpu.memory_space<vmem>>
            %dma_wait3A_197 = tpu.memref_squeeze %dma_wait3A_196 : memref<1x256x96xf32, #tpu.memory_space<vmem>> -> memref<256x96xf32, #tpu.memory_space<vmem>>
            %dma_wait3A_198 = arith.constant 0 : i32
            %dma_wait3A_199 = tpu.memref_slice %arg14[%add3A_151, %dma_wait3A_198] : memref<40x256xi32, #tpu.memory_space<vmem>> -> memref<1x256xi32, #tpu.memory_space<vmem>>
            %dma_wait3A_200 = tpu.memref_squeeze %dma_wait3A_199 : memref<1x256xi32, #tpu.memory_space<vmem>> -> memref<256xi32, #tpu.memory_space<vmem>>
            %dma_wait3A_201 = arith.constant 0 : i32
            %dma_wait3A_202 = arith.constant 0 : i32
            %dma_wait3A_203 = tpu.memref_slice %arg16[%dma_wait3A_201, %dma_wait3A_202] : memref<10112x96xf32, #tpu.memory_space<vmem_shared>> -> memref<10112x96xf32, #tpu.memory_space<vmem_shared>>
            %dma_wait3A_204 = tpu.memref_slice %arg18[%dma_wait3A_193] : memref<2x!tpu.dma_semaphore, #tpu.memory_space<semaphore_mem>> -> memref<1x!tpu.dma_semaphore, #tpu.memory_space<semaphore_mem>>
            %dma_wait3A_205 = tpu.memref_squeeze %dma_wait3A_204 : memref<1x!tpu.dma_semaphore, #tpu.memory_space<semaphore_mem>> -> memref<!tpu.dma_semaphore, #tpu.memory_space<semaphore_mem>>
            tpu.wait_indirect_dma semaphore(%dma_wait3A_205 : memref<!tpu.dma_semaphore, #tpu.memory_space<semaphore_mem>>) src(%dma_wait3A_197 : memref<256x96xf32, #tpu.memory_space<vmem>>) dst(%dma_wait3A_203 : memref<10112x96xf32, #tpu.memory_space<vmem_shared>>)
            %add3A_206 = arith.constant 2 : i32
            %add3A_207 = arith.addi %add3A_151, %add3A_206 : i32
            %dma_start3A_208 = arith.constant 1 : i32
            %dma_start3A_209 = arith.constant 1 : i32
            %dma_start3A_210 = arith.constant 0 : i32
            %dma_start3A_211 = arith.constant 0 : i32
            %dma_start3A_212 = tpu.memref_slice %arg15[%dma_start3A_208, %dma_start3A_210, %dma_start3A_211] : memref<2x256x96xf32, #tpu.memory_space<vmem>> -> memref<1x256x96xf32, #tpu.memory_space<vmem>>
            %dma_start3A_213 = tpu.memref_squeeze %dma_start3A_212 : memref<1x256x96xf32, #tpu.memory_space<vmem>> -> memref<256x96xf32, #tpu.memory_space<vmem>>
            %dma_start3A_214 = arith.constant 0 : i32
            %dma_start3A_215 = tpu.memref_slice %arg13[%add3A_207, %dma_start3A_214] : memref<40x256xi32, #tpu.memory_space<vmem>> -> memref<1x256xi32, #tpu.memory_space<vmem>>
            %dma_start3A_216 = tpu.memref_squeeze %dma_start3A_215 : memref<1x256xi32, #tpu.memory_space<vmem>> -> memref<256xi32, #tpu.memory_space<vmem>>
            %dma_start3A_217 = arith.constant 0 : i32
            %dma_start3A_218 = arith.constant 0 : i32
            %dma_start3A_219 = tpu.memref_slice %arg3[%dma_start3A_217, %dma_start3A_218] : memref<10112x96xf32, #tpu.memory_space<hbm>> -> memref<10112x96xf32, #tpu.memory_space<hbm>>
            %dma_start3A_220 = tpu.memref_slice %arg17[%dma_start3A_209] : memref<2x!tpu.dma_semaphore, #tpu.memory_space<semaphore_mem>> -> memref<1x!tpu.dma_semaphore, #tpu.memory_space<semaphore_mem>>
            %dma_start3A_221 = tpu.memref_squeeze %dma_start3A_220 : memref<1x!tpu.dma_semaphore, #tpu.memory_space<semaphore_mem>> -> memref<!tpu.dma_semaphore, #tpu.memory_space<semaphore_mem>>
            tpu.enqueue_indirect_dma source(%dma_start3A_219 : memref<10112x96xf32, #tpu.memory_space<hbm>>) target(%dma_start3A_213 : memref<256x96xf32, #tpu.memory_space<vmem>>) offsets(%dma_start3A_216 : memref<256xi32, #tpu.memory_space<vmem>>) semaphore(%dma_start3A_221 : memref<!tpu.dma_semaphore, #tpu.memory_space<semaphore_mem>>)
          } else {
          }
        } else {
        }
      }
      %scan3A_108 = arith.constant 20 : i32
      %dma_wait3A_109 = arith.constant 0 : i32
      %dma_wait3A_110 = arith.constant 38 : i32
      %dma_wait3A_111 = arith.constant 0 : i32
      %dma_wait3A_112 = arith.constant 0 : i32
      %dma_wait3A_113 = arith.constant 0 : i32
      %dma_wait3A_114 = tpu.memref_slice %arg15[%dma_wait3A_109, %dma_wait3A_112, %dma_wait3A_113] : memref<2x256x96xf32, #tpu.memory_space<vmem>> -> memref<1x256x96xf32, #tpu.memory_space<vmem>>
      %dma_wait3A_115 = tpu.memref_squeeze %dma_wait3A_114 : memref<1x256x96xf32, #tpu.memory_space<vmem>> -> memref<256x96xf32, #tpu.memory_space<vmem>>
      %dma_wait3A_116 = arith.constant 0 : i32
      %dma_wait3A_117 = tpu.memref_slice %arg14[%dma_wait3A_110, %dma_wait3A_116] : memref<40x256xi32, #tpu.memory_space<vmem>> -> memref<1x256xi32, #tpu.memory_space<vmem>>
      %dma_wait3A_118 = tpu.memref_squeeze %dma_wait3A_117 : memref<1x256xi32, #tpu.memory_space<vmem>> -> memref<256xi32, #tpu.memory_space<vmem>>
      %dma_wait3A_119 = arith.constant 0 : i32
      %dma_wait3A_120 = arith.constant 0 : i32
      %dma_wait3A_121 = tpu.memref_slice %arg16[%dma_wait3A_119, %dma_wait3A_120] : memref<10112x96xf32, #tpu.memory_space<vmem_shared>> -> memref<10112x96xf32, #tpu.memory_space<vmem_shared>>
      %dma_wait3A_122 = tpu.memref_slice %arg18[%dma_wait3A_111] : memref<2x!tpu.dma_semaphore, #tpu.memory_space<semaphore_mem>> -> memref<1x!tpu.dma_semaphore, #tpu.memory_space<semaphore_mem>>
      %dma_wait3A_123 = tpu.memref_squeeze %dma_wait3A_122 : memref<1x!tpu.dma_semaphore, #tpu.memory_space<semaphore_mem>> -> memref<!tpu.dma_semaphore, #tpu.memory_space<semaphore_mem>>
      tpu.wait_indirect_dma semaphore(%dma_wait3A_123 : memref<!tpu.dma_semaphore, #tpu.memory_space<semaphore_mem>>) src(%dma_wait3A_115 : memref<256x96xf32, #tpu.memory_space<vmem>>) dst(%dma_wait3A_121 : memref<10112x96xf32, #tpu.memory_space<vmem_shared>>)
      %dma_wait3A_124 = arith.constant 1 : i32
      %dma_wait3A_125 = arith.constant 39 : i32
      %dma_wait3A_126 = arith.constant 1 : i32
      %dma_wait3A_127 = arith.constant 0 : i32
      %dma_wait3A_128 = arith.constant 0 : i32
      %dma_wait3A_129 = tpu.memref_slice %arg15[%dma_wait3A_124, %dma_wait3A_127, %dma_wait3A_128] : memref<2x256x96xf32, #tpu.memory_space<vmem>> -> memref<1x256x96xf32, #tpu.memory_space<vmem>>
      %dma_wait3A_130 = tpu.memref_squeeze %dma_wait3A_129 : memref<1x256x96xf32, #tpu.memory_space<vmem>> -> memref<256x96xf32, #tpu.memory_space<vmem>>
      %dma_wait3A_131 = arith.constant 0 : i32
      %dma_wait3A_132 = tpu.memref_slice %arg14[%dma_wait3A_125, %dma_wait3A_131] : memref<40x256xi32, #tpu.memory_space<vmem>> -> memref<1x256xi32, #tpu.memory_space<vmem>>
      %dma_wait3A_133 = tpu.memref_squeeze %dma_wait3A_132 : memref<1x256xi32, #tpu.memory_space<vmem>> -> memref<256xi32, #tpu.memory_space<vmem>>
      %dma_wait3A_134 = arith.constant 0 : i32
      %dma_wait3A_135 = arith.constant 0 : i32
      %dma_wait3A_136 = tpu.memref_slice %arg16[%dma_wait3A_134, %dma_wait3A_135] : memref<10112x96xf32, #tpu.memory_space<vmem_shared>> -> memref<10112x96xf32, #tpu.memory_space<vmem_shared>>
      %dma_wait3A_137 = tpu.memref_slice %arg18[%dma_wait3A_126] : memref<2x!tpu.dma_semaphore, #tpu.memory_space<semaphore_mem>> -> memref<1x!tpu.dma_semaphore, #tpu.memory_space<semaphore_mem>>
      %dma_wait3A_138 = tpu.memref_squeeze %dma_wait3A_137 : memref<1x!tpu.dma_semaphore, #tpu.memory_space<semaphore_mem>> -> memref<!tpu.dma_semaphore, #tpu.memory_space<semaphore_mem>>
      tpu.wait_indirect_dma semaphore(%dma_wait3A_138 : memref<!tpu.dma_semaphore, #tpu.memory_space<semaphore_mem>>) src(%dma_wait3A_130 : memref<256x96xf32, #tpu.memory_space<vmem>>) dst(%dma_wait3A_136 : memref<10112x96xf32, #tpu.memory_space<vmem_shared>>)
      %barrier3A_139 = arith.constant 0 : index
      tpu.barrier barrier_id(%barrier3A_139)
      "tpu.region"() ({
        %run_scoped3A = tpu.sem_alloc : memref<!tpu.dma_semaphore, #tpu.memory_space<semaphore_mem>>
        %dma_start3A_140 = arith.constant 0 : i32
        %dma_start3A_141 = tpu.memref_slice %arg10[%mul3A_0, %dma_start3A_140] : memref<10112x96xf32, #tpu.memory_space<hbm>> -> memref<632x96xf32, #tpu.memory_space<hbm>>
        %dma_start3A_142 = arith.constant 0 : i32
        %dma_start3A_143 = tpu.memref_slice %arg16[%mul3A_0, %dma_start3A_142] : memref<10112x96xf32, #tpu.memory_space<vmem_shared>> -> memref<632x96xf32, #tpu.memory_space<vmem_shared>>
        tpu.enqueue_dma source(%dma_start3A_143 : memref<632x96xf32, #tpu.memory_space<vmem_shared>>) target(%dma_start3A_141 : memref<632x96xf32, #tpu.memory_space<hbm>>) target_semaphore(%run_scoped3A : memref<!tpu.dma_semaphore, #tpu.memory_space<semaphore_mem>>)
        %dma_wait3A_144 = arith.constant 0 : i32
        %dma_wait3A_145 = tpu.memref_slice %arg10[%mul3A_0, %dma_wait3A_144] : memref<10112x96xf32, #tpu.memory_space<hbm>> -> memref<632x96xf32, #tpu.memory_space<hbm>>
        %dma_wait3A_146 = arith.constant 0 : i32
        %dma_wait3A_147 = tpu.memref_slice %arg16[%mul3A_0, %dma_wait3A_146] : memref<10112x96xf32, #tpu.memory_space<vmem_shared>> -> memref<632x96xf32, #tpu.memory_space<vmem_shared>>
        tpu.wait_dma2 semaphore(%run_scoped3A : memref<!tpu.dma_semaphore, #tpu.memory_space<semaphore_mem>>) src(%dma_wait3A_147 : memref<632x96xf32, #tpu.memory_space<vmem_shared>>) dst(%dma_wait3A_145 : memref<632x96xf32, #tpu.memory_space<hbm>>)
        tpu.yield
      }) : () -> ()
    } else {
    }
    %eq3A_3 = arith.constant 1 : i32
    %eq3A_4 = arith.cmpi eq, %arg0, %eq3A_3 : i32
    %convert_element_type3A_5 = arith.extui %eq3A_4 : i1 to i32
    %cond3A_6 = arith.constant 0 : i32
    %cond3A_7 = arith.cmpi ne, %convert_element_type3A_5, %cond3A_6 : i32
    scf.if %cond3A_7 {
      "tpu.region"() ({
        %run_scoped3A = tpu.sem_alloc : memref<!tpu.dma_semaphore, #tpu.memory_space<semaphore_mem>>
        %dma_start3A_140 = arith.constant 0 : i32
        %dma_start3A_141 = tpu.memref_slice %arg16[%mul3A_0, %dma_start3A_140] : memref<10112x96xf32, #tpu.memory_space<vmem_shared>> -> memref<632x96xf32, #tpu.memory_space<vmem_shared>>
        tpu.enqueue_dma source(%arg8 : memref<632x96xf32, #tpu.memory_space<hbm>>) target(%dma_start3A_141 : memref<632x96xf32, #tpu.memory_space<vmem_shared>>) target_semaphore(%run_scoped3A : memref<!tpu.dma_semaphore, #tpu.memory_space<semaphore_mem>>)
        %dma_wait3A_142 = arith.constant 0 : i32
        %dma_wait3A_143 = tpu.memref_slice %arg16[%mul3A_0, %dma_wait3A_142] : memref<10112x96xf32, #tpu.memory_space<vmem_shared>> -> memref<632x96xf32, #tpu.memory_space<vmem_shared>>
        tpu.wait_dma2 semaphore(%run_scoped3A : memref<!tpu.dma_semaphore, #tpu.memory_space<semaphore_mem>>) src(%arg8 : memref<632x96xf32, #tpu.memory_space<hbm>>) dst(%dma_wait3A_143 : memref<632x96xf32, #tpu.memory_space<vmem_shared>>)
        tpu.yield
      }) : () -> ()
      %barrier3A = arith.constant 0 : index
      tpu.barrier barrier_id(%barrier3A)
      %dma_start3A = arith.constant 0 : i32
      %dma_start3A_8 = arith.constant 0 : i32
      %dma_start3A_9 = arith.constant 0 : i32
      %dma_start3A_10 = arith.constant 0 : i32
      %dma_start3A_11 = arith.constant 0 : i32
      %dma_start3A_12 = tpu.memref_slice %arg15[%dma_start3A_8, %dma_start3A_10, %dma_start3A_11] : memref<2x256x96xf32, #tpu.memory_space<vmem>> -> memref<1x256x96xf32, #tpu.memory_space<vmem>>
      %dma_start3A_13 = tpu.memref_squeeze %dma_start3A_12 : memref<1x256x96xf32, #tpu.memory_space<vmem>> -> memref<256x96xf32, #tpu.memory_space<vmem>>
      %dma_start3A_14 = arith.constant 0 : i32
      %dma_start3A_15 = tpu.memref_slice %arg13[%dma_start3A, %dma_start3A_14] : memref<40x256xi32, #tpu.memory_space<vmem>> -> memref<1x256xi32, #tpu.memory_space<vmem>>
      %dma_start3A_16 = tpu.memref_squeeze %dma_start3A_15 : memref<1x256xi32, #tpu.memory_space<vmem>> -> memref<256xi32, #tpu.memory_space<vmem>>
      %dma_start3A_17 = arith.constant 0 : i32
      %dma_start3A_18 = arith.constant 0 : i32
      %dma_start3A_19 = tpu.memref_slice %arg4[%dma_start3A_17, %dma_start3A_18] : memref<10112x96xf32, #tpu.memory_space<hbm>> -> memref<10112x96xf32, #tpu.memory_space<hbm>>
      %dma_start3A_20 = tpu.memref_slice %arg17[%dma_start3A_9] : memref<2x!tpu.dma_semaphore, #tpu.memory_space<semaphore_mem>> -> memref<1x!tpu.dma_semaphore, #tpu.memory_space<semaphore_mem>>
      %dma_start3A_21 = tpu.memref_squeeze %dma_start3A_20 : memref<1x!tpu.dma_semaphore, #tpu.memory_space<semaphore_mem>> -> memref<!tpu.dma_semaphore, #tpu.memory_space<semaphore_mem>>
      tpu.enqueue_indirect_dma source(%dma_start3A_19 : memref<10112x96xf32, #tpu.memory_space<hbm>>) target(%dma_start3A_13 : memref<256x96xf32, #tpu.memory_space<vmem>>) offsets(%dma_start3A_16 : memref<256xi32, #tpu.memory_space<vmem>>) semaphore(%dma_start3A_21 : memref<!tpu.dma_semaphore, #tpu.memory_space<semaphore_mem>>)
      %dma_start3A_22 = arith.constant 1 : i32
      %dma_start3A_23 = arith.constant 1 : i32
      %dma_start3A_24 = arith.constant 1 : i32
      %dma_start3A_25 = arith.constant 0 : i32
      %dma_start3A_26 = arith.constant 0 : i32
      %dma_start3A_27 = tpu.memref_slice %arg15[%dma_start3A_23, %dma_start3A_25, %dma_start3A_26] : memref<2x256x96xf32, #tpu.memory_space<vmem>> -> memref<1x256x96xf32, #tpu.memory_space<vmem>>
      %dma_start3A_28 = tpu.memref_squeeze %dma_start3A_27 : memref<1x256x96xf32, #tpu.memory_space<vmem>> -> memref<256x96xf32, #tpu.memory_space<vmem>>
      %dma_start3A_29 = arith.constant 0 : i32
      %dma_start3A_30 = tpu.memref_slice %arg13[%dma_start3A_22, %dma_start3A_29] : memref<40x256xi32, #tpu.memory_space<vmem>> -> memref<1x256xi32, #tpu.memory_space<vmem>>
      %dma_start3A_31 = tpu.memref_squeeze %dma_start3A_30 : memref<1x256xi32, #tpu.memory_space<vmem>> -> memref<256xi32, #tpu.memory_space<vmem>>
      %dma_start3A_32 = arith.constant 0 : i32
      %dma_start3A_33 = arith.constant 0 : i32
      %dma_start3A_34 = tpu.memref_slice %arg4[%dma_start3A_32, %dma_start3A_33] : memref<10112x96xf32, #tpu.memory_space<hbm>> -> memref<10112x96xf32, #tpu.memory_space<hbm>>
      %dma_start3A_35 = tpu.memref_slice %arg17[%dma_start3A_24] : memref<2x!tpu.dma_semaphore, #tpu.memory_space<semaphore_mem>> -> memref<1x!tpu.dma_semaphore, #tpu.memory_space<semaphore_mem>>
      %dma_start3A_36 = tpu.memref_squeeze %dma_start3A_35 : memref<1x!tpu.dma_semaphore, #tpu.memory_space<semaphore_mem>> -> memref<!tpu.dma_semaphore, #tpu.memory_space<semaphore_mem>>
      tpu.enqueue_indirect_dma source(%dma_start3A_34 : memref<10112x96xf32, #tpu.memory_space<hbm>>) target(%dma_start3A_28 : memref<256x96xf32, #tpu.memory_space<vmem>>) offsets(%dma_start3A_31 : memref<256xi32, #tpu.memory_space<vmem>>) semaphore(%dma_start3A_36 : memref<!tpu.dma_semaphore, #tpu.memory_space<semaphore_mem>>)
      %scan3A = arith.constant 0 : i32
      %scan3A_37 = arith.constant 0 : i32
      %scan3A_38 = arith.constant 20 : i32
      %scan3A_39 = arith.addi %scan3A_37, %scan3A_38 : i32
      %scan3A_40 = arith.constant 1 : i32
      scf.for %scan3A_140 = %scan3A_37 to %scan3A_39 step %scan3A_40  : i32 {
        %mul3A_141 = arith.constant 2 : i32
        %mul3A_142 = arith.muli %mul3A_141, %scan3A_140 : i32
        %add3A = arith.constant 0 : i32
        %add3A_143 = arith.addi %mul3A_142, %add3A : i32
        %lt3A = arith.constant 40 : i32
        %lt3A_144 = arith.cmpi slt, %add3A_143, %lt3A : i32
        %convert_element_type3A_145 = arith.extui %lt3A_144 : i1 to i32
        %cond3A_146 = arith.constant 0 : i32
        %cond3A_147 = arith.cmpi ne, %convert_element_type3A_145, %cond3A_146 : i32
        scf.if %cond3A_147 {
          %dma_wait3A_157 = arith.constant 0 : i32
          %dma_wait3A_158 = arith.constant 0 : i32
          %dma_wait3A_159 = arith.constant 0 : i32
          %dma_wait3A_160 = arith.constant 0 : i32
          %dma_wait3A_161 = tpu.memref_slice %arg15[%dma_wait3A_157, %dma_wait3A_159, %dma_wait3A_160] : memref<2x256x96xf32, #tpu.memory_space<vmem>> -> memref<1x256x96xf32, #tpu.memory_space<vmem>>
          %dma_wait3A_162 = tpu.memref_squeeze %dma_wait3A_161 : memref<1x256x96xf32, #tpu.memory_space<vmem>> -> memref<256x96xf32, #tpu.memory_space<vmem>>
          %dma_wait3A_163 = arith.constant 0 : i32
          %dma_wait3A_164 = tpu.memref_slice %arg13[%add3A_143, %dma_wait3A_163] : memref<40x256xi32, #tpu.memory_space<vmem>> -> memref<1x256xi32, #tpu.memory_space<vmem>>
          %dma_wait3A_165 = tpu.memref_squeeze %dma_wait3A_164 : memref<1x256xi32, #tpu.memory_space<vmem>> -> memref<256xi32, #tpu.memory_space<vmem>>
          %dma_wait3A_166 = arith.constant 0 : i32
          %dma_wait3A_167 = arith.constant 0 : i32
          %dma_wait3A_168 = tpu.memref_slice %arg4[%dma_wait3A_166, %dma_wait3A_167] : memref<10112x96xf32, #tpu.memory_space<hbm>> -> memref<10112x96xf32, #tpu.memory_space<hbm>>
          %dma_wait3A_169 = tpu.memref_slice %arg17[%dma_wait3A_158] : memref<2x!tpu.dma_semaphore, #tpu.memory_space<semaphore_mem>> -> memref<1x!tpu.dma_semaphore, #tpu.memory_space<semaphore_mem>>
          %dma_wait3A_170 = tpu.memref_squeeze %dma_wait3A_169 : memref<1x!tpu.dma_semaphore, #tpu.memory_space<semaphore_mem>> -> memref<!tpu.dma_semaphore, #tpu.memory_space<semaphore_mem>>
          tpu.wait_indirect_dma semaphore(%dma_wait3A_170 : memref<!tpu.dma_semaphore, #tpu.memory_space<semaphore_mem>>) src(%dma_wait3A_168 : memref<10112x96xf32, #tpu.memory_space<hbm>>) dst(%dma_wait3A_162 : memref<256x96xf32, #tpu.memory_space<vmem>>)
          %dma_start3A_171 = arith.constant 0 : i32
          %dma_start3A_172 = arith.constant 0 : i32
          %dma_start3A_173 = arith.constant 0 : i32
          %dma_start3A_174 = arith.constant 0 : i32
          %dma_start3A_175 = tpu.memref_slice %arg15[%dma_start3A_171, %dma_start3A_173, %dma_start3A_174] : memref<2x256x96xf32, #tpu.memory_space<vmem>> -> memref<1x256x96xf32, #tpu.memory_space<vmem>>
          %dma_start3A_176 = tpu.memref_squeeze %dma_start3A_175 : memref<1x256x96xf32, #tpu.memory_space<vmem>> -> memref<256x96xf32, #tpu.memory_space<vmem>>
          %dma_start3A_177 = arith.constant 0 : i32
          %dma_start3A_178 = tpu.memref_slice %arg14[%add3A_143, %dma_start3A_177] : memref<40x256xi32, #tpu.memory_space<vmem>> -> memref<1x256xi32, #tpu.memory_space<vmem>>
          %dma_start3A_179 = tpu.memref_squeeze %dma_start3A_178 : memref<1x256xi32, #tpu.memory_space<vmem>> -> memref<256xi32, #tpu.memory_space<vmem>>
          %dma_start3A_180 = arith.constant 0 : i32
          %dma_start3A_181 = arith.constant 0 : i32
          %dma_start3A_182 = tpu.memref_slice %arg16[%dma_start3A_180, %dma_start3A_181] : memref<10112x96xf32, #tpu.memory_space<vmem_shared>> -> memref<10112x96xf32, #tpu.memory_space<vmem_shared>>
          %dma_start3A_183 = tpu.memref_slice %arg18[%dma_start3A_172] : memref<2x!tpu.dma_semaphore, #tpu.memory_space<semaphore_mem>> -> memref<1x!tpu.dma_semaphore, #tpu.memory_space<semaphore_mem>>
          %dma_start3A_184 = tpu.memref_squeeze %dma_start3A_183 : memref<1x!tpu.dma_semaphore, #tpu.memory_space<semaphore_mem>> -> memref<!tpu.dma_semaphore, #tpu.memory_space<semaphore_mem>>
          tpu.enqueue_indirect_dma source(%dma_start3A_176 : memref<256x96xf32, #tpu.memory_space<vmem>>) target(%dma_start3A_182 : memref<10112x96xf32, #tpu.memory_space<vmem_shared>>) offsets(%dma_start3A_179 : memref<256xi32, #tpu.memory_space<vmem>>) semaphore(%dma_start3A_184 : memref<!tpu.dma_semaphore, #tpu.memory_space<semaphore_mem>>) {add = true}
          %add3A_185 = arith.constant 2 : i32
          %add3A_186 = arith.addi %add3A_143, %add3A_185 : i32
          %lt3A_187 = arith.constant 40 : i32
          %lt3A_188 = arith.cmpi slt, %add3A_186, %lt3A_187 : i32
          %convert_element_type3A_189 = arith.extui %lt3A_188 : i1 to i32
          %cond3A_190 = arith.constant 0 : i32
          %cond3A_191 = arith.cmpi ne, %convert_element_type3A_189, %cond3A_190 : i32
          scf.if %cond3A_191 {
            %dma_wait3A_192 = arith.constant 0 : i32
            %dma_wait3A_193 = arith.constant 0 : i32
            %dma_wait3A_194 = arith.constant 0 : i32
            %dma_wait3A_195 = arith.constant 0 : i32
            %dma_wait3A_196 = tpu.memref_slice %arg15[%dma_wait3A_192, %dma_wait3A_194, %dma_wait3A_195] : memref<2x256x96xf32, #tpu.memory_space<vmem>> -> memref<1x256x96xf32, #tpu.memory_space<vmem>>
            %dma_wait3A_197 = tpu.memref_squeeze %dma_wait3A_196 : memref<1x256x96xf32, #tpu.memory_space<vmem>> -> memref<256x96xf32, #tpu.memory_space<vmem>>
            %dma_wait3A_198 = arith.constant 0 : i32
            %dma_wait3A_199 = tpu.memref_slice %arg14[%add3A_143, %dma_wait3A_198] : memref<40x256xi32, #tpu.memory_space<vmem>> -> memref<1x256xi32, #tpu.memory_space<vmem>>
            %dma_wait3A_200 = tpu.memref_squeeze %dma_wait3A_199 : memref<1x256xi32, #tpu.memory_space<vmem>> -> memref<256xi32, #tpu.memory_space<vmem>>
            %dma_wait3A_201 = arith.constant 0 : i32
            %dma_wait3A_202 = arith.constant 0 : i32
            %dma_wait3A_203 = tpu.memref_slice %arg16[%dma_wait3A_201, %dma_wait3A_202] : memref<10112x96xf32, #tpu.memory_space<vmem_shared>> -> memref<10112x96xf32, #tpu.memory_space<vmem_shared>>
            %dma_wait3A_204 = tpu.memref_slice %arg18[%dma_wait3A_193] : memref<2x!tpu.dma_semaphore, #tpu.memory_space<semaphore_mem>> -> memref<1x!tpu.dma_semaphore, #tpu.memory_space<semaphore_mem>>
            %dma_wait3A_205 = tpu.memref_squeeze %dma_wait3A_204 : memref<1x!tpu.dma_semaphore, #tpu.memory_space<semaphore_mem>> -> memref<!tpu.dma_semaphore, #tpu.memory_space<semaphore_mem>>
            tpu.wait_indirect_dma semaphore(%dma_wait3A_205 : memref<!tpu.dma_semaphore, #tpu.memory_space<semaphore_mem>>) src(%dma_wait3A_197 : memref<256x96xf32, #tpu.memory_space<vmem>>) dst(%dma_wait3A_203 : memref<10112x96xf32, #tpu.memory_space<vmem_shared>>)
            %add3A_206 = arith.constant 2 : i32
            %add3A_207 = arith.addi %add3A_143, %add3A_206 : i32
            %dma_start3A_208 = arith.constant 0 : i32
            %dma_start3A_209 = arith.constant 0 : i32
            %dma_start3A_210 = arith.constant 0 : i32
            %dma_start3A_211 = arith.constant 0 : i32
            %dma_start3A_212 = tpu.memref_slice %arg15[%dma_start3A_208, %dma_start3A_210, %dma_start3A_211] : memref<2x256x96xf32, #tpu.memory_space<vmem>> -> memref<1x256x96xf32, #tpu.memory_space<vmem>>
            %dma_start3A_213 = tpu.memref_squeeze %dma_start3A_212 : memref<1x256x96xf32, #tpu.memory_space<vmem>> -> memref<256x96xf32, #tpu.memory_space<vmem>>
            %dma_start3A_214 = arith.constant 0 : i32
            %dma_start3A_215 = tpu.memref_slice %arg13[%add3A_207, %dma_start3A_214] : memref<40x256xi32, #tpu.memory_space<vmem>> -> memref<1x256xi32, #tpu.memory_space<vmem>>
            %dma_start3A_216 = tpu.memref_squeeze %dma_start3A_215 : memref<1x256xi32, #tpu.memory_space<vmem>> -> memref<256xi32, #tpu.memory_space<vmem>>
            %dma_start3A_217 = arith.constant 0 : i32
            %dma_start3A_218 = arith.constant 0 : i32
            %dma_start3A_219 = tpu.memref_slice %arg4[%dma_start3A_217, %dma_start3A_218] : memref<10112x96xf32, #tpu.memory_space<hbm>> -> memref<10112x96xf32, #tpu.memory_space<hbm>>
            %dma_start3A_220 = tpu.memref_slice %arg17[%dma_start3A_209] : memref<2x!tpu.dma_semaphore, #tpu.memory_space<semaphore_mem>> -> memref<1x!tpu.dma_semaphore, #tpu.memory_space<semaphore_mem>>
            %dma_start3A_221 = tpu.memref_squeeze %dma_start3A_220 : memref<1x!tpu.dma_semaphore, #tpu.memory_space<semaphore_mem>> -> memref<!tpu.dma_semaphore, #tpu.memory_space<semaphore_mem>>
            tpu.enqueue_indirect_dma source(%dma_start3A_219 : memref<10112x96xf32, #tpu.memory_space<hbm>>) target(%dma_start3A_213 : memref<256x96xf32, #tpu.memory_space<vmem>>) offsets(%dma_start3A_216 : memref<256xi32, #tpu.memory_space<vmem>>) semaphore(%dma_start3A_221 : memref<!tpu.dma_semaphore, #tpu.memory_space<semaphore_mem>>)
          } else {
          }
        } else {
        }
        %mul3A_148 = arith.constant 2 : i32
        %mul3A_149 = arith.muli %mul3A_148, %scan3A_140 : i32
        %add3A_150 = arith.constant 1 : i32
        %add3A_151 = arith.addi %mul3A_149, %add3A_150 : i32
        %lt3A_152 = arith.constant 40 : i32
        %lt3A_153 = arith.cmpi slt, %add3A_151, %lt3A_152 : i32
        %convert_element_type3A_154 = arith.extui %lt3A_153 : i1 to i32
        %cond3A_155 = arith.constant 0 : i32
        %cond3A_156 = arith.cmpi ne, %convert_element_type3A_154, %cond3A_155 : i32
        scf.if %cond3A_156 {
          %dma_wait3A_157 = arith.constant 1 : i32
          %dma_wait3A_158 = arith.constant 1 : i32
          %dma_wait3A_159 = arith.constant 0 : i32
          %dma_wait3A_160 = arith.constant 0 : i32
          %dma_wait3A_161 = tpu.memref_slice %arg15[%dma_wait3A_157, %dma_wait3A_159, %dma_wait3A_160] : memref<2x256x96xf32, #tpu.memory_space<vmem>> -> memref<1x256x96xf32, #tpu.memory_space<vmem>>
          %dma_wait3A_162 = tpu.memref_squeeze %dma_wait3A_161 : memref<1x256x96xf32, #tpu.memory_space<vmem>> -> memref<256x96xf32, #tpu.memory_space<vmem>>
          %dma_wait3A_163 = arith.constant 0 : i32
          %dma_wait3A_164 = tpu.memref_slice %arg13[%add3A_151, %dma_wait3A_163] : memref<40x256xi32, #tpu.memory_space<vmem>> -> memref<1x256xi32, #tpu.memory_space<vmem>>
          %dma_wait3A_165 = tpu.memref_squeeze %dma_wait3A_164 : memref<1x256xi32, #tpu.memory_space<vmem>> -> memref<256xi32, #tpu.memory_space<vmem>>
          %dma_wait3A_166 = arith.constant 0 : i32
          %dma_wait3A_167 = arith.constant 0 : i32
          %dma_wait3A_168 = tpu.memref_slice %arg4[%dma_wait3A_166, %dma_wait3A_167] : memref<10112x96xf32, #tpu.memory_space<hbm>> -> memref<10112x96xf32, #tpu.memory_space<hbm>>
          %dma_wait3A_169 = tpu.memref_slice %arg17[%dma_wait3A_158] : memref<2x!tpu.dma_semaphore, #tpu.memory_space<semaphore_mem>> -> memref<1x!tpu.dma_semaphore, #tpu.memory_space<semaphore_mem>>
          %dma_wait3A_170 = tpu.memref_squeeze %dma_wait3A_169 : memref<1x!tpu.dma_semaphore, #tpu.memory_space<semaphore_mem>> -> memref<!tpu.dma_semaphore, #tpu.memory_space<semaphore_mem>>
          tpu.wait_indirect_dma semaphore(%dma_wait3A_170 : memref<!tpu.dma_semaphore, #tpu.memory_space<semaphore_mem>>) src(%dma_wait3A_168 : memref<10112x96xf32, #tpu.memory_space<hbm>>) dst(%dma_wait3A_162 : memref<256x96xf32, #tpu.memory_space<vmem>>)
          %dma_start3A_171 = arith.constant 1 : i32
          %dma_start3A_172 = arith.constant 1 : i32
          %dma_start3A_173 = arith.constant 0 : i32
          %dma_start3A_174 = arith.constant 0 : i32
          %dma_start3A_175 = tpu.memref_slice %arg15[%dma_start3A_171, %dma_start3A_173, %dma_start3A_174] : memref<2x256x96xf32, #tpu.memory_space<vmem>> -> memref<1x256x96xf32, #tpu.memory_space<vmem>>
          %dma_start3A_176 = tpu.memref_squeeze %dma_start3A_175 : memref<1x256x96xf32, #tpu.memory_space<vmem>> -> memref<256x96xf32, #tpu.memory_space<vmem>>
          %dma_start3A_177 = arith.constant 0 : i32
          %dma_start3A_178 = tpu.memref_slice %arg14[%add3A_151, %dma_start3A_177] : memref<40x256xi32, #tpu.memory_space<vmem>> -> memref<1x256xi32, #tpu.memory_space<vmem>>
          %dma_start3A_179 = tpu.memref_squeeze %dma_start3A_178 : memref<1x256xi32, #tpu.memory_space<vmem>> -> memref<256xi32, #tpu.memory_space<vmem>>
          %dma_start3A_180 = arith.constant 0 : i32
          %dma_start3A_181 = arith.constant 0 : i32
          %dma_start3A_182 = tpu.memref_slice %arg16[%dma_start3A_180, %dma_start3A_181] : memref<10112x96xf32, #tpu.memory_space<vmem_shared>> -> memref<10112x96xf32, #tpu.memory_space<vmem_shared>>
          %dma_start3A_183 = tpu.memref_slice %arg18[%dma_start3A_172] : memref<2x!tpu.dma_semaphore, #tpu.memory_space<semaphore_mem>> -> memref<1x!tpu.dma_semaphore, #tpu.memory_space<semaphore_mem>>
          %dma_start3A_184 = tpu.memref_squeeze %dma_start3A_183 : memref<1x!tpu.dma_semaphore, #tpu.memory_space<semaphore_mem>> -> memref<!tpu.dma_semaphore, #tpu.memory_space<semaphore_mem>>
          tpu.enqueue_indirect_dma source(%dma_start3A_176 : memref<256x96xf32, #tpu.memory_space<vmem>>) target(%dma_start3A_182 : memref<10112x96xf32, #tpu.memory_space<vmem_shared>>) offsets(%dma_start3A_179 : memref<256xi32, #tpu.memory_space<vmem>>) semaphore(%dma_start3A_184 : memref<!tpu.dma_semaphore, #tpu.memory_space<semaphore_mem>>) {add = true}
          %add3A_185 = arith.constant 2 : i32
          %add3A_186 = arith.addi %add3A_151, %add3A_185 : i32
          %lt3A_187 = arith.constant 40 : i32
          %lt3A_188 = arith.cmpi slt, %add3A_186, %lt3A_187 : i32
          %convert_element_type3A_189 = arith.extui %lt3A_188 : i1 to i32
          %cond3A_190 = arith.constant 0 : i32
          %cond3A_191 = arith.cmpi ne, %convert_element_type3A_189, %cond3A_190 : i32
          scf.if %cond3A_191 {
            %dma_wait3A_192 = arith.constant 1 : i32
            %dma_wait3A_193 = arith.constant 1 : i32
            %dma_wait3A_194 = arith.constant 0 : i32
            %dma_wait3A_195 = arith.constant 0 : i32
            %dma_wait3A_196 = tpu.memref_slice %arg15[%dma_wait3A_192, %dma_wait3A_194, %dma_wait3A_195] : memref<2x256x96xf32, #tpu.memory_space<vmem>> -> memref<1x256x96xf32, #tpu.memory_space<vmem>>
            %dma_wait3A_197 = tpu.memref_squeeze %dma_wait3A_196 : memref<1x256x96xf32, #tpu.memory_space<vmem>> -> memref<256x96xf32, #tpu.memory_space<vmem>>
            %dma_wait3A_198 = arith.constant 0 : i32
            %dma_wait3A_199 = tpu.memref_slice %arg14[%add3A_151, %dma_wait3A_198] : memref<40x256xi32, #tpu.memory_space<vmem>> -> memref<1x256xi32, #tpu.memory_space<vmem>>
            %dma_wait3A_200 = tpu.memref_squeeze %dma_wait3A_199 : memref<1x256xi32, #tpu.memory_space<vmem>> -> memref<256xi32, #tpu.memory_space<vmem>>
            %dma_wait3A_201 = arith.constant 0 : i32
            %dma_wait3A_202 = arith.constant 0 : i32
            %dma_wait3A_203 = tpu.memref_slice %arg16[%dma_wait3A_201, %dma_wait3A_202] : memref<10112x96xf32, #tpu.memory_space<vmem_shared>> -> memref<10112x96xf32, #tpu.memory_space<vmem_shared>>
            %dma_wait3A_204 = tpu.memref_slice %arg18[%dma_wait3A_193] : memref<2x!tpu.dma_semaphore, #tpu.memory_space<semaphore_mem>> -> memref<1x!tpu.dma_semaphore, #tpu.memory_space<semaphore_mem>>
            %dma_wait3A_205 = tpu.memref_squeeze %dma_wait3A_204 : memref<1x!tpu.dma_semaphore, #tpu.memory_space<semaphore_mem>> -> memref<!tpu.dma_semaphore, #tpu.memory_space<semaphore_mem>>
            tpu.wait_indirect_dma semaphore(%dma_wait3A_205 : memref<!tpu.dma_semaphore, #tpu.memory_space<semaphore_mem>>) src(%dma_wait3A_197 : memref<256x96xf32, #tpu.memory_space<vmem>>) dst(%dma_wait3A_203 : memref<10112x96xf32, #tpu.memory_space<vmem_shared>>)
            %add3A_206 = arith.constant 2 : i32
            %add3A_207 = arith.addi %add3A_151, %add3A_206 : i32
            %dma_start3A_208 = arith.constant 1 : i32
            %dma_start3A_209 = arith.constant 1 : i32
            %dma_start3A_210 = arith.constant 0 : i32
            %dma_start3A_211 = arith.constant 0 : i32
            %dma_start3A_212 = tpu.memref_slice %arg15[%dma_start3A_208, %dma_start3A_210, %dma_start3A_211] : memref<2x256x96xf32, #tpu.memory_space<vmem>> -> memref<1x256x96xf32, #tpu.memory_space<vmem>>
            %dma_start3A_213 = tpu.memref_squeeze %dma_start3A_212 : memref<1x256x96xf32, #tpu.memory_space<vmem>> -> memref<256x96xf32, #tpu.memory_space<vmem>>
            %dma_start3A_214 = arith.constant 0 : i32
            %dma_start3A_215 = tpu.memref_slice %arg13[%add3A_207, %dma_start3A_214] : memref<40x256xi32, #tpu.memory_space<vmem>> -> memref<1x256xi32, #tpu.memory_space<vmem>>
            %dma_start3A_216 = tpu.memref_squeeze %dma_start3A_215 : memref<1x256xi32, #tpu.memory_space<vmem>> -> memref<256xi32, #tpu.memory_space<vmem>>
            %dma_start3A_217 = arith.constant 0 : i32
            %dma_start3A_218 = arith.constant 0 : i32
            %dma_start3A_219 = tpu.memref_slice %arg4[%dma_start3A_217, %dma_start3A_218] : memref<10112x96xf32, #tpu.memory_space<hbm>> -> memref<10112x96xf32, #tpu.memory_space<hbm>>
            %dma_start3A_220 = tpu.memref_slice %arg17[%dma_start3A_209] : memref<2x!tpu.dma_semaphore, #tpu.memory_space<semaphore_mem>> -> memref<1x!tpu.dma_semaphore, #tpu.memory_space<semaphore_mem>>
            %dma_start3A_221 = tpu.memref_squeeze %dma_start3A_220 : memref<1x!tpu.dma_semaphore, #tpu.memory_space<semaphore_mem>> -> memref<!tpu.dma_semaphore, #tpu.memory_space<semaphore_mem>>
            tpu.enqueue_indirect_dma source(%dma_start3A_219 : memref<10112x96xf32, #tpu.memory_space<hbm>>) target(%dma_start3A_213 : memref<256x96xf32, #tpu.memory_space<vmem>>) offsets(%dma_start3A_216 : memref<256xi32, #tpu.memory_space<vmem>>) semaphore(%dma_start3A_221 : memref<!tpu.dma_semaphore, #tpu.memory_space<semaphore_mem>>)
          } else {
          }
        } else {
        }
      }
      %scan3A_41 = arith.constant 20 : i32
      %dma_wait3A = arith.constant 0 : i32
      %dma_wait3A_42 = arith.constant 38 : i32
      %dma_wait3A_43 = arith.constant 0 : i32
      %dma_wait3A_44 = arith.constant 0 : i32
      %dma_wait3A_45 = arith.constant 0 : i32
      %dma_wait3A_46 = tpu.memref_slice %arg15[%dma_wait3A, %dma_wait3A_44, %dma_wait3A_45] : memref<2x256x96xf32, #tpu.memory_space<vmem>> -> memref<1x256x96xf32, #tpu.memory_space<vmem>>
      %dma_wait3A_47 = tpu.memref_squeeze %dma_wait3A_46 : memref<1x256x96xf32, #tpu.memory_space<vmem>> -> memref<256x96xf32, #tpu.memory_space<vmem>>
      %dma_wait3A_48 = arith.constant 0 : i32
      %dma_wait3A_49 = tpu.memref_slice %arg14[%dma_wait3A_42, %dma_wait3A_48] : memref<40x256xi32, #tpu.memory_space<vmem>> -> memref<1x256xi32, #tpu.memory_space<vmem>>
      %dma_wait3A_50 = tpu.memref_squeeze %dma_wait3A_49 : memref<1x256xi32, #tpu.memory_space<vmem>> -> memref<256xi32, #tpu.memory_space<vmem>>
      %dma_wait3A_51 = arith.constant 0 : i32
      %dma_wait3A_52 = arith.constant 0 : i32
      %dma_wait3A_53 = tpu.memref_slice %arg16[%dma_wait3A_51, %dma_wait3A_52] : memref<10112x96xf32, #tpu.memory_space<vmem_shared>> -> memref<10112x96xf32, #tpu.memory_space<vmem_shared>>
      %dma_wait3A_54 = tpu.memref_slice %arg18[%dma_wait3A_43] : memref<2x!tpu.dma_semaphore, #tpu.memory_space<semaphore_mem>> -> memref<1x!tpu.dma_semaphore, #tpu.memory_space<semaphore_mem>>
      %dma_wait3A_55 = tpu.memref_squeeze %dma_wait3A_54 : memref<1x!tpu.dma_semaphore, #tpu.memory_space<semaphore_mem>> -> memref<!tpu.dma_semaphore, #tpu.memory_space<semaphore_mem>>
      tpu.wait_indirect_dma semaphore(%dma_wait3A_55 : memref<!tpu.dma_semaphore, #tpu.memory_space<semaphore_mem>>) src(%dma_wait3A_47 : memref<256x96xf32, #tpu.memory_space<vmem>>) dst(%dma_wait3A_53 : memref<10112x96xf32, #tpu.memory_space<vmem_shared>>)
      %dma_wait3A_56 = arith.constant 1 : i32
      %dma_wait3A_57 = arith.constant 39 : i32
      %dma_wait3A_58 = arith.constant 1 : i32
      %dma_wait3A_59 = arith.constant 0 : i32
      %dma_wait3A_60 = arith.constant 0 : i32
      %dma_wait3A_61 = tpu.memref_slice %arg15[%dma_wait3A_56, %dma_wait3A_59, %dma_wait3A_60] : memref<2x256x96xf32, #tpu.memory_space<vmem>> -> memref<1x256x96xf32, #tpu.memory_space<vmem>>
      %dma_wait3A_62 = tpu.memref_squeeze %dma_wait3A_61 : memref<1x256x96xf32, #tpu.memory_space<vmem>> -> memref<256x96xf32, #tpu.memory_space<vmem>>
      %dma_wait3A_63 = arith.constant 0 : i32
      %dma_wait3A_64 = tpu.memref_slice %arg14[%dma_wait3A_57, %dma_wait3A_63] : memref<40x256xi32, #tpu.memory_space<vmem>> -> memref<1x256xi32, #tpu.memory_space<vmem>>
      %dma_wait3A_65 = tpu.memref_squeeze %dma_wait3A_64 : memref<1x256xi32, #tpu.memory_space<vmem>> -> memref<256xi32, #tpu.memory_space<vmem>>
      %dma_wait3A_66 = arith.constant 0 : i32
      %dma_wait3A_67 = arith.constant 0 : i32
      %dma_wait3A_68 = tpu.memref_slice %arg16[%dma_wait3A_66, %dma_wait3A_67] : memref<10112x96xf32, #tpu.memory_space<vmem_shared>> -> memref<10112x96xf32, #tpu.memory_space<vmem_shared>>
      %dma_wait3A_69 = tpu.memref_slice %arg18[%dma_wait3A_58] : memref<2x!tpu.dma_semaphore, #tpu.memory_space<semaphore_mem>> -> memref<1x!tpu.dma_semaphore, #tpu.memory_space<semaphore_mem>>
      %dma_wait3A_70 = tpu.memref_squeeze %dma_wait3A_69 : memref<1x!tpu.dma_semaphore, #tpu.memory_space<semaphore_mem>> -> memref<!tpu.dma_semaphore, #tpu.memory_space<semaphore_mem>>
      tpu.wait_indirect_dma semaphore(%dma_wait3A_70 : memref<!tpu.dma_semaphore, #tpu.memory_space<semaphore_mem>>) src(%dma_wait3A_62 : memref<256x96xf32, #tpu.memory_space<vmem>>) dst(%dma_wait3A_68 : memref<10112x96xf32, #tpu.memory_space<vmem_shared>>)
      %barrier3A_71 = arith.constant 0 : index
      tpu.barrier barrier_id(%barrier3A_71)
      "tpu.region"() ({
        %run_scoped3A = tpu.sem_alloc : memref<!tpu.dma_semaphore, #tpu.memory_space<semaphore_mem>>
        %dma_start3A_140 = arith.constant 0 : i32
        %dma_start3A_141 = tpu.memref_slice %arg11[%mul3A_0, %dma_start3A_140] : memref<10112x96xf32, #tpu.memory_space<hbm>> -> memref<632x96xf32, #tpu.memory_space<hbm>>
        %dma_start3A_142 = arith.constant 0 : i32
        %dma_start3A_143 = tpu.memref_slice %arg16[%mul3A_0, %dma_start3A_142] : memref<10112x96xf32, #tpu.memory_space<vmem_shared>> -> memref<632x96xf32, #tpu.memory_space<vmem_shared>>
        tpu.enqueue_dma source(%dma_start3A_143 : memref<632x96xf32, #tpu.memory_space<vmem_shared>>) target(%dma_start3A_141 : memref<632x96xf32, #tpu.memory_space<hbm>>) target_semaphore(%run_scoped3A : memref<!tpu.dma_semaphore, #tpu.memory_space<semaphore_mem>>)
        %dma_wait3A_144 = arith.constant 0 : i32
        %dma_wait3A_145 = tpu.memref_slice %arg11[%mul3A_0, %dma_wait3A_144] : memref<10112x96xf32, #tpu.memory_space<hbm>> -> memref<632x96xf32, #tpu.memory_space<hbm>>
        %dma_wait3A_146 = arith.constant 0 : i32
        %dma_wait3A_147 = tpu.memref_slice %arg16[%mul3A_0, %dma_wait3A_146] : memref<10112x96xf32, #tpu.memory_space<vmem_shared>> -> memref<632x96xf32, #tpu.memory_space<vmem_shared>>
        tpu.wait_dma2 semaphore(%run_scoped3A : memref<!tpu.dma_semaphore, #tpu.memory_space<semaphore_mem>>) src(%dma_wait3A_147 : memref<632x96xf32, #tpu.memory_space<vmem_shared>>) dst(%dma_wait3A_145 : memref<632x96xf32, #tpu.memory_space<hbm>>)
        tpu.yield
      }) : () -> ()
      "tpu.region"() ({
        %run_scoped3A = tpu.sem_alloc : memref<!tpu.dma_semaphore, #tpu.memory_space<semaphore_mem>>
        %dma_start3A_140 = arith.constant 0 : i32
        %dma_start3A_141 = tpu.memref_slice %arg16[%mul3A_0, %dma_start3A_140] : memref<10112x96xf32, #tpu.memory_space<vmem_shared>> -> memref<632x96xf32, #tpu.memory_space<vmem_shared>>
        tpu.enqueue_dma source(%arg8 : memref<632x96xf32, #tpu.memory_space<hbm>>) target(%dma_start3A_141 : memref<632x96xf32, #tpu.memory_space<vmem_shared>>) target_semaphore(%run_scoped3A : memref<!tpu.dma_semaphore, #tpu.memory_space<semaphore_mem>>)
        %dma_wait3A_142 = arith.constant 0 : i32
        %dma_wait3A_143 = tpu.memref_slice %arg16[%mul3A_0, %dma_wait3A_142] : memref<10112x96xf32, #tpu.memory_space<vmem_shared>> -> memref<632x96xf32, #tpu.memory_space<vmem_shared>>
        tpu.wait_dma2 semaphore(%run_scoped3A : memref<!tpu.dma_semaphore, #tpu.memory_space<semaphore_mem>>) src(%arg8 : memref<632x96xf32, #tpu.memory_space<hbm>>) dst(%dma_wait3A_143 : memref<632x96xf32, #tpu.memory_space<vmem_shared>>)
        tpu.yield
      }) : () -> ()
      %barrier3A_72 = arith.constant 0 : index
      tpu.barrier barrier_id(%barrier3A_72)
      %dma_start3A_73 = arith.constant 0 : i32
      %dma_start3A_74 = arith.constant 0 : i32
      %dma_start3A_75 = arith.constant 0 : i32
      %dma_start3A_76 = arith.constant 0 : i32
      %dma_start3A_77 = arith.constant 0 : i32
      %dma_start3A_78 = tpu.memref_slice %arg15[%dma_start3A_74, %dma_start3A_76, %dma_start3A_77] : memref<2x256x96xf32, #tpu.memory_space<vmem>> -> memref<1x256x96xf32, #tpu.memory_space<vmem>>
      %dma_start3A_79 = tpu.memref_squeeze %dma_start3A_78 : memref<1x256x96xf32, #tpu.memory_space<vmem>> -> memref<256x96xf32, #tpu.memory_space<vmem>>
      %dma_start3A_80 = arith.constant 0 : i32
      %dma_start3A_81 = tpu.memref_slice %arg13[%dma_start3A_73, %dma_start3A_80] : memref<40x256xi32, #tpu.memory_space<vmem>> -> memref<1x256xi32, #tpu.memory_space<vmem>>
      %dma_start3A_82 = tpu.memref_squeeze %dma_start3A_81 : memref<1x256xi32, #tpu.memory_space<vmem>> -> memref<256xi32, #tpu.memory_space<vmem>>
      %dma_start3A_83 = arith.constant 0 : i32
      %dma_start3A_84 = arith.constant 0 : i32
      %dma_start3A_85 = tpu.memref_slice %arg5[%dma_start3A_83, %dma_start3A_84] : memref<10112x96xf32, #tpu.memory_space<hbm>> -> memref<10112x96xf32, #tpu.memory_space<hbm>>
      %dma_start3A_86 = tpu.memref_slice %arg17[%dma_start3A_75] : memref<2x!tpu.dma_semaphore, #tpu.memory_space<semaphore_mem>> -> memref<1x!tpu.dma_semaphore, #tpu.memory_space<semaphore_mem>>
      %dma_start3A_87 = tpu.memref_squeeze %dma_start3A_86 : memref<1x!tpu.dma_semaphore, #tpu.memory_space<semaphore_mem>> -> memref<!tpu.dma_semaphore, #tpu.memory_space<semaphore_mem>>
      tpu.enqueue_indirect_dma source(%dma_start3A_85 : memref<10112x96xf32, #tpu.memory_space<hbm>>) target(%dma_start3A_79 : memref<256x96xf32, #tpu.memory_space<vmem>>) offsets(%dma_start3A_82 : memref<256xi32, #tpu.memory_space<vmem>>) semaphore(%dma_start3A_87 : memref<!tpu.dma_semaphore, #tpu.memory_space<semaphore_mem>>)
      %dma_start3A_88 = arith.constant 1 : i32
      %dma_start3A_89 = arith.constant 1 : i32
      %dma_start3A_90 = arith.constant 1 : i32
      %dma_start3A_91 = arith.constant 0 : i32
      %dma_start3A_92 = arith.constant 0 : i32
      %dma_start3A_93 = tpu.memref_slice %arg15[%dma_start3A_89, %dma_start3A_91, %dma_start3A_92] : memref<2x256x96xf32, #tpu.memory_space<vmem>> -> memref<1x256x96xf32, #tpu.memory_space<vmem>>
      %dma_start3A_94 = tpu.memref_squeeze %dma_start3A_93 : memref<1x256x96xf32, #tpu.memory_space<vmem>> -> memref<256x96xf32, #tpu.memory_space<vmem>>
      %dma_start3A_95 = arith.constant 0 : i32
      %dma_start3A_96 = tpu.memref_slice %arg13[%dma_start3A_88, %dma_start3A_95] : memref<40x256xi32, #tpu.memory_space<vmem>> -> memref<1x256xi32, #tpu.memory_space<vmem>>
      %dma_start3A_97 = tpu.memref_squeeze %dma_start3A_96 : memref<1x256xi32, #tpu.memory_space<vmem>> -> memref<256xi32, #tpu.memory_space<vmem>>
      %dma_start3A_98 = arith.constant 0 : i32
      %dma_start3A_99 = arith.constant 0 : i32
      %dma_start3A_100 = tpu.memref_slice %arg5[%dma_start3A_98, %dma_start3A_99] : memref<10112x96xf32, #tpu.memory_space<hbm>> -> memref<10112x96xf32, #tpu.memory_space<hbm>>
      %dma_start3A_101 = tpu.memref_slice %arg17[%dma_start3A_90] : memref<2x!tpu.dma_semaphore, #tpu.memory_space<semaphore_mem>> -> memref<1x!tpu.dma_semaphore, #tpu.memory_space<semaphore_mem>>
      %dma_start3A_102 = tpu.memref_squeeze %dma_start3A_101 : memref<1x!tpu.dma_semaphore, #tpu.memory_space<semaphore_mem>> -> memref<!tpu.dma_semaphore, #tpu.memory_space<semaphore_mem>>
      tpu.enqueue_indirect_dma source(%dma_start3A_100 : memref<10112x96xf32, #tpu.memory_space<hbm>>) target(%dma_start3A_94 : memref<256x96xf32, #tpu.memory_space<vmem>>) offsets(%dma_start3A_97 : memref<256xi32, #tpu.memory_space<vmem>>) semaphore(%dma_start3A_102 : memref<!tpu.dma_semaphore, #tpu.memory_space<semaphore_mem>>)
      %scan3A_103 = arith.constant 0 : i32
      %scan3A_104 = arith.constant 0 : i32
      %scan3A_105 = arith.constant 20 : i32
      %scan3A_106 = arith.addi %scan3A_104, %scan3A_105 : i32
      %scan3A_107 = arith.constant 1 : i32
      scf.for %scan3A_140 = %scan3A_104 to %scan3A_106 step %scan3A_107  : i32 {
        %mul3A_141 = arith.constant 2 : i32
        %mul3A_142 = arith.muli %mul3A_141, %scan3A_140 : i32
        %add3A = arith.constant 0 : i32
        %add3A_143 = arith.addi %mul3A_142, %add3A : i32
        %lt3A = arith.constant 40 : i32
        %lt3A_144 = arith.cmpi slt, %add3A_143, %lt3A : i32
        %convert_element_type3A_145 = arith.extui %lt3A_144 : i1 to i32
        %cond3A_146 = arith.constant 0 : i32
        %cond3A_147 = arith.cmpi ne, %convert_element_type3A_145, %cond3A_146 : i32
        scf.if %cond3A_147 {
          %dma_wait3A_157 = arith.constant 0 : i32
          %dma_wait3A_158 = arith.constant 0 : i32
          %dma_wait3A_159 = arith.constant 0 : i32
          %dma_wait3A_160 = arith.constant 0 : i32
          %dma_wait3A_161 = tpu.memref_slice %arg15[%dma_wait3A_157, %dma_wait3A_159, %dma_wait3A_160] : memref<2x256x96xf32, #tpu.memory_space<vmem>> -> memref<1x256x96xf32, #tpu.memory_space<vmem>>
          %dma_wait3A_162 = tpu.memref_squeeze %dma_wait3A_161 : memref<1x256x96xf32, #tpu.memory_space<vmem>> -> memref<256x96xf32, #tpu.memory_space<vmem>>
          %dma_wait3A_163 = arith.constant 0 : i32
          %dma_wait3A_164 = tpu.memref_slice %arg13[%add3A_143, %dma_wait3A_163] : memref<40x256xi32, #tpu.memory_space<vmem>> -> memref<1x256xi32, #tpu.memory_space<vmem>>
          %dma_wait3A_165 = tpu.memref_squeeze %dma_wait3A_164 : memref<1x256xi32, #tpu.memory_space<vmem>> -> memref<256xi32, #tpu.memory_space<vmem>>
          %dma_wait3A_166 = arith.constant 0 : i32
          %dma_wait3A_167 = arith.constant 0 : i32
          %dma_wait3A_168 = tpu.memref_slice %arg5[%dma_wait3A_166, %dma_wait3A_167] : memref<10112x96xf32, #tpu.memory_space<hbm>> -> memref<10112x96xf32, #tpu.memory_space<hbm>>
          %dma_wait3A_169 = tpu.memref_slice %arg17[%dma_wait3A_158] : memref<2x!tpu.dma_semaphore, #tpu.memory_space<semaphore_mem>> -> memref<1x!tpu.dma_semaphore, #tpu.memory_space<semaphore_mem>>
          %dma_wait3A_170 = tpu.memref_squeeze %dma_wait3A_169 : memref<1x!tpu.dma_semaphore, #tpu.memory_space<semaphore_mem>> -> memref<!tpu.dma_semaphore, #tpu.memory_space<semaphore_mem>>
          tpu.wait_indirect_dma semaphore(%dma_wait3A_170 : memref<!tpu.dma_semaphore, #tpu.memory_space<semaphore_mem>>) src(%dma_wait3A_168 : memref<10112x96xf32, #tpu.memory_space<hbm>>) dst(%dma_wait3A_162 : memref<256x96xf32, #tpu.memory_space<vmem>>)
          %dma_start3A_171 = arith.constant 0 : i32
          %dma_start3A_172 = arith.constant 0 : i32
          %dma_start3A_173 = arith.constant 0 : i32
          %dma_start3A_174 = arith.constant 0 : i32
          %dma_start3A_175 = tpu.memref_slice %arg15[%dma_start3A_171, %dma_start3A_173, %dma_start3A_174] : memref<2x256x96xf32, #tpu.memory_space<vmem>> -> memref<1x256x96xf32, #tpu.memory_space<vmem>>
          %dma_start3A_176 = tpu.memref_squeeze %dma_start3A_175 : memref<1x256x96xf32, #tpu.memory_space<vmem>> -> memref<256x96xf32, #tpu.memory_space<vmem>>
          %dma_start3A_177 = arith.constant 0 : i32
          %dma_start3A_178 = tpu.memref_slice %arg14[%add3A_143, %dma_start3A_177] : memref<40x256xi32, #tpu.memory_space<vmem>> -> memref<1x256xi32, #tpu.memory_space<vmem>>
          %dma_start3A_179 = tpu.memref_squeeze %dma_start3A_178 : memref<1x256xi32, #tpu.memory_space<vmem>> -> memref<256xi32, #tpu.memory_space<vmem>>
          %dma_start3A_180 = arith.constant 0 : i32
          %dma_start3A_181 = arith.constant 0 : i32
          %dma_start3A_182 = tpu.memref_slice %arg16[%dma_start3A_180, %dma_start3A_181] : memref<10112x96xf32, #tpu.memory_space<vmem_shared>> -> memref<10112x96xf32, #tpu.memory_space<vmem_shared>>
          %dma_start3A_183 = tpu.memref_slice %arg18[%dma_start3A_172] : memref<2x!tpu.dma_semaphore, #tpu.memory_space<semaphore_mem>> -> memref<1x!tpu.dma_semaphore, #tpu.memory_space<semaphore_mem>>
          %dma_start3A_184 = tpu.memref_squeeze %dma_start3A_183 : memref<1x!tpu.dma_semaphore, #tpu.memory_space<semaphore_mem>> -> memref<!tpu.dma_semaphore, #tpu.memory_space<semaphore_mem>>
          tpu.enqueue_indirect_dma source(%dma_start3A_176 : memref<256x96xf32, #tpu.memory_space<vmem>>) target(%dma_start3A_182 : memref<10112x96xf32, #tpu.memory_space<vmem_shared>>) offsets(%dma_start3A_179 : memref<256xi32, #tpu.memory_space<vmem>>) semaphore(%dma_start3A_184 : memref<!tpu.dma_semaphore, #tpu.memory_space<semaphore_mem>>) {add = true}
          %add3A_185 = arith.constant 2 : i32
          %add3A_186 = arith.addi %add3A_143, %add3A_185 : i32
          %lt3A_187 = arith.constant 40 : i32
          %lt3A_188 = arith.cmpi slt, %add3A_186, %lt3A_187 : i32
          %convert_element_type3A_189 = arith.extui %lt3A_188 : i1 to i32
          %cond3A_190 = arith.constant 0 : i32
          %cond3A_191 = arith.cmpi ne, %convert_element_type3A_189, %cond3A_190 : i32
          scf.if %cond3A_191 {
            %dma_wait3A_192 = arith.constant 0 : i32
            %dma_wait3A_193 = arith.constant 0 : i32
            %dma_wait3A_194 = arith.constant 0 : i32
            %dma_wait3A_195 = arith.constant 0 : i32
            %dma_wait3A_196 = tpu.memref_slice %arg15[%dma_wait3A_192, %dma_wait3A_194, %dma_wait3A_195] : memref<2x256x96xf32, #tpu.memory_space<vmem>> -> memref<1x256x96xf32, #tpu.memory_space<vmem>>
            %dma_wait3A_197 = tpu.memref_squeeze %dma_wait3A_196 : memref<1x256x96xf32, #tpu.memory_space<vmem>> -> memref<256x96xf32, #tpu.memory_space<vmem>>
            %dma_wait3A_198 = arith.constant 0 : i32
            %dma_wait3A_199 = tpu.memref_slice %arg14[%add3A_143, %dma_wait3A_198] : memref<40x256xi32, #tpu.memory_space<vmem>> -> memref<1x256xi32, #tpu.memory_space<vmem>>
            %dma_wait3A_200 = tpu.memref_squeeze %dma_wait3A_199 : memref<1x256xi32, #tpu.memory_space<vmem>> -> memref<256xi32, #tpu.memory_space<vmem>>
            %dma_wait3A_201 = arith.constant 0 : i32
            %dma_wait3A_202 = arith.constant 0 : i32
            %dma_wait3A_203 = tpu.memref_slice %arg16[%dma_wait3A_201, %dma_wait3A_202] : memref<10112x96xf32, #tpu.memory_space<vmem_shared>> -> memref<10112x96xf32, #tpu.memory_space<vmem_shared>>
            %dma_wait3A_204 = tpu.memref_slice %arg18[%dma_wait3A_193] : memref<2x!tpu.dma_semaphore, #tpu.memory_space<semaphore_mem>> -> memref<1x!tpu.dma_semaphore, #tpu.memory_space<semaphore_mem>>
            %dma_wait3A_205 = tpu.memref_squeeze %dma_wait3A_204 : memref<1x!tpu.dma_semaphore, #tpu.memory_space<semaphore_mem>> -> memref<!tpu.dma_semaphore, #tpu.memory_space<semaphore_mem>>
            tpu.wait_indirect_dma semaphore(%dma_wait3A_205 : memref<!tpu.dma_semaphore, #tpu.memory_space<semaphore_mem>>) src(%dma_wait3A_197 : memref<256x96xf32, #tpu.memory_space<vmem>>) dst(%dma_wait3A_203 : memref<10112x96xf32, #tpu.memory_space<vmem_shared>>)
            %add3A_206 = arith.constant 2 : i32
            %add3A_207 = arith.addi %add3A_143, %add3A_206 : i32
            %dma_start3A_208 = arith.constant 0 : i32
            %dma_start3A_209 = arith.constant 0 : i32
            %dma_start3A_210 = arith.constant 0 : i32
            %dma_start3A_211 = arith.constant 0 : i32
            %dma_start3A_212 = tpu.memref_slice %arg15[%dma_start3A_208, %dma_start3A_210, %dma_start3A_211] : memref<2x256x96xf32, #tpu.memory_space<vmem>> -> memref<1x256x96xf32, #tpu.memory_space<vmem>>
            %dma_start3A_213 = tpu.memref_squeeze %dma_start3A_212 : memref<1x256x96xf32, #tpu.memory_space<vmem>> -> memref<256x96xf32, #tpu.memory_space<vmem>>
            %dma_start3A_214 = arith.constant 0 : i32
            %dma_start3A_215 = tpu.memref_slice %arg13[%add3A_207, %dma_start3A_214] : memref<40x256xi32, #tpu.memory_space<vmem>> -> memref<1x256xi32, #tpu.memory_space<vmem>>
            %dma_start3A_216 = tpu.memref_squeeze %dma_start3A_215 : memref<1x256xi32, #tpu.memory_space<vmem>> -> memref<256xi32, #tpu.memory_space<vmem>>
            %dma_start3A_217 = arith.constant 0 : i32
            %dma_start3A_218 = arith.constant 0 : i32
            %dma_start3A_219 = tpu.memref_slice %arg5[%dma_start3A_217, %dma_start3A_218] : memref<10112x96xf32, #tpu.memory_space<hbm>> -> memref<10112x96xf32, #tpu.memory_space<hbm>>
            %dma_start3A_220 = tpu.memref_slice %arg17[%dma_start3A_209] : memref<2x!tpu.dma_semaphore, #tpu.memory_space<semaphore_mem>> -> memref<1x!tpu.dma_semaphore, #tpu.memory_space<semaphore_mem>>
            %dma_start3A_221 = tpu.memref_squeeze %dma_start3A_220 : memref<1x!tpu.dma_semaphore, #tpu.memory_space<semaphore_mem>> -> memref<!tpu.dma_semaphore, #tpu.memory_space<semaphore_mem>>
            tpu.enqueue_indirect_dma source(%dma_start3A_219 : memref<10112x96xf32, #tpu.memory_space<hbm>>) target(%dma_start3A_213 : memref<256x96xf32, #tpu.memory_space<vmem>>) offsets(%dma_start3A_216 : memref<256xi32, #tpu.memory_space<vmem>>) semaphore(%dma_start3A_221 : memref<!tpu.dma_semaphore, #tpu.memory_space<semaphore_mem>>)
          } else {
          }
        } else {
        }
        %mul3A_148 = arith.constant 2 : i32
        %mul3A_149 = arith.muli %mul3A_148, %scan3A_140 : i32
        %add3A_150 = arith.constant 1 : i32
        %add3A_151 = arith.addi %mul3A_149, %add3A_150 : i32
        %lt3A_152 = arith.constant 40 : i32
        %lt3A_153 = arith.cmpi slt, %add3A_151, %lt3A_152 : i32
        %convert_element_type3A_154 = arith.extui %lt3A_153 : i1 to i32
        %cond3A_155 = arith.constant 0 : i32
        %cond3A_156 = arith.cmpi ne, %convert_element_type3A_154, %cond3A_155 : i32
        scf.if %cond3A_156 {
          %dma_wait3A_157 = arith.constant 1 : i32
          %dma_wait3A_158 = arith.constant 1 : i32
          %dma_wait3A_159 = arith.constant 0 : i32
          %dma_wait3A_160 = arith.constant 0 : i32
          %dma_wait3A_161 = tpu.memref_slice %arg15[%dma_wait3A_157, %dma_wait3A_159, %dma_wait3A_160] : memref<2x256x96xf32, #tpu.memory_space<vmem>> -> memref<1x256x96xf32, #tpu.memory_space<vmem>>
          %dma_wait3A_162 = tpu.memref_squeeze %dma_wait3A_161 : memref<1x256x96xf32, #tpu.memory_space<vmem>> -> memref<256x96xf32, #tpu.memory_space<vmem>>
          %dma_wait3A_163 = arith.constant 0 : i32
          %dma_wait3A_164 = tpu.memref_slice %arg13[%add3A_151, %dma_wait3A_163] : memref<40x256xi32, #tpu.memory_space<vmem>> -> memref<1x256xi32, #tpu.memory_space<vmem>>
          %dma_wait3A_165 = tpu.memref_squeeze %dma_wait3A_164 : memref<1x256xi32, #tpu.memory_space<vmem>> -> memref<256xi32, #tpu.memory_space<vmem>>
          %dma_wait3A_166 = arith.constant 0 : i32
          %dma_wait3A_167 = arith.constant 0 : i32
          %dma_wait3A_168 = tpu.memref_slice %arg5[%dma_wait3A_166, %dma_wait3A_167] : memref<10112x96xf32, #tpu.memory_space<hbm>> -> memref<10112x96xf32, #tpu.memory_space<hbm>>
          %dma_wait3A_169 = tpu.memref_slice %arg17[%dma_wait3A_158] : memref<2x!tpu.dma_semaphore, #tpu.memory_space<semaphore_mem>> -> memref<1x!tpu.dma_semaphore, #tpu.memory_space<semaphore_mem>>
          %dma_wait3A_170 = tpu.memref_squeeze %dma_wait3A_169 : memref<1x!tpu.dma_semaphore, #tpu.memory_space<semaphore_mem>> -> memref<!tpu.dma_semaphore, #tpu.memory_space<semaphore_mem>>
          tpu.wait_indirect_dma semaphore(%dma_wait3A_170 : memref<!tpu.dma_semaphore, #tpu.memory_space<semaphore_mem>>) src(%dma_wait3A_168 : memref<10112x96xf32, #tpu.memory_space<hbm>>) dst(%dma_wait3A_162 : memref<256x96xf32, #tpu.memory_space<vmem>>)
          %dma_start3A_171 = arith.constant 1 : i32
          %dma_start3A_172 = arith.constant 1 : i32
          %dma_start3A_173 = arith.constant 0 : i32
          %dma_start3A_174 = arith.constant 0 : i32
          %dma_start3A_175 = tpu.memref_slice %arg15[%dma_start3A_171, %dma_start3A_173, %dma_start3A_174] : memref<2x256x96xf32, #tpu.memory_space<vmem>> -> memref<1x256x96xf32, #tpu.memory_space<vmem>>
          %dma_start3A_176 = tpu.memref_squeeze %dma_start3A_175 : memref<1x256x96xf32, #tpu.memory_space<vmem>> -> memref<256x96xf32, #tpu.memory_space<vmem>>
          %dma_start3A_177 = arith.constant 0 : i32
          %dma_start3A_178 = tpu.memref_slice %arg14[%add3A_151, %dma_start3A_177] : memref<40x256xi32, #tpu.memory_space<vmem>> -> memref<1x256xi32, #tpu.memory_space<vmem>>
          %dma_start3A_179 = tpu.memref_squeeze %dma_start3A_178 : memref<1x256xi32, #tpu.memory_space<vmem>> -> memref<256xi32, #tpu.memory_space<vmem>>
          %dma_start3A_180 = arith.constant 0 : i32
          %dma_start3A_181 = arith.constant 0 : i32
          %dma_start3A_182 = tpu.memref_slice %arg16[%dma_start3A_180, %dma_start3A_181] : memref<10112x96xf32, #tpu.memory_space<vmem_shared>> -> memref<10112x96xf32, #tpu.memory_space<vmem_shared>>
          %dma_start3A_183 = tpu.memref_slice %arg18[%dma_start3A_172] : memref<2x!tpu.dma_semaphore, #tpu.memory_space<semaphore_mem>> -> memref<1x!tpu.dma_semaphore, #tpu.memory_space<semaphore_mem>>
          %dma_start3A_184 = tpu.memref_squeeze %dma_start3A_183 : memref<1x!tpu.dma_semaphore, #tpu.memory_space<semaphore_mem>> -> memref<!tpu.dma_semaphore, #tpu.memory_space<semaphore_mem>>
          tpu.enqueue_indirect_dma source(%dma_start3A_176 : memref<256x96xf32, #tpu.memory_space<vmem>>) target(%dma_start3A_182 : memref<10112x96xf32, #tpu.memory_space<vmem_shared>>) offsets(%dma_start3A_179 : memref<256xi32, #tpu.memory_space<vmem>>) semaphore(%dma_start3A_184 : memref<!tpu.dma_semaphore, #tpu.memory_space<semaphore_mem>>) {add = true}
          %add3A_185 = arith.constant 2 : i32
          %add3A_186 = arith.addi %add3A_151, %add3A_185 : i32
          %lt3A_187 = arith.constant 40 : i32
          %lt3A_188 = arith.cmpi slt, %add3A_186, %lt3A_187 : i32
          %convert_element_type3A_189 = arith.extui %lt3A_188 : i1 to i32
          %cond3A_190 = arith.constant 0 : i32
          %cond3A_191 = arith.cmpi ne, %convert_element_type3A_189, %cond3A_190 : i32
          scf.if %cond3A_191 {
            %dma_wait3A_192 = arith.constant 1 : i32
            %dma_wait3A_193 = arith.constant 1 : i32
            %dma_wait3A_194 = arith.constant 0 : i32
            %dma_wait3A_195 = arith.constant 0 : i32
            %dma_wait3A_196 = tpu.memref_slice %arg15[%dma_wait3A_192, %dma_wait3A_194, %dma_wait3A_195] : memref<2x256x96xf32, #tpu.memory_space<vmem>> -> memref<1x256x96xf32, #tpu.memory_space<vmem>>
            %dma_wait3A_197 = tpu.memref_squeeze %dma_wait3A_196 : memref<1x256x96xf32, #tpu.memory_space<vmem>> -> memref<256x96xf32, #tpu.memory_space<vmem>>
            %dma_wait3A_198 = arith.constant 0 : i32
            %dma_wait3A_199 = tpu.memref_slice %arg14[%add3A_151, %dma_wait3A_198] : memref<40x256xi32, #tpu.memory_space<vmem>> -> memref<1x256xi32, #tpu.memory_space<vmem>>
            %dma_wait3A_200 = tpu.memref_squeeze %dma_wait3A_199 : memref<1x256xi32, #tpu.memory_space<vmem>> -> memref<256xi32, #tpu.memory_space<vmem>>
            %dma_wait3A_201 = arith.constant 0 : i32
            %dma_wait3A_202 = arith.constant 0 : i32
            %dma_wait3A_203 = tpu.memref_slice %arg16[%dma_wait3A_201, %dma_wait3A_202] : memref<10112x96xf32, #tpu.memory_space<vmem_shared>> -> memref<10112x96xf32, #tpu.memory_space<vmem_shared>>
            %dma_wait3A_204 = tpu.memref_slice %arg18[%dma_wait3A_193] : memref<2x!tpu.dma_semaphore, #tpu.memory_space<semaphore_mem>> -> memref<1x!tpu.dma_semaphore, #tpu.memory_space<semaphore_mem>>
            %dma_wait3A_205 = tpu.memref_squeeze %dma_wait3A_204 : memref<1x!tpu.dma_semaphore, #tpu.memory_space<semaphore_mem>> -> memref<!tpu.dma_semaphore, #tpu.memory_space<semaphore_mem>>
            tpu.wait_indirect_dma semaphore(%dma_wait3A_205 : memref<!tpu.dma_semaphore, #tpu.memory_space<semaphore_mem>>) src(%dma_wait3A_197 : memref<256x96xf32, #tpu.memory_space<vmem>>) dst(%dma_wait3A_203 : memref<10112x96xf32, #tpu.memory_space<vmem_shared>>)
            %add3A_206 = arith.constant 2 : i32
            %add3A_207 = arith.addi %add3A_151, %add3A_206 : i32
            %dma_start3A_208 = arith.constant 1 : i32
            %dma_start3A_209 = arith.constant 1 : i32
            %dma_start3A_210 = arith.constant 0 : i32
            %dma_start3A_211 = arith.constant 0 : i32
            %dma_start3A_212 = tpu.memref_slice %arg15[%dma_start3A_208, %dma_start3A_210, %dma_start3A_211] : memref<2x256x96xf32, #tpu.memory_space<vmem>> -> memref<1x256x96xf32, #tpu.memory_space<vmem>>
            %dma_start3A_213 = tpu.memref_squeeze %dma_start3A_212 : memref<1x256x96xf32, #tpu.memory_space<vmem>> -> memref<256x96xf32, #tpu.memory_space<vmem>>
            %dma_start3A_214 = arith.constant 0 : i32
            %dma_start3A_215 = tpu.memref_slice %arg13[%add3A_207, %dma_start3A_214] : memref<40x256xi32, #tpu.memory_space<vmem>> -> memref<1x256xi32, #tpu.memory_space<vmem>>
            %dma_start3A_216 = tpu.memref_squeeze %dma_start3A_215 : memref<1x256xi32, #tpu.memory_space<vmem>> -> memref<256xi32, #tpu.memory_space<vmem>>
            %dma_start3A_217 = arith.constant 0 : i32
            %dma_start3A_218 = arith.constant 0 : i32
            %dma_start3A_219 = tpu.memref_slice %arg5[%dma_start3A_217, %dma_start3A_218] : memref<10112x96xf32, #tpu.memory_space<hbm>> -> memref<10112x96xf32, #tpu.memory_space<hbm>>
            %dma_start3A_220 = tpu.memref_slice %arg17[%dma_start3A_209] : memref<2x!tpu.dma_semaphore, #tpu.memory_space<semaphore_mem>> -> memref<1x!tpu.dma_semaphore, #tpu.memory_space<semaphore_mem>>
            %dma_start3A_221 = tpu.memref_squeeze %dma_start3A_220 : memref<1x!tpu.dma_semaphore, #tpu.memory_space<semaphore_mem>> -> memref<!tpu.dma_semaphore, #tpu.memory_space<semaphore_mem>>
            tpu.enqueue_indirect_dma source(%dma_start3A_219 : memref<10112x96xf32, #tpu.memory_space<hbm>>) target(%dma_start3A_213 : memref<256x96xf32, #tpu.memory_space<vmem>>) offsets(%dma_start3A_216 : memref<256xi32, #tpu.memory_space<vmem>>) semaphore(%dma_start3A_221 : memref<!tpu.dma_semaphore, #tpu.memory_space<semaphore_mem>>)
          } else {
          }
        } else {
        }
      }
      %scan3A_108 = arith.constant 20 : i32
      %dma_wait3A_109 = arith.constant 0 : i32
      %dma_wait3A_110 = arith.constant 38 : i32
      %dma_wait3A_111 = arith.constant 0 : i32
      %dma_wait3A_112 = arith.constant 0 : i32
      %dma_wait3A_113 = arith.constant 0 : i32
      %dma_wait3A_114 = tpu.memref_slice %arg15[%dma_wait3A_109, %dma_wait3A_112, %dma_wait3A_113] : memref<2x256x96xf32, #tpu.memory_space<vmem>> -> memref<1x256x96xf32, #tpu.memory_space<vmem>>
      %dma_wait3A_115 = tpu.memref_squeeze %dma_wait3A_114 : memref<1x256x96xf32, #tpu.memory_space<vmem>> -> memref<256x96xf32, #tpu.memory_space<vmem>>
      %dma_wait3A_116 = arith.constant 0 : i32
      %dma_wait3A_117 = tpu.memref_slice %arg14[%dma_wait3A_110, %dma_wait3A_116] : memref<40x256xi32, #tpu.memory_space<vmem>> -> memref<1x256xi32, #tpu.memory_space<vmem>>
      %dma_wait3A_118 = tpu.memref_squeeze %dma_wait3A_117 : memref<1x256xi32, #tpu.memory_space<vmem>> -> memref<256xi32, #tpu.memory_space<vmem>>
      %dma_wait3A_119 = arith.constant 0 : i32
      %dma_wait3A_120 = arith.constant 0 : i32
      %dma_wait3A_121 = tpu.memref_slice %arg16[%dma_wait3A_119, %dma_wait3A_120] : memref<10112x96xf32, #tpu.memory_space<vmem_shared>> -> memref<10112x96xf32, #tpu.memory_space<vmem_shared>>
      %dma_wait3A_122 = tpu.memref_slice %arg18[%dma_wait3A_111] : memref<2x!tpu.dma_semaphore, #tpu.memory_space<semaphore_mem>> -> memref<1x!tpu.dma_semaphore, #tpu.memory_space<semaphore_mem>>
      %dma_wait3A_123 = tpu.memref_squeeze %dma_wait3A_122 : memref<1x!tpu.dma_semaphore, #tpu.memory_space<semaphore_mem>> -> memref<!tpu.dma_semaphore, #tpu.memory_space<semaphore_mem>>
      tpu.wait_indirect_dma semaphore(%dma_wait3A_123 : memref<!tpu.dma_semaphore, #tpu.memory_space<semaphore_mem>>) src(%dma_wait3A_115 : memref<256x96xf32, #tpu.memory_space<vmem>>) dst(%dma_wait3A_121 : memref<10112x96xf32, #tpu.memory_space<vmem_shared>>)
      %dma_wait3A_124 = arith.constant 1 : i32
      %dma_wait3A_125 = arith.constant 39 : i32
      %dma_wait3A_126 = arith.constant 1 : i32
      %dma_wait3A_127 = arith.constant 0 : i32
      %dma_wait3A_128 = arith.constant 0 : i32
      %dma_wait3A_129 = tpu.memref_slice %arg15[%dma_wait3A_124, %dma_wait3A_127, %dma_wait3A_128] : memref<2x256x96xf32, #tpu.memory_space<vmem>> -> memref<1x256x96xf32, #tpu.memory_space<vmem>>
      %dma_wait3A_130 = tpu.memref_squeeze %dma_wait3A_129 : memref<1x256x96xf32, #tpu.memory_space<vmem>> -> memref<256x96xf32, #tpu.memory_space<vmem>>
      %dma_wait3A_131 = arith.constant 0 : i32
      %dma_wait3A_132 = tpu.memref_slice %arg14[%dma_wait3A_125, %dma_wait3A_131] : memref<40x256xi32, #tpu.memory_space<vmem>> -> memref<1x256xi32, #tpu.memory_space<vmem>>
      %dma_wait3A_133 = tpu.memref_squeeze %dma_wait3A_132 : memref<1x256xi32, #tpu.memory_space<vmem>> -> memref<256xi32, #tpu.memory_space<vmem>>
      %dma_wait3A_134 = arith.constant 0 : i32
      %dma_wait3A_135 = arith.constant 0 : i32
      %dma_wait3A_136 = tpu.memref_slice %arg16[%dma_wait3A_134, %dma_wait3A_135] : memref<10112x96xf32, #tpu.memory_space<vmem_shared>> -> memref<10112x96xf32, #tpu.memory_space<vmem_shared>>
      %dma_wait3A_137 = tpu.memref_slice %arg18[%dma_wait3A_126] : memref<2x!tpu.dma_semaphore, #tpu.memory_space<semaphore_mem>> -> memref<1x!tpu.dma_semaphore, #tpu.memory_space<semaphore_mem>>
      %dma_wait3A_138 = tpu.memref_squeeze %dma_wait3A_137 : memref<1x!tpu.dma_semaphore, #tpu.memory_space<semaphore_mem>> -> memref<!tpu.dma_semaphore, #tpu.memory_space<semaphore_mem>>
      tpu.wait_indirect_dma semaphore(%dma_wait3A_138 : memref<!tpu.dma_semaphore, #tpu.memory_space<semaphore_mem>>) src(%dma_wait3A_130 : memref<256x96xf32, #tpu.memory_space<vmem>>) dst(%dma_wait3A_136 : memref<10112x96xf32, #tpu.memory_space<vmem_shared>>)
      %barrier3A_139 = arith.constant 0 : index
      tpu.barrier barrier_id(%barrier3A_139)
      "tpu.region"() ({
        %run_scoped3A = tpu.sem_alloc : memref<!tpu.dma_semaphore, #tpu.memory_space<semaphore_mem>>
        %dma_start3A_140 = arith.constant 0 : i32
        %dma_start3A_141 = tpu.memref_slice %arg12[%mul3A_0, %dma_start3A_140] : memref<10112x96xf32, #tpu.memory_space<hbm>> -> memref<632x96xf32, #tpu.memory_space<hbm>>
        %dma_start3A_142 = arith.constant 0 : i32
        %dma_start3A_143 = tpu.memref_slice %arg16[%mul3A_0, %dma_start3A_142] : memref<10112x96xf32, #tpu.memory_space<vmem_shared>> -> memref<632x96xf32, #tpu.memory_space<vmem_shared>>
        tpu.enqueue_dma source(%dma_start3A_143 : memref<632x96xf32, #tpu.memory_space<vmem_shared>>) target(%dma_start3A_141 : memref<632x96xf32, #tpu.memory_space<hbm>>) target_semaphore(%run_scoped3A : memref<!tpu.dma_semaphore, #tpu.memory_space<semaphore_mem>>)
        %dma_wait3A_144 = arith.constant 0 : i32
        %dma_wait3A_145 = tpu.memref_slice %arg12[%mul3A_0, %dma_wait3A_144] : memref<10112x96xf32, #tpu.memory_space<hbm>> -> memref<632x96xf32, #tpu.memory_space<hbm>>
        %dma_wait3A_146 = arith.constant 0 : i32
        %dma_wait3A_147 = tpu.memref_slice %arg16[%mul3A_0, %dma_wait3A_146] : memref<10112x96xf32, #tpu.memory_space<vmem_shared>> -> memref<632x96xf32, #tpu.memory_space<vmem_shared>>
        tpu.wait_dma2 semaphore(%run_scoped3A : memref<!tpu.dma_semaphore, #tpu.memory_space<semaphore_mem>>) src(%dma_wait3A_147 : memref<632x96xf32, #tpu.memory_space<vmem_shared>>) dst(%dma_wait3A_145 : memref<632x96xf32, #tpu.memory_space<hbm>>)
        tpu.yield
      }) : () -> ()
    } else {
    }
    return
  }
}

#map = affine_map<(d0, d1) -> (0, 0, 0)>
#map1 = affine_map<(d0, d1) -> (0, 0)>
module attributes {stable_mosaic.version = 14 : i64} {
  func.func @_deg_body(%arg0: i32, %arg1: i32, %arg2: memref<16x40x256xi32, #tpu.memory_space<hbm>>, %arg3: memref<16x40x256xi32, #tpu.memory_space<hbm>>, %arg4: memref<256x8xf32, #tpu.memory_space<hbm>>, %arg5: memref<632x8xf32, #tpu.memory_space<hbm>>, %arg6: memref<10112x8xf32, #tpu.memory_space<hbm>>, %arg7: memref<10112x8xf32, #tpu.memory_space<hbm>>, %arg8: memref<40x256xi32, #tpu.memory_space<vmem>>, %arg9: memref<256x8xf32, #tpu.memory_space<vmem>>, %arg10: memref<10112x8xf32, #tpu.memory_space<vmem_shared>>) attributes {dimension_semantics = [#tpu.dimension_semantics<core_parallel>, #tpu.dimension_semantics<subcore_parallel>], iteration_bounds = array<i64: 2, 16>, scalar_prefetch = 0 : i64, scratch_operands = 3 : i64, tpu.core_type = #tpu.core_type<sc_vector_subcore>, window_params = [{transform_indices = #map}, {transform_indices = #map}, {transform_indices = #map1}, {transform_indices = #map1}, {transform_indices = #map1}, {transform_indices = #map1}]} {
    %mul3A = arith.constant 632 : i32
    %mul3A_0 = arith.muli %arg1, %mul3A : i32
    "tpu.region"() ({
      %run_scoped3A = tpu.sem_alloc : memref<!tpu.dma_semaphore, #tpu.memory_space<semaphore_mem>>
      %dma_start3A = arith.constant 0 : i32
      %dma_start3A_24 = tpu.memref_slice %arg10[%mul3A_0, %dma_start3A] : memref<10112x8xf32, #tpu.memory_space<vmem_shared>> -> memref<632x8xf32, #tpu.memory_space<vmem_shared>>
      tpu.enqueue_dma source(%arg5 : memref<632x8xf32, #tpu.memory_space<hbm>>) target(%dma_start3A_24 : memref<632x8xf32, #tpu.memory_space<vmem_shared>>) target_semaphore(%run_scoped3A : memref<!tpu.dma_semaphore, #tpu.memory_space<semaphore_mem>>)
      %dma_wait3A = arith.constant 0 : i32
      %dma_wait3A_25 = tpu.memref_slice %arg10[%mul3A_0, %dma_wait3A] : memref<10112x8xf32, #tpu.memory_space<vmem_shared>> -> memref<632x8xf32, #tpu.memory_space<vmem_shared>>
      tpu.wait_dma2 semaphore(%run_scoped3A : memref<!tpu.dma_semaphore, #tpu.memory_space<semaphore_mem>>) src(%arg5 : memref<632x8xf32, #tpu.memory_space<hbm>>) dst(%dma_wait3A_25 : memref<632x8xf32, #tpu.memory_space<vmem_shared>>)
      tpu.yield
    }) : () -> ()
    "tpu.region"() ({
      %run_scoped3A = tpu.sem_alloc : memref<!tpu.dma_semaphore, #tpu.memory_space<semaphore_mem>>
      tpu.enqueue_dma source(%arg4 : memref<256x8xf32, #tpu.memory_space<hbm>>) target(%arg9 : memref<256x8xf32, #tpu.memory_space<vmem>>) target_semaphore(%run_scoped3A : memref<!tpu.dma_semaphore, #tpu.memory_space<semaphore_mem>>)
      tpu.wait_dma2 semaphore(%run_scoped3A : memref<!tpu.dma_semaphore, #tpu.memory_space<semaphore_mem>>) src(%arg4 : memref<256x8xf32, #tpu.memory_space<hbm>>) dst(%arg9 : memref<256x8xf32, #tpu.memory_space<vmem>>)
      tpu.yield
    }) : () -> ()
    %eq3A = arith.constant 0 : i32
    %eq3A_1 = arith.cmpi eq, %arg0, %eq3A : i32
    %convert_element_type3A = arith.extui %eq3A_1 : i1 to i32
    %cond3A = arith.constant 0 : i32
    %cond3A_2 = arith.cmpi ne, %convert_element_type3A, %cond3A : i32
    scf.if %cond3A_2 {
      "tpu.region"() ({
        %run_scoped3A = tpu.sem_alloc : memref<!tpu.dma_semaphore, #tpu.memory_space<semaphore_mem>>
        %dma_start3A = arith.constant 0 : i32
        %dma_start3A_24 = arith.constant 0 : i32
        %dma_start3A_25 = tpu.memref_slice %arg2[%arg1, %dma_start3A, %dma_start3A_24] : memref<16x40x256xi32, #tpu.memory_space<hbm>> -> memref<1x40x256xi32, #tpu.memory_space<hbm>>
        %dma_start3A_26 = tpu.memref_squeeze %dma_start3A_25 : memref<1x40x256xi32, #tpu.memory_space<hbm>> -> memref<40x256xi32, #tpu.memory_space<hbm>>
        %dma_start3A_27 = arith.constant 0 : i32
        %dma_start3A_28 = arith.constant 0 : i32
        %dma_start3A_29 = tpu.memref_slice %arg2[%arg1, %dma_start3A_27, %dma_start3A_28] : memref<16x40x256xi32, #tpu.memory_space<hbm>> -> memref<1x40x256xi32, #tpu.memory_space<hbm>>
        %dma_start3A_30 = tpu.memref_squeeze %dma_start3A_29 : memref<1x40x256xi32, #tpu.memory_space<hbm>> -> memref<40x256xi32, #tpu.memory_space<hbm>>
        tpu.enqueue_dma source(%dma_start3A_30 : memref<40x256xi32, #tpu.memory_space<hbm>>) target(%arg8 : memref<40x256xi32, #tpu.memory_space<vmem>>) target_semaphore(%run_scoped3A : memref<!tpu.dma_semaphore, #tpu.memory_space<semaphore_mem>>)
        %dma_wait3A = arith.constant 0 : i32
        %dma_wait3A_31 = arith.constant 0 : i32
        %dma_wait3A_32 = tpu.memref_slice %arg2[%arg1, %dma_wait3A, %dma_wait3A_31] : memref<16x40x256xi32, #tpu.memory_space<hbm>> -> memref<1x40x256xi32, #tpu.memory_space<hbm>>
        %dma_wait3A_33 = tpu.memref_squeeze %dma_wait3A_32 : memref<1x40x256xi32, #tpu.memory_space<hbm>> -> memref<40x256xi32, #tpu.memory_space<hbm>>
        %dma_wait3A_34 = arith.constant 0 : i32
        %dma_wait3A_35 = arith.constant 0 : i32
        %dma_wait3A_36 = tpu.memref_slice %arg2[%arg1, %dma_wait3A_34, %dma_wait3A_35] : memref<16x40x256xi32, #tpu.memory_space<hbm>> -> memref<1x40x256xi32, #tpu.memory_space<hbm>>
        %dma_wait3A_37 = tpu.memref_squeeze %dma_wait3A_36 : memref<1x40x256xi32, #tpu.memory_space<hbm>> -> memref<40x256xi32, #tpu.memory_space<hbm>>
        tpu.wait_dma2 semaphore(%run_scoped3A : memref<!tpu.dma_semaphore, #tpu.memory_space<semaphore_mem>>) src(%dma_wait3A_37 : memref<40x256xi32, #tpu.memory_space<hbm>>) dst(%arg8 : memref<40x256xi32, #tpu.memory_space<vmem>>)
        tpu.yield
      }) : () -> ()
    } else {
    }
    %eq3A_3 = arith.constant 1 : i32
    %eq3A_4 = arith.cmpi eq, %arg0, %eq3A_3 : i32
    %convert_element_type3A_5 = arith.extui %eq3A_4 : i1 to i32
    %cond3A_6 = arith.constant 0 : i32
    %cond3A_7 = arith.cmpi ne, %convert_element_type3A_5, %cond3A_6 : i32
    scf.if %cond3A_7 {
      "tpu.region"() ({
        %run_scoped3A = tpu.sem_alloc : memref<!tpu.dma_semaphore, #tpu.memory_space<semaphore_mem>>
        %dma_start3A = arith.constant 0 : i32
        %dma_start3A_24 = arith.constant 0 : i32
        %dma_start3A_25 = tpu.memref_slice %arg3[%arg1, %dma_start3A, %dma_start3A_24] : memref<16x40x256xi32, #tpu.memory_space<hbm>> -> memref<1x40x256xi32, #tpu.memory_space<hbm>>
        %dma_start3A_26 = tpu.memref_squeeze %dma_start3A_25 : memref<1x40x256xi32, #tpu.memory_space<hbm>> -> memref<40x256xi32, #tpu.memory_space<hbm>>
        %dma_start3A_27 = arith.constant 0 : i32
        %dma_start3A_28 = arith.constant 0 : i32
        %dma_start3A_29 = tpu.memref_slice %arg3[%arg1, %dma_start3A_27, %dma_start3A_28] : memref<16x40x256xi32, #tpu.memory_space<hbm>> -> memref<1x40x256xi32, #tpu.memory_space<hbm>>
        %dma_start3A_30 = tpu.memref_squeeze %dma_start3A_29 : memref<1x40x256xi32, #tpu.memory_space<hbm>> -> memref<40x256xi32, #tpu.memory_space<hbm>>
        tpu.enqueue_dma source(%dma_start3A_30 : memref<40x256xi32, #tpu.memory_space<hbm>>) target(%arg8 : memref<40x256xi32, #tpu.memory_space<vmem>>) target_semaphore(%run_scoped3A : memref<!tpu.dma_semaphore, #tpu.memory_space<semaphore_mem>>)
        %dma_wait3A = arith.constant 0 : i32
        %dma_wait3A_31 = arith.constant 0 : i32
        %dma_wait3A_32 = tpu.memref_slice %arg3[%arg1, %dma_wait3A, %dma_wait3A_31] : memref<16x40x256xi32, #tpu.memory_space<hbm>> -> memref<1x40x256xi32, #tpu.memory_space<hbm>>
        %dma_wait3A_33 = tpu.memref_squeeze %dma_wait3A_32 : memref<1x40x256xi32, #tpu.memory_space<hbm>> -> memref<40x256xi32, #tpu.memory_space<hbm>>
        %dma_wait3A_34 = arith.constant 0 : i32
        %dma_wait3A_35 = arith.constant 0 : i32
        %dma_wait3A_36 = tpu.memref_slice %arg3[%arg1, %dma_wait3A_34, %dma_wait3A_35] : memref<16x40x256xi32, #tpu.memory_space<hbm>> -> memref<1x40x256xi32, #tpu.memory_space<hbm>>
        %dma_wait3A_37 = tpu.memref_squeeze %dma_wait3A_36 : memref<1x40x256xi32, #tpu.memory_space<hbm>> -> memref<40x256xi32, #tpu.memory_space<hbm>>
        tpu.wait_dma2 semaphore(%run_scoped3A : memref<!tpu.dma_semaphore, #tpu.memory_space<semaphore_mem>>) src(%dma_wait3A_37 : memref<40x256xi32, #tpu.memory_space<hbm>>) dst(%arg8 : memref<40x256xi32, #tpu.memory_space<vmem>>)
        tpu.yield
      }) : () -> ()
    } else {
    }
    %barrier3A = arith.constant 0 : index
    tpu.barrier barrier_id(%barrier3A)
    %scan3A = arith.constant 0 : i32
    %scan3A_8 = arith.constant 0 : i32
    %scan3A_9 = arith.constant 40 : i32
    %scan3A_10 = arith.addi %scan3A_8, %scan3A_9 : i32
    %scan3A_11 = arith.constant 1 : i32
    scf.for %scan3A_24 = %scan3A_8 to %scan3A_10 step %scan3A_11  : i32 {
      "tpu.region"() ({
        %run_scoped3A = tpu.sem_alloc : memref<!tpu.dma_semaphore, #tpu.memory_space<semaphore_mem>>
        %dma_start3A = arith.constant 0 : i32
        %dma_start3A_25 = tpu.memref_slice %arg8[%scan3A_24, %dma_start3A] : memref<40x256xi32, #tpu.memory_space<vmem>> -> memref<1x256xi32, #tpu.memory_space<vmem>>
        %dma_start3A_26 = tpu.memref_squeeze %dma_start3A_25 : memref<1x256xi32, #tpu.memory_space<vmem>> -> memref<256xi32, #tpu.memory_space<vmem>>
        %dma_start3A_27 = arith.constant 0 : i32
        %dma_start3A_28 = arith.constant 0 : i32
        %dma_start3A_29 = tpu.memref_slice %arg10[%dma_start3A_27, %dma_start3A_28] : memref<10112x8xf32, #tpu.memory_space<vmem_shared>> -> memref<10112x8xf32, #tpu.memory_space<vmem_shared>>
        tpu.enqueue_indirect_dma source(%arg9 : memref<256x8xf32, #tpu.memory_space<vmem>>) target(%dma_start3A_29 : memref<10112x8xf32, #tpu.memory_space<vmem_shared>>) offsets(%dma_start3A_26 : memref<256xi32, #tpu.memory_space<vmem>>) semaphore(%run_scoped3A : memref<!tpu.dma_semaphore, #tpu.memory_space<semaphore_mem>>) {add = true}
        %dma_wait3A = arith.constant 0 : i32
        %dma_wait3A_30 = tpu.memref_slice %arg8[%scan3A_24, %dma_wait3A] : memref<40x256xi32, #tpu.memory_space<vmem>> -> memref<1x256xi32, #tpu.memory_space<vmem>>
        %dma_wait3A_31 = tpu.memref_squeeze %dma_wait3A_30 : memref<1x256xi32, #tpu.memory_space<vmem>> -> memref<256xi32, #tpu.memory_space<vmem>>
        %dma_wait3A_32 = arith.constant 0 : i32
        %dma_wait3A_33 = arith.constant 0 : i32
        %dma_wait3A_34 = tpu.memref_slice %arg10[%dma_wait3A_32, %dma_wait3A_33] : memref<10112x8xf32, #tpu.memory_space<vmem_shared>> -> memref<10112x8xf32, #tpu.memory_space<vmem_shared>>
        tpu.wait_indirect_dma semaphore(%run_scoped3A : memref<!tpu.dma_semaphore, #tpu.memory_space<semaphore_mem>>) src(%arg9 : memref<256x8xf32, #tpu.memory_space<vmem>>) dst(%dma_wait3A_34 : memref<10112x8xf32, #tpu.memory_space<vmem_shared>>)
        tpu.yield
      }) : () -> ()
    }
    %scan3A_12 = arith.constant 40 : i32
    %barrier3A_13 = arith.constant 0 : index
    tpu.barrier barrier_id(%barrier3A_13)
    %eq3A_14 = arith.constant 0 : i32
    %eq3A_15 = arith.cmpi eq, %arg0, %eq3A_14 : i32
    %convert_element_type3A_16 = arith.extui %eq3A_15 : i1 to i32
    %cond3A_17 = arith.constant 0 : i32
    %cond3A_18 = arith.cmpi ne, %convert_element_type3A_16, %cond3A_17 : i32
    scf.if %cond3A_18 {
      "tpu.region"() ({
        %run_scoped3A = tpu.sem_alloc : memref<!tpu.dma_semaphore, #tpu.memory_space<semaphore_mem>>
        %dma_start3A = arith.constant 0 : i32
        %dma_start3A_24 = tpu.memref_slice %arg6[%mul3A_0, %dma_start3A] : memref<10112x8xf32, #tpu.memory_space<hbm>> -> memref<632x8xf32, #tpu.memory_space<hbm>>
        %dma_start3A_25 = arith.constant 0 : i32
        %dma_start3A_26 = tpu.memref_slice %arg10[%mul3A_0, %dma_start3A_25] : memref<10112x8xf32, #tpu.memory_space<vmem_shared>> -> memref<632x8xf32, #tpu.memory_space<vmem_shared>>
        tpu.enqueue_dma source(%dma_start3A_26 : memref<632x8xf32, #tpu.memory_space<vmem_shared>>) target(%dma_start3A_24 : memref<632x8xf32, #tpu.memory_space<hbm>>) target_semaphore(%run_scoped3A : memref<!tpu.dma_semaphore, #tpu.memory_space<semaphore_mem>>)
        %dma_wait3A = arith.constant 0 : i32
        %dma_wait3A_27 = tpu.memref_slice %arg6[%mul3A_0, %dma_wait3A] : memref<10112x8xf32, #tpu.memory_space<hbm>> -> memref<632x8xf32, #tpu.memory_space<hbm>>
        %dma_wait3A_28 = arith.constant 0 : i32
        %dma_wait3A_29 = tpu.memref_slice %arg10[%mul3A_0, %dma_wait3A_28] : memref<10112x8xf32, #tpu.memory_space<vmem_shared>> -> memref<632x8xf32, #tpu.memory_space<vmem_shared>>
        tpu.wait_dma2 semaphore(%run_scoped3A : memref<!tpu.dma_semaphore, #tpu.memory_space<semaphore_mem>>) src(%dma_wait3A_29 : memref<632x8xf32, #tpu.memory_space<vmem_shared>>) dst(%dma_wait3A_27 : memref<632x8xf32, #tpu.memory_space<hbm>>)
        tpu.yield
      }) : () -> ()
    } else {
    }
    %eq3A_19 = arith.constant 1 : i32
    %eq3A_20 = arith.cmpi eq, %arg0, %eq3A_19 : i32
    %convert_element_type3A_21 = arith.extui %eq3A_20 : i1 to i32
    %cond3A_22 = arith.constant 0 : i32
    %cond3A_23 = arith.cmpi ne, %convert_element_type3A_21, %cond3A_22 : i32
    scf.if %cond3A_23 {
      "tpu.region"() ({
        %run_scoped3A = tpu.sem_alloc : memref<!tpu.dma_semaphore, #tpu.memory_space<semaphore_mem>>
        %dma_start3A = arith.constant 0 : i32
        %dma_start3A_24 = tpu.memref_slice %arg7[%mul3A_0, %dma_start3A] : memref<10112x8xf32, #tpu.memory_space<hbm>> -> memref<632x8xf32, #tpu.memory_space<hbm>>
        %dma_start3A_25 = arith.constant 0 : i32
        %dma_start3A_26 = tpu.memref_slice %arg10[%mul3A_0, %dma_start3A_25] : memref<10112x8xf32, #tpu.memory_space<vmem_shared>> -> memref<632x8xf32, #tpu.memory_space<vmem_shared>>
        tpu.enqueue_dma source(%dma_start3A_26 : memref<632x8xf32, #tpu.memory_space<vmem_shared>>) target(%dma_start3A_24 : memref<632x8xf32, #tpu.memory_space<hbm>>) target_semaphore(%run_scoped3A : memref<!tpu.dma_semaphore, #tpu.memory_space<semaphore_mem>>)
        %dma_wait3A = arith.constant 0 : i32
        %dma_wait3A_27 = tpu.memref_slice %arg7[%mul3A_0, %dma_wait3A] : memref<10112x8xf32, #tpu.memory_space<hbm>> -> memref<632x8xf32, #tpu.memory_space<hbm>>
        %dma_wait3A_28 = arith.constant 0 : i32
        %dma_wait3A_29 = tpu.memref_slice %arg10[%mul3A_0, %dma_wait3A_28] : memref<10112x8xf32, #tpu.memory_space<vmem_shared>> -> memref<632x8xf32, #tpu.memory_space<vmem_shared>>
        tpu.wait_dma2 semaphore(%run_scoped3A : memref<!tpu.dma_semaphore, #tpu.memory_space<semaphore_mem>>) src(%dma_wait3A_29 : memref<632x8xf32, #tpu.memory_space<vmem_shared>>) dst(%dma_wait3A_27 : memref<632x8xf32, #tpu.memory_space<hbm>>)
        tpu.yield
      }) : () -> ()
    } else {
    }
    return
  }
}

#map = affine_map<(d0, d1) -> (0, 0)>
#map1 = affine_map<(d0, d1) -> (0, 0, 0)>
module attributes {stable_mosaic.version = 14 : i64} {
  func.func @_agg_body(%arg0: i32, %arg1: i32, %arg2: memref<10000x96xf32, #tpu.memory_space<hbm>>, %arg3: memref<10000x96xf32, #tpu.memory_space<hbm>>, %arg4: memref<10000x96xf32, #tpu.memory_space<hbm>>, %arg5: memref<10000x96xf32, #tpu.memory_space<hbm>>, %arg6: memref<16x40x256xi32, #tpu.memory_space<hbm>>, %arg7: memref<16x40x256xi32, #tpu.memory_space<hbm>>, %arg8: memref<632x96xf32, #tpu.memory_space<hbm>>, %arg9: memref<10112x96xf32, #tpu.memory_space<hbm>>, %arg10: memref<10112x96xf32, #tpu.memory_space<hbm>>, %arg11: memref<10112x96xf32, #tpu.memory_space<hbm>>, %arg12: memref<10112x96xf32, #tpu.memory_space<hbm>>, %arg13: memref<40x256xi32, #tpu.memory_space<vmem>>, %arg14: memref<40x256xi32, #tpu.memory_space<vmem>>, %arg15: memref<2x256x96xf32, #tpu.memory_space<vmem>>, %arg16: memref<10112x96xf32, #tpu.memory_space<vmem_shared>>, %arg17: memref<2x!tpu.dma_semaphore, #tpu.memory_space<semaphore_mem>>, %arg18: memref<2x!tpu.dma_semaphore, #tpu.memory_space<semaphore_mem>>) attributes {dimension_semantics = [#tpu.dimension_semantics<core_parallel>, #tpu.dimension_semantics<subcore_parallel>], iteration_bounds = array<i64: 2, 16>, scalar_prefetch = 0 : i64, scratch_operands = 6 : i64, tpu.core_type = #tpu.core_type<sc_vector_subcore>, window_params = [{transform_indices = #map}, {transform_indices = #map}, {transform_indices = #map}, {transform_indices = #map}, {transform_indices = #map1}, {transform_indices = #map1}, {transform_indices = #map}, {transform_indices = #map}, {transform_indices = #map}, {transform_indices = #map}, {transform_indices = #map}]} {
    %mul3A = arith.constant 632 : i32
    %mul3A_0 = arith.muli %arg1, %mul3A : i32
    "tpu.region"() ({
      %run_scoped3A = tpu.sem_alloc : memref<!tpu.dma_semaphore, #tpu.memory_space<semaphore_mem>>
      %dma_start3A = arith.constant 0 : i32
      %dma_start3A_8 = arith.constant 0 : i32
      %dma_start3A_9 = tpu.memref_slice %arg6[%arg1, %dma_start3A, %dma_start3A_8] : memref<16x40x256xi32, #tpu.memory_space<hbm>> -> memref<1x40x256xi32, #tpu.memory_space<hbm>>
      %dma_start3A_10 = tpu.memref_squeeze %dma_start3A_9 : memref<1x40x256xi32, #tpu.memory_space<hbm>> -> memref<40x256xi32, #tpu.memory_space<hbm>>
      %dma_start3A_11 = arith.constant 0 : i32
      %dma_start3A_12 = arith.constant 0 : i32
      %dma_start3A_13 = tpu.memref_slice %arg6[%arg1, %dma_start3A_11, %dma_start3A_12] : memref<16x40x256xi32, #tpu.memory_space<hbm>> -> memref<1x40x256xi32, #tpu.memory_space<hbm>>
      %dma_start3A_14 = tpu.memref_squeeze %dma_start3A_13 : memref<1x40x256xi32, #tpu.memory_space<hbm>> -> memref<40x256xi32, #tpu.memory_space<hbm>>
      tpu.enqueue_dma source(%dma_start3A_14 : memref<40x256xi32, #tpu.memory_space<hbm>>) target(%arg13 : memref<40x256xi32, #tpu.memory_space<vmem>>) target_semaphore(%run_scoped3A : memref<!tpu.dma_semaphore, #tpu.memory_space<semaphore_mem>>)
      %dma_wait3A = arith.constant 0 : i32
      %dma_wait3A_15 = arith.constant 0 : i32
      %dma_wait3A_16 = tpu.memref_slice %arg6[%arg1, %dma_wait3A, %dma_wait3A_15] : memref<16x40x256xi32, #tpu.memory_space<hbm>> -> memref<1x40x256xi32, #tpu.memory_space<hbm>>
      %dma_wait3A_17 = tpu.memref_squeeze %dma_wait3A_16 : memref<1x40x256xi32, #tpu.memory_space<hbm>> -> memref<40x256xi32, #tpu.memory_space<hbm>>
      %dma_wait3A_18 = arith.constant 0 : i32
      %dma_wait3A_19 = arith.constant 0 : i32
      %dma_wait3A_20 = tpu.memref_slice %arg6[%arg1, %dma_wait3A_18, %dma_wait3A_19] : memref<16x40x256xi32, #tpu.memory_space<hbm>> -> memref<1x40x256xi32, #tpu.memory_space<hbm>>
      %dma_wait3A_21 = tpu.memref_squeeze %dma_wait3A_20 : memref<1x40x256xi32, #tpu.memory_space<hbm>> -> memref<40x256xi32, #tpu.memory_space<hbm>>
      tpu.wait_dma2 semaphore(%run_scoped3A : memref<!tpu.dma_semaphore, #tpu.memory_space<semaphore_mem>>) src(%dma_wait3A_21 : memref<40x256xi32, #tpu.memory_space<hbm>>) dst(%arg13 : memref<40x256xi32, #tpu.memory_space<vmem>>)
      tpu.yield
    }) : () -> ()
    "tpu.region"() ({
      %run_scoped3A = tpu.sem_alloc : memref<!tpu.dma_semaphore, #tpu.memory_space<semaphore_mem>>
      %dma_start3A = arith.constant 0 : i32
      %dma_start3A_8 = arith.constant 0 : i32
      %dma_start3A_9 = tpu.memref_slice %arg7[%arg1, %dma_start3A, %dma_start3A_8] : memref<16x40x256xi32, #tpu.memory_space<hbm>> -> memref<1x40x256xi32, #tpu.memory_space<hbm>>
      %dma_start3A_10 = tpu.memref_squeeze %dma_start3A_9 : memref<1x40x256xi32, #tpu.memory_space<hbm>> -> memref<40x256xi32, #tpu.memory_space<hbm>>
      %dma_start3A_11 = arith.constant 0 : i32
      %dma_start3A_12 = arith.constant 0 : i32
      %dma_start3A_13 = tpu.memref_slice %arg7[%arg1, %dma_start3A_11, %dma_start3A_12] : memref<16x40x256xi32, #tpu.memory_space<hbm>> -> memref<1x40x256xi32, #tpu.memory_space<hbm>>
      %dma_start3A_14 = tpu.memref_squeeze %dma_start3A_13 : memref<1x40x256xi32, #tpu.memory_space<hbm>> -> memref<40x256xi32, #tpu.memory_space<hbm>>
      tpu.enqueue_dma source(%dma_start3A_14 : memref<40x256xi32, #tpu.memory_space<hbm>>) target(%arg14 : memref<40x256xi32, #tpu.memory_space<vmem>>) target_semaphore(%run_scoped3A : memref<!tpu.dma_semaphore, #tpu.memory_space<semaphore_mem>>)
      %dma_wait3A = arith.constant 0 : i32
      %dma_wait3A_15 = arith.constant 0 : i32
      %dma_wait3A_16 = tpu.memref_slice %arg7[%arg1, %dma_wait3A, %dma_wait3A_15] : memref<16x40x256xi32, #tpu.memory_space<hbm>> -> memref<1x40x256xi32, #tpu.memory_space<hbm>>
      %dma_wait3A_17 = tpu.memref_squeeze %dma_wait3A_16 : memref<1x40x256xi32, #tpu.memory_space<hbm>> -> memref<40x256xi32, #tpu.memory_space<hbm>>
      %dma_wait3A_18 = arith.constant 0 : i32
      %dma_wait3A_19 = arith.constant 0 : i32
      %dma_wait3A_20 = tpu.memref_slice %arg7[%arg1, %dma_wait3A_18, %dma_wait3A_19] : memref<16x40x256xi32, #tpu.memory_space<hbm>> -> memref<1x40x256xi32, #tpu.memory_space<hbm>>
      %dma_wait3A_21 = tpu.memref_squeeze %dma_wait3A_20 : memref<1x40x256xi32, #tpu.memory_space<hbm>> -> memref<40x256xi32, #tpu.memory_space<hbm>>
      tpu.wait_dma2 semaphore(%run_scoped3A : memref<!tpu.dma_semaphore, #tpu.memory_space<semaphore_mem>>) src(%dma_wait3A_21 : memref<40x256xi32, #tpu.memory_space<hbm>>) dst(%arg14 : memref<40x256xi32, #tpu.memory_space<vmem>>)
      tpu.yield
    }) : () -> ()
    %eq3A = arith.constant 0 : i32
    %eq3A_1 = arith.cmpi eq, %arg0, %eq3A : i32
    %convert_element_type3A = arith.extui %eq3A_1 : i1 to i32
    %cond3A = arith.constant 0 : i32
    %cond3A_2 = arith.cmpi ne, %convert_element_type3A, %cond3A : i32
    scf.if %cond3A_2 {
      "tpu.region"() ({
        %run_scoped3A = tpu.sem_alloc : memref<!tpu.dma_semaphore, #tpu.memory_space<semaphore_mem>>
        %dma_start3A_140 = arith.constant 0 : i32
        %dma_start3A_141 = tpu.memref_slice %arg16[%mul3A_0, %dma_start3A_140] : memref<10112x96xf32, #tpu.memory_space<vmem_shared>> -> memref<632x96xf32, #tpu.memory_space<vmem_shared>>
        tpu.enqueue_dma source(%arg8 : memref<632x96xf32, #tpu.memory_space<hbm>>) target(%dma_start3A_141 : memref<632x96xf32, #tpu.memory_space<vmem_shared>>) target_semaphore(%run_scoped3A : memref<!tpu.dma_semaphore, #tpu.memory_space<semaphore_mem>>)
        %dma_wait3A_142 = arith.constant 0 : i32
        %dma_wait3A_143 = tpu.memref_slice %arg16[%mul3A_0, %dma_wait3A_142] : memref<10112x96xf32, #tpu.memory_space<vmem_shared>> -> memref<632x96xf32, #tpu.memory_space<vmem_shared>>
        tpu.wait_dma2 semaphore(%run_scoped3A : memref<!tpu.dma_semaphore, #tpu.memory_space<semaphore_mem>>) src(%arg8 : memref<632x96xf32, #tpu.memory_space<hbm>>) dst(%dma_wait3A_143 : memref<632x96xf32, #tpu.memory_space<vmem_shared>>)
        tpu.yield
      }) : () -> ()
      %barrier3A = arith.constant 0 : index
      tpu.barrier barrier_id(%barrier3A)
      %dma_start3A = arith.constant 0 : i32
      %dma_start3A_8 = arith.constant 0 : i32
      %dma_start3A_9 = arith.constant 0 : i32
      %dma_start3A_10 = arith.constant 0 : i32
      %dma_start3A_11 = arith.constant 0 : i32
      %dma_start3A_12 = tpu.memref_slice %arg15[%dma_start3A_8, %dma_start3A_10, %dma_start3A_11] : memref<2x256x96xf32, #tpu.memory_space<vmem>> -> memref<1x256x96xf32, #tpu.memory_space<vmem>>
      %dma_start3A_13 = tpu.memref_squeeze %dma_start3A_12 : memref<1x256x96xf32, #tpu.memory_space<vmem>> -> memref<256x96xf32, #tpu.memory_space<vmem>>
      %dma_start3A_14 = arith.constant 0 : i32
      %dma_start3A_15 = tpu.memref_slice %arg13[%dma_start3A, %dma_start3A_14] : memref<40x256xi32, #tpu.memory_space<vmem>> -> memref<1x256xi32, #tpu.memory_space<vmem>>
      %dma_start3A_16 = tpu.memref_squeeze %dma_start3A_15 : memref<1x256xi32, #tpu.memory_space<vmem>> -> memref<256xi32, #tpu.memory_space<vmem>>
      %dma_start3A_17 = arith.constant 0 : i32
      %dma_start3A_18 = arith.constant 0 : i32
      %dma_start3A_19 = tpu.memref_slice %arg2[%dma_start3A_17, %dma_start3A_18] : memref<10000x96xf32, #tpu.memory_space<hbm>> -> memref<10000x96xf32, #tpu.memory_space<hbm>>
      %dma_start3A_20 = tpu.memref_slice %arg17[%dma_start3A_9] : memref<2x!tpu.dma_semaphore, #tpu.memory_space<semaphore_mem>> -> memref<1x!tpu.dma_semaphore, #tpu.memory_space<semaphore_mem>>
      %dma_start3A_21 = tpu.memref_squeeze %dma_start3A_20 : memref<1x!tpu.dma_semaphore, #tpu.memory_space<semaphore_mem>> -> memref<!tpu.dma_semaphore, #tpu.memory_space<semaphore_mem>>
      tpu.enqueue_indirect_dma source(%dma_start3A_19 : memref<10000x96xf32, #tpu.memory_space<hbm>>) target(%dma_start3A_13 : memref<256x96xf32, #tpu.memory_space<vmem>>) offsets(%dma_start3A_16 : memref<256xi32, #tpu.memory_space<vmem>>) semaphore(%dma_start3A_21 : memref<!tpu.dma_semaphore, #tpu.memory_space<semaphore_mem>>)
      %dma_start3A_22 = arith.constant 1 : i32
      %dma_start3A_23 = arith.constant 1 : i32
      %dma_start3A_24 = arith.constant 1 : i32
      %dma_start3A_25 = arith.constant 0 : i32
      %dma_start3A_26 = arith.constant 0 : i32
      %dma_start3A_27 = tpu.memref_slice %arg15[%dma_start3A_23, %dma_start3A_25, %dma_start3A_26] : memref<2x256x96xf32, #tpu.memory_space<vmem>> -> memref<1x256x96xf32, #tpu.memory_space<vmem>>
      %dma_start3A_28 = tpu.memref_squeeze %dma_start3A_27 : memref<1x256x96xf32, #tpu.memory_space<vmem>> -> memref<256x96xf32, #tpu.memory_space<vmem>>
      %dma_start3A_29 = arith.constant 0 : i32
      %dma_start3A_30 = tpu.memref_slice %arg13[%dma_start3A_22, %dma_start3A_29] : memref<40x256xi32, #tpu.memory_space<vmem>> -> memref<1x256xi32, #tpu.memory_space<vmem>>
      %dma_start3A_31 = tpu.memref_squeeze %dma_start3A_30 : memref<1x256xi32, #tpu.memory_space<vmem>> -> memref<256xi32, #tpu.memory_space<vmem>>
      %dma_start3A_32 = arith.constant 0 : i32
      %dma_start3A_33 = arith.constant 0 : i32
      %dma_start3A_34 = tpu.memref_slice %arg2[%dma_start3A_32, %dma_start3A_33] : memref<10000x96xf32, #tpu.memory_space<hbm>> -> memref<10000x96xf32, #tpu.memory_space<hbm>>
      %dma_start3A_35 = tpu.memref_slice %arg17[%dma_start3A_24] : memref<2x!tpu.dma_semaphore, #tpu.memory_space<semaphore_mem>> -> memref<1x!tpu.dma_semaphore, #tpu.memory_space<semaphore_mem>>
      %dma_start3A_36 = tpu.memref_squeeze %dma_start3A_35 : memref<1x!tpu.dma_semaphore, #tpu.memory_space<semaphore_mem>> -> memref<!tpu.dma_semaphore, #tpu.memory_space<semaphore_mem>>
      tpu.enqueue_indirect_dma source(%dma_start3A_34 : memref<10000x96xf32, #tpu.memory_space<hbm>>) target(%dma_start3A_28 : memref<256x96xf32, #tpu.memory_space<vmem>>) offsets(%dma_start3A_31 : memref<256xi32, #tpu.memory_space<vmem>>) semaphore(%dma_start3A_36 : memref<!tpu.dma_semaphore, #tpu.memory_space<semaphore_mem>>)
      %scan3A = arith.constant 0 : i32
      %scan3A_37 = arith.constant 0 : i32
      %scan3A_38 = arith.constant 20 : i32
      %scan3A_39 = arith.addi %scan3A_37, %scan3A_38 : i32
      %scan3A_40 = arith.constant 1 : i32
      scf.for %scan3A_140 = %scan3A_37 to %scan3A_39 step %scan3A_40  : i32 {
        %mul3A_141 = arith.constant 2 : i32
        %mul3A_142 = arith.muli %mul3A_141, %scan3A_140 : i32
        %add3A = arith.constant 0 : i32
        %add3A_143 = arith.addi %mul3A_142, %add3A : i32
        %lt3A = arith.constant 40 : i32
        %lt3A_144 = arith.cmpi slt, %add3A_143, %lt3A : i32
        %convert_element_type3A_145 = arith.extui %lt3A_144 : i1 to i32
        %cond3A_146 = arith.constant 0 : i32
        %cond3A_147 = arith.cmpi ne, %convert_element_type3A_145, %cond3A_146 : i32
        scf.if %cond3A_147 {
          %dma_wait3A_157 = arith.constant 0 : i32
          %dma_wait3A_158 = arith.constant 0 : i32
          %dma_wait3A_159 = arith.constant 0 : i32
          %dma_wait3A_160 = arith.constant 0 : i32
          %dma_wait3A_161 = tpu.memref_slice %arg15[%dma_wait3A_157, %dma_wait3A_159, %dma_wait3A_160] : memref<2x256x96xf32, #tpu.memory_space<vmem>> -> memref<1x256x96xf32, #tpu.memory_space<vmem>>
          %dma_wait3A_162 = tpu.memref_squeeze %dma_wait3A_161 : memref<1x256x96xf32, #tpu.memory_space<vmem>> -> memref<256x96xf32, #tpu.memory_space<vmem>>
          %dma_wait3A_163 = arith.constant 0 : i32
          %dma_wait3A_164 = tpu.memref_slice %arg13[%add3A_143, %dma_wait3A_163] : memref<40x256xi32, #tpu.memory_space<vmem>> -> memref<1x256xi32, #tpu.memory_space<vmem>>
          %dma_wait3A_165 = tpu.memref_squeeze %dma_wait3A_164 : memref<1x256xi32, #tpu.memory_space<vmem>> -> memref<256xi32, #tpu.memory_space<vmem>>
          %dma_wait3A_166 = arith.constant 0 : i32
          %dma_wait3A_167 = arith.constant 0 : i32
          %dma_wait3A_168 = tpu.memref_slice %arg2[%dma_wait3A_166, %dma_wait3A_167] : memref<10000x96xf32, #tpu.memory_space<hbm>> -> memref<10000x96xf32, #tpu.memory_space<hbm>>
          %dma_wait3A_169 = tpu.memref_slice %arg17[%dma_wait3A_158] : memref<2x!tpu.dma_semaphore, #tpu.memory_space<semaphore_mem>> -> memref<1x!tpu.dma_semaphore, #tpu.memory_space<semaphore_mem>>
          %dma_wait3A_170 = tpu.memref_squeeze %dma_wait3A_169 : memref<1x!tpu.dma_semaphore, #tpu.memory_space<semaphore_mem>> -> memref<!tpu.dma_semaphore, #tpu.memory_space<semaphore_mem>>
          tpu.wait_indirect_dma semaphore(%dma_wait3A_170 : memref<!tpu.dma_semaphore, #tpu.memory_space<semaphore_mem>>) src(%dma_wait3A_168 : memref<10000x96xf32, #tpu.memory_space<hbm>>) dst(%dma_wait3A_162 : memref<256x96xf32, #tpu.memory_space<vmem>>)
          %dma_start3A_171 = arith.constant 0 : i32
          %dma_start3A_172 = arith.constant 0 : i32
          %dma_start3A_173 = arith.constant 0 : i32
          %dma_start3A_174 = arith.constant 0 : i32
          %dma_start3A_175 = tpu.memref_slice %arg15[%dma_start3A_171, %dma_start3A_173, %dma_start3A_174] : memref<2x256x96xf32, #tpu.memory_space<vmem>> -> memref<1x256x96xf32, #tpu.memory_space<vmem>>
          %dma_start3A_176 = tpu.memref_squeeze %dma_start3A_175 : memref<1x256x96xf32, #tpu.memory_space<vmem>> -> memref<256x96xf32, #tpu.memory_space<vmem>>
          %dma_start3A_177 = arith.constant 0 : i32
          %dma_start3A_178 = tpu.memref_slice %arg14[%add3A_143, %dma_start3A_177] : memref<40x256xi32, #tpu.memory_space<vmem>> -> memref<1x256xi32, #tpu.memory_space<vmem>>
          %dma_start3A_179 = tpu.memref_squeeze %dma_start3A_178 : memref<1x256xi32, #tpu.memory_space<vmem>> -> memref<256xi32, #tpu.memory_space<vmem>>
          %dma_start3A_180 = arith.constant 0 : i32
          %dma_start3A_181 = arith.constant 0 : i32
          %dma_start3A_182 = tpu.memref_slice %arg16[%dma_start3A_180, %dma_start3A_181] : memref<10112x96xf32, #tpu.memory_space<vmem_shared>> -> memref<10112x96xf32, #tpu.memory_space<vmem_shared>>
          %dma_start3A_183 = tpu.memref_slice %arg18[%dma_start3A_172] : memref<2x!tpu.dma_semaphore, #tpu.memory_space<semaphore_mem>> -> memref<1x!tpu.dma_semaphore, #tpu.memory_space<semaphore_mem>>
          %dma_start3A_184 = tpu.memref_squeeze %dma_start3A_183 : memref<1x!tpu.dma_semaphore, #tpu.memory_space<semaphore_mem>> -> memref<!tpu.dma_semaphore, #tpu.memory_space<semaphore_mem>>
          tpu.enqueue_indirect_dma source(%dma_start3A_176 : memref<256x96xf32, #tpu.memory_space<vmem>>) target(%dma_start3A_182 : memref<10112x96xf32, #tpu.memory_space<vmem_shared>>) offsets(%dma_start3A_179 : memref<256xi32, #tpu.memory_space<vmem>>) semaphore(%dma_start3A_184 : memref<!tpu.dma_semaphore, #tpu.memory_space<semaphore_mem>>) {add = true}
          %add3A_185 = arith.constant 2 : i32
          %add3A_186 = arith.addi %add3A_143, %add3A_185 : i32
          %lt3A_187 = arith.constant 40 : i32
          %lt3A_188 = arith.cmpi slt, %add3A_186, %lt3A_187 : i32
          %convert_element_type3A_189 = arith.extui %lt3A_188 : i1 to i32
          %cond3A_190 = arith.constant 0 : i32
          %cond3A_191 = arith.cmpi ne, %convert_element_type3A_189, %cond3A_190 : i32
          scf.if %cond3A_191 {
            %dma_wait3A_192 = arith.constant 0 : i32
            %dma_wait3A_193 = arith.constant 0 : i32
            %dma_wait3A_194 = arith.constant 0 : i32
            %dma_wait3A_195 = arith.constant 0 : i32
            %dma_wait3A_196 = tpu.memref_slice %arg15[%dma_wait3A_192, %dma_wait3A_194, %dma_wait3A_195] : memref<2x256x96xf32, #tpu.memory_space<vmem>> -> memref<1x256x96xf32, #tpu.memory_space<vmem>>
            %dma_wait3A_197 = tpu.memref_squeeze %dma_wait3A_196 : memref<1x256x96xf32, #tpu.memory_space<vmem>> -> memref<256x96xf32, #tpu.memory_space<vmem>>
            %dma_wait3A_198 = arith.constant 0 : i32
            %dma_wait3A_199 = tpu.memref_slice %arg14[%add3A_143, %dma_wait3A_198] : memref<40x256xi32, #tpu.memory_space<vmem>> -> memref<1x256xi32, #tpu.memory_space<vmem>>
            %dma_wait3A_200 = tpu.memref_squeeze %dma_wait3A_199 : memref<1x256xi32, #tpu.memory_space<vmem>> -> memref<256xi32, #tpu.memory_space<vmem>>
            %dma_wait3A_201 = arith.constant 0 : i32
            %dma_wait3A_202 = arith.constant 0 : i32
            %dma_wait3A_203 = tpu.memref_slice %arg16[%dma_wait3A_201, %dma_wait3A_202] : memref<10112x96xf32, #tpu.memory_space<vmem_shared>> -> memref<10112x96xf32, #tpu.memory_space<vmem_shared>>
            %dma_wait3A_204 = tpu.memref_slice %arg18[%dma_wait3A_193] : memref<2x!tpu.dma_semaphore, #tpu.memory_space<semaphore_mem>> -> memref<1x!tpu.dma_semaphore, #tpu.memory_space<semaphore_mem>>
            %dma_wait3A_205 = tpu.memref_squeeze %dma_wait3A_204 : memref<1x!tpu.dma_semaphore, #tpu.memory_space<semaphore_mem>> -> memref<!tpu.dma_semaphore, #tpu.memory_space<semaphore_mem>>
            tpu.wait_indirect_dma semaphore(%dma_wait3A_205 : memref<!tpu.dma_semaphore, #tpu.memory_space<semaphore_mem>>) src(%dma_wait3A_197 : memref<256x96xf32, #tpu.memory_space<vmem>>) dst(%dma_wait3A_203 : memref<10112x96xf32, #tpu.memory_space<vmem_shared>>)
            %add3A_206 = arith.constant 2 : i32
            %add3A_207 = arith.addi %add3A_143, %add3A_206 : i32
            %dma_start3A_208 = arith.constant 0 : i32
            %dma_start3A_209 = arith.constant 0 : i32
            %dma_start3A_210 = arith.constant 0 : i32
            %dma_start3A_211 = arith.constant 0 : i32
            %dma_start3A_212 = tpu.memref_slice %arg15[%dma_start3A_208, %dma_start3A_210, %dma_start3A_211] : memref<2x256x96xf32, #tpu.memory_space<vmem>> -> memref<1x256x96xf32, #tpu.memory_space<vmem>>
            %dma_start3A_213 = tpu.memref_squeeze %dma_start3A_212 : memref<1x256x96xf32, #tpu.memory_space<vmem>> -> memref<256x96xf32, #tpu.memory_space<vmem>>
            %dma_start3A_214 = arith.constant 0 : i32
            %dma_start3A_215 = tpu.memref_slice %arg13[%add3A_207, %dma_start3A_214] : memref<40x256xi32, #tpu.memory_space<vmem>> -> memref<1x256xi32, #tpu.memory_space<vmem>>
            %dma_start3A_216 = tpu.memref_squeeze %dma_start3A_215 : memref<1x256xi32, #tpu.memory_space<vmem>> -> memref<256xi32, #tpu.memory_space<vmem>>
            %dma_start3A_217 = arith.constant 0 : i32
            %dma_start3A_218 = arith.constant 0 : i32
            %dma_start3A_219 = tpu.memref_slice %arg2[%dma_start3A_217, %dma_start3A_218] : memref<10000x96xf32, #tpu.memory_space<hbm>> -> memref<10000x96xf32, #tpu.memory_space<hbm>>
            %dma_start3A_220 = tpu.memref_slice %arg17[%dma_start3A_209] : memref<2x!tpu.dma_semaphore, #tpu.memory_space<semaphore_mem>> -> memref<1x!tpu.dma_semaphore, #tpu.memory_space<semaphore_mem>>
            %dma_start3A_221 = tpu.memref_squeeze %dma_start3A_220 : memref<1x!tpu.dma_semaphore, #tpu.memory_space<semaphore_mem>> -> memref<!tpu.dma_semaphore, #tpu.memory_space<semaphore_mem>>
            tpu.enqueue_indirect_dma source(%dma_start3A_219 : memref<10000x96xf32, #tpu.memory_space<hbm>>) target(%dma_start3A_213 : memref<256x96xf32, #tpu.memory_space<vmem>>) offsets(%dma_start3A_216 : memref<256xi32, #tpu.memory_space<vmem>>) semaphore(%dma_start3A_221 : memref<!tpu.dma_semaphore, #tpu.memory_space<semaphore_mem>>)
          } else {
          }
        } else {
        }
        %mul3A_148 = arith.constant 2 : i32
        %mul3A_149 = arith.muli %mul3A_148, %scan3A_140 : i32
        %add3A_150 = arith.constant 1 : i32
        %add3A_151 = arith.addi %mul3A_149, %add3A_150 : i32
        %lt3A_152 = arith.constant 40 : i32
        %lt3A_153 = arith.cmpi slt, %add3A_151, %lt3A_152 : i32
        %convert_element_type3A_154 = arith.extui %lt3A_153 : i1 to i32
        %cond3A_155 = arith.constant 0 : i32
        %cond3A_156 = arith.cmpi ne, %convert_element_type3A_154, %cond3A_155 : i32
        scf.if %cond3A_156 {
          %dma_wait3A_157 = arith.constant 1 : i32
          %dma_wait3A_158 = arith.constant 1 : i32
          %dma_wait3A_159 = arith.constant 0 : i32
          %dma_wait3A_160 = arith.constant 0 : i32
          %dma_wait3A_161 = tpu.memref_slice %arg15[%dma_wait3A_157, %dma_wait3A_159, %dma_wait3A_160] : memref<2x256x96xf32, #tpu.memory_space<vmem>> -> memref<1x256x96xf32, #tpu.memory_space<vmem>>
          %dma_wait3A_162 = tpu.memref_squeeze %dma_wait3A_161 : memref<1x256x96xf32, #tpu.memory_space<vmem>> -> memref<256x96xf32, #tpu.memory_space<vmem>>
          %dma_wait3A_163 = arith.constant 0 : i32
          %dma_wait3A_164 = tpu.memref_slice %arg13[%add3A_151, %dma_wait3A_163] : memref<40x256xi32, #tpu.memory_space<vmem>> -> memref<1x256xi32, #tpu.memory_space<vmem>>
          %dma_wait3A_165 = tpu.memref_squeeze %dma_wait3A_164 : memref<1x256xi32, #tpu.memory_space<vmem>> -> memref<256xi32, #tpu.memory_space<vmem>>
          %dma_wait3A_166 = arith.constant 0 : i32
          %dma_wait3A_167 = arith.constant 0 : i32
          %dma_wait3A_168 = tpu.memref_slice %arg2[%dma_wait3A_166, %dma_wait3A_167] : memref<10000x96xf32, #tpu.memory_space<hbm>> -> memref<10000x96xf32, #tpu.memory_space<hbm>>
          %dma_wait3A_169 = tpu.memref_slice %arg17[%dma_wait3A_158] : memref<2x!tpu.dma_semaphore, #tpu.memory_space<semaphore_mem>> -> memref<1x!tpu.dma_semaphore, #tpu.memory_space<semaphore_mem>>
          %dma_wait3A_170 = tpu.memref_squeeze %dma_wait3A_169 : memref<1x!tpu.dma_semaphore, #tpu.memory_space<semaphore_mem>> -> memref<!tpu.dma_semaphore, #tpu.memory_space<semaphore_mem>>
          tpu.wait_indirect_dma semaphore(%dma_wait3A_170 : memref<!tpu.dma_semaphore, #tpu.memory_space<semaphore_mem>>) src(%dma_wait3A_168 : memref<10000x96xf32, #tpu.memory_space<hbm>>) dst(%dma_wait3A_162 : memref<256x96xf32, #tpu.memory_space<vmem>>)
          %dma_start3A_171 = arith.constant 1 : i32
          %dma_start3A_172 = arith.constant 1 : i32
          %dma_start3A_173 = arith.constant 0 : i32
          %dma_start3A_174 = arith.constant 0 : i32
          %dma_start3A_175 = tpu.memref_slice %arg15[%dma_start3A_171, %dma_start3A_173, %dma_start3A_174] : memref<2x256x96xf32, #tpu.memory_space<vmem>> -> memref<1x256x96xf32, #tpu.memory_space<vmem>>
          %dma_start3A_176 = tpu.memref_squeeze %dma_start3A_175 : memref<1x256x96xf32, #tpu.memory_space<vmem>> -> memref<256x96xf32, #tpu.memory_space<vmem>>
          %dma_start3A_177 = arith.constant 0 : i32
          %dma_start3A_178 = tpu.memref_slice %arg14[%add3A_151, %dma_start3A_177] : memref<40x256xi32, #tpu.memory_space<vmem>> -> memref<1x256xi32, #tpu.memory_space<vmem>>
          %dma_start3A_179 = tpu.memref_squeeze %dma_start3A_178 : memref<1x256xi32, #tpu.memory_space<vmem>> -> memref<256xi32, #tpu.memory_space<vmem>>
          %dma_start3A_180 = arith.constant 0 : i32
          %dma_start3A_181 = arith.constant 0 : i32
          %dma_start3A_182 = tpu.memref_slice %arg16[%dma_start3A_180, %dma_start3A_181] : memref<10112x96xf32, #tpu.memory_space<vmem_shared>> -> memref<10112x96xf32, #tpu.memory_space<vmem_shared>>
          %dma_start3A_183 = tpu.memref_slice %arg18[%dma_start3A_172] : memref<2x!tpu.dma_semaphore, #tpu.memory_space<semaphore_mem>> -> memref<1x!tpu.dma_semaphore, #tpu.memory_space<semaphore_mem>>
          %dma_start3A_184 = tpu.memref_squeeze %dma_start3A_183 : memref<1x!tpu.dma_semaphore, #tpu.memory_space<semaphore_mem>> -> memref<!tpu.dma_semaphore, #tpu.memory_space<semaphore_mem>>
          tpu.enqueue_indirect_dma source(%dma_start3A_176 : memref<256x96xf32, #tpu.memory_space<vmem>>) target(%dma_start3A_182 : memref<10112x96xf32, #tpu.memory_space<vmem_shared>>) offsets(%dma_start3A_179 : memref<256xi32, #tpu.memory_space<vmem>>) semaphore(%dma_start3A_184 : memref<!tpu.dma_semaphore, #tpu.memory_space<semaphore_mem>>) {add = true}
          %add3A_185 = arith.constant 2 : i32
          %add3A_186 = arith.addi %add3A_151, %add3A_185 : i32
          %lt3A_187 = arith.constant 40 : i32
          %lt3A_188 = arith.cmpi slt, %add3A_186, %lt3A_187 : i32
          %convert_element_type3A_189 = arith.extui %lt3A_188 : i1 to i32
          %cond3A_190 = arith.constant 0 : i32
          %cond3A_191 = arith.cmpi ne, %convert_element_type3A_189, %cond3A_190 : i32
          scf.if %cond3A_191 {
            %dma_wait3A_192 = arith.constant 1 : i32
            %dma_wait3A_193 = arith.constant 1 : i32
            %dma_wait3A_194 = arith.constant 0 : i32
            %dma_wait3A_195 = arith.constant 0 : i32
            %dma_wait3A_196 = tpu.memref_slice %arg15[%dma_wait3A_192, %dma_wait3A_194, %dma_wait3A_195] : memref<2x256x96xf32, #tpu.memory_space<vmem>> -> memref<1x256x96xf32, #tpu.memory_space<vmem>>
            %dma_wait3A_197 = tpu.memref_squeeze %dma_wait3A_196 : memref<1x256x96xf32, #tpu.memory_space<vmem>> -> memref<256x96xf32, #tpu.memory_space<vmem>>
            %dma_wait3A_198 = arith.constant 0 : i32
            %dma_wait3A_199 = tpu.memref_slice %arg14[%add3A_151, %dma_wait3A_198] : memref<40x256xi32, #tpu.memory_space<vmem>> -> memref<1x256xi32, #tpu.memory_space<vmem>>
            %dma_wait3A_200 = tpu.memref_squeeze %dma_wait3A_199 : memref<1x256xi32, #tpu.memory_space<vmem>> -> memref<256xi32, #tpu.memory_space<vmem>>
            %dma_wait3A_201 = arith.constant 0 : i32
            %dma_wait3A_202 = arith.constant 0 : i32
            %dma_wait3A_203 = tpu.memref_slice %arg16[%dma_wait3A_201, %dma_wait3A_202] : memref<10112x96xf32, #tpu.memory_space<vmem_shared>> -> memref<10112x96xf32, #tpu.memory_space<vmem_shared>>
            %dma_wait3A_204 = tpu.memref_slice %arg18[%dma_wait3A_193] : memref<2x!tpu.dma_semaphore, #tpu.memory_space<semaphore_mem>> -> memref<1x!tpu.dma_semaphore, #tpu.memory_space<semaphore_mem>>
            %dma_wait3A_205 = tpu.memref_squeeze %dma_wait3A_204 : memref<1x!tpu.dma_semaphore, #tpu.memory_space<semaphore_mem>> -> memref<!tpu.dma_semaphore, #tpu.memory_space<semaphore_mem>>
            tpu.wait_indirect_dma semaphore(%dma_wait3A_205 : memref<!tpu.dma_semaphore, #tpu.memory_space<semaphore_mem>>) src(%dma_wait3A_197 : memref<256x96xf32, #tpu.memory_space<vmem>>) dst(%dma_wait3A_203 : memref<10112x96xf32, #tpu.memory_space<vmem_shared>>)
            %add3A_206 = arith.constant 2 : i32
            %add3A_207 = arith.addi %add3A_151, %add3A_206 : i32
            %dma_start3A_208 = arith.constant 1 : i32
            %dma_start3A_209 = arith.constant 1 : i32
            %dma_start3A_210 = arith.constant 0 : i32
            %dma_start3A_211 = arith.constant 0 : i32
            %dma_start3A_212 = tpu.memref_slice %arg15[%dma_start3A_208, %dma_start3A_210, %dma_start3A_211] : memref<2x256x96xf32, #tpu.memory_space<vmem>> -> memref<1x256x96xf32, #tpu.memory_space<vmem>>
            %dma_start3A_213 = tpu.memref_squeeze %dma_start3A_212 : memref<1x256x96xf32, #tpu.memory_space<vmem>> -> memref<256x96xf32, #tpu.memory_space<vmem>>
            %dma_start3A_214 = arith.constant 0 : i32
            %dma_start3A_215 = tpu.memref_slice %arg13[%add3A_207, %dma_start3A_214] : memref<40x256xi32, #tpu.memory_space<vmem>> -> memref<1x256xi32, #tpu.memory_space<vmem>>
            %dma_start3A_216 = tpu.memref_squeeze %dma_start3A_215 : memref<1x256xi32, #tpu.memory_space<vmem>> -> memref<256xi32, #tpu.memory_space<vmem>>
            %dma_start3A_217 = arith.constant 0 : i32
            %dma_start3A_218 = arith.constant 0 : i32
            %dma_start3A_219 = tpu.memref_slice %arg2[%dma_start3A_217, %dma_start3A_218] : memref<10000x96xf32, #tpu.memory_space<hbm>> -> memref<10000x96xf32, #tpu.memory_space<hbm>>
            %dma_start3A_220 = tpu.memref_slice %arg17[%dma_start3A_209] : memref<2x!tpu.dma_semaphore, #tpu.memory_space<semaphore_mem>> -> memref<1x!tpu.dma_semaphore, #tpu.memory_space<semaphore_mem>>
            %dma_start3A_221 = tpu.memref_squeeze %dma_start3A_220 : memref<1x!tpu.dma_semaphore, #tpu.memory_space<semaphore_mem>> -> memref<!tpu.dma_semaphore, #tpu.memory_space<semaphore_mem>>
            tpu.enqueue_indirect_dma source(%dma_start3A_219 : memref<10000x96xf32, #tpu.memory_space<hbm>>) target(%dma_start3A_213 : memref<256x96xf32, #tpu.memory_space<vmem>>) offsets(%dma_start3A_216 : memref<256xi32, #tpu.memory_space<vmem>>) semaphore(%dma_start3A_221 : memref<!tpu.dma_semaphore, #tpu.memory_space<semaphore_mem>>)
          } else {
          }
        } else {
        }
      }
      %scan3A_41 = arith.constant 20 : i32
      %dma_wait3A = arith.constant 0 : i32
      %dma_wait3A_42 = arith.constant 38 : i32
      %dma_wait3A_43 = arith.constant 0 : i32
      %dma_wait3A_44 = arith.constant 0 : i32
      %dma_wait3A_45 = arith.constant 0 : i32
      %dma_wait3A_46 = tpu.memref_slice %arg15[%dma_wait3A, %dma_wait3A_44, %dma_wait3A_45] : memref<2x256x96xf32, #tpu.memory_space<vmem>> -> memref<1x256x96xf32, #tpu.memory_space<vmem>>
      %dma_wait3A_47 = tpu.memref_squeeze %dma_wait3A_46 : memref<1x256x96xf32, #tpu.memory_space<vmem>> -> memref<256x96xf32, #tpu.memory_space<vmem>>
      %dma_wait3A_48 = arith.constant 0 : i32
      %dma_wait3A_49 = tpu.memref_slice %arg14[%dma_wait3A_42, %dma_wait3A_48] : memref<40x256xi32, #tpu.memory_space<vmem>> -> memref<1x256xi32, #tpu.memory_space<vmem>>
      %dma_wait3A_50 = tpu.memref_squeeze %dma_wait3A_49 : memref<1x256xi32, #tpu.memory_space<vmem>> -> memref<256xi32, #tpu.memory_space<vmem>>
      %dma_wait3A_51 = arith.constant 0 : i32
      %dma_wait3A_52 = arith.constant 0 : i32
      %dma_wait3A_53 = tpu.memref_slice %arg16[%dma_wait3A_51, %dma_wait3A_52] : memref<10112x96xf32, #tpu.memory_space<vmem_shared>> -> memref<10112x96xf32, #tpu.memory_space<vmem_shared>>
      %dma_wait3A_54 = tpu.memref_slice %arg18[%dma_wait3A_43] : memref<2x!tpu.dma_semaphore, #tpu.memory_space<semaphore_mem>> -> memref<1x!tpu.dma_semaphore, #tpu.memory_space<semaphore_mem>>
      %dma_wait3A_55 = tpu.memref_squeeze %dma_wait3A_54 : memref<1x!tpu.dma_semaphore, #tpu.memory_space<semaphore_mem>> -> memref<!tpu.dma_semaphore, #tpu.memory_space<semaphore_mem>>
      tpu.wait_indirect_dma semaphore(%dma_wait3A_55 : memref<!tpu.dma_semaphore, #tpu.memory_space<semaphore_mem>>) src(%dma_wait3A_47 : memref<256x96xf32, #tpu.memory_space<vmem>>) dst(%dma_wait3A_53 : memref<10112x96xf32, #tpu.memory_space<vmem_shared>>)
      %dma_wait3A_56 = arith.constant 1 : i32
      %dma_wait3A_57 = arith.constant 39 : i32
      %dma_wait3A_58 = arith.constant 1 : i32
      %dma_wait3A_59 = arith.constant 0 : i32
      %dma_wait3A_60 = arith.constant 0 : i32
      %dma_wait3A_61 = tpu.memref_slice %arg15[%dma_wait3A_56, %dma_wait3A_59, %dma_wait3A_60] : memref<2x256x96xf32, #tpu.memory_space<vmem>> -> memref<1x256x96xf32, #tpu.memory_space<vmem>>
      %dma_wait3A_62 = tpu.memref_squeeze %dma_wait3A_61 : memref<1x256x96xf32, #tpu.memory_space<vmem>> -> memref<256x96xf32, #tpu.memory_space<vmem>>
      %dma_wait3A_63 = arith.constant 0 : i32
      %dma_wait3A_64 = tpu.memref_slice %arg14[%dma_wait3A_57, %dma_wait3A_63] : memref<40x256xi32, #tpu.memory_space<vmem>> -> memref<1x256xi32, #tpu.memory_space<vmem>>
      %dma_wait3A_65 = tpu.memref_squeeze %dma_wait3A_64 : memref<1x256xi32, #tpu.memory_space<vmem>> -> memref<256xi32, #tpu.memory_space<vmem>>
      %dma_wait3A_66 = arith.constant 0 : i32
      %dma_wait3A_67 = arith.constant 0 : i32
      %dma_wait3A_68 = tpu.memref_slice %arg16[%dma_wait3A_66, %dma_wait3A_67] : memref<10112x96xf32, #tpu.memory_space<vmem_shared>> -> memref<10112x96xf32, #tpu.memory_space<vmem_shared>>
      %dma_wait3A_69 = tpu.memref_slice %arg18[%dma_wait3A_58] : memref<2x!tpu.dma_semaphore, #tpu.memory_space<semaphore_mem>> -> memref<1x!tpu.dma_semaphore, #tpu.memory_space<semaphore_mem>>
      %dma_wait3A_70 = tpu.memref_squeeze %dma_wait3A_69 : memref<1x!tpu.dma_semaphore, #tpu.memory_space<semaphore_mem>> -> memref<!tpu.dma_semaphore, #tpu.memory_space<semaphore_mem>>
      tpu.wait_indirect_dma semaphore(%dma_wait3A_70 : memref<!tpu.dma_semaphore, #tpu.memory_space<semaphore_mem>>) src(%dma_wait3A_62 : memref<256x96xf32, #tpu.memory_space<vmem>>) dst(%dma_wait3A_68 : memref<10112x96xf32, #tpu.memory_space<vmem_shared>>)
      %barrier3A_71 = arith.constant 0 : index
      tpu.barrier barrier_id(%barrier3A_71)
      "tpu.region"() ({
        %run_scoped3A = tpu.sem_alloc : memref<!tpu.dma_semaphore, #tpu.memory_space<semaphore_mem>>
        %dma_start3A_140 = arith.constant 0 : i32
        %dma_start3A_141 = tpu.memref_slice %arg9[%mul3A_0, %dma_start3A_140] : memref<10112x96xf32, #tpu.memory_space<hbm>> -> memref<632x96xf32, #tpu.memory_space<hbm>>
        %dma_start3A_142 = arith.constant 0 : i32
        %dma_start3A_143 = tpu.memref_slice %arg16[%mul3A_0, %dma_start3A_142] : memref<10112x96xf32, #tpu.memory_space<vmem_shared>> -> memref<632x96xf32, #tpu.memory_space<vmem_shared>>
        tpu.enqueue_dma source(%dma_start3A_143 : memref<632x96xf32, #tpu.memory_space<vmem_shared>>) target(%dma_start3A_141 : memref<632x96xf32, #tpu.memory_space<hbm>>) target_semaphore(%run_scoped3A : memref<!tpu.dma_semaphore, #tpu.memory_space<semaphore_mem>>)
        %dma_wait3A_144 = arith.constant 0 : i32
        %dma_wait3A_145 = tpu.memref_slice %arg9[%mul3A_0, %dma_wait3A_144] : memref<10112x96xf32, #tpu.memory_space<hbm>> -> memref<632x96xf32, #tpu.memory_space<hbm>>
        %dma_wait3A_146 = arith.constant 0 : i32
        %dma_wait3A_147 = tpu.memref_slice %arg16[%mul3A_0, %dma_wait3A_146] : memref<10112x96xf32, #tpu.memory_space<vmem_shared>> -> memref<632x96xf32, #tpu.memory_space<vmem_shared>>
        tpu.wait_dma2 semaphore(%run_scoped3A : memref<!tpu.dma_semaphore, #tpu.memory_space<semaphore_mem>>) src(%dma_wait3A_147 : memref<632x96xf32, #tpu.memory_space<vmem_shared>>) dst(%dma_wait3A_145 : memref<632x96xf32, #tpu.memory_space<hbm>>)
        tpu.yield
      }) : () -> ()
      "tpu.region"() ({
        %run_scoped3A = tpu.sem_alloc : memref<!tpu.dma_semaphore, #tpu.memory_space<semaphore_mem>>
        %dma_start3A_140 = arith.constant 0 : i32
        %dma_start3A_141 = tpu.memref_slice %arg16[%mul3A_0, %dma_start3A_140] : memref<10112x96xf32, #tpu.memory_space<vmem_shared>> -> memref<632x96xf32, #tpu.memory_space<vmem_shared>>
        tpu.enqueue_dma source(%arg8 : memref<632x96xf32, #tpu.memory_space<hbm>>) target(%dma_start3A_141 : memref<632x96xf32, #tpu.memory_space<vmem_shared>>) target_semaphore(%run_scoped3A : memref<!tpu.dma_semaphore, #tpu.memory_space<semaphore_mem>>)
        %dma_wait3A_142 = arith.constant 0 : i32
        %dma_wait3A_143 = tpu.memref_slice %arg16[%mul3A_0, %dma_wait3A_142] : memref<10112x96xf32, #tpu.memory_space<vmem_shared>> -> memref<632x96xf32, #tpu.memory_space<vmem_shared>>
        tpu.wait_dma2 semaphore(%run_scoped3A : memref<!tpu.dma_semaphore, #tpu.memory_space<semaphore_mem>>) src(%arg8 : memref<632x96xf32, #tpu.memory_space<hbm>>) dst(%dma_wait3A_143 : memref<632x96xf32, #tpu.memory_space<vmem_shared>>)
        tpu.yield
      }) : () -> ()
      %barrier3A_72 = arith.constant 0 : index
      tpu.barrier barrier_id(%barrier3A_72)
      %dma_start3A_73 = arith.constant 0 : i32
      %dma_start3A_74 = arith.constant 0 : i32
      %dma_start3A_75 = arith.constant 0 : i32
      %dma_start3A_76 = arith.constant 0 : i32
      %dma_start3A_77 = arith.constant 0 : i32
      %dma_start3A_78 = tpu.memref_slice %arg15[%dma_start3A_74, %dma_start3A_76, %dma_start3A_77] : memref<2x256x96xf32, #tpu.memory_space<vmem>> -> memref<1x256x96xf32, #tpu.memory_space<vmem>>
      %dma_start3A_79 = tpu.memref_squeeze %dma_start3A_78 : memref<1x256x96xf32, #tpu.memory_space<vmem>> -> memref<256x96xf32, #tpu.memory_space<vmem>>
      %dma_start3A_80 = arith.constant 0 : i32
      %dma_start3A_81 = tpu.memref_slice %arg13[%dma_start3A_73, %dma_start3A_80] : memref<40x256xi32, #tpu.memory_space<vmem>> -> memref<1x256xi32, #tpu.memory_space<vmem>>
      %dma_start3A_82 = tpu.memref_squeeze %dma_start3A_81 : memref<1x256xi32, #tpu.memory_space<vmem>> -> memref<256xi32, #tpu.memory_space<vmem>>
      %dma_start3A_83 = arith.constant 0 : i32
      %dma_start3A_84 = arith.constant 0 : i32
      %dma_start3A_85 = tpu.memref_slice %arg3[%dma_start3A_83, %dma_start3A_84] : memref<10000x96xf32, #tpu.memory_space<hbm>> -> memref<10000x96xf32, #tpu.memory_space<hbm>>
      %dma_start3A_86 = tpu.memref_slice %arg17[%dma_start3A_75] : memref<2x!tpu.dma_semaphore, #tpu.memory_space<semaphore_mem>> -> memref<1x!tpu.dma_semaphore, #tpu.memory_space<semaphore_mem>>
      %dma_start3A_87 = tpu.memref_squeeze %dma_start3A_86 : memref<1x!tpu.dma_semaphore, #tpu.memory_space<semaphore_mem>> -> memref<!tpu.dma_semaphore, #tpu.memory_space<semaphore_mem>>
      tpu.enqueue_indirect_dma source(%dma_start3A_85 : memref<10000x96xf32, #tpu.memory_space<hbm>>) target(%dma_start3A_79 : memref<256x96xf32, #tpu.memory_space<vmem>>) offsets(%dma_start3A_82 : memref<256xi32, #tpu.memory_space<vmem>>) semaphore(%dma_start3A_87 : memref<!tpu.dma_semaphore, #tpu.memory_space<semaphore_mem>>)
      %dma_start3A_88 = arith.constant 1 : i32
      %dma_start3A_89 = arith.constant 1 : i32
      %dma_start3A_90 = arith.constant 1 : i32
      %dma_start3A_91 = arith.constant 0 : i32
      %dma_start3A_92 = arith.constant 0 : i32
      %dma_start3A_93 = tpu.memref_slice %arg15[%dma_start3A_89, %dma_start3A_91, %dma_start3A_92] : memref<2x256x96xf32, #tpu.memory_space<vmem>> -> memref<1x256x96xf32, #tpu.memory_space<vmem>>
      %dma_start3A_94 = tpu.memref_squeeze %dma_start3A_93 : memref<1x256x96xf32, #tpu.memory_space<vmem>> -> memref<256x96xf32, #tpu.memory_space<vmem>>
      %dma_start3A_95 = arith.constant 0 : i32
      %dma_start3A_96 = tpu.memref_slice %arg13[%dma_start3A_88, %dma_start3A_95] : memref<40x256xi32, #tpu.memory_space<vmem>> -> memref<1x256xi32, #tpu.memory_space<vmem>>
      %dma_start3A_97 = tpu.memref_squeeze %dma_start3A_96 : memref<1x256xi32, #tpu.memory_space<vmem>> -> memref<256xi32, #tpu.memory_space<vmem>>
      %dma_start3A_98 = arith.constant 0 : i32
      %dma_start3A_99 = arith.constant 0 : i32
      %dma_start3A_100 = tpu.memref_slice %arg3[%dma_start3A_98, %dma_start3A_99] : memref<10000x96xf32, #tpu.memory_space<hbm>> -> memref<10000x96xf32, #tpu.memory_space<hbm>>
      %dma_start3A_101 = tpu.memref_slice %arg17[%dma_start3A_90] : memref<2x!tpu.dma_semaphore, #tpu.memory_space<semaphore_mem>> -> memref<1x!tpu.dma_semaphore, #tpu.memory_space<semaphore_mem>>
      %dma_start3A_102 = tpu.memref_squeeze %dma_start3A_101 : memref<1x!tpu.dma_semaphore, #tpu.memory_space<semaphore_mem>> -> memref<!tpu.dma_semaphore, #tpu.memory_space<semaphore_mem>>
      tpu.enqueue_indirect_dma source(%dma_start3A_100 : memref<10000x96xf32, #tpu.memory_space<hbm>>) target(%dma_start3A_94 : memref<256x96xf32, #tpu.memory_space<vmem>>) offsets(%dma_start3A_97 : memref<256xi32, #tpu.memory_space<vmem>>) semaphore(%dma_start3A_102 : memref<!tpu.dma_semaphore, #tpu.memory_space<semaphore_mem>>)
      %scan3A_103 = arith.constant 0 : i32
      %scan3A_104 = arith.constant 0 : i32
      %scan3A_105 = arith.constant 20 : i32
      %scan3A_106 = arith.addi %scan3A_104, %scan3A_105 : i32
      %scan3A_107 = arith.constant 1 : i32
      scf.for %scan3A_140 = %scan3A_104 to %scan3A_106 step %scan3A_107  : i32 {
        %mul3A_141 = arith.constant 2 : i32
        %mul3A_142 = arith.muli %mul3A_141, %scan3A_140 : i32
        %add3A = arith.constant 0 : i32
        %add3A_143 = arith.addi %mul3A_142, %add3A : i32
        %lt3A = arith.constant 40 : i32
        %lt3A_144 = arith.cmpi slt, %add3A_143, %lt3A : i32
        %convert_element_type3A_145 = arith.extui %lt3A_144 : i1 to i32
        %cond3A_146 = arith.constant 0 : i32
        %cond3A_147 = arith.cmpi ne, %convert_element_type3A_145, %cond3A_146 : i32
        scf.if %cond3A_147 {
          %dma_wait3A_157 = arith.constant 0 : i32
          %dma_wait3A_158 = arith.constant 0 : i32
          %dma_wait3A_159 = arith.constant 0 : i32
          %dma_wait3A_160 = arith.constant 0 : i32
          %dma_wait3A_161 = tpu.memref_slice %arg15[%dma_wait3A_157, %dma_wait3A_159, %dma_wait3A_160] : memref<2x256x96xf32, #tpu.memory_space<vmem>> -> memref<1x256x96xf32, #tpu.memory_space<vmem>>
          %dma_wait3A_162 = tpu.memref_squeeze %dma_wait3A_161 : memref<1x256x96xf32, #tpu.memory_space<vmem>> -> memref<256x96xf32, #tpu.memory_space<vmem>>
          %dma_wait3A_163 = arith.constant 0 : i32
          %dma_wait3A_164 = tpu.memref_slice %arg13[%add3A_143, %dma_wait3A_163] : memref<40x256xi32, #tpu.memory_space<vmem>> -> memref<1x256xi32, #tpu.memory_space<vmem>>
          %dma_wait3A_165 = tpu.memref_squeeze %dma_wait3A_164 : memref<1x256xi32, #tpu.memory_space<vmem>> -> memref<256xi32, #tpu.memory_space<vmem>>
          %dma_wait3A_166 = arith.constant 0 : i32
          %dma_wait3A_167 = arith.constant 0 : i32
          %dma_wait3A_168 = tpu.memref_slice %arg3[%dma_wait3A_166, %dma_wait3A_167] : memref<10000x96xf32, #tpu.memory_space<hbm>> -> memref<10000x96xf32, #tpu.memory_space<hbm>>
          %dma_wait3A_169 = tpu.memref_slice %arg17[%dma_wait3A_158] : memref<2x!tpu.dma_semaphore, #tpu.memory_space<semaphore_mem>> -> memref<1x!tpu.dma_semaphore, #tpu.memory_space<semaphore_mem>>
          %dma_wait3A_170 = tpu.memref_squeeze %dma_wait3A_169 : memref<1x!tpu.dma_semaphore, #tpu.memory_space<semaphore_mem>> -> memref<!tpu.dma_semaphore, #tpu.memory_space<semaphore_mem>>
          tpu.wait_indirect_dma semaphore(%dma_wait3A_170 : memref<!tpu.dma_semaphore, #tpu.memory_space<semaphore_mem>>) src(%dma_wait3A_168 : memref<10000x96xf32, #tpu.memory_space<hbm>>) dst(%dma_wait3A_162 : memref<256x96xf32, #tpu.memory_space<vmem>>)
          %dma_start3A_171 = arith.constant 0 : i32
          %dma_start3A_172 = arith.constant 0 : i32
          %dma_start3A_173 = arith.constant 0 : i32
          %dma_start3A_174 = arith.constant 0 : i32
          %dma_start3A_175 = tpu.memref_slice %arg15[%dma_start3A_171, %dma_start3A_173, %dma_start3A_174] : memref<2x256x96xf32, #tpu.memory_space<vmem>> -> memref<1x256x96xf32, #tpu.memory_space<vmem>>
          %dma_start3A_176 = tpu.memref_squeeze %dma_start3A_175 : memref<1x256x96xf32, #tpu.memory_space<vmem>> -> memref<256x96xf32, #tpu.memory_space<vmem>>
          %dma_start3A_177 = arith.constant 0 : i32
          %dma_start3A_178 = tpu.memref_slice %arg14[%add3A_143, %dma_start3A_177] : memref<40x256xi32, #tpu.memory_space<vmem>> -> memref<1x256xi32, #tpu.memory_space<vmem>>
          %dma_start3A_179 = tpu.memref_squeeze %dma_start3A_178 : memref<1x256xi32, #tpu.memory_space<vmem>> -> memref<256xi32, #tpu.memory_space<vmem>>
          %dma_start3A_180 = arith.constant 0 : i32
          %dma_start3A_181 = arith.constant 0 : i32
          %dma_start3A_182 = tpu.memref_slice %arg16[%dma_start3A_180, %dma_start3A_181] : memref<10112x96xf32, #tpu.memory_space<vmem_shared>> -> memref<10112x96xf32, #tpu.memory_space<vmem_shared>>
          %dma_start3A_183 = tpu.memref_slice %arg18[%dma_start3A_172] : memref<2x!tpu.dma_semaphore, #tpu.memory_space<semaphore_mem>> -> memref<1x!tpu.dma_semaphore, #tpu.memory_space<semaphore_mem>>
          %dma_start3A_184 = tpu.memref_squeeze %dma_start3A_183 : memref<1x!tpu.dma_semaphore, #tpu.memory_space<semaphore_mem>> -> memref<!tpu.dma_semaphore, #tpu.memory_space<semaphore_mem>>
          tpu.enqueue_indirect_dma source(%dma_start3A_176 : memref<256x96xf32, #tpu.memory_space<vmem>>) target(%dma_start3A_182 : memref<10112x96xf32, #tpu.memory_space<vmem_shared>>) offsets(%dma_start3A_179 : memref<256xi32, #tpu.memory_space<vmem>>) semaphore(%dma_start3A_184 : memref<!tpu.dma_semaphore, #tpu.memory_space<semaphore_mem>>) {add = true}
          %add3A_185 = arith.constant 2 : i32
          %add3A_186 = arith.addi %add3A_143, %add3A_185 : i32
          %lt3A_187 = arith.constant 40 : i32
          %lt3A_188 = arith.cmpi slt, %add3A_186, %lt3A_187 : i32
          %convert_element_type3A_189 = arith.extui %lt3A_188 : i1 to i32
          %cond3A_190 = arith.constant 0 : i32
          %cond3A_191 = arith.cmpi ne, %convert_element_type3A_189, %cond3A_190 : i32
          scf.if %cond3A_191 {
            %dma_wait3A_192 = arith.constant 0 : i32
            %dma_wait3A_193 = arith.constant 0 : i32
            %dma_wait3A_194 = arith.constant 0 : i32
            %dma_wait3A_195 = arith.constant 0 : i32
            %dma_wait3A_196 = tpu.memref_slice %arg15[%dma_wait3A_192, %dma_wait3A_194, %dma_wait3A_195] : memref<2x256x96xf32, #tpu.memory_space<vmem>> -> memref<1x256x96xf32, #tpu.memory_space<vmem>>
            %dma_wait3A_197 = tpu.memref_squeeze %dma_wait3A_196 : memref<1x256x96xf32, #tpu.memory_space<vmem>> -> memref<256x96xf32, #tpu.memory_space<vmem>>
            %dma_wait3A_198 = arith.constant 0 : i32
            %dma_wait3A_199 = tpu.memref_slice %arg14[%add3A_143, %dma_wait3A_198] : memref<40x256xi32, #tpu.memory_space<vmem>> -> memref<1x256xi32, #tpu.memory_space<vmem>>
            %dma_wait3A_200 = tpu.memref_squeeze %dma_wait3A_199 : memref<1x256xi32, #tpu.memory_space<vmem>> -> memref<256xi32, #tpu.memory_space<vmem>>
            %dma_wait3A_201 = arith.constant 0 : i32
            %dma_wait3A_202 = arith.constant 0 : i32
            %dma_wait3A_203 = tpu.memref_slice %arg16[%dma_wait3A_201, %dma_wait3A_202] : memref<10112x96xf32, #tpu.memory_space<vmem_shared>> -> memref<10112x96xf32, #tpu.memory_space<vmem_shared>>
            %dma_wait3A_204 = tpu.memref_slice %arg18[%dma_wait3A_193] : memref<2x!tpu.dma_semaphore, #tpu.memory_space<semaphore_mem>> -> memref<1x!tpu.dma_semaphore, #tpu.memory_space<semaphore_mem>>
            %dma_wait3A_205 = tpu.memref_squeeze %dma_wait3A_204 : memref<1x!tpu.dma_semaphore, #tpu.memory_space<semaphore_mem>> -> memref<!tpu.dma_semaphore, #tpu.memory_space<semaphore_mem>>
            tpu.wait_indirect_dma semaphore(%dma_wait3A_205 : memref<!tpu.dma_semaphore, #tpu.memory_space<semaphore_mem>>) src(%dma_wait3A_197 : memref<256x96xf32, #tpu.memory_space<vmem>>) dst(%dma_wait3A_203 : memref<10112x96xf32, #tpu.memory_space<vmem_shared>>)
            %add3A_206 = arith.constant 2 : i32
            %add3A_207 = arith.addi %add3A_143, %add3A_206 : i32
            %dma_start3A_208 = arith.constant 0 : i32
            %dma_start3A_209 = arith.constant 0 : i32
            %dma_start3A_210 = arith.constant 0 : i32
            %dma_start3A_211 = arith.constant 0 : i32
            %dma_start3A_212 = tpu.memref_slice %arg15[%dma_start3A_208, %dma_start3A_210, %dma_start3A_211] : memref<2x256x96xf32, #tpu.memory_space<vmem>> -> memref<1x256x96xf32, #tpu.memory_space<vmem>>
            %dma_start3A_213 = tpu.memref_squeeze %dma_start3A_212 : memref<1x256x96xf32, #tpu.memory_space<vmem>> -> memref<256x96xf32, #tpu.memory_space<vmem>>
            %dma_start3A_214 = arith.constant 0 : i32
            %dma_start3A_215 = tpu.memref_slice %arg13[%add3A_207, %dma_start3A_214] : memref<40x256xi32, #tpu.memory_space<vmem>> -> memref<1x256xi32, #tpu.memory_space<vmem>>
            %dma_start3A_216 = tpu.memref_squeeze %dma_start3A_215 : memref<1x256xi32, #tpu.memory_space<vmem>> -> memref<256xi32, #tpu.memory_space<vmem>>
            %dma_start3A_217 = arith.constant 0 : i32
            %dma_start3A_218 = arith.constant 0 : i32
            %dma_start3A_219 = tpu.memref_slice %arg3[%dma_start3A_217, %dma_start3A_218] : memref<10000x96xf32, #tpu.memory_space<hbm>> -> memref<10000x96xf32, #tpu.memory_space<hbm>>
            %dma_start3A_220 = tpu.memref_slice %arg17[%dma_start3A_209] : memref<2x!tpu.dma_semaphore, #tpu.memory_space<semaphore_mem>> -> memref<1x!tpu.dma_semaphore, #tpu.memory_space<semaphore_mem>>
            %dma_start3A_221 = tpu.memref_squeeze %dma_start3A_220 : memref<1x!tpu.dma_semaphore, #tpu.memory_space<semaphore_mem>> -> memref<!tpu.dma_semaphore, #tpu.memory_space<semaphore_mem>>
            tpu.enqueue_indirect_dma source(%dma_start3A_219 : memref<10000x96xf32, #tpu.memory_space<hbm>>) target(%dma_start3A_213 : memref<256x96xf32, #tpu.memory_space<vmem>>) offsets(%dma_start3A_216 : memref<256xi32, #tpu.memory_space<vmem>>) semaphore(%dma_start3A_221 : memref<!tpu.dma_semaphore, #tpu.memory_space<semaphore_mem>>)
          } else {
          }
        } else {
        }
        %mul3A_148 = arith.constant 2 : i32
        %mul3A_149 = arith.muli %mul3A_148, %scan3A_140 : i32
        %add3A_150 = arith.constant 1 : i32
        %add3A_151 = arith.addi %mul3A_149, %add3A_150 : i32
        %lt3A_152 = arith.constant 40 : i32
        %lt3A_153 = arith.cmpi slt, %add3A_151, %lt3A_152 : i32
        %convert_element_type3A_154 = arith.extui %lt3A_153 : i1 to i32
        %cond3A_155 = arith.constant 0 : i32
        %cond3A_156 = arith.cmpi ne, %convert_element_type3A_154, %cond3A_155 : i32
        scf.if %cond3A_156 {
          %dma_wait3A_157 = arith.constant 1 : i32
          %dma_wait3A_158 = arith.constant 1 : i32
          %dma_wait3A_159 = arith.constant 0 : i32
          %dma_wait3A_160 = arith.constant 0 : i32
          %dma_wait3A_161 = tpu.memref_slice %arg15[%dma_wait3A_157, %dma_wait3A_159, %dma_wait3A_160] : memref<2x256x96xf32, #tpu.memory_space<vmem>> -> memref<1x256x96xf32, #tpu.memory_space<vmem>>
          %dma_wait3A_162 = tpu.memref_squeeze %dma_wait3A_161 : memref<1x256x96xf32, #tpu.memory_space<vmem>> -> memref<256x96xf32, #tpu.memory_space<vmem>>
          %dma_wait3A_163 = arith.constant 0 : i32
          %dma_wait3A_164 = tpu.memref_slice %arg13[%add3A_151, %dma_wait3A_163] : memref<40x256xi32, #tpu.memory_space<vmem>> -> memref<1x256xi32, #tpu.memory_space<vmem>>
          %dma_wait3A_165 = tpu.memref_squeeze %dma_wait3A_164 : memref<1x256xi32, #tpu.memory_space<vmem>> -> memref<256xi32, #tpu.memory_space<vmem>>
          %dma_wait3A_166 = arith.constant 0 : i32
          %dma_wait3A_167 = arith.constant 0 : i32
          %dma_wait3A_168 = tpu.memref_slice %arg3[%dma_wait3A_166, %dma_wait3A_167] : memref<10000x96xf32, #tpu.memory_space<hbm>> -> memref<10000x96xf32, #tpu.memory_space<hbm>>
          %dma_wait3A_169 = tpu.memref_slice %arg17[%dma_wait3A_158] : memref<2x!tpu.dma_semaphore, #tpu.memory_space<semaphore_mem>> -> memref<1x!tpu.dma_semaphore, #tpu.memory_space<semaphore_mem>>
          %dma_wait3A_170 = tpu.memref_squeeze %dma_wait3A_169 : memref<1x!tpu.dma_semaphore, #tpu.memory_space<semaphore_mem>> -> memref<!tpu.dma_semaphore, #tpu.memory_space<semaphore_mem>>
          tpu.wait_indirect_dma semaphore(%dma_wait3A_170 : memref<!tpu.dma_semaphore, #tpu.memory_space<semaphore_mem>>) src(%dma_wait3A_168 : memref<10000x96xf32, #tpu.memory_space<hbm>>) dst(%dma_wait3A_162 : memref<256x96xf32, #tpu.memory_space<vmem>>)
          %dma_start3A_171 = arith.constant 1 : i32
          %dma_start3A_172 = arith.constant 1 : i32
          %dma_start3A_173 = arith.constant 0 : i32
          %dma_start3A_174 = arith.constant 0 : i32
          %dma_start3A_175 = tpu.memref_slice %arg15[%dma_start3A_171, %dma_start3A_173, %dma_start3A_174] : memref<2x256x96xf32, #tpu.memory_space<vmem>> -> memref<1x256x96xf32, #tpu.memory_space<vmem>>
          %dma_start3A_176 = tpu.memref_squeeze %dma_start3A_175 : memref<1x256x96xf32, #tpu.memory_space<vmem>> -> memref<256x96xf32, #tpu.memory_space<vmem>>
          %dma_start3A_177 = arith.constant 0 : i32
          %dma_start3A_178 = tpu.memref_slice %arg14[%add3A_151, %dma_start3A_177] : memref<40x256xi32, #tpu.memory_space<vmem>> -> memref<1x256xi32, #tpu.memory_space<vmem>>
          %dma_start3A_179 = tpu.memref_squeeze %dma_start3A_178 : memref<1x256xi32, #tpu.memory_space<vmem>> -> memref<256xi32, #tpu.memory_space<vmem>>
          %dma_start3A_180 = arith.constant 0 : i32
          %dma_start3A_181 = arith.constant 0 : i32
          %dma_start3A_182 = tpu.memref_slice %arg16[%dma_start3A_180, %dma_start3A_181] : memref<10112x96xf32, #tpu.memory_space<vmem_shared>> -> memref<10112x96xf32, #tpu.memory_space<vmem_shared>>
          %dma_start3A_183 = tpu.memref_slice %arg18[%dma_start3A_172] : memref<2x!tpu.dma_semaphore, #tpu.memory_space<semaphore_mem>> -> memref<1x!tpu.dma_semaphore, #tpu.memory_space<semaphore_mem>>
          %dma_start3A_184 = tpu.memref_squeeze %dma_start3A_183 : memref<1x!tpu.dma_semaphore, #tpu.memory_space<semaphore_mem>> -> memref<!tpu.dma_semaphore, #tpu.memory_space<semaphore_mem>>
          tpu.enqueue_indirect_dma source(%dma_start3A_176 : memref<256x96xf32, #tpu.memory_space<vmem>>) target(%dma_start3A_182 : memref<10112x96xf32, #tpu.memory_space<vmem_shared>>) offsets(%dma_start3A_179 : memref<256xi32, #tpu.memory_space<vmem>>) semaphore(%dma_start3A_184 : memref<!tpu.dma_semaphore, #tpu.memory_space<semaphore_mem>>) {add = true}
          %add3A_185 = arith.constant 2 : i32
          %add3A_186 = arith.addi %add3A_151, %add3A_185 : i32
          %lt3A_187 = arith.constant 40 : i32
          %lt3A_188 = arith.cmpi slt, %add3A_186, %lt3A_187 : i32
          %convert_element_type3A_189 = arith.extui %lt3A_188 : i1 to i32
          %cond3A_190 = arith.constant 0 : i32
          %cond3A_191 = arith.cmpi ne, %convert_element_type3A_189, %cond3A_190 : i32
          scf.if %cond3A_191 {
            %dma_wait3A_192 = arith.constant 1 : i32
            %dma_wait3A_193 = arith.constant 1 : i32
            %dma_wait3A_194 = arith.constant 0 : i32
            %dma_wait3A_195 = arith.constant 0 : i32
            %dma_wait3A_196 = tpu.memref_slice %arg15[%dma_wait3A_192, %dma_wait3A_194, %dma_wait3A_195] : memref<2x256x96xf32, #tpu.memory_space<vmem>> -> memref<1x256x96xf32, #tpu.memory_space<vmem>>
            %dma_wait3A_197 = tpu.memref_squeeze %dma_wait3A_196 : memref<1x256x96xf32, #tpu.memory_space<vmem>> -> memref<256x96xf32, #tpu.memory_space<vmem>>
            %dma_wait3A_198 = arith.constant 0 : i32
            %dma_wait3A_199 = tpu.memref_slice %arg14[%add3A_151, %dma_wait3A_198] : memref<40x256xi32, #tpu.memory_space<vmem>> -> memref<1x256xi32, #tpu.memory_space<vmem>>
            %dma_wait3A_200 = tpu.memref_squeeze %dma_wait3A_199 : memref<1x256xi32, #tpu.memory_space<vmem>> -> memref<256xi32, #tpu.memory_space<vmem>>
            %dma_wait3A_201 = arith.constant 0 : i32
            %dma_wait3A_202 = arith.constant 0 : i32
            %dma_wait3A_203 = tpu.memref_slice %arg16[%dma_wait3A_201, %dma_wait3A_202] : memref<10112x96xf32, #tpu.memory_space<vmem_shared>> -> memref<10112x96xf32, #tpu.memory_space<vmem_shared>>
            %dma_wait3A_204 = tpu.memref_slice %arg18[%dma_wait3A_193] : memref<2x!tpu.dma_semaphore, #tpu.memory_space<semaphore_mem>> -> memref<1x!tpu.dma_semaphore, #tpu.memory_space<semaphore_mem>>
            %dma_wait3A_205 = tpu.memref_squeeze %dma_wait3A_204 : memref<1x!tpu.dma_semaphore, #tpu.memory_space<semaphore_mem>> -> memref<!tpu.dma_semaphore, #tpu.memory_space<semaphore_mem>>
            tpu.wait_indirect_dma semaphore(%dma_wait3A_205 : memref<!tpu.dma_semaphore, #tpu.memory_space<semaphore_mem>>) src(%dma_wait3A_197 : memref<256x96xf32, #tpu.memory_space<vmem>>) dst(%dma_wait3A_203 : memref<10112x96xf32, #tpu.memory_space<vmem_shared>>)
            %add3A_206 = arith.constant 2 : i32
            %add3A_207 = arith.addi %add3A_151, %add3A_206 : i32
            %dma_start3A_208 = arith.constant 1 : i32
            %dma_start3A_209 = arith.constant 1 : i32
            %dma_start3A_210 = arith.constant 0 : i32
            %dma_start3A_211 = arith.constant 0 : i32
            %dma_start3A_212 = tpu.memref_slice %arg15[%dma_start3A_208, %dma_start3A_210, %dma_start3A_211] : memref<2x256x96xf32, #tpu.memory_space<vmem>> -> memref<1x256x96xf32, #tpu.memory_space<vmem>>
            %dma_start3A_213 = tpu.memref_squeeze %dma_start3A_212 : memref<1x256x96xf32, #tpu.memory_space<vmem>> -> memref<256x96xf32, #tpu.memory_space<vmem>>
            %dma_start3A_214 = arith.constant 0 : i32
            %dma_start3A_215 = tpu.memref_slice %arg13[%add3A_207, %dma_start3A_214] : memref<40x256xi32, #tpu.memory_space<vmem>> -> memref<1x256xi32, #tpu.memory_space<vmem>>
            %dma_start3A_216 = tpu.memref_squeeze %dma_start3A_215 : memref<1x256xi32, #tpu.memory_space<vmem>> -> memref<256xi32, #tpu.memory_space<vmem>>
            %dma_start3A_217 = arith.constant 0 : i32
            %dma_start3A_218 = arith.constant 0 : i32
            %dma_start3A_219 = tpu.memref_slice %arg3[%dma_start3A_217, %dma_start3A_218] : memref<10000x96xf32, #tpu.memory_space<hbm>> -> memref<10000x96xf32, #tpu.memory_space<hbm>>
            %dma_start3A_220 = tpu.memref_slice %arg17[%dma_start3A_209] : memref<2x!tpu.dma_semaphore, #tpu.memory_space<semaphore_mem>> -> memref<1x!tpu.dma_semaphore, #tpu.memory_space<semaphore_mem>>
            %dma_start3A_221 = tpu.memref_squeeze %dma_start3A_220 : memref<1x!tpu.dma_semaphore, #tpu.memory_space<semaphore_mem>> -> memref<!tpu.dma_semaphore, #tpu.memory_space<semaphore_mem>>
            tpu.enqueue_indirect_dma source(%dma_start3A_219 : memref<10000x96xf32, #tpu.memory_space<hbm>>) target(%dma_start3A_213 : memref<256x96xf32, #tpu.memory_space<vmem>>) offsets(%dma_start3A_216 : memref<256xi32, #tpu.memory_space<vmem>>) semaphore(%dma_start3A_221 : memref<!tpu.dma_semaphore, #tpu.memory_space<semaphore_mem>>)
          } else {
          }
        } else {
        }
      }
      %scan3A_108 = arith.constant 20 : i32
      %dma_wait3A_109 = arith.constant 0 : i32
      %dma_wait3A_110 = arith.constant 38 : i32
      %dma_wait3A_111 = arith.constant 0 : i32
      %dma_wait3A_112 = arith.constant 0 : i32
      %dma_wait3A_113 = arith.constant 0 : i32
      %dma_wait3A_114 = tpu.memref_slice %arg15[%dma_wait3A_109, %dma_wait3A_112, %dma_wait3A_113] : memref<2x256x96xf32, #tpu.memory_space<vmem>> -> memref<1x256x96xf32, #tpu.memory_space<vmem>>
      %dma_wait3A_115 = tpu.memref_squeeze %dma_wait3A_114 : memref<1x256x96xf32, #tpu.memory_space<vmem>> -> memref<256x96xf32, #tpu.memory_space<vmem>>
      %dma_wait3A_116 = arith.constant 0 : i32
      %dma_wait3A_117 = tpu.memref_slice %arg14[%dma_wait3A_110, %dma_wait3A_116] : memref<40x256xi32, #tpu.memory_space<vmem>> -> memref<1x256xi32, #tpu.memory_space<vmem>>
      %dma_wait3A_118 = tpu.memref_squeeze %dma_wait3A_117 : memref<1x256xi32, #tpu.memory_space<vmem>> -> memref<256xi32, #tpu.memory_space<vmem>>
      %dma_wait3A_119 = arith.constant 0 : i32
      %dma_wait3A_120 = arith.constant 0 : i32
      %dma_wait3A_121 = tpu.memref_slice %arg16[%dma_wait3A_119, %dma_wait3A_120] : memref<10112x96xf32, #tpu.memory_space<vmem_shared>> -> memref<10112x96xf32, #tpu.memory_space<vmem_shared>>
      %dma_wait3A_122 = tpu.memref_slice %arg18[%dma_wait3A_111] : memref<2x!tpu.dma_semaphore, #tpu.memory_space<semaphore_mem>> -> memref<1x!tpu.dma_semaphore, #tpu.memory_space<semaphore_mem>>
      %dma_wait3A_123 = tpu.memref_squeeze %dma_wait3A_122 : memref<1x!tpu.dma_semaphore, #tpu.memory_space<semaphore_mem>> -> memref<!tpu.dma_semaphore, #tpu.memory_space<semaphore_mem>>
      tpu.wait_indirect_dma semaphore(%dma_wait3A_123 : memref<!tpu.dma_semaphore, #tpu.memory_space<semaphore_mem>>) src(%dma_wait3A_115 : memref<256x96xf32, #tpu.memory_space<vmem>>) dst(%dma_wait3A_121 : memref<10112x96xf32, #tpu.memory_space<vmem_shared>>)
      %dma_wait3A_124 = arith.constant 1 : i32
      %dma_wait3A_125 = arith.constant 39 : i32
      %dma_wait3A_126 = arith.constant 1 : i32
      %dma_wait3A_127 = arith.constant 0 : i32
      %dma_wait3A_128 = arith.constant 0 : i32
      %dma_wait3A_129 = tpu.memref_slice %arg15[%dma_wait3A_124, %dma_wait3A_127, %dma_wait3A_128] : memref<2x256x96xf32, #tpu.memory_space<vmem>> -> memref<1x256x96xf32, #tpu.memory_space<vmem>>
      %dma_wait3A_130 = tpu.memref_squeeze %dma_wait3A_129 : memref<1x256x96xf32, #tpu.memory_space<vmem>> -> memref<256x96xf32, #tpu.memory_space<vmem>>
      %dma_wait3A_131 = arith.constant 0 : i32
      %dma_wait3A_132 = tpu.memref_slice %arg14[%dma_wait3A_125, %dma_wait3A_131] : memref<40x256xi32, #tpu.memory_space<vmem>> -> memref<1x256xi32, #tpu.memory_space<vmem>>
      %dma_wait3A_133 = tpu.memref_squeeze %dma_wait3A_132 : memref<1x256xi32, #tpu.memory_space<vmem>> -> memref<256xi32, #tpu.memory_space<vmem>>
      %dma_wait3A_134 = arith.constant 0 : i32
      %dma_wait3A_135 = arith.constant 0 : i32
      %dma_wait3A_136 = tpu.memref_slice %arg16[%dma_wait3A_134, %dma_wait3A_135] : memref<10112x96xf32, #tpu.memory_space<vmem_shared>> -> memref<10112x96xf32, #tpu.memory_space<vmem_shared>>
      %dma_wait3A_137 = tpu.memref_slice %arg18[%dma_wait3A_126] : memref<2x!tpu.dma_semaphore, #tpu.memory_space<semaphore_mem>> -> memref<1x!tpu.dma_semaphore, #tpu.memory_space<semaphore_mem>>
      %dma_wait3A_138 = tpu.memref_squeeze %dma_wait3A_137 : memref<1x!tpu.dma_semaphore, #tpu.memory_space<semaphore_mem>> -> memref<!tpu.dma_semaphore, #tpu.memory_space<semaphore_mem>>
      tpu.wait_indirect_dma semaphore(%dma_wait3A_138 : memref<!tpu.dma_semaphore, #tpu.memory_space<semaphore_mem>>) src(%dma_wait3A_130 : memref<256x96xf32, #tpu.memory_space<vmem>>) dst(%dma_wait3A_136 : memref<10112x96xf32, #tpu.memory_space<vmem_shared>>)
      %barrier3A_139 = arith.constant 0 : index
      tpu.barrier barrier_id(%barrier3A_139)
      "tpu.region"() ({
        %run_scoped3A = tpu.sem_alloc : memref<!tpu.dma_semaphore, #tpu.memory_space<semaphore_mem>>
        %dma_start3A_140 = arith.constant 0 : i32
        %dma_start3A_141 = tpu.memref_slice %arg10[%mul3A_0, %dma_start3A_140] : memref<10112x96xf32, #tpu.memory_space<hbm>> -> memref<632x96xf32, #tpu.memory_space<hbm>>
        %dma_start3A_142 = arith.constant 0 : i32
        %dma_start3A_143 = tpu.memref_slice %arg16[%mul3A_0, %dma_start3A_142] : memref<10112x96xf32, #tpu.memory_space<vmem_shared>> -> memref<632x96xf32, #tpu.memory_space<vmem_shared>>
        tpu.enqueue_dma source(%dma_start3A_143 : memref<632x96xf32, #tpu.memory_space<vmem_shared>>) target(%dma_start3A_141 : memref<632x96xf32, #tpu.memory_space<hbm>>) target_semaphore(%run_scoped3A : memref<!tpu.dma_semaphore, #tpu.memory_space<semaphore_mem>>)
        %dma_wait3A_144 = arith.constant 0 : i32
        %dma_wait3A_145 = tpu.memref_slice %arg10[%mul3A_0, %dma_wait3A_144] : memref<10112x96xf32, #tpu.memory_space<hbm>> -> memref<632x96xf32, #tpu.memory_space<hbm>>
        %dma_wait3A_146 = arith.constant 0 : i32
        %dma_wait3A_147 = tpu.memref_slice %arg16[%mul3A_0, %dma_wait3A_146] : memref<10112x96xf32, #tpu.memory_space<vmem_shared>> -> memref<632x96xf32, #tpu.memory_space<vmem_shared>>
        tpu.wait_dma2 semaphore(%run_scoped3A : memref<!tpu.dma_semaphore, #tpu.memory_space<semaphore_mem>>) src(%dma_wait3A_147 : memref<632x96xf32, #tpu.memory_space<vmem_shared>>) dst(%dma_wait3A_145 : memref<632x96xf32, #tpu.memory_space<hbm>>)
        tpu.yield
      }) : () -> ()
    } else {
    }
    %eq3A_3 = arith.constant 1 : i32
    %eq3A_4 = arith.cmpi eq, %arg0, %eq3A_3 : i32
    %convert_element_type3A_5 = arith.extui %eq3A_4 : i1 to i32
    %cond3A_6 = arith.constant 0 : i32
    %cond3A_7 = arith.cmpi ne, %convert_element_type3A_5, %cond3A_6 : i32
    scf.if %cond3A_7 {
      "tpu.region"() ({
        %run_scoped3A = tpu.sem_alloc : memref<!tpu.dma_semaphore, #tpu.memory_space<semaphore_mem>>
        %dma_start3A_140 = arith.constant 0 : i32
        %dma_start3A_141 = tpu.memref_slice %arg16[%mul3A_0, %dma_start3A_140] : memref<10112x96xf32, #tpu.memory_space<vmem_shared>> -> memref<632x96xf32, #tpu.memory_space<vmem_shared>>
        tpu.enqueue_dma source(%arg8 : memref<632x96xf32, #tpu.memory_space<hbm>>) target(%dma_start3A_141 : memref<632x96xf32, #tpu.memory_space<vmem_shared>>) target_semaphore(%run_scoped3A : memref<!tpu.dma_semaphore, #tpu.memory_space<semaphore_mem>>)
        %dma_wait3A_142 = arith.constant 0 : i32
        %dma_wait3A_143 = tpu.memref_slice %arg16[%mul3A_0, %dma_wait3A_142] : memref<10112x96xf32, #tpu.memory_space<vmem_shared>> -> memref<632x96xf32, #tpu.memory_space<vmem_shared>>
        tpu.wait_dma2 semaphore(%run_scoped3A : memref<!tpu.dma_semaphore, #tpu.memory_space<semaphore_mem>>) src(%arg8 : memref<632x96xf32, #tpu.memory_space<hbm>>) dst(%dma_wait3A_143 : memref<632x96xf32, #tpu.memory_space<vmem_shared>>)
        tpu.yield
      }) : () -> ()
      %barrier3A = arith.constant 0 : index
      tpu.barrier barrier_id(%barrier3A)
      %dma_start3A = arith.constant 0 : i32
      %dma_start3A_8 = arith.constant 0 : i32
      %dma_start3A_9 = arith.constant 0 : i32
      %dma_start3A_10 = arith.constant 0 : i32
      %dma_start3A_11 = arith.constant 0 : i32
      %dma_start3A_12 = tpu.memref_slice %arg15[%dma_start3A_8, %dma_start3A_10, %dma_start3A_11] : memref<2x256x96xf32, #tpu.memory_space<vmem>> -> memref<1x256x96xf32, #tpu.memory_space<vmem>>
      %dma_start3A_13 = tpu.memref_squeeze %dma_start3A_12 : memref<1x256x96xf32, #tpu.memory_space<vmem>> -> memref<256x96xf32, #tpu.memory_space<vmem>>
      %dma_start3A_14 = arith.constant 0 : i32
      %dma_start3A_15 = tpu.memref_slice %arg13[%dma_start3A, %dma_start3A_14] : memref<40x256xi32, #tpu.memory_space<vmem>> -> memref<1x256xi32, #tpu.memory_space<vmem>>
      %dma_start3A_16 = tpu.memref_squeeze %dma_start3A_15 : memref<1x256xi32, #tpu.memory_space<vmem>> -> memref<256xi32, #tpu.memory_space<vmem>>
      %dma_start3A_17 = arith.constant 0 : i32
      %dma_start3A_18 = arith.constant 0 : i32
      %dma_start3A_19 = tpu.memref_slice %arg4[%dma_start3A_17, %dma_start3A_18] : memref<10000x96xf32, #tpu.memory_space<hbm>> -> memref<10000x96xf32, #tpu.memory_space<hbm>>
      %dma_start3A_20 = tpu.memref_slice %arg17[%dma_start3A_9] : memref<2x!tpu.dma_semaphore, #tpu.memory_space<semaphore_mem>> -> memref<1x!tpu.dma_semaphore, #tpu.memory_space<semaphore_mem>>
      %dma_start3A_21 = tpu.memref_squeeze %dma_start3A_20 : memref<1x!tpu.dma_semaphore, #tpu.memory_space<semaphore_mem>> -> memref<!tpu.dma_semaphore, #tpu.memory_space<semaphore_mem>>
      tpu.enqueue_indirect_dma source(%dma_start3A_19 : memref<10000x96xf32, #tpu.memory_space<hbm>>) target(%dma_start3A_13 : memref<256x96xf32, #tpu.memory_space<vmem>>) offsets(%dma_start3A_16 : memref<256xi32, #tpu.memory_space<vmem>>) semaphore(%dma_start3A_21 : memref<!tpu.dma_semaphore, #tpu.memory_space<semaphore_mem>>)
      %dma_start3A_22 = arith.constant 1 : i32
      %dma_start3A_23 = arith.constant 1 : i32
      %dma_start3A_24 = arith.constant 1 : i32
      %dma_start3A_25 = arith.constant 0 : i32
      %dma_start3A_26 = arith.constant 0 : i32
      %dma_start3A_27 = tpu.memref_slice %arg15[%dma_start3A_23, %dma_start3A_25, %dma_start3A_26] : memref<2x256x96xf32, #tpu.memory_space<vmem>> -> memref<1x256x96xf32, #tpu.memory_space<vmem>>
      %dma_start3A_28 = tpu.memref_squeeze %dma_start3A_27 : memref<1x256x96xf32, #tpu.memory_space<vmem>> -> memref<256x96xf32, #tpu.memory_space<vmem>>
      %dma_start3A_29 = arith.constant 0 : i32
      %dma_start3A_30 = tpu.memref_slice %arg13[%dma_start3A_22, %dma_start3A_29] : memref<40x256xi32, #tpu.memory_space<vmem>> -> memref<1x256xi32, #tpu.memory_space<vmem>>
      %dma_start3A_31 = tpu.memref_squeeze %dma_start3A_30 : memref<1x256xi32, #tpu.memory_space<vmem>> -> memref<256xi32, #tpu.memory_space<vmem>>
      %dma_start3A_32 = arith.constant 0 : i32
      %dma_start3A_33 = arith.constant 0 : i32
      %dma_start3A_34 = tpu.memref_slice %arg4[%dma_start3A_32, %dma_start3A_33] : memref<10000x96xf32, #tpu.memory_space<hbm>> -> memref<10000x96xf32, #tpu.memory_space<hbm>>
      %dma_start3A_35 = tpu.memref_slice %arg17[%dma_start3A_24] : memref<2x!tpu.dma_semaphore, #tpu.memory_space<semaphore_mem>> -> memref<1x!tpu.dma_semaphore, #tpu.memory_space<semaphore_mem>>
      %dma_start3A_36 = tpu.memref_squeeze %dma_start3A_35 : memref<1x!tpu.dma_semaphore, #tpu.memory_space<semaphore_mem>> -> memref<!tpu.dma_semaphore, #tpu.memory_space<semaphore_mem>>
      tpu.enqueue_indirect_dma source(%dma_start3A_34 : memref<10000x96xf32, #tpu.memory_space<hbm>>) target(%dma_start3A_28 : memref<256x96xf32, #tpu.memory_space<vmem>>) offsets(%dma_start3A_31 : memref<256xi32, #tpu.memory_space<vmem>>) semaphore(%dma_start3A_36 : memref<!tpu.dma_semaphore, #tpu.memory_space<semaphore_mem>>)
      %scan3A = arith.constant 0 : i32
      %scan3A_37 = arith.constant 0 : i32
      %scan3A_38 = arith.constant 20 : i32
      %scan3A_39 = arith.addi %scan3A_37, %scan3A_38 : i32
      %scan3A_40 = arith.constant 1 : i32
      scf.for %scan3A_140 = %scan3A_37 to %scan3A_39 step %scan3A_40  : i32 {
        %mul3A_141 = arith.constant 2 : i32
        %mul3A_142 = arith.muli %mul3A_141, %scan3A_140 : i32
        %add3A = arith.constant 0 : i32
        %add3A_143 = arith.addi %mul3A_142, %add3A : i32
        %lt3A = arith.constant 40 : i32
        %lt3A_144 = arith.cmpi slt, %add3A_143, %lt3A : i32
        %convert_element_type3A_145 = arith.extui %lt3A_144 : i1 to i32
        %cond3A_146 = arith.constant 0 : i32
        %cond3A_147 = arith.cmpi ne, %convert_element_type3A_145, %cond3A_146 : i32
        scf.if %cond3A_147 {
          %dma_wait3A_157 = arith.constant 0 : i32
          %dma_wait3A_158 = arith.constant 0 : i32
          %dma_wait3A_159 = arith.constant 0 : i32
          %dma_wait3A_160 = arith.constant 0 : i32
          %dma_wait3A_161 = tpu.memref_slice %arg15[%dma_wait3A_157, %dma_wait3A_159, %dma_wait3A_160] : memref<2x256x96xf32, #tpu.memory_space<vmem>> -> memref<1x256x96xf32, #tpu.memory_space<vmem>>
          %dma_wait3A_162 = tpu.memref_squeeze %dma_wait3A_161 : memref<1x256x96xf32, #tpu.memory_space<vmem>> -> memref<256x96xf32, #tpu.memory_space<vmem>>
          %dma_wait3A_163 = arith.constant 0 : i32
          %dma_wait3A_164 = tpu.memref_slice %arg13[%add3A_143, %dma_wait3A_163] : memref<40x256xi32, #tpu.memory_space<vmem>> -> memref<1x256xi32, #tpu.memory_space<vmem>>
          %dma_wait3A_165 = tpu.memref_squeeze %dma_wait3A_164 : memref<1x256xi32, #tpu.memory_space<vmem>> -> memref<256xi32, #tpu.memory_space<vmem>>
          %dma_wait3A_166 = arith.constant 0 : i32
          %dma_wait3A_167 = arith.constant 0 : i32
          %dma_wait3A_168 = tpu.memref_slice %arg4[%dma_wait3A_166, %dma_wait3A_167] : memref<10000x96xf32, #tpu.memory_space<hbm>> -> memref<10000x96xf32, #tpu.memory_space<hbm>>
          %dma_wait3A_169 = tpu.memref_slice %arg17[%dma_wait3A_158] : memref<2x!tpu.dma_semaphore, #tpu.memory_space<semaphore_mem>> -> memref<1x!tpu.dma_semaphore, #tpu.memory_space<semaphore_mem>>
          %dma_wait3A_170 = tpu.memref_squeeze %dma_wait3A_169 : memref<1x!tpu.dma_semaphore, #tpu.memory_space<semaphore_mem>> -> memref<!tpu.dma_semaphore, #tpu.memory_space<semaphore_mem>>
          tpu.wait_indirect_dma semaphore(%dma_wait3A_170 : memref<!tpu.dma_semaphore, #tpu.memory_space<semaphore_mem>>) src(%dma_wait3A_168 : memref<10000x96xf32, #tpu.memory_space<hbm>>) dst(%dma_wait3A_162 : memref<256x96xf32, #tpu.memory_space<vmem>>)
          %dma_start3A_171 = arith.constant 0 : i32
          %dma_start3A_172 = arith.constant 0 : i32
          %dma_start3A_173 = arith.constant 0 : i32
          %dma_start3A_174 = arith.constant 0 : i32
          %dma_start3A_175 = tpu.memref_slice %arg15[%dma_start3A_171, %dma_start3A_173, %dma_start3A_174] : memref<2x256x96xf32, #tpu.memory_space<vmem>> -> memref<1x256x96xf32, #tpu.memory_space<vmem>>
          %dma_start3A_176 = tpu.memref_squeeze %dma_start3A_175 : memref<1x256x96xf32, #tpu.memory_space<vmem>> -> memref<256x96xf32, #tpu.memory_space<vmem>>
          %dma_start3A_177 = arith.constant 0 : i32
          %dma_start3A_178 = tpu.memref_slice %arg14[%add3A_143, %dma_start3A_177] : memref<40x256xi32, #tpu.memory_space<vmem>> -> memref<1x256xi32, #tpu.memory_space<vmem>>
          %dma_start3A_179 = tpu.memref_squeeze %dma_start3A_178 : memref<1x256xi32, #tpu.memory_space<vmem>> -> memref<256xi32, #tpu.memory_space<vmem>>
          %dma_start3A_180 = arith.constant 0 : i32
          %dma_start3A_181 = arith.constant 0 : i32
          %dma_start3A_182 = tpu.memref_slice %arg16[%dma_start3A_180, %dma_start3A_181] : memref<10112x96xf32, #tpu.memory_space<vmem_shared>> -> memref<10112x96xf32, #tpu.memory_space<vmem_shared>>
          %dma_start3A_183 = tpu.memref_slice %arg18[%dma_start3A_172] : memref<2x!tpu.dma_semaphore, #tpu.memory_space<semaphore_mem>> -> memref<1x!tpu.dma_semaphore, #tpu.memory_space<semaphore_mem>>
          %dma_start3A_184 = tpu.memref_squeeze %dma_start3A_183 : memref<1x!tpu.dma_semaphore, #tpu.memory_space<semaphore_mem>> -> memref<!tpu.dma_semaphore, #tpu.memory_space<semaphore_mem>>
          tpu.enqueue_indirect_dma source(%dma_start3A_176 : memref<256x96xf32, #tpu.memory_space<vmem>>) target(%dma_start3A_182 : memref<10112x96xf32, #tpu.memory_space<vmem_shared>>) offsets(%dma_start3A_179 : memref<256xi32, #tpu.memory_space<vmem>>) semaphore(%dma_start3A_184 : memref<!tpu.dma_semaphore, #tpu.memory_space<semaphore_mem>>) {add = true}
          %add3A_185 = arith.constant 2 : i32
          %add3A_186 = arith.addi %add3A_143, %add3A_185 : i32
          %lt3A_187 = arith.constant 40 : i32
          %lt3A_188 = arith.cmpi slt, %add3A_186, %lt3A_187 : i32
          %convert_element_type3A_189 = arith.extui %lt3A_188 : i1 to i32
          %cond3A_190 = arith.constant 0 : i32
          %cond3A_191 = arith.cmpi ne, %convert_element_type3A_189, %cond3A_190 : i32
          scf.if %cond3A_191 {
            %dma_wait3A_192 = arith.constant 0 : i32
            %dma_wait3A_193 = arith.constant 0 : i32
            %dma_wait3A_194 = arith.constant 0 : i32
            %dma_wait3A_195 = arith.constant 0 : i32
            %dma_wait3A_196 = tpu.memref_slice %arg15[%dma_wait3A_192, %dma_wait3A_194, %dma_wait3A_195] : memref<2x256x96xf32, #tpu.memory_space<vmem>> -> memref<1x256x96xf32, #tpu.memory_space<vmem>>
            %dma_wait3A_197 = tpu.memref_squeeze %dma_wait3A_196 : memref<1x256x96xf32, #tpu.memory_space<vmem>> -> memref<256x96xf32, #tpu.memory_space<vmem>>
            %dma_wait3A_198 = arith.constant 0 : i32
            %dma_wait3A_199 = tpu.memref_slice %arg14[%add3A_143, %dma_wait3A_198] : memref<40x256xi32, #tpu.memory_space<vmem>> -> memref<1x256xi32, #tpu.memory_space<vmem>>
            %dma_wait3A_200 = tpu.memref_squeeze %dma_wait3A_199 : memref<1x256xi32, #tpu.memory_space<vmem>> -> memref<256xi32, #tpu.memory_space<vmem>>
            %dma_wait3A_201 = arith.constant 0 : i32
            %dma_wait3A_202 = arith.constant 0 : i32
            %dma_wait3A_203 = tpu.memref_slice %arg16[%dma_wait3A_201, %dma_wait3A_202] : memref<10112x96xf32, #tpu.memory_space<vmem_shared>> -> memref<10112x96xf32, #tpu.memory_space<vmem_shared>>
            %dma_wait3A_204 = tpu.memref_slice %arg18[%dma_wait3A_193] : memref<2x!tpu.dma_semaphore, #tpu.memory_space<semaphore_mem>> -> memref<1x!tpu.dma_semaphore, #tpu.memory_space<semaphore_mem>>
            %dma_wait3A_205 = tpu.memref_squeeze %dma_wait3A_204 : memref<1x!tpu.dma_semaphore, #tpu.memory_space<semaphore_mem>> -> memref<!tpu.dma_semaphore, #tpu.memory_space<semaphore_mem>>
            tpu.wait_indirect_dma semaphore(%dma_wait3A_205 : memref<!tpu.dma_semaphore, #tpu.memory_space<semaphore_mem>>) src(%dma_wait3A_197 : memref<256x96xf32, #tpu.memory_space<vmem>>) dst(%dma_wait3A_203 : memref<10112x96xf32, #tpu.memory_space<vmem_shared>>)
            %add3A_206 = arith.constant 2 : i32
            %add3A_207 = arith.addi %add3A_143, %add3A_206 : i32
            %dma_start3A_208 = arith.constant 0 : i32
            %dma_start3A_209 = arith.constant 0 : i32
            %dma_start3A_210 = arith.constant 0 : i32
            %dma_start3A_211 = arith.constant 0 : i32
            %dma_start3A_212 = tpu.memref_slice %arg15[%dma_start3A_208, %dma_start3A_210, %dma_start3A_211] : memref<2x256x96xf32, #tpu.memory_space<vmem>> -> memref<1x256x96xf32, #tpu.memory_space<vmem>>
            %dma_start3A_213 = tpu.memref_squeeze %dma_start3A_212 : memref<1x256x96xf32, #tpu.memory_space<vmem>> -> memref<256x96xf32, #tpu.memory_space<vmem>>
            %dma_start3A_214 = arith.constant 0 : i32
            %dma_start3A_215 = tpu.memref_slice %arg13[%add3A_207, %dma_start3A_214] : memref<40x256xi32, #tpu.memory_space<vmem>> -> memref<1x256xi32, #tpu.memory_space<vmem>>
            %dma_start3A_216 = tpu.memref_squeeze %dma_start3A_215 : memref<1x256xi32, #tpu.memory_space<vmem>> -> memref<256xi32, #tpu.memory_space<vmem>>
            %dma_start3A_217 = arith.constant 0 : i32
            %dma_start3A_218 = arith.constant 0 : i32
            %dma_start3A_219 = tpu.memref_slice %arg4[%dma_start3A_217, %dma_start3A_218] : memref<10000x96xf32, #tpu.memory_space<hbm>> -> memref<10000x96xf32, #tpu.memory_space<hbm>>
            %dma_start3A_220 = tpu.memref_slice %arg17[%dma_start3A_209] : memref<2x!tpu.dma_semaphore, #tpu.memory_space<semaphore_mem>> -> memref<1x!tpu.dma_semaphore, #tpu.memory_space<semaphore_mem>>
            %dma_start3A_221 = tpu.memref_squeeze %dma_start3A_220 : memref<1x!tpu.dma_semaphore, #tpu.memory_space<semaphore_mem>> -> memref<!tpu.dma_semaphore, #tpu.memory_space<semaphore_mem>>
            tpu.enqueue_indirect_dma source(%dma_start3A_219 : memref<10000x96xf32, #tpu.memory_space<hbm>>) target(%dma_start3A_213 : memref<256x96xf32, #tpu.memory_space<vmem>>) offsets(%dma_start3A_216 : memref<256xi32, #tpu.memory_space<vmem>>) semaphore(%dma_start3A_221 : memref<!tpu.dma_semaphore, #tpu.memory_space<semaphore_mem>>)
          } else {
          }
        } else {
        }
        %mul3A_148 = arith.constant 2 : i32
        %mul3A_149 = arith.muli %mul3A_148, %scan3A_140 : i32
        %add3A_150 = arith.constant 1 : i32
        %add3A_151 = arith.addi %mul3A_149, %add3A_150 : i32
        %lt3A_152 = arith.constant 40 : i32
        %lt3A_153 = arith.cmpi slt, %add3A_151, %lt3A_152 : i32
        %convert_element_type3A_154 = arith.extui %lt3A_153 : i1 to i32
        %cond3A_155 = arith.constant 0 : i32
        %cond3A_156 = arith.cmpi ne, %convert_element_type3A_154, %cond3A_155 : i32
        scf.if %cond3A_156 {
          %dma_wait3A_157 = arith.constant 1 : i32
          %dma_wait3A_158 = arith.constant 1 : i32
          %dma_wait3A_159 = arith.constant 0 : i32
          %dma_wait3A_160 = arith.constant 0 : i32
          %dma_wait3A_161 = tpu.memref_slice %arg15[%dma_wait3A_157, %dma_wait3A_159, %dma_wait3A_160] : memref<2x256x96xf32, #tpu.memory_space<vmem>> -> memref<1x256x96xf32, #tpu.memory_space<vmem>>
          %dma_wait3A_162 = tpu.memref_squeeze %dma_wait3A_161 : memref<1x256x96xf32, #tpu.memory_space<vmem>> -> memref<256x96xf32, #tpu.memory_space<vmem>>
          %dma_wait3A_163 = arith.constant 0 : i32
          %dma_wait3A_164 = tpu.memref_slice %arg13[%add3A_151, %dma_wait3A_163] : memref<40x256xi32, #tpu.memory_space<vmem>> -> memref<1x256xi32, #tpu.memory_space<vmem>>
          %dma_wait3A_165 = tpu.memref_squeeze %dma_wait3A_164 : memref<1x256xi32, #tpu.memory_space<vmem>> -> memref<256xi32, #tpu.memory_space<vmem>>
          %dma_wait3A_166 = arith.constant 0 : i32
          %dma_wait3A_167 = arith.constant 0 : i32
          %dma_wait3A_168 = tpu.memref_slice %arg4[%dma_wait3A_166, %dma_wait3A_167] : memref<10000x96xf32, #tpu.memory_space<hbm>> -> memref<10000x96xf32, #tpu.memory_space<hbm>>
          %dma_wait3A_169 = tpu.memref_slice %arg17[%dma_wait3A_158] : memref<2x!tpu.dma_semaphore, #tpu.memory_space<semaphore_mem>> -> memref<1x!tpu.dma_semaphore, #tpu.memory_space<semaphore_mem>>
          %dma_wait3A_170 = tpu.memref_squeeze %dma_wait3A_169 : memref<1x!tpu.dma_semaphore, #tpu.memory_space<semaphore_mem>> -> memref<!tpu.dma_semaphore, #tpu.memory_space<semaphore_mem>>
          tpu.wait_indirect_dma semaphore(%dma_wait3A_170 : memref<!tpu.dma_semaphore, #tpu.memory_space<semaphore_mem>>) src(%dma_wait3A_168 : memref<10000x96xf32, #tpu.memory_space<hbm>>) dst(%dma_wait3A_162 : memref<256x96xf32, #tpu.memory_space<vmem>>)
          %dma_start3A_171 = arith.constant 1 : i32
          %dma_start3A_172 = arith.constant 1 : i32
          %dma_start3A_173 = arith.constant 0 : i32
          %dma_start3A_174 = arith.constant 0 : i32
          %dma_start3A_175 = tpu.memref_slice %arg15[%dma_start3A_171, %dma_start3A_173, %dma_start3A_174] : memref<2x256x96xf32, #tpu.memory_space<vmem>> -> memref<1x256x96xf32, #tpu.memory_space<vmem>>
          %dma_start3A_176 = tpu.memref_squeeze %dma_start3A_175 : memref<1x256x96xf32, #tpu.memory_space<vmem>> -> memref<256x96xf32, #tpu.memory_space<vmem>>
          %dma_start3A_177 = arith.constant 0 : i32
          %dma_start3A_178 = tpu.memref_slice %arg14[%add3A_151, %dma_start3A_177] : memref<40x256xi32, #tpu.memory_space<vmem>> -> memref<1x256xi32, #tpu.memory_space<vmem>>
          %dma_start3A_179 = tpu.memref_squeeze %dma_start3A_178 : memref<1x256xi32, #tpu.memory_space<vmem>> -> memref<256xi32, #tpu.memory_space<vmem>>
          %dma_start3A_180 = arith.constant 0 : i32
          %dma_start3A_181 = arith.constant 0 : i32
          %dma_start3A_182 = tpu.memref_slice %arg16[%dma_start3A_180, %dma_start3A_181] : memref<10112x96xf32, #tpu.memory_space<vmem_shared>> -> memref<10112x96xf32, #tpu.memory_space<vmem_shared>>
          %dma_start3A_183 = tpu.memref_slice %arg18[%dma_start3A_172] : memref<2x!tpu.dma_semaphore, #tpu.memory_space<semaphore_mem>> -> memref<1x!tpu.dma_semaphore, #tpu.memory_space<semaphore_mem>>
          %dma_start3A_184 = tpu.memref_squeeze %dma_start3A_183 : memref<1x!tpu.dma_semaphore, #tpu.memory_space<semaphore_mem>> -> memref<!tpu.dma_semaphore, #tpu.memory_space<semaphore_mem>>
          tpu.enqueue_indirect_dma source(%dma_start3A_176 : memref<256x96xf32, #tpu.memory_space<vmem>>) target(%dma_start3A_182 : memref<10112x96xf32, #tpu.memory_space<vmem_shared>>) offsets(%dma_start3A_179 : memref<256xi32, #tpu.memory_space<vmem>>) semaphore(%dma_start3A_184 : memref<!tpu.dma_semaphore, #tpu.memory_space<semaphore_mem>>) {add = true}
          %add3A_185 = arith.constant 2 : i32
          %add3A_186 = arith.addi %add3A_151, %add3A_185 : i32
          %lt3A_187 = arith.constant 40 : i32
          %lt3A_188 = arith.cmpi slt, %add3A_186, %lt3A_187 : i32
          %convert_element_type3A_189 = arith.extui %lt3A_188 : i1 to i32
          %cond3A_190 = arith.constant 0 : i32
          %cond3A_191 = arith.cmpi ne, %convert_element_type3A_189, %cond3A_190 : i32
          scf.if %cond3A_191 {
            %dma_wait3A_192 = arith.constant 1 : i32
            %dma_wait3A_193 = arith.constant 1 : i32
            %dma_wait3A_194 = arith.constant 0 : i32
            %dma_wait3A_195 = arith.constant 0 : i32
            %dma_wait3A_196 = tpu.memref_slice %arg15[%dma_wait3A_192, %dma_wait3A_194, %dma_wait3A_195] : memref<2x256x96xf32, #tpu.memory_space<vmem>> -> memref<1x256x96xf32, #tpu.memory_space<vmem>>
            %dma_wait3A_197 = tpu.memref_squeeze %dma_wait3A_196 : memref<1x256x96xf32, #tpu.memory_space<vmem>> -> memref<256x96xf32, #tpu.memory_space<vmem>>
            %dma_wait3A_198 = arith.constant 0 : i32
            %dma_wait3A_199 = tpu.memref_slice %arg14[%add3A_151, %dma_wait3A_198] : memref<40x256xi32, #tpu.memory_space<vmem>> -> memref<1x256xi32, #tpu.memory_space<vmem>>
            %dma_wait3A_200 = tpu.memref_squeeze %dma_wait3A_199 : memref<1x256xi32, #tpu.memory_space<vmem>> -> memref<256xi32, #tpu.memory_space<vmem>>
            %dma_wait3A_201 = arith.constant 0 : i32
            %dma_wait3A_202 = arith.constant 0 : i32
            %dma_wait3A_203 = tpu.memref_slice %arg16[%dma_wait3A_201, %dma_wait3A_202] : memref<10112x96xf32, #tpu.memory_space<vmem_shared>> -> memref<10112x96xf32, #tpu.memory_space<vmem_shared>>
            %dma_wait3A_204 = tpu.memref_slice %arg18[%dma_wait3A_193] : memref<2x!tpu.dma_semaphore, #tpu.memory_space<semaphore_mem>> -> memref<1x!tpu.dma_semaphore, #tpu.memory_space<semaphore_mem>>
            %dma_wait3A_205 = tpu.memref_squeeze %dma_wait3A_204 : memref<1x!tpu.dma_semaphore, #tpu.memory_space<semaphore_mem>> -> memref<!tpu.dma_semaphore, #tpu.memory_space<semaphore_mem>>
            tpu.wait_indirect_dma semaphore(%dma_wait3A_205 : memref<!tpu.dma_semaphore, #tpu.memory_space<semaphore_mem>>) src(%dma_wait3A_197 : memref<256x96xf32, #tpu.memory_space<vmem>>) dst(%dma_wait3A_203 : memref<10112x96xf32, #tpu.memory_space<vmem_shared>>)
            %add3A_206 = arith.constant 2 : i32
            %add3A_207 = arith.addi %add3A_151, %add3A_206 : i32
            %dma_start3A_208 = arith.constant 1 : i32
            %dma_start3A_209 = arith.constant 1 : i32
            %dma_start3A_210 = arith.constant 0 : i32
            %dma_start3A_211 = arith.constant 0 : i32
            %dma_start3A_212 = tpu.memref_slice %arg15[%dma_start3A_208, %dma_start3A_210, %dma_start3A_211] : memref<2x256x96xf32, #tpu.memory_space<vmem>> -> memref<1x256x96xf32, #tpu.memory_space<vmem>>
            %dma_start3A_213 = tpu.memref_squeeze %dma_start3A_212 : memref<1x256x96xf32, #tpu.memory_space<vmem>> -> memref<256x96xf32, #tpu.memory_space<vmem>>
            %dma_start3A_214 = arith.constant 0 : i32
            %dma_start3A_215 = tpu.memref_slice %arg13[%add3A_207, %dma_start3A_214] : memref<40x256xi32, #tpu.memory_space<vmem>> -> memref<1x256xi32, #tpu.memory_space<vmem>>
            %dma_start3A_216 = tpu.memref_squeeze %dma_start3A_215 : memref<1x256xi32, #tpu.memory_space<vmem>> -> memref<256xi32, #tpu.memory_space<vmem>>
            %dma_start3A_217 = arith.constant 0 : i32
            %dma_start3A_218 = arith.constant 0 : i32
            %dma_start3A_219 = tpu.memref_slice %arg4[%dma_start3A_217, %dma_start3A_218] : memref<10000x96xf32, #tpu.memory_space<hbm>> -> memref<10000x96xf32, #tpu.memory_space<hbm>>
            %dma_start3A_220 = tpu.memref_slice %arg17[%dma_start3A_209] : memref<2x!tpu.dma_semaphore, #tpu.memory_space<semaphore_mem>> -> memref<1x!tpu.dma_semaphore, #tpu.memory_space<semaphore_mem>>
            %dma_start3A_221 = tpu.memref_squeeze %dma_start3A_220 : memref<1x!tpu.dma_semaphore, #tpu.memory_space<semaphore_mem>> -> memref<!tpu.dma_semaphore, #tpu.memory_space<semaphore_mem>>
            tpu.enqueue_indirect_dma source(%dma_start3A_219 : memref<10000x96xf32, #tpu.memory_space<hbm>>) target(%dma_start3A_213 : memref<256x96xf32, #tpu.memory_space<vmem>>) offsets(%dma_start3A_216 : memref<256xi32, #tpu.memory_space<vmem>>) semaphore(%dma_start3A_221 : memref<!tpu.dma_semaphore, #tpu.memory_space<semaphore_mem>>)
          } else {
          }
        } else {
        }
      }
      %scan3A_41 = arith.constant 20 : i32
      %dma_wait3A = arith.constant 0 : i32
      %dma_wait3A_42 = arith.constant 38 : i32
      %dma_wait3A_43 = arith.constant 0 : i32
      %dma_wait3A_44 = arith.constant 0 : i32
      %dma_wait3A_45 = arith.constant 0 : i32
      %dma_wait3A_46 = tpu.memref_slice %arg15[%dma_wait3A, %dma_wait3A_44, %dma_wait3A_45] : memref<2x256x96xf32, #tpu.memory_space<vmem>> -> memref<1x256x96xf32, #tpu.memory_space<vmem>>
      %dma_wait3A_47 = tpu.memref_squeeze %dma_wait3A_46 : memref<1x256x96xf32, #tpu.memory_space<vmem>> -> memref<256x96xf32, #tpu.memory_space<vmem>>
      %dma_wait3A_48 = arith.constant 0 : i32
      %dma_wait3A_49 = tpu.memref_slice %arg14[%dma_wait3A_42, %dma_wait3A_48] : memref<40x256xi32, #tpu.memory_space<vmem>> -> memref<1x256xi32, #tpu.memory_space<vmem>>
      %dma_wait3A_50 = tpu.memref_squeeze %dma_wait3A_49 : memref<1x256xi32, #tpu.memory_space<vmem>> -> memref<256xi32, #tpu.memory_space<vmem>>
      %dma_wait3A_51 = arith.constant 0 : i32
      %dma_wait3A_52 = arith.constant 0 : i32
      %dma_wait3A_53 = tpu.memref_slice %arg16[%dma_wait3A_51, %dma_wait3A_52] : memref<10112x96xf32, #tpu.memory_space<vmem_shared>> -> memref<10112x96xf32, #tpu.memory_space<vmem_shared>>
      %dma_wait3A_54 = tpu.memref_slice %arg18[%dma_wait3A_43] : memref<2x!tpu.dma_semaphore, #tpu.memory_space<semaphore_mem>> -> memref<1x!tpu.dma_semaphore, #tpu.memory_space<semaphore_mem>>
      %dma_wait3A_55 = tpu.memref_squeeze %dma_wait3A_54 : memref<1x!tpu.dma_semaphore, #tpu.memory_space<semaphore_mem>> -> memref<!tpu.dma_semaphore, #tpu.memory_space<semaphore_mem>>
      tpu.wait_indirect_dma semaphore(%dma_wait3A_55 : memref<!tpu.dma_semaphore, #tpu.memory_space<semaphore_mem>>) src(%dma_wait3A_47 : memref<256x96xf32, #tpu.memory_space<vmem>>) dst(%dma_wait3A_53 : memref<10112x96xf32, #tpu.memory_space<vmem_shared>>)
      %dma_wait3A_56 = arith.constant 1 : i32
      %dma_wait3A_57 = arith.constant 39 : i32
      %dma_wait3A_58 = arith.constant 1 : i32
      %dma_wait3A_59 = arith.constant 0 : i32
      %dma_wait3A_60 = arith.constant 0 : i32
      %dma_wait3A_61 = tpu.memref_slice %arg15[%dma_wait3A_56, %dma_wait3A_59, %dma_wait3A_60] : memref<2x256x96xf32, #tpu.memory_space<vmem>> -> memref<1x256x96xf32, #tpu.memory_space<vmem>>
      %dma_wait3A_62 = tpu.memref_squeeze %dma_wait3A_61 : memref<1x256x96xf32, #tpu.memory_space<vmem>> -> memref<256x96xf32, #tpu.memory_space<vmem>>
      %dma_wait3A_63 = arith.constant 0 : i32
      %dma_wait3A_64 = tpu.memref_slice %arg14[%dma_wait3A_57, %dma_wait3A_63] : memref<40x256xi32, #tpu.memory_space<vmem>> -> memref<1x256xi32, #tpu.memory_space<vmem>>
      %dma_wait3A_65 = tpu.memref_squeeze %dma_wait3A_64 : memref<1x256xi32, #tpu.memory_space<vmem>> -> memref<256xi32, #tpu.memory_space<vmem>>
      %dma_wait3A_66 = arith.constant 0 : i32
      %dma_wait3A_67 = arith.constant 0 : i32
      %dma_wait3A_68 = tpu.memref_slice %arg16[%dma_wait3A_66, %dma_wait3A_67] : memref<10112x96xf32, #tpu.memory_space<vmem_shared>> -> memref<10112x96xf32, #tpu.memory_space<vmem_shared>>
      %dma_wait3A_69 = tpu.memref_slice %arg18[%dma_wait3A_58] : memref<2x!tpu.dma_semaphore, #tpu.memory_space<semaphore_mem>> -> memref<1x!tpu.dma_semaphore, #tpu.memory_space<semaphore_mem>>
      %dma_wait3A_70 = tpu.memref_squeeze %dma_wait3A_69 : memref<1x!tpu.dma_semaphore, #tpu.memory_space<semaphore_mem>> -> memref<!tpu.dma_semaphore, #tpu.memory_space<semaphore_mem>>
      tpu.wait_indirect_dma semaphore(%dma_wait3A_70 : memref<!tpu.dma_semaphore, #tpu.memory_space<semaphore_mem>>) src(%dma_wait3A_62 : memref<256x96xf32, #tpu.memory_space<vmem>>) dst(%dma_wait3A_68 : memref<10112x96xf32, #tpu.memory_space<vmem_shared>>)
      %barrier3A_71 = arith.constant 0 : index
      tpu.barrier barrier_id(%barrier3A_71)
      "tpu.region"() ({
        %run_scoped3A = tpu.sem_alloc : memref<!tpu.dma_semaphore, #tpu.memory_space<semaphore_mem>>
        %dma_start3A_140 = arith.constant 0 : i32
        %dma_start3A_141 = tpu.memref_slice %arg11[%mul3A_0, %dma_start3A_140] : memref<10112x96xf32, #tpu.memory_space<hbm>> -> memref<632x96xf32, #tpu.memory_space<hbm>>
        %dma_start3A_142 = arith.constant 0 : i32
        %dma_start3A_143 = tpu.memref_slice %arg16[%mul3A_0, %dma_start3A_142] : memref<10112x96xf32, #tpu.memory_space<vmem_shared>> -> memref<632x96xf32, #tpu.memory_space<vmem_shared>>
        tpu.enqueue_dma source(%dma_start3A_143 : memref<632x96xf32, #tpu.memory_space<vmem_shared>>) target(%dma_start3A_141 : memref<632x96xf32, #tpu.memory_space<hbm>>) target_semaphore(%run_scoped3A : memref<!tpu.dma_semaphore, #tpu.memory_space<semaphore_mem>>)
        %dma_wait3A_144 = arith.constant 0 : i32
        %dma_wait3A_145 = tpu.memref_slice %arg11[%mul3A_0, %dma_wait3A_144] : memref<10112x96xf32, #tpu.memory_space<hbm>> -> memref<632x96xf32, #tpu.memory_space<hbm>>
        %dma_wait3A_146 = arith.constant 0 : i32
        %dma_wait3A_147 = tpu.memref_slice %arg16[%mul3A_0, %dma_wait3A_146] : memref<10112x96xf32, #tpu.memory_space<vmem_shared>> -> memref<632x96xf32, #tpu.memory_space<vmem_shared>>
        tpu.wait_dma2 semaphore(%run_scoped3A : memref<!tpu.dma_semaphore, #tpu.memory_space<semaphore_mem>>) src(%dma_wait3A_147 : memref<632x96xf32, #tpu.memory_space<vmem_shared>>) dst(%dma_wait3A_145 : memref<632x96xf32, #tpu.memory_space<hbm>>)
        tpu.yield
      }) : () -> ()
      "tpu.region"() ({
        %run_scoped3A = tpu.sem_alloc : memref<!tpu.dma_semaphore, #tpu.memory_space<semaphore_mem>>
        %dma_start3A_140 = arith.constant 0 : i32
        %dma_start3A_141 = tpu.memref_slice %arg16[%mul3A_0, %dma_start3A_140] : memref<10112x96xf32, #tpu.memory_space<vmem_shared>> -> memref<632x96xf32, #tpu.memory_space<vmem_shared>>
        tpu.enqueue_dma source(%arg8 : memref<632x96xf32, #tpu.memory_space<hbm>>) target(%dma_start3A_141 : memref<632x96xf32, #tpu.memory_space<vmem_shared>>) target_semaphore(%run_scoped3A : memref<!tpu.dma_semaphore, #tpu.memory_space<semaphore_mem>>)
        %dma_wait3A_142 = arith.constant 0 : i32
        %dma_wait3A_143 = tpu.memref_slice %arg16[%mul3A_0, %dma_wait3A_142] : memref<10112x96xf32, #tpu.memory_space<vmem_shared>> -> memref<632x96xf32, #tpu.memory_space<vmem_shared>>
        tpu.wait_dma2 semaphore(%run_scoped3A : memref<!tpu.dma_semaphore, #tpu.memory_space<semaphore_mem>>) src(%arg8 : memref<632x96xf32, #tpu.memory_space<hbm>>) dst(%dma_wait3A_143 : memref<632x96xf32, #tpu.memory_space<vmem_shared>>)
        tpu.yield
      }) : () -> ()
      %barrier3A_72 = arith.constant 0 : index
      tpu.barrier barrier_id(%barrier3A_72)
      %dma_start3A_73 = arith.constant 0 : i32
      %dma_start3A_74 = arith.constant 0 : i32
      %dma_start3A_75 = arith.constant 0 : i32
      %dma_start3A_76 = arith.constant 0 : i32
      %dma_start3A_77 = arith.constant 0 : i32
      %dma_start3A_78 = tpu.memref_slice %arg15[%dma_start3A_74, %dma_start3A_76, %dma_start3A_77] : memref<2x256x96xf32, #tpu.memory_space<vmem>> -> memref<1x256x96xf32, #tpu.memory_space<vmem>>
      %dma_start3A_79 = tpu.memref_squeeze %dma_start3A_78 : memref<1x256x96xf32, #tpu.memory_space<vmem>> -> memref<256x96xf32, #tpu.memory_space<vmem>>
      %dma_start3A_80 = arith.constant 0 : i32
      %dma_start3A_81 = tpu.memref_slice %arg13[%dma_start3A_73, %dma_start3A_80] : memref<40x256xi32, #tpu.memory_space<vmem>> -> memref<1x256xi32, #tpu.memory_space<vmem>>
      %dma_start3A_82 = tpu.memref_squeeze %dma_start3A_81 : memref<1x256xi32, #tpu.memory_space<vmem>> -> memref<256xi32, #tpu.memory_space<vmem>>
      %dma_start3A_83 = arith.constant 0 : i32
      %dma_start3A_84 = arith.constant 0 : i32
      %dma_start3A_85 = tpu.memref_slice %arg5[%dma_start3A_83, %dma_start3A_84] : memref<10000x96xf32, #tpu.memory_space<hbm>> -> memref<10000x96xf32, #tpu.memory_space<hbm>>
      %dma_start3A_86 = tpu.memref_slice %arg17[%dma_start3A_75] : memref<2x!tpu.dma_semaphore, #tpu.memory_space<semaphore_mem>> -> memref<1x!tpu.dma_semaphore, #tpu.memory_space<semaphore_mem>>
      %dma_start3A_87 = tpu.memref_squeeze %dma_start3A_86 : memref<1x!tpu.dma_semaphore, #tpu.memory_space<semaphore_mem>> -> memref<!tpu.dma_semaphore, #tpu.memory_space<semaphore_mem>>
      tpu.enqueue_indirect_dma source(%dma_start3A_85 : memref<10000x96xf32, #tpu.memory_space<hbm>>) target(%dma_start3A_79 : memref<256x96xf32, #tpu.memory_space<vmem>>) offsets(%dma_start3A_82 : memref<256xi32, #tpu.memory_space<vmem>>) semaphore(%dma_start3A_87 : memref<!tpu.dma_semaphore, #tpu.memory_space<semaphore_mem>>)
      %dma_start3A_88 = arith.constant 1 : i32
      %dma_start3A_89 = arith.constant 1 : i32
      %dma_start3A_90 = arith.constant 1 : i32
      %dma_start3A_91 = arith.constant 0 : i32
      %dma_start3A_92 = arith.constant 0 : i32
      %dma_start3A_93 = tpu.memref_slice %arg15[%dma_start3A_89, %dma_start3A_91, %dma_start3A_92] : memref<2x256x96xf32, #tpu.memory_space<vmem>> -> memref<1x256x96xf32, #tpu.memory_space<vmem>>
      %dma_start3A_94 = tpu.memref_squeeze %dma_start3A_93 : memref<1x256x96xf32, #tpu.memory_space<vmem>> -> memref<256x96xf32, #tpu.memory_space<vmem>>
      %dma_start3A_95 = arith.constant 0 : i32
      %dma_start3A_96 = tpu.memref_slice %arg13[%dma_start3A_88, %dma_start3A_95] : memref<40x256xi32, #tpu.memory_space<vmem>> -> memref<1x256xi32, #tpu.memory_space<vmem>>
      %dma_start3A_97 = tpu.memref_squeeze %dma_start3A_96 : memref<1x256xi32, #tpu.memory_space<vmem>> -> memref<256xi32, #tpu.memory_space<vmem>>
      %dma_start3A_98 = arith.constant 0 : i32
      %dma_start3A_99 = arith.constant 0 : i32
      %dma_start3A_100 = tpu.memref_slice %arg5[%dma_start3A_98, %dma_start3A_99] : memref<10000x96xf32, #tpu.memory_space<hbm>> -> memref<10000x96xf32, #tpu.memory_space<hbm>>
      %dma_start3A_101 = tpu.memref_slice %arg17[%dma_start3A_90] : memref<2x!tpu.dma_semaphore, #tpu.memory_space<semaphore_mem>> -> memref<1x!tpu.dma_semaphore, #tpu.memory_space<semaphore_mem>>
      %dma_start3A_102 = tpu.memref_squeeze %dma_start3A_101 : memref<1x!tpu.dma_semaphore, #tpu.memory_space<semaphore_mem>> -> memref<!tpu.dma_semaphore, #tpu.memory_space<semaphore_mem>>
      tpu.enqueue_indirect_dma source(%dma_start3A_100 : memref<10000x96xf32, #tpu.memory_space<hbm>>) target(%dma_start3A_94 : memref<256x96xf32, #tpu.memory_space<vmem>>) offsets(%dma_start3A_97 : memref<256xi32, #tpu.memory_space<vmem>>) semaphore(%dma_start3A_102 : memref<!tpu.dma_semaphore, #tpu.memory_space<semaphore_mem>>)
      %scan3A_103 = arith.constant 0 : i32
      %scan3A_104 = arith.constant 0 : i32
      %scan3A_105 = arith.constant 20 : i32
      %scan3A_106 = arith.addi %scan3A_104, %scan3A_105 : i32
      %scan3A_107 = arith.constant 1 : i32
      scf.for %scan3A_140 = %scan3A_104 to %scan3A_106 step %scan3A_107  : i32 {
        %mul3A_141 = arith.constant 2 : i32
        %mul3A_142 = arith.muli %mul3A_141, %scan3A_140 : i32
        %add3A = arith.constant 0 : i32
        %add3A_143 = arith.addi %mul3A_142, %add3A : i32
        %lt3A = arith.constant 40 : i32
        %lt3A_144 = arith.cmpi slt, %add3A_143, %lt3A : i32
        %convert_element_type3A_145 = arith.extui %lt3A_144 : i1 to i32
        %cond3A_146 = arith.constant 0 : i32
        %cond3A_147 = arith.cmpi ne, %convert_element_type3A_145, %cond3A_146 : i32
        scf.if %cond3A_147 {
          %dma_wait3A_157 = arith.constant 0 : i32
          %dma_wait3A_158 = arith.constant 0 : i32
          %dma_wait3A_159 = arith.constant 0 : i32
          %dma_wait3A_160 = arith.constant 0 : i32
          %dma_wait3A_161 = tpu.memref_slice %arg15[%dma_wait3A_157, %dma_wait3A_159, %dma_wait3A_160] : memref<2x256x96xf32, #tpu.memory_space<vmem>> -> memref<1x256x96xf32, #tpu.memory_space<vmem>>
          %dma_wait3A_162 = tpu.memref_squeeze %dma_wait3A_161 : memref<1x256x96xf32, #tpu.memory_space<vmem>> -> memref<256x96xf32, #tpu.memory_space<vmem>>
          %dma_wait3A_163 = arith.constant 0 : i32
          %dma_wait3A_164 = tpu.memref_slice %arg13[%add3A_143, %dma_wait3A_163] : memref<40x256xi32, #tpu.memory_space<vmem>> -> memref<1x256xi32, #tpu.memory_space<vmem>>
          %dma_wait3A_165 = tpu.memref_squeeze %dma_wait3A_164 : memref<1x256xi32, #tpu.memory_space<vmem>> -> memref<256xi32, #tpu.memory_space<vmem>>
          %dma_wait3A_166 = arith.constant 0 : i32
          %dma_wait3A_167 = arith.constant 0 : i32
          %dma_wait3A_168 = tpu.memref_slice %arg5[%dma_wait3A_166, %dma_wait3A_167] : memref<10000x96xf32, #tpu.memory_space<hbm>> -> memref<10000x96xf32, #tpu.memory_space<hbm>>
          %dma_wait3A_169 = tpu.memref_slice %arg17[%dma_wait3A_158] : memref<2x!tpu.dma_semaphore, #tpu.memory_space<semaphore_mem>> -> memref<1x!tpu.dma_semaphore, #tpu.memory_space<semaphore_mem>>
          %dma_wait3A_170 = tpu.memref_squeeze %dma_wait3A_169 : memref<1x!tpu.dma_semaphore, #tpu.memory_space<semaphore_mem>> -> memref<!tpu.dma_semaphore, #tpu.memory_space<semaphore_mem>>
          tpu.wait_indirect_dma semaphore(%dma_wait3A_170 : memref<!tpu.dma_semaphore, #tpu.memory_space<semaphore_mem>>) src(%dma_wait3A_168 : memref<10000x96xf32, #tpu.memory_space<hbm>>) dst(%dma_wait3A_162 : memref<256x96xf32, #tpu.memory_space<vmem>>)
          %dma_start3A_171 = arith.constant 0 : i32
          %dma_start3A_172 = arith.constant 0 : i32
          %dma_start3A_173 = arith.constant 0 : i32
          %dma_start3A_174 = arith.constant 0 : i32
          %dma_start3A_175 = tpu.memref_slice %arg15[%dma_start3A_171, %dma_start3A_173, %dma_start3A_174] : memref<2x256x96xf32, #tpu.memory_space<vmem>> -> memref<1x256x96xf32, #tpu.memory_space<vmem>>
          %dma_start3A_176 = tpu.memref_squeeze %dma_start3A_175 : memref<1x256x96xf32, #tpu.memory_space<vmem>> -> memref<256x96xf32, #tpu.memory_space<vmem>>
          %dma_start3A_177 = arith.constant 0 : i32
          %dma_start3A_178 = tpu.memref_slice %arg14[%add3A_143, %dma_start3A_177] : memref<40x256xi32, #tpu.memory_space<vmem>> -> memref<1x256xi32, #tpu.memory_space<vmem>>
          %dma_start3A_179 = tpu.memref_squeeze %dma_start3A_178 : memref<1x256xi32, #tpu.memory_space<vmem>> -> memref<256xi32, #tpu.memory_space<vmem>>
          %dma_start3A_180 = arith.constant 0 : i32
          %dma_start3A_181 = arith.constant 0 : i32
          %dma_start3A_182 = tpu.memref_slice %arg16[%dma_start3A_180, %dma_start3A_181] : memref<10112x96xf32, #tpu.memory_space<vmem_shared>> -> memref<10112x96xf32, #tpu.memory_space<vmem_shared>>
          %dma_start3A_183 = tpu.memref_slice %arg18[%dma_start3A_172] : memref<2x!tpu.dma_semaphore, #tpu.memory_space<semaphore_mem>> -> memref<1x!tpu.dma_semaphore, #tpu.memory_space<semaphore_mem>>
          %dma_start3A_184 = tpu.memref_squeeze %dma_start3A_183 : memref<1x!tpu.dma_semaphore, #tpu.memory_space<semaphore_mem>> -> memref<!tpu.dma_semaphore, #tpu.memory_space<semaphore_mem>>
          tpu.enqueue_indirect_dma source(%dma_start3A_176 : memref<256x96xf32, #tpu.memory_space<vmem>>) target(%dma_start3A_182 : memref<10112x96xf32, #tpu.memory_space<vmem_shared>>) offsets(%dma_start3A_179 : memref<256xi32, #tpu.memory_space<vmem>>) semaphore(%dma_start3A_184 : memref<!tpu.dma_semaphore, #tpu.memory_space<semaphore_mem>>) {add = true}
          %add3A_185 = arith.constant 2 : i32
          %add3A_186 = arith.addi %add3A_143, %add3A_185 : i32
          %lt3A_187 = arith.constant 40 : i32
          %lt3A_188 = arith.cmpi slt, %add3A_186, %lt3A_187 : i32
          %convert_element_type3A_189 = arith.extui %lt3A_188 : i1 to i32
          %cond3A_190 = arith.constant 0 : i32
          %cond3A_191 = arith.cmpi ne, %convert_element_type3A_189, %cond3A_190 : i32
          scf.if %cond3A_191 {
            %dma_wait3A_192 = arith.constant 0 : i32
            %dma_wait3A_193 = arith.constant 0 : i32
            %dma_wait3A_194 = arith.constant 0 : i32
            %dma_wait3A_195 = arith.constant 0 : i32
            %dma_wait3A_196 = tpu.memref_slice %arg15[%dma_wait3A_192, %dma_wait3A_194, %dma_wait3A_195] : memref<2x256x96xf32, #tpu.memory_space<vmem>> -> memref<1x256x96xf32, #tpu.memory_space<vmem>>
            %dma_wait3A_197 = tpu.memref_squeeze %dma_wait3A_196 : memref<1x256x96xf32, #tpu.memory_space<vmem>> -> memref<256x96xf32, #tpu.memory_space<vmem>>
            %dma_wait3A_198 = arith.constant 0 : i32
            %dma_wait3A_199 = tpu.memref_slice %arg14[%add3A_143, %dma_wait3A_198] : memref<40x256xi32, #tpu.memory_space<vmem>> -> memref<1x256xi32, #tpu.memory_space<vmem>>
            %dma_wait3A_200 = tpu.memref_squeeze %dma_wait3A_199 : memref<1x256xi32, #tpu.memory_space<vmem>> -> memref<256xi32, #tpu.memory_space<vmem>>
            %dma_wait3A_201 = arith.constant 0 : i32
            %dma_wait3A_202 = arith.constant 0 : i32
            %dma_wait3A_203 = tpu.memref_slice %arg16[%dma_wait3A_201, %dma_wait3A_202] : memref<10112x96xf32, #tpu.memory_space<vmem_shared>> -> memref<10112x96xf32, #tpu.memory_space<vmem_shared>>
            %dma_wait3A_204 = tpu.memref_slice %arg18[%dma_wait3A_193] : memref<2x!tpu.dma_semaphore, #tpu.memory_space<semaphore_mem>> -> memref<1x!tpu.dma_semaphore, #tpu.memory_space<semaphore_mem>>
            %dma_wait3A_205 = tpu.memref_squeeze %dma_wait3A_204 : memref<1x!tpu.dma_semaphore, #tpu.memory_space<semaphore_mem>> -> memref<!tpu.dma_semaphore, #tpu.memory_space<semaphore_mem>>
            tpu.wait_indirect_dma semaphore(%dma_wait3A_205 : memref<!tpu.dma_semaphore, #tpu.memory_space<semaphore_mem>>) src(%dma_wait3A_197 : memref<256x96xf32, #tpu.memory_space<vmem>>) dst(%dma_wait3A_203 : memref<10112x96xf32, #tpu.memory_space<vmem_shared>>)
            %add3A_206 = arith.constant 2 : i32
            %add3A_207 = arith.addi %add3A_143, %add3A_206 : i32
            %dma_start3A_208 = arith.constant 0 : i32
            %dma_start3A_209 = arith.constant 0 : i32
            %dma_start3A_210 = arith.constant 0 : i32
            %dma_start3A_211 = arith.constant 0 : i32
            %dma_start3A_212 = tpu.memref_slice %arg15[%dma_start3A_208, %dma_start3A_210, %dma_start3A_211] : memref<2x256x96xf32, #tpu.memory_space<vmem>> -> memref<1x256x96xf32, #tpu.memory_space<vmem>>
            %dma_start3A_213 = tpu.memref_squeeze %dma_start3A_212 : memref<1x256x96xf32, #tpu.memory_space<vmem>> -> memref<256x96xf32, #tpu.memory_space<vmem>>
            %dma_start3A_214 = arith.constant 0 : i32
            %dma_start3A_215 = tpu.memref_slice %arg13[%add3A_207, %dma_start3A_214] : memref<40x256xi32, #tpu.memory_space<vmem>> -> memref<1x256xi32, #tpu.memory_space<vmem>>
            %dma_start3A_216 = tpu.memref_squeeze %dma_start3A_215 : memref<1x256xi32, #tpu.memory_space<vmem>> -> memref<256xi32, #tpu.memory_space<vmem>>
            %dma_start3A_217 = arith.constant 0 : i32
            %dma_start3A_218 = arith.constant 0 : i32
            %dma_start3A_219 = tpu.memref_slice %arg5[%dma_start3A_217, %dma_start3A_218] : memref<10000x96xf32, #tpu.memory_space<hbm>> -> memref<10000x96xf32, #tpu.memory_space<hbm>>
            %dma_start3A_220 = tpu.memref_slice %arg17[%dma_start3A_209] : memref<2x!tpu.dma_semaphore, #tpu.memory_space<semaphore_mem>> -> memref<1x!tpu.dma_semaphore, #tpu.memory_space<semaphore_mem>>
            %dma_start3A_221 = tpu.memref_squeeze %dma_start3A_220 : memref<1x!tpu.dma_semaphore, #tpu.memory_space<semaphore_mem>> -> memref<!tpu.dma_semaphore, #tpu.memory_space<semaphore_mem>>
            tpu.enqueue_indirect_dma source(%dma_start3A_219 : memref<10000x96xf32, #tpu.memory_space<hbm>>) target(%dma_start3A_213 : memref<256x96xf32, #tpu.memory_space<vmem>>) offsets(%dma_start3A_216 : memref<256xi32, #tpu.memory_space<vmem>>) semaphore(%dma_start3A_221 : memref<!tpu.dma_semaphore, #tpu.memory_space<semaphore_mem>>)
          } else {
          }
        } else {
        }
        %mul3A_148 = arith.constant 2 : i32
        %mul3A_149 = arith.muli %mul3A_148, %scan3A_140 : i32
        %add3A_150 = arith.constant 1 : i32
        %add3A_151 = arith.addi %mul3A_149, %add3A_150 : i32
        %lt3A_152 = arith.constant 40 : i32
        %lt3A_153 = arith.cmpi slt, %add3A_151, %lt3A_152 : i32
        %convert_element_type3A_154 = arith.extui %lt3A_153 : i1 to i32
        %cond3A_155 = arith.constant 0 : i32
        %cond3A_156 = arith.cmpi ne, %convert_element_type3A_154, %cond3A_155 : i32
        scf.if %cond3A_156 {
          %dma_wait3A_157 = arith.constant 1 : i32
          %dma_wait3A_158 = arith.constant 1 : i32
          %dma_wait3A_159 = arith.constant 0 : i32
          %dma_wait3A_160 = arith.constant 0 : i32
          %dma_wait3A_161 = tpu.memref_slice %arg15[%dma_wait3A_157, %dma_wait3A_159, %dma_wait3A_160] : memref<2x256x96xf32, #tpu.memory_space<vmem>> -> memref<1x256x96xf32, #tpu.memory_space<vmem>>
          %dma_wait3A_162 = tpu.memref_squeeze %dma_wait3A_161 : memref<1x256x96xf32, #tpu.memory_space<vmem>> -> memref<256x96xf32, #tpu.memory_space<vmem>>
          %dma_wait3A_163 = arith.constant 0 : i32
          %dma_wait3A_164 = tpu.memref_slice %arg13[%add3A_151, %dma_wait3A_163] : memref<40x256xi32, #tpu.memory_space<vmem>> -> memref<1x256xi32, #tpu.memory_space<vmem>>
          %dma_wait3A_165 = tpu.memref_squeeze %dma_wait3A_164 : memref<1x256xi32, #tpu.memory_space<vmem>> -> memref<256xi32, #tpu.memory_space<vmem>>
          %dma_wait3A_166 = arith.constant 0 : i32
          %dma_wait3A_167 = arith.constant 0 : i32
          %dma_wait3A_168 = tpu.memref_slice %arg5[%dma_wait3A_166, %dma_wait3A_167] : memref<10000x96xf32, #tpu.memory_space<hbm>> -> memref<10000x96xf32, #tpu.memory_space<hbm>>
          %dma_wait3A_169 = tpu.memref_slice %arg17[%dma_wait3A_158] : memref<2x!tpu.dma_semaphore, #tpu.memory_space<semaphore_mem>> -> memref<1x!tpu.dma_semaphore, #tpu.memory_space<semaphore_mem>>
          %dma_wait3A_170 = tpu.memref_squeeze %dma_wait3A_169 : memref<1x!tpu.dma_semaphore, #tpu.memory_space<semaphore_mem>> -> memref<!tpu.dma_semaphore, #tpu.memory_space<semaphore_mem>>
          tpu.wait_indirect_dma semaphore(%dma_wait3A_170 : memref<!tpu.dma_semaphore, #tpu.memory_space<semaphore_mem>>) src(%dma_wait3A_168 : memref<10000x96xf32, #tpu.memory_space<hbm>>) dst(%dma_wait3A_162 : memref<256x96xf32, #tpu.memory_space<vmem>>)
          %dma_start3A_171 = arith.constant 1 : i32
          %dma_start3A_172 = arith.constant 1 : i32
          %dma_start3A_173 = arith.constant 0 : i32
          %dma_start3A_174 = arith.constant 0 : i32
          %dma_start3A_175 = tpu.memref_slice %arg15[%dma_start3A_171, %dma_start3A_173, %dma_start3A_174] : memref<2x256x96xf32, #tpu.memory_space<vmem>> -> memref<1x256x96xf32, #tpu.memory_space<vmem>>
          %dma_start3A_176 = tpu.memref_squeeze %dma_start3A_175 : memref<1x256x96xf32, #tpu.memory_space<vmem>> -> memref<256x96xf32, #tpu.memory_space<vmem>>
          %dma_start3A_177 = arith.constant 0 : i32
          %dma_start3A_178 = tpu.memref_slice %arg14[%add3A_151, %dma_start3A_177] : memref<40x256xi32, #tpu.memory_space<vmem>> -> memref<1x256xi32, #tpu.memory_space<vmem>>
          %dma_start3A_179 = tpu.memref_squeeze %dma_start3A_178 : memref<1x256xi32, #tpu.memory_space<vmem>> -> memref<256xi32, #tpu.memory_space<vmem>>
          %dma_start3A_180 = arith.constant 0 : i32
          %dma_start3A_181 = arith.constant 0 : i32
          %dma_start3A_182 = tpu.memref_slice %arg16[%dma_start3A_180, %dma_start3A_181] : memref<10112x96xf32, #tpu.memory_space<vmem_shared>> -> memref<10112x96xf32, #tpu.memory_space<vmem_shared>>
          %dma_start3A_183 = tpu.memref_slice %arg18[%dma_start3A_172] : memref<2x!tpu.dma_semaphore, #tpu.memory_space<semaphore_mem>> -> memref<1x!tpu.dma_semaphore, #tpu.memory_space<semaphore_mem>>
          %dma_start3A_184 = tpu.memref_squeeze %dma_start3A_183 : memref<1x!tpu.dma_semaphore, #tpu.memory_space<semaphore_mem>> -> memref<!tpu.dma_semaphore, #tpu.memory_space<semaphore_mem>>
          tpu.enqueue_indirect_dma source(%dma_start3A_176 : memref<256x96xf32, #tpu.memory_space<vmem>>) target(%dma_start3A_182 : memref<10112x96xf32, #tpu.memory_space<vmem_shared>>) offsets(%dma_start3A_179 : memref<256xi32, #tpu.memory_space<vmem>>) semaphore(%dma_start3A_184 : memref<!tpu.dma_semaphore, #tpu.memory_space<semaphore_mem>>) {add = true}
          %add3A_185 = arith.constant 2 : i32
          %add3A_186 = arith.addi %add3A_151, %add3A_185 : i32
          %lt3A_187 = arith.constant 40 : i32
          %lt3A_188 = arith.cmpi slt, %add3A_186, %lt3A_187 : i32
          %convert_element_type3A_189 = arith.extui %lt3A_188 : i1 to i32
          %cond3A_190 = arith.constant 0 : i32
          %cond3A_191 = arith.cmpi ne, %convert_element_type3A_189, %cond3A_190 : i32
          scf.if %cond3A_191 {
            %dma_wait3A_192 = arith.constant 1 : i32
            %dma_wait3A_193 = arith.constant 1 : i32
            %dma_wait3A_194 = arith.constant 0 : i32
            %dma_wait3A_195 = arith.constant 0 : i32
            %dma_wait3A_196 = tpu.memref_slice %arg15[%dma_wait3A_192, %dma_wait3A_194, %dma_wait3A_195] : memref<2x256x96xf32, #tpu.memory_space<vmem>> -> memref<1x256x96xf32, #tpu.memory_space<vmem>>
            %dma_wait3A_197 = tpu.memref_squeeze %dma_wait3A_196 : memref<1x256x96xf32, #tpu.memory_space<vmem>> -> memref<256x96xf32, #tpu.memory_space<vmem>>
            %dma_wait3A_198 = arith.constant 0 : i32
            %dma_wait3A_199 = tpu.memref_slice %arg14[%add3A_151, %dma_wait3A_198] : memref<40x256xi32, #tpu.memory_space<vmem>> -> memref<1x256xi32, #tpu.memory_space<vmem>>
            %dma_wait3A_200 = tpu.memref_squeeze %dma_wait3A_199 : memref<1x256xi32, #tpu.memory_space<vmem>> -> memref<256xi32, #tpu.memory_space<vmem>>
            %dma_wait3A_201 = arith.constant 0 : i32
            %dma_wait3A_202 = arith.constant 0 : i32
            %dma_wait3A_203 = tpu.memref_slice %arg16[%dma_wait3A_201, %dma_wait3A_202] : memref<10112x96xf32, #tpu.memory_space<vmem_shared>> -> memref<10112x96xf32, #tpu.memory_space<vmem_shared>>
            %dma_wait3A_204 = tpu.memref_slice %arg18[%dma_wait3A_193] : memref<2x!tpu.dma_semaphore, #tpu.memory_space<semaphore_mem>> -> memref<1x!tpu.dma_semaphore, #tpu.memory_space<semaphore_mem>>
            %dma_wait3A_205 = tpu.memref_squeeze %dma_wait3A_204 : memref<1x!tpu.dma_semaphore, #tpu.memory_space<semaphore_mem>> -> memref<!tpu.dma_semaphore, #tpu.memory_space<semaphore_mem>>
            tpu.wait_indirect_dma semaphore(%dma_wait3A_205 : memref<!tpu.dma_semaphore, #tpu.memory_space<semaphore_mem>>) src(%dma_wait3A_197 : memref<256x96xf32, #tpu.memory_space<vmem>>) dst(%dma_wait3A_203 : memref<10112x96xf32, #tpu.memory_space<vmem_shared>>)
            %add3A_206 = arith.constant 2 : i32
            %add3A_207 = arith.addi %add3A_151, %add3A_206 : i32
            %dma_start3A_208 = arith.constant 1 : i32
            %dma_start3A_209 = arith.constant 1 : i32
            %dma_start3A_210 = arith.constant 0 : i32
            %dma_start3A_211 = arith.constant 0 : i32
            %dma_start3A_212 = tpu.memref_slice %arg15[%dma_start3A_208, %dma_start3A_210, %dma_start3A_211] : memref<2x256x96xf32, #tpu.memory_space<vmem>> -> memref<1x256x96xf32, #tpu.memory_space<vmem>>
            %dma_start3A_213 = tpu.memref_squeeze %dma_start3A_212 : memref<1x256x96xf32, #tpu.memory_space<vmem>> -> memref<256x96xf32, #tpu.memory_space<vmem>>
            %dma_start3A_214 = arith.constant 0 : i32
            %dma_start3A_215 = tpu.memref_slice %arg13[%add3A_207, %dma_start3A_214] : memref<40x256xi32, #tpu.memory_space<vmem>> -> memref<1x256xi32, #tpu.memory_space<vmem>>
            %dma_start3A_216 = tpu.memref_squeeze %dma_start3A_215 : memref<1x256xi32, #tpu.memory_space<vmem>> -> memref<256xi32, #tpu.memory_space<vmem>>
            %dma_start3A_217 = arith.constant 0 : i32
            %dma_start3A_218 = arith.constant 0 : i32
            %dma_start3A_219 = tpu.memref_slice %arg5[%dma_start3A_217, %dma_start3A_218] : memref<10000x96xf32, #tpu.memory_space<hbm>> -> memref<10000x96xf32, #tpu.memory_space<hbm>>
            %dma_start3A_220 = tpu.memref_slice %arg17[%dma_start3A_209] : memref<2x!tpu.dma_semaphore, #tpu.memory_space<semaphore_mem>> -> memref<1x!tpu.dma_semaphore, #tpu.memory_space<semaphore_mem>>
            %dma_start3A_221 = tpu.memref_squeeze %dma_start3A_220 : memref<1x!tpu.dma_semaphore, #tpu.memory_space<semaphore_mem>> -> memref<!tpu.dma_semaphore, #tpu.memory_space<semaphore_mem>>
            tpu.enqueue_indirect_dma source(%dma_start3A_219 : memref<10000x96xf32, #tpu.memory_space<hbm>>) target(%dma_start3A_213 : memref<256x96xf32, #tpu.memory_space<vmem>>) offsets(%dma_start3A_216 : memref<256xi32, #tpu.memory_space<vmem>>) semaphore(%dma_start3A_221 : memref<!tpu.dma_semaphore, #tpu.memory_space<semaphore_mem>>)
          } else {
          }
        } else {
        }
      }
      %scan3A_108 = arith.constant 20 : i32
      %dma_wait3A_109 = arith.constant 0 : i32
      %dma_wait3A_110 = arith.constant 38 : i32
      %dma_wait3A_111 = arith.constant 0 : i32
      %dma_wait3A_112 = arith.constant 0 : i32
      %dma_wait3A_113 = arith.constant 0 : i32
      %dma_wait3A_114 = tpu.memref_slice %arg15[%dma_wait3A_109, %dma_wait3A_112, %dma_wait3A_113] : memref<2x256x96xf32, #tpu.memory_space<vmem>> -> memref<1x256x96xf32, #tpu.memory_space<vmem>>
      %dma_wait3A_115 = tpu.memref_squeeze %dma_wait3A_114 : memref<1x256x96xf32, #tpu.memory_space<vmem>> -> memref<256x96xf32, #tpu.memory_space<vmem>>
      %dma_wait3A_116 = arith.constant 0 : i32
      %dma_wait3A_117 = tpu.memref_slice %arg14[%dma_wait3A_110, %dma_wait3A_116] : memref<40x256xi32, #tpu.memory_space<vmem>> -> memref<1x256xi32, #tpu.memory_space<vmem>>
      %dma_wait3A_118 = tpu.memref_squeeze %dma_wait3A_117 : memref<1x256xi32, #tpu.memory_space<vmem>> -> memref<256xi32, #tpu.memory_space<vmem>>
      %dma_wait3A_119 = arith.constant 0 : i32
      %dma_wait3A_120 = arith.constant 0 : i32
      %dma_wait3A_121 = tpu.memref_slice %arg16[%dma_wait3A_119, %dma_wait3A_120] : memref<10112x96xf32, #tpu.memory_space<vmem_shared>> -> memref<10112x96xf32, #tpu.memory_space<vmem_shared>>
      %dma_wait3A_122 = tpu.memref_slice %arg18[%dma_wait3A_111] : memref<2x!tpu.dma_semaphore, #tpu.memory_space<semaphore_mem>> -> memref<1x!tpu.dma_semaphore, #tpu.memory_space<semaphore_mem>>
      %dma_wait3A_123 = tpu.memref_squeeze %dma_wait3A_122 : memref<1x!tpu.dma_semaphore, #tpu.memory_space<semaphore_mem>> -> memref<!tpu.dma_semaphore, #tpu.memory_space<semaphore_mem>>
      tpu.wait_indirect_dma semaphore(%dma_wait3A_123 : memref<!tpu.dma_semaphore, #tpu.memory_space<semaphore_mem>>) src(%dma_wait3A_115 : memref<256x96xf32, #tpu.memory_space<vmem>>) dst(%dma_wait3A_121 : memref<10112x96xf32, #tpu.memory_space<vmem_shared>>)
      %dma_wait3A_124 = arith.constant 1 : i32
      %dma_wait3A_125 = arith.constant 39 : i32
      %dma_wait3A_126 = arith.constant 1 : i32
      %dma_wait3A_127 = arith.constant 0 : i32
      %dma_wait3A_128 = arith.constant 0 : i32
      %dma_wait3A_129 = tpu.memref_slice %arg15[%dma_wait3A_124, %dma_wait3A_127, %dma_wait3A_128] : memref<2x256x96xf32, #tpu.memory_space<vmem>> -> memref<1x256x96xf32, #tpu.memory_space<vmem>>
      %dma_wait3A_130 = tpu.memref_squeeze %dma_wait3A_129 : memref<1x256x96xf32, #tpu.memory_space<vmem>> -> memref<256x96xf32, #tpu.memory_space<vmem>>
      %dma_wait3A_131 = arith.constant 0 : i32
      %dma_wait3A_132 = tpu.memref_slice %arg14[%dma_wait3A_125, %dma_wait3A_131] : memref<40x256xi32, #tpu.memory_space<vmem>> -> memref<1x256xi32, #tpu.memory_space<vmem>>
      %dma_wait3A_133 = tpu.memref_squeeze %dma_wait3A_132 : memref<1x256xi32, #tpu.memory_space<vmem>> -> memref<256xi32, #tpu.memory_space<vmem>>
      %dma_wait3A_134 = arith.constant 0 : i32
      %dma_wait3A_135 = arith.constant 0 : i32
      %dma_wait3A_136 = tpu.memref_slice %arg16[%dma_wait3A_134, %dma_wait3A_135] : memref<10112x96xf32, #tpu.memory_space<vmem_shared>> -> memref<10112x96xf32, #tpu.memory_space<vmem_shared>>
      %dma_wait3A_137 = tpu.memref_slice %arg18[%dma_wait3A_126] : memref<2x!tpu.dma_semaphore, #tpu.memory_space<semaphore_mem>> -> memref<1x!tpu.dma_semaphore, #tpu.memory_space<semaphore_mem>>
      %dma_wait3A_138 = tpu.memref_squeeze %dma_wait3A_137 : memref<1x!tpu.dma_semaphore, #tpu.memory_space<semaphore_mem>> -> memref<!tpu.dma_semaphore, #tpu.memory_space<semaphore_mem>>
      tpu.wait_indirect_dma semaphore(%dma_wait3A_138 : memref<!tpu.dma_semaphore, #tpu.memory_space<semaphore_mem>>) src(%dma_wait3A_130 : memref<256x96xf32, #tpu.memory_space<vmem>>) dst(%dma_wait3A_136 : memref<10112x96xf32, #tpu.memory_space<vmem_shared>>)
      %barrier3A_139 = arith.constant 0 : index
      tpu.barrier barrier_id(%barrier3A_139)
      "tpu.region"() ({
        %run_scoped3A = tpu.sem_alloc : memref<!tpu.dma_semaphore, #tpu.memory_space<semaphore_mem>>
        %dma_start3A_140 = arith.constant 0 : i32
        %dma_start3A_141 = tpu.memref_slice %arg12[%mul3A_0, %dma_start3A_140] : memref<10112x96xf32, #tpu.memory_space<hbm>> -> memref<632x96xf32, #tpu.memory_space<hbm>>
        %dma_start3A_142 = arith.constant 0 : i32
        %dma_start3A_143 = tpu.memref_slice %arg16[%mul3A_0, %dma_start3A_142] : memref<10112x96xf32, #tpu.memory_space<vmem_shared>> -> memref<632x96xf32, #tpu.memory_space<vmem_shared>>
        tpu.enqueue_dma source(%dma_start3A_143 : memref<632x96xf32, #tpu.memory_space<vmem_shared>>) target(%dma_start3A_141 : memref<632x96xf32, #tpu.memory_space<hbm>>) target_semaphore(%run_scoped3A : memref<!tpu.dma_semaphore, #tpu.memory_space<semaphore_mem>>)
        %dma_wait3A_144 = arith.constant 0 : i32
        %dma_wait3A_145 = tpu.memref_slice %arg12[%mul3A_0, %dma_wait3A_144] : memref<10112x96xf32, #tpu.memory_space<hbm>> -> memref<632x96xf32, #tpu.memory_space<hbm>>
        %dma_wait3A_146 = arith.constant 0 : i32
        %dma_wait3A_147 = tpu.memref_slice %arg16[%mul3A_0, %dma_wait3A_146] : memref<10112x96xf32, #tpu.memory_space<vmem_shared>> -> memref<632x96xf32, #tpu.memory_space<vmem_shared>>
        tpu.wait_dma2 semaphore(%run_scoped3A : memref<!tpu.dma_semaphore, #tpu.memory_space<semaphore_mem>>) src(%dma_wait3A_147 : memref<632x96xf32, #tpu.memory_space<vmem_shared>>) dst(%dma_wait3A_145 : memref<632x96xf32, #tpu.memory_space<hbm>>)
        tpu.yield
      }) : () -> ()
    } else {
    }
    return
  }
}

#map = affine_map<(d0, d1) -> (0, 0)>
#map1 = affine_map<(d0, d1) -> (0, 0, 0)>
module attributes {stable_mosaic.version = 14 : i64} {
  func.func @_agg_body(%arg0: i32, %arg1: i32, %arg2: memref<10112x96xf32, #tpu.memory_space<hbm>>, %arg3: memref<10112x96xf32, #tpu.memory_space<hbm>>, %arg4: memref<10112x96xf32, #tpu.memory_space<hbm>>, %arg5: memref<10112x96xf32, #tpu.memory_space<hbm>>, %arg6: memref<16x40x256xi32, #tpu.memory_space<hbm>>, %arg7: memref<16x40x256xi32, #tpu.memory_space<hbm>>, %arg8: memref<632x96xf32, #tpu.memory_space<hbm>>, %arg9: memref<10112x96xf32, #tpu.memory_space<hbm>>, %arg10: memref<10112x96xf32, #tpu.memory_space<hbm>>, %arg11: memref<10112x96xf32, #tpu.memory_space<hbm>>, %arg12: memref<10112x96xf32, #tpu.memory_space<hbm>>, %arg13: memref<40x256xi32, #tpu.memory_space<vmem>>, %arg14: memref<40x256xi32, #tpu.memory_space<vmem>>, %arg15: memref<2x256x96xf32, #tpu.memory_space<vmem>>, %arg16: memref<10112x96xf32, #tpu.memory_space<vmem_shared>>, %arg17: memref<2x!tpu.dma_semaphore, #tpu.memory_space<semaphore_mem>>, %arg18: memref<2x!tpu.dma_semaphore, #tpu.memory_space<semaphore_mem>>) attributes {dimension_semantics = [#tpu.dimension_semantics<core_parallel>, #tpu.dimension_semantics<subcore_parallel>], iteration_bounds = array<i64: 2, 16>, scalar_prefetch = 0 : i64, scratch_operands = 6 : i64, tpu.core_type = #tpu.core_type<sc_vector_subcore>, window_params = [{transform_indices = #map}, {transform_indices = #map}, {transform_indices = #map}, {transform_indices = #map}, {transform_indices = #map1}, {transform_indices = #map1}, {transform_indices = #map}, {transform_indices = #map}, {transform_indices = #map}, {transform_indices = #map}, {transform_indices = #map}]} {
    %mul3A = arith.constant 632 : i32
    %mul3A_0 = arith.muli %arg1, %mul3A : i32
    "tpu.region"() ({
      %run_scoped3A = tpu.sem_alloc : memref<!tpu.dma_semaphore, #tpu.memory_space<semaphore_mem>>
      %dma_start3A = arith.constant 0 : i32
      %dma_start3A_8 = arith.constant 0 : i32
      %dma_start3A_9 = tpu.memref_slice %arg6[%arg1, %dma_start3A, %dma_start3A_8] : memref<16x40x256xi32, #tpu.memory_space<hbm>> -> memref<1x40x256xi32, #tpu.memory_space<hbm>>
      %dma_start3A_10 = tpu.memref_squeeze %dma_start3A_9 : memref<1x40x256xi32, #tpu.memory_space<hbm>> -> memref<40x256xi32, #tpu.memory_space<hbm>>
      %dma_start3A_11 = arith.constant 0 : i32
      %dma_start3A_12 = arith.constant 0 : i32
      %dma_start3A_13 = tpu.memref_slice %arg6[%arg1, %dma_start3A_11, %dma_start3A_12] : memref<16x40x256xi32, #tpu.memory_space<hbm>> -> memref<1x40x256xi32, #tpu.memory_space<hbm>>
      %dma_start3A_14 = tpu.memref_squeeze %dma_start3A_13 : memref<1x40x256xi32, #tpu.memory_space<hbm>> -> memref<40x256xi32, #tpu.memory_space<hbm>>
      tpu.enqueue_dma source(%dma_start3A_14 : memref<40x256xi32, #tpu.memory_space<hbm>>) target(%arg13 : memref<40x256xi32, #tpu.memory_space<vmem>>) target_semaphore(%run_scoped3A : memref<!tpu.dma_semaphore, #tpu.memory_space<semaphore_mem>>)
      %dma_wait3A = arith.constant 0 : i32
      %dma_wait3A_15 = arith.constant 0 : i32
      %dma_wait3A_16 = tpu.memref_slice %arg6[%arg1, %dma_wait3A, %dma_wait3A_15] : memref<16x40x256xi32, #tpu.memory_space<hbm>> -> memref<1x40x256xi32, #tpu.memory_space<hbm>>
      %dma_wait3A_17 = tpu.memref_squeeze %dma_wait3A_16 : memref<1x40x256xi32, #tpu.memory_space<hbm>> -> memref<40x256xi32, #tpu.memory_space<hbm>>
      %dma_wait3A_18 = arith.constant 0 : i32
      %dma_wait3A_19 = arith.constant 0 : i32
      %dma_wait3A_20 = tpu.memref_slice %arg6[%arg1, %dma_wait3A_18, %dma_wait3A_19] : memref<16x40x256xi32, #tpu.memory_space<hbm>> -> memref<1x40x256xi32, #tpu.memory_space<hbm>>
      %dma_wait3A_21 = tpu.memref_squeeze %dma_wait3A_20 : memref<1x40x256xi32, #tpu.memory_space<hbm>> -> memref<40x256xi32, #tpu.memory_space<hbm>>
      tpu.wait_dma2 semaphore(%run_scoped3A : memref<!tpu.dma_semaphore, #tpu.memory_space<semaphore_mem>>) src(%dma_wait3A_21 : memref<40x256xi32, #tpu.memory_space<hbm>>) dst(%arg13 : memref<40x256xi32, #tpu.memory_space<vmem>>)
      tpu.yield
    }) : () -> ()
    "tpu.region"() ({
      %run_scoped3A = tpu.sem_alloc : memref<!tpu.dma_semaphore, #tpu.memory_space<semaphore_mem>>
      %dma_start3A = arith.constant 0 : i32
      %dma_start3A_8 = arith.constant 0 : i32
      %dma_start3A_9 = tpu.memref_slice %arg7[%arg1, %dma_start3A, %dma_start3A_8] : memref<16x40x256xi32, #tpu.memory_space<hbm>> -> memref<1x40x256xi32, #tpu.memory_space<hbm>>
      %dma_start3A_10 = tpu.memref_squeeze %dma_start3A_9 : memref<1x40x256xi32, #tpu.memory_space<hbm>> -> memref<40x256xi32, #tpu.memory_space<hbm>>
      %dma_start3A_11 = arith.constant 0 : i32
      %dma_start3A_12 = arith.constant 0 : i32
      %dma_start3A_13 = tpu.memref_slice %arg7[%arg1, %dma_start3A_11, %dma_start3A_12] : memref<16x40x256xi32, #tpu.memory_space<hbm>> -> memref<1x40x256xi32, #tpu.memory_space<hbm>>
      %dma_start3A_14 = tpu.memref_squeeze %dma_start3A_13 : memref<1x40x256xi32, #tpu.memory_space<hbm>> -> memref<40x256xi32, #tpu.memory_space<hbm>>
      tpu.enqueue_dma source(%dma_start3A_14 : memref<40x256xi32, #tpu.memory_space<hbm>>) target(%arg14 : memref<40x256xi32, #tpu.memory_space<vmem>>) target_semaphore(%run_scoped3A : memref<!tpu.dma_semaphore, #tpu.memory_space<semaphore_mem>>)
      %dma_wait3A = arith.constant 0 : i32
      %dma_wait3A_15 = arith.constant 0 : i32
      %dma_wait3A_16 = tpu.memref_slice %arg7[%arg1, %dma_wait3A, %dma_wait3A_15] : memref<16x40x256xi32, #tpu.memory_space<hbm>> -> memref<1x40x256xi32, #tpu.memory_space<hbm>>
      %dma_wait3A_17 = tpu.memref_squeeze %dma_wait3A_16 : memref<1x40x256xi32, #tpu.memory_space<hbm>> -> memref<40x256xi32, #tpu.memory_space<hbm>>
      %dma_wait3A_18 = arith.constant 0 : i32
      %dma_wait3A_19 = arith.constant 0 : i32
      %dma_wait3A_20 = tpu.memref_slice %arg7[%arg1, %dma_wait3A_18, %dma_wait3A_19] : memref<16x40x256xi32, #tpu.memory_space<hbm>> -> memref<1x40x256xi32, #tpu.memory_space<hbm>>
      %dma_wait3A_21 = tpu.memref_squeeze %dma_wait3A_20 : memref<1x40x256xi32, #tpu.memory_space<hbm>> -> memref<40x256xi32, #tpu.memory_space<hbm>>
      tpu.wait_dma2 semaphore(%run_scoped3A : memref<!tpu.dma_semaphore, #tpu.memory_space<semaphore_mem>>) src(%dma_wait3A_21 : memref<40x256xi32, #tpu.memory_space<hbm>>) dst(%arg14 : memref<40x256xi32, #tpu.memory_space<vmem>>)
      tpu.yield
    }) : () -> ()
    %eq3A = arith.constant 0 : i32
    %eq3A_1 = arith.cmpi eq, %arg0, %eq3A : i32
    %convert_element_type3A = arith.extui %eq3A_1 : i1 to i32
    %cond3A = arith.constant 0 : i32
    %cond3A_2 = arith.cmpi ne, %convert_element_type3A, %cond3A : i32
    scf.if %cond3A_2 {
      "tpu.region"() ({
        %run_scoped3A = tpu.sem_alloc : memref<!tpu.dma_semaphore, #tpu.memory_space<semaphore_mem>>
        %dma_start3A_140 = arith.constant 0 : i32
        %dma_start3A_141 = tpu.memref_slice %arg16[%mul3A_0, %dma_start3A_140] : memref<10112x96xf32, #tpu.memory_space<vmem_shared>> -> memref<632x96xf32, #tpu.memory_space<vmem_shared>>
        tpu.enqueue_dma source(%arg8 : memref<632x96xf32, #tpu.memory_space<hbm>>) target(%dma_start3A_141 : memref<632x96xf32, #tpu.memory_space<vmem_shared>>) target_semaphore(%run_scoped3A : memref<!tpu.dma_semaphore, #tpu.memory_space<semaphore_mem>>)
        %dma_wait3A_142 = arith.constant 0 : i32
        %dma_wait3A_143 = tpu.memref_slice %arg16[%mul3A_0, %dma_wait3A_142] : memref<10112x96xf32, #tpu.memory_space<vmem_shared>> -> memref<632x96xf32, #tpu.memory_space<vmem_shared>>
        tpu.wait_dma2 semaphore(%run_scoped3A : memref<!tpu.dma_semaphore, #tpu.memory_space<semaphore_mem>>) src(%arg8 : memref<632x96xf32, #tpu.memory_space<hbm>>) dst(%dma_wait3A_143 : memref<632x96xf32, #tpu.memory_space<vmem_shared>>)
        tpu.yield
      }) : () -> ()
      %barrier3A = arith.constant 0 : index
      tpu.barrier barrier_id(%barrier3A)
      %dma_start3A = arith.constant 0 : i32
      %dma_start3A_8 = arith.constant 0 : i32
      %dma_start3A_9 = arith.constant 0 : i32
      %dma_start3A_10 = arith.constant 0 : i32
      %dma_start3A_11 = arith.constant 0 : i32
      %dma_start3A_12 = tpu.memref_slice %arg15[%dma_start3A_8, %dma_start3A_10, %dma_start3A_11] : memref<2x256x96xf32, #tpu.memory_space<vmem>> -> memref<1x256x96xf32, #tpu.memory_space<vmem>>
      %dma_start3A_13 = tpu.memref_squeeze %dma_start3A_12 : memref<1x256x96xf32, #tpu.memory_space<vmem>> -> memref<256x96xf32, #tpu.memory_space<vmem>>
      %dma_start3A_14 = arith.constant 0 : i32
      %dma_start3A_15 = tpu.memref_slice %arg13[%dma_start3A, %dma_start3A_14] : memref<40x256xi32, #tpu.memory_space<vmem>> -> memref<1x256xi32, #tpu.memory_space<vmem>>
      %dma_start3A_16 = tpu.memref_squeeze %dma_start3A_15 : memref<1x256xi32, #tpu.memory_space<vmem>> -> memref<256xi32, #tpu.memory_space<vmem>>
      %dma_start3A_17 = arith.constant 0 : i32
      %dma_start3A_18 = arith.constant 0 : i32
      %dma_start3A_19 = tpu.memref_slice %arg2[%dma_start3A_17, %dma_start3A_18] : memref<10112x96xf32, #tpu.memory_space<hbm>> -> memref<10112x96xf32, #tpu.memory_space<hbm>>
      %dma_start3A_20 = tpu.memref_slice %arg17[%dma_start3A_9] : memref<2x!tpu.dma_semaphore, #tpu.memory_space<semaphore_mem>> -> memref<1x!tpu.dma_semaphore, #tpu.memory_space<semaphore_mem>>
      %dma_start3A_21 = tpu.memref_squeeze %dma_start3A_20 : memref<1x!tpu.dma_semaphore, #tpu.memory_space<semaphore_mem>> -> memref<!tpu.dma_semaphore, #tpu.memory_space<semaphore_mem>>
      tpu.enqueue_indirect_dma source(%dma_start3A_19 : memref<10112x96xf32, #tpu.memory_space<hbm>>) target(%dma_start3A_13 : memref<256x96xf32, #tpu.memory_space<vmem>>) offsets(%dma_start3A_16 : memref<256xi32, #tpu.memory_space<vmem>>) semaphore(%dma_start3A_21 : memref<!tpu.dma_semaphore, #tpu.memory_space<semaphore_mem>>)
      %dma_start3A_22 = arith.constant 1 : i32
      %dma_start3A_23 = arith.constant 1 : i32
      %dma_start3A_24 = arith.constant 1 : i32
      %dma_start3A_25 = arith.constant 0 : i32
      %dma_start3A_26 = arith.constant 0 : i32
      %dma_start3A_27 = tpu.memref_slice %arg15[%dma_start3A_23, %dma_start3A_25, %dma_start3A_26] : memref<2x256x96xf32, #tpu.memory_space<vmem>> -> memref<1x256x96xf32, #tpu.memory_space<vmem>>
      %dma_start3A_28 = tpu.memref_squeeze %dma_start3A_27 : memref<1x256x96xf32, #tpu.memory_space<vmem>> -> memref<256x96xf32, #tpu.memory_space<vmem>>
      %dma_start3A_29 = arith.constant 0 : i32
      %dma_start3A_30 = tpu.memref_slice %arg13[%dma_start3A_22, %dma_start3A_29] : memref<40x256xi32, #tpu.memory_space<vmem>> -> memref<1x256xi32, #tpu.memory_space<vmem>>
      %dma_start3A_31 = tpu.memref_squeeze %dma_start3A_30 : memref<1x256xi32, #tpu.memory_space<vmem>> -> memref<256xi32, #tpu.memory_space<vmem>>
      %dma_start3A_32 = arith.constant 0 : i32
      %dma_start3A_33 = arith.constant 0 : i32
      %dma_start3A_34 = tpu.memref_slice %arg2[%dma_start3A_32, %dma_start3A_33] : memref<10112x96xf32, #tpu.memory_space<hbm>> -> memref<10112x96xf32, #tpu.memory_space<hbm>>
      %dma_start3A_35 = tpu.memref_slice %arg17[%dma_start3A_24] : memref<2x!tpu.dma_semaphore, #tpu.memory_space<semaphore_mem>> -> memref<1x!tpu.dma_semaphore, #tpu.memory_space<semaphore_mem>>
      %dma_start3A_36 = tpu.memref_squeeze %dma_start3A_35 : memref<1x!tpu.dma_semaphore, #tpu.memory_space<semaphore_mem>> -> memref<!tpu.dma_semaphore, #tpu.memory_space<semaphore_mem>>
      tpu.enqueue_indirect_dma source(%dma_start3A_34 : memref<10112x96xf32, #tpu.memory_space<hbm>>) target(%dma_start3A_28 : memref<256x96xf32, #tpu.memory_space<vmem>>) offsets(%dma_start3A_31 : memref<256xi32, #tpu.memory_space<vmem>>) semaphore(%dma_start3A_36 : memref<!tpu.dma_semaphore, #tpu.memory_space<semaphore_mem>>)
      %scan3A = arith.constant 0 : i32
      %scan3A_37 = arith.constant 0 : i32
      %scan3A_38 = arith.constant 20 : i32
      %scan3A_39 = arith.addi %scan3A_37, %scan3A_38 : i32
      %scan3A_40 = arith.constant 1 : i32
      scf.for %scan3A_140 = %scan3A_37 to %scan3A_39 step %scan3A_40  : i32 {
        %mul3A_141 = arith.constant 2 : i32
        %mul3A_142 = arith.muli %mul3A_141, %scan3A_140 : i32
        %add3A = arith.constant 0 : i32
        %add3A_143 = arith.addi %mul3A_142, %add3A : i32
        %lt3A = arith.constant 40 : i32
        %lt3A_144 = arith.cmpi slt, %add3A_143, %lt3A : i32
        %convert_element_type3A_145 = arith.extui %lt3A_144 : i1 to i32
        %cond3A_146 = arith.constant 0 : i32
        %cond3A_147 = arith.cmpi ne, %convert_element_type3A_145, %cond3A_146 : i32
        scf.if %cond3A_147 {
          %dma_wait3A_157 = arith.constant 0 : i32
          %dma_wait3A_158 = arith.constant 0 : i32
          %dma_wait3A_159 = arith.constant 0 : i32
          %dma_wait3A_160 = arith.constant 0 : i32
          %dma_wait3A_161 = tpu.memref_slice %arg15[%dma_wait3A_157, %dma_wait3A_159, %dma_wait3A_160] : memref<2x256x96xf32, #tpu.memory_space<vmem>> -> memref<1x256x96xf32, #tpu.memory_space<vmem>>
          %dma_wait3A_162 = tpu.memref_squeeze %dma_wait3A_161 : memref<1x256x96xf32, #tpu.memory_space<vmem>> -> memref<256x96xf32, #tpu.memory_space<vmem>>
          %dma_wait3A_163 = arith.constant 0 : i32
          %dma_wait3A_164 = tpu.memref_slice %arg13[%add3A_143, %dma_wait3A_163] : memref<40x256xi32, #tpu.memory_space<vmem>> -> memref<1x256xi32, #tpu.memory_space<vmem>>
          %dma_wait3A_165 = tpu.memref_squeeze %dma_wait3A_164 : memref<1x256xi32, #tpu.memory_space<vmem>> -> memref<256xi32, #tpu.memory_space<vmem>>
          %dma_wait3A_166 = arith.constant 0 : i32
          %dma_wait3A_167 = arith.constant 0 : i32
          %dma_wait3A_168 = tpu.memref_slice %arg2[%dma_wait3A_166, %dma_wait3A_167] : memref<10112x96xf32, #tpu.memory_space<hbm>> -> memref<10112x96xf32, #tpu.memory_space<hbm>>
          %dma_wait3A_169 = tpu.memref_slice %arg17[%dma_wait3A_158] : memref<2x!tpu.dma_semaphore, #tpu.memory_space<semaphore_mem>> -> memref<1x!tpu.dma_semaphore, #tpu.memory_space<semaphore_mem>>
          %dma_wait3A_170 = tpu.memref_squeeze %dma_wait3A_169 : memref<1x!tpu.dma_semaphore, #tpu.memory_space<semaphore_mem>> -> memref<!tpu.dma_semaphore, #tpu.memory_space<semaphore_mem>>
          tpu.wait_indirect_dma semaphore(%dma_wait3A_170 : memref<!tpu.dma_semaphore, #tpu.memory_space<semaphore_mem>>) src(%dma_wait3A_168 : memref<10112x96xf32, #tpu.memory_space<hbm>>) dst(%dma_wait3A_162 : memref<256x96xf32, #tpu.memory_space<vmem>>)
          %dma_start3A_171 = arith.constant 0 : i32
          %dma_start3A_172 = arith.constant 0 : i32
          %dma_start3A_173 = arith.constant 0 : i32
          %dma_start3A_174 = arith.constant 0 : i32
          %dma_start3A_175 = tpu.memref_slice %arg15[%dma_start3A_171, %dma_start3A_173, %dma_start3A_174] : memref<2x256x96xf32, #tpu.memory_space<vmem>> -> memref<1x256x96xf32, #tpu.memory_space<vmem>>
          %dma_start3A_176 = tpu.memref_squeeze %dma_start3A_175 : memref<1x256x96xf32, #tpu.memory_space<vmem>> -> memref<256x96xf32, #tpu.memory_space<vmem>>
          %dma_start3A_177 = arith.constant 0 : i32
          %dma_start3A_178 = tpu.memref_slice %arg14[%add3A_143, %dma_start3A_177] : memref<40x256xi32, #tpu.memory_space<vmem>> -> memref<1x256xi32, #tpu.memory_space<vmem>>
          %dma_start3A_179 = tpu.memref_squeeze %dma_start3A_178 : memref<1x256xi32, #tpu.memory_space<vmem>> -> memref<256xi32, #tpu.memory_space<vmem>>
          %dma_start3A_180 = arith.constant 0 : i32
          %dma_start3A_181 = arith.constant 0 : i32
          %dma_start3A_182 = tpu.memref_slice %arg16[%dma_start3A_180, %dma_start3A_181] : memref<10112x96xf32, #tpu.memory_space<vmem_shared>> -> memref<10112x96xf32, #tpu.memory_space<vmem_shared>>
          %dma_start3A_183 = tpu.memref_slice %arg18[%dma_start3A_172] : memref<2x!tpu.dma_semaphore, #tpu.memory_space<semaphore_mem>> -> memref<1x!tpu.dma_semaphore, #tpu.memory_space<semaphore_mem>>
          %dma_start3A_184 = tpu.memref_squeeze %dma_start3A_183 : memref<1x!tpu.dma_semaphore, #tpu.memory_space<semaphore_mem>> -> memref<!tpu.dma_semaphore, #tpu.memory_space<semaphore_mem>>
          tpu.enqueue_indirect_dma source(%dma_start3A_176 : memref<256x96xf32, #tpu.memory_space<vmem>>) target(%dma_start3A_182 : memref<10112x96xf32, #tpu.memory_space<vmem_shared>>) offsets(%dma_start3A_179 : memref<256xi32, #tpu.memory_space<vmem>>) semaphore(%dma_start3A_184 : memref<!tpu.dma_semaphore, #tpu.memory_space<semaphore_mem>>) {add = true}
          %add3A_185 = arith.constant 2 : i32
          %add3A_186 = arith.addi %add3A_143, %add3A_185 : i32
          %lt3A_187 = arith.constant 40 : i32
          %lt3A_188 = arith.cmpi slt, %add3A_186, %lt3A_187 : i32
          %convert_element_type3A_189 = arith.extui %lt3A_188 : i1 to i32
          %cond3A_190 = arith.constant 0 : i32
          %cond3A_191 = arith.cmpi ne, %convert_element_type3A_189, %cond3A_190 : i32
          scf.if %cond3A_191 {
            %dma_wait3A_192 = arith.constant 0 : i32
            %dma_wait3A_193 = arith.constant 0 : i32
            %dma_wait3A_194 = arith.constant 0 : i32
            %dma_wait3A_195 = arith.constant 0 : i32
            %dma_wait3A_196 = tpu.memref_slice %arg15[%dma_wait3A_192, %dma_wait3A_194, %dma_wait3A_195] : memref<2x256x96xf32, #tpu.memory_space<vmem>> -> memref<1x256x96xf32, #tpu.memory_space<vmem>>
            %dma_wait3A_197 = tpu.memref_squeeze %dma_wait3A_196 : memref<1x256x96xf32, #tpu.memory_space<vmem>> -> memref<256x96xf32, #tpu.memory_space<vmem>>
            %dma_wait3A_198 = arith.constant 0 : i32
            %dma_wait3A_199 = tpu.memref_slice %arg14[%add3A_143, %dma_wait3A_198] : memref<40x256xi32, #tpu.memory_space<vmem>> -> memref<1x256xi32, #tpu.memory_space<vmem>>
            %dma_wait3A_200 = tpu.memref_squeeze %dma_wait3A_199 : memref<1x256xi32, #tpu.memory_space<vmem>> -> memref<256xi32, #tpu.memory_space<vmem>>
            %dma_wait3A_201 = arith.constant 0 : i32
            %dma_wait3A_202 = arith.constant 0 : i32
            %dma_wait3A_203 = tpu.memref_slice %arg16[%dma_wait3A_201, %dma_wait3A_202] : memref<10112x96xf32, #tpu.memory_space<vmem_shared>> -> memref<10112x96xf32, #tpu.memory_space<vmem_shared>>
            %dma_wait3A_204 = tpu.memref_slice %arg18[%dma_wait3A_193] : memref<2x!tpu.dma_semaphore, #tpu.memory_space<semaphore_mem>> -> memref<1x!tpu.dma_semaphore, #tpu.memory_space<semaphore_mem>>
            %dma_wait3A_205 = tpu.memref_squeeze %dma_wait3A_204 : memref<1x!tpu.dma_semaphore, #tpu.memory_space<semaphore_mem>> -> memref<!tpu.dma_semaphore, #tpu.memory_space<semaphore_mem>>
            tpu.wait_indirect_dma semaphore(%dma_wait3A_205 : memref<!tpu.dma_semaphore, #tpu.memory_space<semaphore_mem>>) src(%dma_wait3A_197 : memref<256x96xf32, #tpu.memory_space<vmem>>) dst(%dma_wait3A_203 : memref<10112x96xf32, #tpu.memory_space<vmem_shared>>)
            %add3A_206 = arith.constant 2 : i32
            %add3A_207 = arith.addi %add3A_143, %add3A_206 : i32
            %dma_start3A_208 = arith.constant 0 : i32
            %dma_start3A_209 = arith.constant 0 : i32
            %dma_start3A_210 = arith.constant 0 : i32
            %dma_start3A_211 = arith.constant 0 : i32
            %dma_start3A_212 = tpu.memref_slice %arg15[%dma_start3A_208, %dma_start3A_210, %dma_start3A_211] : memref<2x256x96xf32, #tpu.memory_space<vmem>> -> memref<1x256x96xf32, #tpu.memory_space<vmem>>
            %dma_start3A_213 = tpu.memref_squeeze %dma_start3A_212 : memref<1x256x96xf32, #tpu.memory_space<vmem>> -> memref<256x96xf32, #tpu.memory_space<vmem>>
            %dma_start3A_214 = arith.constant 0 : i32
            %dma_start3A_215 = tpu.memref_slice %arg13[%add3A_207, %dma_start3A_214] : memref<40x256xi32, #tpu.memory_space<vmem>> -> memref<1x256xi32, #tpu.memory_space<vmem>>
            %dma_start3A_216 = tpu.memref_squeeze %dma_start3A_215 : memref<1x256xi32, #tpu.memory_space<vmem>> -> memref<256xi32, #tpu.memory_space<vmem>>
            %dma_start3A_217 = arith.constant 0 : i32
            %dma_start3A_218 = arith.constant 0 : i32
            %dma_start3A_219 = tpu.memref_slice %arg2[%dma_start3A_217, %dma_start3A_218] : memref<10112x96xf32, #tpu.memory_space<hbm>> -> memref<10112x96xf32, #tpu.memory_space<hbm>>
            %dma_start3A_220 = tpu.memref_slice %arg17[%dma_start3A_209] : memref<2x!tpu.dma_semaphore, #tpu.memory_space<semaphore_mem>> -> memref<1x!tpu.dma_semaphore, #tpu.memory_space<semaphore_mem>>
            %dma_start3A_221 = tpu.memref_squeeze %dma_start3A_220 : memref<1x!tpu.dma_semaphore, #tpu.memory_space<semaphore_mem>> -> memref<!tpu.dma_semaphore, #tpu.memory_space<semaphore_mem>>
            tpu.enqueue_indirect_dma source(%dma_start3A_219 : memref<10112x96xf32, #tpu.memory_space<hbm>>) target(%dma_start3A_213 : memref<256x96xf32, #tpu.memory_space<vmem>>) offsets(%dma_start3A_216 : memref<256xi32, #tpu.memory_space<vmem>>) semaphore(%dma_start3A_221 : memref<!tpu.dma_semaphore, #tpu.memory_space<semaphore_mem>>)
          } else {
          }
        } else {
        }
        %mul3A_148 = arith.constant 2 : i32
        %mul3A_149 = arith.muli %mul3A_148, %scan3A_140 : i32
        %add3A_150 = arith.constant 1 : i32
        %add3A_151 = arith.addi %mul3A_149, %add3A_150 : i32
        %lt3A_152 = arith.constant 40 : i32
        %lt3A_153 = arith.cmpi slt, %add3A_151, %lt3A_152 : i32
        %convert_element_type3A_154 = arith.extui %lt3A_153 : i1 to i32
        %cond3A_155 = arith.constant 0 : i32
        %cond3A_156 = arith.cmpi ne, %convert_element_type3A_154, %cond3A_155 : i32
        scf.if %cond3A_156 {
          %dma_wait3A_157 = arith.constant 1 : i32
          %dma_wait3A_158 = arith.constant 1 : i32
          %dma_wait3A_159 = arith.constant 0 : i32
          %dma_wait3A_160 = arith.constant 0 : i32
          %dma_wait3A_161 = tpu.memref_slice %arg15[%dma_wait3A_157, %dma_wait3A_159, %dma_wait3A_160] : memref<2x256x96xf32, #tpu.memory_space<vmem>> -> memref<1x256x96xf32, #tpu.memory_space<vmem>>
          %dma_wait3A_162 = tpu.memref_squeeze %dma_wait3A_161 : memref<1x256x96xf32, #tpu.memory_space<vmem>> -> memref<256x96xf32, #tpu.memory_space<vmem>>
          %dma_wait3A_163 = arith.constant 0 : i32
          %dma_wait3A_164 = tpu.memref_slice %arg13[%add3A_151, %dma_wait3A_163] : memref<40x256xi32, #tpu.memory_space<vmem>> -> memref<1x256xi32, #tpu.memory_space<vmem>>
          %dma_wait3A_165 = tpu.memref_squeeze %dma_wait3A_164 : memref<1x256xi32, #tpu.memory_space<vmem>> -> memref<256xi32, #tpu.memory_space<vmem>>
          %dma_wait3A_166 = arith.constant 0 : i32
          %dma_wait3A_167 = arith.constant 0 : i32
          %dma_wait3A_168 = tpu.memref_slice %arg2[%dma_wait3A_166, %dma_wait3A_167] : memref<10112x96xf32, #tpu.memory_space<hbm>> -> memref<10112x96xf32, #tpu.memory_space<hbm>>
          %dma_wait3A_169 = tpu.memref_slice %arg17[%dma_wait3A_158] : memref<2x!tpu.dma_semaphore, #tpu.memory_space<semaphore_mem>> -> memref<1x!tpu.dma_semaphore, #tpu.memory_space<semaphore_mem>>
          %dma_wait3A_170 = tpu.memref_squeeze %dma_wait3A_169 : memref<1x!tpu.dma_semaphore, #tpu.memory_space<semaphore_mem>> -> memref<!tpu.dma_semaphore, #tpu.memory_space<semaphore_mem>>
          tpu.wait_indirect_dma semaphore(%dma_wait3A_170 : memref<!tpu.dma_semaphore, #tpu.memory_space<semaphore_mem>>) src(%dma_wait3A_168 : memref<10112x96xf32, #tpu.memory_space<hbm>>) dst(%dma_wait3A_162 : memref<256x96xf32, #tpu.memory_space<vmem>>)
          %dma_start3A_171 = arith.constant 1 : i32
          %dma_start3A_172 = arith.constant 1 : i32
          %dma_start3A_173 = arith.constant 0 : i32
          %dma_start3A_174 = arith.constant 0 : i32
          %dma_start3A_175 = tpu.memref_slice %arg15[%dma_start3A_171, %dma_start3A_173, %dma_start3A_174] : memref<2x256x96xf32, #tpu.memory_space<vmem>> -> memref<1x256x96xf32, #tpu.memory_space<vmem>>
          %dma_start3A_176 = tpu.memref_squeeze %dma_start3A_175 : memref<1x256x96xf32, #tpu.memory_space<vmem>> -> memref<256x96xf32, #tpu.memory_space<vmem>>
          %dma_start3A_177 = arith.constant 0 : i32
          %dma_start3A_178 = tpu.memref_slice %arg14[%add3A_151, %dma_start3A_177] : memref<40x256xi32, #tpu.memory_space<vmem>> -> memref<1x256xi32, #tpu.memory_space<vmem>>
          %dma_start3A_179 = tpu.memref_squeeze %dma_start3A_178 : memref<1x256xi32, #tpu.memory_space<vmem>> -> memref<256xi32, #tpu.memory_space<vmem>>
          %dma_start3A_180 = arith.constant 0 : i32
          %dma_start3A_181 = arith.constant 0 : i32
          %dma_start3A_182 = tpu.memref_slice %arg16[%dma_start3A_180, %dma_start3A_181] : memref<10112x96xf32, #tpu.memory_space<vmem_shared>> -> memref<10112x96xf32, #tpu.memory_space<vmem_shared>>
          %dma_start3A_183 = tpu.memref_slice %arg18[%dma_start3A_172] : memref<2x!tpu.dma_semaphore, #tpu.memory_space<semaphore_mem>> -> memref<1x!tpu.dma_semaphore, #tpu.memory_space<semaphore_mem>>
          %dma_start3A_184 = tpu.memref_squeeze %dma_start3A_183 : memref<1x!tpu.dma_semaphore, #tpu.memory_space<semaphore_mem>> -> memref<!tpu.dma_semaphore, #tpu.memory_space<semaphore_mem>>
          tpu.enqueue_indirect_dma source(%dma_start3A_176 : memref<256x96xf32, #tpu.memory_space<vmem>>) target(%dma_start3A_182 : memref<10112x96xf32, #tpu.memory_space<vmem_shared>>) offsets(%dma_start3A_179 : memref<256xi32, #tpu.memory_space<vmem>>) semaphore(%dma_start3A_184 : memref<!tpu.dma_semaphore, #tpu.memory_space<semaphore_mem>>) {add = true}
          %add3A_185 = arith.constant 2 : i32
          %add3A_186 = arith.addi %add3A_151, %add3A_185 : i32
          %lt3A_187 = arith.constant 40 : i32
          %lt3A_188 = arith.cmpi slt, %add3A_186, %lt3A_187 : i32
          %convert_element_type3A_189 = arith.extui %lt3A_188 : i1 to i32
          %cond3A_190 = arith.constant 0 : i32
          %cond3A_191 = arith.cmpi ne, %convert_element_type3A_189, %cond3A_190 : i32
          scf.if %cond3A_191 {
            %dma_wait3A_192 = arith.constant 1 : i32
            %dma_wait3A_193 = arith.constant 1 : i32
            %dma_wait3A_194 = arith.constant 0 : i32
            %dma_wait3A_195 = arith.constant 0 : i32
            %dma_wait3A_196 = tpu.memref_slice %arg15[%dma_wait3A_192, %dma_wait3A_194, %dma_wait3A_195] : memref<2x256x96xf32, #tpu.memory_space<vmem>> -> memref<1x256x96xf32, #tpu.memory_space<vmem>>
            %dma_wait3A_197 = tpu.memref_squeeze %dma_wait3A_196 : memref<1x256x96xf32, #tpu.memory_space<vmem>> -> memref<256x96xf32, #tpu.memory_space<vmem>>
            %dma_wait3A_198 = arith.constant 0 : i32
            %dma_wait3A_199 = tpu.memref_slice %arg14[%add3A_151, %dma_wait3A_198] : memref<40x256xi32, #tpu.memory_space<vmem>> -> memref<1x256xi32, #tpu.memory_space<vmem>>
            %dma_wait3A_200 = tpu.memref_squeeze %dma_wait3A_199 : memref<1x256xi32, #tpu.memory_space<vmem>> -> memref<256xi32, #tpu.memory_space<vmem>>
            %dma_wait3A_201 = arith.constant 0 : i32
            %dma_wait3A_202 = arith.constant 0 : i32
            %dma_wait3A_203 = tpu.memref_slice %arg16[%dma_wait3A_201, %dma_wait3A_202] : memref<10112x96xf32, #tpu.memory_space<vmem_shared>> -> memref<10112x96xf32, #tpu.memory_space<vmem_shared>>
            %dma_wait3A_204 = tpu.memref_slice %arg18[%dma_wait3A_193] : memref<2x!tpu.dma_semaphore, #tpu.memory_space<semaphore_mem>> -> memref<1x!tpu.dma_semaphore, #tpu.memory_space<semaphore_mem>>
            %dma_wait3A_205 = tpu.memref_squeeze %dma_wait3A_204 : memref<1x!tpu.dma_semaphore, #tpu.memory_space<semaphore_mem>> -> memref<!tpu.dma_semaphore, #tpu.memory_space<semaphore_mem>>
            tpu.wait_indirect_dma semaphore(%dma_wait3A_205 : memref<!tpu.dma_semaphore, #tpu.memory_space<semaphore_mem>>) src(%dma_wait3A_197 : memref<256x96xf32, #tpu.memory_space<vmem>>) dst(%dma_wait3A_203 : memref<10112x96xf32, #tpu.memory_space<vmem_shared>>)
            %add3A_206 = arith.constant 2 : i32
            %add3A_207 = arith.addi %add3A_151, %add3A_206 : i32
            %dma_start3A_208 = arith.constant 1 : i32
            %dma_start3A_209 = arith.constant 1 : i32
            %dma_start3A_210 = arith.constant 0 : i32
            %dma_start3A_211 = arith.constant 0 : i32
            %dma_start3A_212 = tpu.memref_slice %arg15[%dma_start3A_208, %dma_start3A_210, %dma_start3A_211] : memref<2x256x96xf32, #tpu.memory_space<vmem>> -> memref<1x256x96xf32, #tpu.memory_space<vmem>>
            %dma_start3A_213 = tpu.memref_squeeze %dma_start3A_212 : memref<1x256x96xf32, #tpu.memory_space<vmem>> -> memref<256x96xf32, #tpu.memory_space<vmem>>
            %dma_start3A_214 = arith.constant 0 : i32
            %dma_start3A_215 = tpu.memref_slice %arg13[%add3A_207, %dma_start3A_214] : memref<40x256xi32, #tpu.memory_space<vmem>> -> memref<1x256xi32, #tpu.memory_space<vmem>>
            %dma_start3A_216 = tpu.memref_squeeze %dma_start3A_215 : memref<1x256xi32, #tpu.memory_space<vmem>> -> memref<256xi32, #tpu.memory_space<vmem>>
            %dma_start3A_217 = arith.constant 0 : i32
            %dma_start3A_218 = arith.constant 0 : i32
            %dma_start3A_219 = tpu.memref_slice %arg2[%dma_start3A_217, %dma_start3A_218] : memref<10112x96xf32, #tpu.memory_space<hbm>> -> memref<10112x96xf32, #tpu.memory_space<hbm>>
            %dma_start3A_220 = tpu.memref_slice %arg17[%dma_start3A_209] : memref<2x!tpu.dma_semaphore, #tpu.memory_space<semaphore_mem>> -> memref<1x!tpu.dma_semaphore, #tpu.memory_space<semaphore_mem>>
            %dma_start3A_221 = tpu.memref_squeeze %dma_start3A_220 : memref<1x!tpu.dma_semaphore, #tpu.memory_space<semaphore_mem>> -> memref<!tpu.dma_semaphore, #tpu.memory_space<semaphore_mem>>
            tpu.enqueue_indirect_dma source(%dma_start3A_219 : memref<10112x96xf32, #tpu.memory_space<hbm>>) target(%dma_start3A_213 : memref<256x96xf32, #tpu.memory_space<vmem>>) offsets(%dma_start3A_216 : memref<256xi32, #tpu.memory_space<vmem>>) semaphore(%dma_start3A_221 : memref<!tpu.dma_semaphore, #tpu.memory_space<semaphore_mem>>)
          } else {
          }
        } else {
        }
      }
      %scan3A_41 = arith.constant 20 : i32
      %dma_wait3A = arith.constant 0 : i32
      %dma_wait3A_42 = arith.constant 38 : i32
      %dma_wait3A_43 = arith.constant 0 : i32
      %dma_wait3A_44 = arith.constant 0 : i32
      %dma_wait3A_45 = arith.constant 0 : i32
      %dma_wait3A_46 = tpu.memref_slice %arg15[%dma_wait3A, %dma_wait3A_44, %dma_wait3A_45] : memref<2x256x96xf32, #tpu.memory_space<vmem>> -> memref<1x256x96xf32, #tpu.memory_space<vmem>>
      %dma_wait3A_47 = tpu.memref_squeeze %dma_wait3A_46 : memref<1x256x96xf32, #tpu.memory_space<vmem>> -> memref<256x96xf32, #tpu.memory_space<vmem>>
      %dma_wait3A_48 = arith.constant 0 : i32
      %dma_wait3A_49 = tpu.memref_slice %arg14[%dma_wait3A_42, %dma_wait3A_48] : memref<40x256xi32, #tpu.memory_space<vmem>> -> memref<1x256xi32, #tpu.memory_space<vmem>>
      %dma_wait3A_50 = tpu.memref_squeeze %dma_wait3A_49 : memref<1x256xi32, #tpu.memory_space<vmem>> -> memref<256xi32, #tpu.memory_space<vmem>>
      %dma_wait3A_51 = arith.constant 0 : i32
      %dma_wait3A_52 = arith.constant 0 : i32
      %dma_wait3A_53 = tpu.memref_slice %arg16[%dma_wait3A_51, %dma_wait3A_52] : memref<10112x96xf32, #tpu.memory_space<vmem_shared>> -> memref<10112x96xf32, #tpu.memory_space<vmem_shared>>
      %dma_wait3A_54 = tpu.memref_slice %arg18[%dma_wait3A_43] : memref<2x!tpu.dma_semaphore, #tpu.memory_space<semaphore_mem>> -> memref<1x!tpu.dma_semaphore, #tpu.memory_space<semaphore_mem>>
      %dma_wait3A_55 = tpu.memref_squeeze %dma_wait3A_54 : memref<1x!tpu.dma_semaphore, #tpu.memory_space<semaphore_mem>> -> memref<!tpu.dma_semaphore, #tpu.memory_space<semaphore_mem>>
      tpu.wait_indirect_dma semaphore(%dma_wait3A_55 : memref<!tpu.dma_semaphore, #tpu.memory_space<semaphore_mem>>) src(%dma_wait3A_47 : memref<256x96xf32, #tpu.memory_space<vmem>>) dst(%dma_wait3A_53 : memref<10112x96xf32, #tpu.memory_space<vmem_shared>>)
      %dma_wait3A_56 = arith.constant 1 : i32
      %dma_wait3A_57 = arith.constant 39 : i32
      %dma_wait3A_58 = arith.constant 1 : i32
      %dma_wait3A_59 = arith.constant 0 : i32
      %dma_wait3A_60 = arith.constant 0 : i32
      %dma_wait3A_61 = tpu.memref_slice %arg15[%dma_wait3A_56, %dma_wait3A_59, %dma_wait3A_60] : memref<2x256x96xf32, #tpu.memory_space<vmem>> -> memref<1x256x96xf32, #tpu.memory_space<vmem>>
      %dma_wait3A_62 = tpu.memref_squeeze %dma_wait3A_61 : memref<1x256x96xf32, #tpu.memory_space<vmem>> -> memref<256x96xf32, #tpu.memory_space<vmem>>
      %dma_wait3A_63 = arith.constant 0 : i32
      %dma_wait3A_64 = tpu.memref_slice %arg14[%dma_wait3A_57, %dma_wait3A_63] : memref<40x256xi32, #tpu.memory_space<vmem>> -> memref<1x256xi32, #tpu.memory_space<vmem>>
      %dma_wait3A_65 = tpu.memref_squeeze %dma_wait3A_64 : memref<1x256xi32, #tpu.memory_space<vmem>> -> memref<256xi32, #tpu.memory_space<vmem>>
      %dma_wait3A_66 = arith.constant 0 : i32
      %dma_wait3A_67 = arith.constant 0 : i32
      %dma_wait3A_68 = tpu.memref_slice %arg16[%dma_wait3A_66, %dma_wait3A_67] : memref<10112x96xf32, #tpu.memory_space<vmem_shared>> -> memref<10112x96xf32, #tpu.memory_space<vmem_shared>>
      %dma_wait3A_69 = tpu.memref_slice %arg18[%dma_wait3A_58] : memref<2x!tpu.dma_semaphore, #tpu.memory_space<semaphore_mem>> -> memref<1x!tpu.dma_semaphore, #tpu.memory_space<semaphore_mem>>
      %dma_wait3A_70 = tpu.memref_squeeze %dma_wait3A_69 : memref<1x!tpu.dma_semaphore, #tpu.memory_space<semaphore_mem>> -> memref<!tpu.dma_semaphore, #tpu.memory_space<semaphore_mem>>
      tpu.wait_indirect_dma semaphore(%dma_wait3A_70 : memref<!tpu.dma_semaphore, #tpu.memory_space<semaphore_mem>>) src(%dma_wait3A_62 : memref<256x96xf32, #tpu.memory_space<vmem>>) dst(%dma_wait3A_68 : memref<10112x96xf32, #tpu.memory_space<vmem_shared>>)
      %barrier3A_71 = arith.constant 0 : index
      tpu.barrier barrier_id(%barrier3A_71)
      "tpu.region"() ({
        %run_scoped3A = tpu.sem_alloc : memref<!tpu.dma_semaphore, #tpu.memory_space<semaphore_mem>>
        %dma_start3A_140 = arith.constant 0 : i32
        %dma_start3A_141 = tpu.memref_slice %arg9[%mul3A_0, %dma_start3A_140] : memref<10112x96xf32, #tpu.memory_space<hbm>> -> memref<632x96xf32, #tpu.memory_space<hbm>>
        %dma_start3A_142 = arith.constant 0 : i32
        %dma_start3A_143 = tpu.memref_slice %arg16[%mul3A_0, %dma_start3A_142] : memref<10112x96xf32, #tpu.memory_space<vmem_shared>> -> memref<632x96xf32, #tpu.memory_space<vmem_shared>>
        tpu.enqueue_dma source(%dma_start3A_143 : memref<632x96xf32, #tpu.memory_space<vmem_shared>>) target(%dma_start3A_141 : memref<632x96xf32, #tpu.memory_space<hbm>>) target_semaphore(%run_scoped3A : memref<!tpu.dma_semaphore, #tpu.memory_space<semaphore_mem>>)
        %dma_wait3A_144 = arith.constant 0 : i32
        %dma_wait3A_145 = tpu.memref_slice %arg9[%mul3A_0, %dma_wait3A_144] : memref<10112x96xf32, #tpu.memory_space<hbm>> -> memref<632x96xf32, #tpu.memory_space<hbm>>
        %dma_wait3A_146 = arith.constant 0 : i32
        %dma_wait3A_147 = tpu.memref_slice %arg16[%mul3A_0, %dma_wait3A_146] : memref<10112x96xf32, #tpu.memory_space<vmem_shared>> -> memref<632x96xf32, #tpu.memory_space<vmem_shared>>
        tpu.wait_dma2 semaphore(%run_scoped3A : memref<!tpu.dma_semaphore, #tpu.memory_space<semaphore_mem>>) src(%dma_wait3A_147 : memref<632x96xf32, #tpu.memory_space<vmem_shared>>) dst(%dma_wait3A_145 : memref<632x96xf32, #tpu.memory_space<hbm>>)
        tpu.yield
      }) : () -> ()
      "tpu.region"() ({
        %run_scoped3A = tpu.sem_alloc : memref<!tpu.dma_semaphore, #tpu.memory_space<semaphore_mem>>
        %dma_start3A_140 = arith.constant 0 : i32
        %dma_start3A_141 = tpu.memref_slice %arg16[%mul3A_0, %dma_start3A_140] : memref<10112x96xf32, #tpu.memory_space<vmem_shared>> -> memref<632x96xf32, #tpu.memory_space<vmem_shared>>
        tpu.enqueue_dma source(%arg8 : memref<632x96xf32, #tpu.memory_space<hbm>>) target(%dma_start3A_141 : memref<632x96xf32, #tpu.memory_space<vmem_shared>>) target_semaphore(%run_scoped3A : memref<!tpu.dma_semaphore, #tpu.memory_space<semaphore_mem>>)
        %dma_wait3A_142 = arith.constant 0 : i32
        %dma_wait3A_143 = tpu.memref_slice %arg16[%mul3A_0, %dma_wait3A_142] : memref<10112x96xf32, #tpu.memory_space<vmem_shared>> -> memref<632x96xf32, #tpu.memory_space<vmem_shared>>
        tpu.wait_dma2 semaphore(%run_scoped3A : memref<!tpu.dma_semaphore, #tpu.memory_space<semaphore_mem>>) src(%arg8 : memref<632x96xf32, #tpu.memory_space<hbm>>) dst(%dma_wait3A_143 : memref<632x96xf32, #tpu.memory_space<vmem_shared>>)
        tpu.yield
      }) : () -> ()
      %barrier3A_72 = arith.constant 0 : index
      tpu.barrier barrier_id(%barrier3A_72)
      %dma_start3A_73 = arith.constant 0 : i32
      %dma_start3A_74 = arith.constant 0 : i32
      %dma_start3A_75 = arith.constant 0 : i32
      %dma_start3A_76 = arith.constant 0 : i32
      %dma_start3A_77 = arith.constant 0 : i32
      %dma_start3A_78 = tpu.memref_slice %arg15[%dma_start3A_74, %dma_start3A_76, %dma_start3A_77] : memref<2x256x96xf32, #tpu.memory_space<vmem>> -> memref<1x256x96xf32, #tpu.memory_space<vmem>>
      %dma_start3A_79 = tpu.memref_squeeze %dma_start3A_78 : memref<1x256x96xf32, #tpu.memory_space<vmem>> -> memref<256x96xf32, #tpu.memory_space<vmem>>
      %dma_start3A_80 = arith.constant 0 : i32
      %dma_start3A_81 = tpu.memref_slice %arg13[%dma_start3A_73, %dma_start3A_80] : memref<40x256xi32, #tpu.memory_space<vmem>> -> memref<1x256xi32, #tpu.memory_space<vmem>>
      %dma_start3A_82 = tpu.memref_squeeze %dma_start3A_81 : memref<1x256xi32, #tpu.memory_space<vmem>> -> memref<256xi32, #tpu.memory_space<vmem>>
      %dma_start3A_83 = arith.constant 0 : i32
      %dma_start3A_84 = arith.constant 0 : i32
      %dma_start3A_85 = tpu.memref_slice %arg3[%dma_start3A_83, %dma_start3A_84] : memref<10112x96xf32, #tpu.memory_space<hbm>> -> memref<10112x96xf32, #tpu.memory_space<hbm>>
      %dma_start3A_86 = tpu.memref_slice %arg17[%dma_start3A_75] : memref<2x!tpu.dma_semaphore, #tpu.memory_space<semaphore_mem>> -> memref<1x!tpu.dma_semaphore, #tpu.memory_space<semaphore_mem>>
      %dma_start3A_87 = tpu.memref_squeeze %dma_start3A_86 : memref<1x!tpu.dma_semaphore, #tpu.memory_space<semaphore_mem>> -> memref<!tpu.dma_semaphore, #tpu.memory_space<semaphore_mem>>
      tpu.enqueue_indirect_dma source(%dma_start3A_85 : memref<10112x96xf32, #tpu.memory_space<hbm>>) target(%dma_start3A_79 : memref<256x96xf32, #tpu.memory_space<vmem>>) offsets(%dma_start3A_82 : memref<256xi32, #tpu.memory_space<vmem>>) semaphore(%dma_start3A_87 : memref<!tpu.dma_semaphore, #tpu.memory_space<semaphore_mem>>)
      %dma_start3A_88 = arith.constant 1 : i32
      %dma_start3A_89 = arith.constant 1 : i32
      %dma_start3A_90 = arith.constant 1 : i32
      %dma_start3A_91 = arith.constant 0 : i32
      %dma_start3A_92 = arith.constant 0 : i32
      %dma_start3A_93 = tpu.memref_slice %arg15[%dma_start3A_89, %dma_start3A_91, %dma_start3A_92] : memref<2x256x96xf32, #tpu.memory_space<vmem>> -> memref<1x256x96xf32, #tpu.memory_space<vmem>>
      %dma_start3A_94 = tpu.memref_squeeze %dma_start3A_93 : memref<1x256x96xf32, #tpu.memory_space<vmem>> -> memref<256x96xf32, #tpu.memory_space<vmem>>
      %dma_start3A_95 = arith.constant 0 : i32
      %dma_start3A_96 = tpu.memref_slice %arg13[%dma_start3A_88, %dma_start3A_95] : memref<40x256xi32, #tpu.memory_space<vmem>> -> memref<1x256xi32, #tpu.memory_space<vmem>>
      %dma_start3A_97 = tpu.memref_squeeze %dma_start3A_96 : memref<1x256xi32, #tpu.memory_space<vmem>> -> memref<256xi32, #tpu.memory_space<vmem>>
      %dma_start3A_98 = arith.constant 0 : i32
      %dma_start3A_99 = arith.constant 0 : i32
      %dma_start3A_100 = tpu.memref_slice %arg3[%dma_start3A_98, %dma_start3A_99] : memref<10112x96xf32, #tpu.memory_space<hbm>> -> memref<10112x96xf32, #tpu.memory_space<hbm>>
      %dma_start3A_101 = tpu.memref_slice %arg17[%dma_start3A_90] : memref<2x!tpu.dma_semaphore, #tpu.memory_space<semaphore_mem>> -> memref<1x!tpu.dma_semaphore, #tpu.memory_space<semaphore_mem>>
      %dma_start3A_102 = tpu.memref_squeeze %dma_start3A_101 : memref<1x!tpu.dma_semaphore, #tpu.memory_space<semaphore_mem>> -> memref<!tpu.dma_semaphore, #tpu.memory_space<semaphore_mem>>
      tpu.enqueue_indirect_dma source(%dma_start3A_100 : memref<10112x96xf32, #tpu.memory_space<hbm>>) target(%dma_start3A_94 : memref<256x96xf32, #tpu.memory_space<vmem>>) offsets(%dma_start3A_97 : memref<256xi32, #tpu.memory_space<vmem>>) semaphore(%dma_start3A_102 : memref<!tpu.dma_semaphore, #tpu.memory_space<semaphore_mem>>)
      %scan3A_103 = arith.constant 0 : i32
      %scan3A_104 = arith.constant 0 : i32
      %scan3A_105 = arith.constant 20 : i32
      %scan3A_106 = arith.addi %scan3A_104, %scan3A_105 : i32
      %scan3A_107 = arith.constant 1 : i32
      scf.for %scan3A_140 = %scan3A_104 to %scan3A_106 step %scan3A_107  : i32 {
        %mul3A_141 = arith.constant 2 : i32
        %mul3A_142 = arith.muli %mul3A_141, %scan3A_140 : i32
        %add3A = arith.constant 0 : i32
        %add3A_143 = arith.addi %mul3A_142, %add3A : i32
        %lt3A = arith.constant 40 : i32
        %lt3A_144 = arith.cmpi slt, %add3A_143, %lt3A : i32
        %convert_element_type3A_145 = arith.extui %lt3A_144 : i1 to i32
        %cond3A_146 = arith.constant 0 : i32
        %cond3A_147 = arith.cmpi ne, %convert_element_type3A_145, %cond3A_146 : i32
        scf.if %cond3A_147 {
          %dma_wait3A_157 = arith.constant 0 : i32
          %dma_wait3A_158 = arith.constant 0 : i32
          %dma_wait3A_159 = arith.constant 0 : i32
          %dma_wait3A_160 = arith.constant 0 : i32
          %dma_wait3A_161 = tpu.memref_slice %arg15[%dma_wait3A_157, %dma_wait3A_159, %dma_wait3A_160] : memref<2x256x96xf32, #tpu.memory_space<vmem>> -> memref<1x256x96xf32, #tpu.memory_space<vmem>>
          %dma_wait3A_162 = tpu.memref_squeeze %dma_wait3A_161 : memref<1x256x96xf32, #tpu.memory_space<vmem>> -> memref<256x96xf32, #tpu.memory_space<vmem>>
          %dma_wait3A_163 = arith.constant 0 : i32
          %dma_wait3A_164 = tpu.memref_slice %arg13[%add3A_143, %dma_wait3A_163] : memref<40x256xi32, #tpu.memory_space<vmem>> -> memref<1x256xi32, #tpu.memory_space<vmem>>
          %dma_wait3A_165 = tpu.memref_squeeze %dma_wait3A_164 : memref<1x256xi32, #tpu.memory_space<vmem>> -> memref<256xi32, #tpu.memory_space<vmem>>
          %dma_wait3A_166 = arith.constant 0 : i32
          %dma_wait3A_167 = arith.constant 0 : i32
          %dma_wait3A_168 = tpu.memref_slice %arg3[%dma_wait3A_166, %dma_wait3A_167] : memref<10112x96xf32, #tpu.memory_space<hbm>> -> memref<10112x96xf32, #tpu.memory_space<hbm>>
          %dma_wait3A_169 = tpu.memref_slice %arg17[%dma_wait3A_158] : memref<2x!tpu.dma_semaphore, #tpu.memory_space<semaphore_mem>> -> memref<1x!tpu.dma_semaphore, #tpu.memory_space<semaphore_mem>>
          %dma_wait3A_170 = tpu.memref_squeeze %dma_wait3A_169 : memref<1x!tpu.dma_semaphore, #tpu.memory_space<semaphore_mem>> -> memref<!tpu.dma_semaphore, #tpu.memory_space<semaphore_mem>>
          tpu.wait_indirect_dma semaphore(%dma_wait3A_170 : memref<!tpu.dma_semaphore, #tpu.memory_space<semaphore_mem>>) src(%dma_wait3A_168 : memref<10112x96xf32, #tpu.memory_space<hbm>>) dst(%dma_wait3A_162 : memref<256x96xf32, #tpu.memory_space<vmem>>)
          %dma_start3A_171 = arith.constant 0 : i32
          %dma_start3A_172 = arith.constant 0 : i32
          %dma_start3A_173 = arith.constant 0 : i32
          %dma_start3A_174 = arith.constant 0 : i32
          %dma_start3A_175 = tpu.memref_slice %arg15[%dma_start3A_171, %dma_start3A_173, %dma_start3A_174] : memref<2x256x96xf32, #tpu.memory_space<vmem>> -> memref<1x256x96xf32, #tpu.memory_space<vmem>>
          %dma_start3A_176 = tpu.memref_squeeze %dma_start3A_175 : memref<1x256x96xf32, #tpu.memory_space<vmem>> -> memref<256x96xf32, #tpu.memory_space<vmem>>
          %dma_start3A_177 = arith.constant 0 : i32
          %dma_start3A_178 = tpu.memref_slice %arg14[%add3A_143, %dma_start3A_177] : memref<40x256xi32, #tpu.memory_space<vmem>> -> memref<1x256xi32, #tpu.memory_space<vmem>>
          %dma_start3A_179 = tpu.memref_squeeze %dma_start3A_178 : memref<1x256xi32, #tpu.memory_space<vmem>> -> memref<256xi32, #tpu.memory_space<vmem>>
          %dma_start3A_180 = arith.constant 0 : i32
          %dma_start3A_181 = arith.constant 0 : i32
          %dma_start3A_182 = tpu.memref_slice %arg16[%dma_start3A_180, %dma_start3A_181] : memref<10112x96xf32, #tpu.memory_space<vmem_shared>> -> memref<10112x96xf32, #tpu.memory_space<vmem_shared>>
          %dma_start3A_183 = tpu.memref_slice %arg18[%dma_start3A_172] : memref<2x!tpu.dma_semaphore, #tpu.memory_space<semaphore_mem>> -> memref<1x!tpu.dma_semaphore, #tpu.memory_space<semaphore_mem>>
          %dma_start3A_184 = tpu.memref_squeeze %dma_start3A_183 : memref<1x!tpu.dma_semaphore, #tpu.memory_space<semaphore_mem>> -> memref<!tpu.dma_semaphore, #tpu.memory_space<semaphore_mem>>
          tpu.enqueue_indirect_dma source(%dma_start3A_176 : memref<256x96xf32, #tpu.memory_space<vmem>>) target(%dma_start3A_182 : memref<10112x96xf32, #tpu.memory_space<vmem_shared>>) offsets(%dma_start3A_179 : memref<256xi32, #tpu.memory_space<vmem>>) semaphore(%dma_start3A_184 : memref<!tpu.dma_semaphore, #tpu.memory_space<semaphore_mem>>) {add = true}
          %add3A_185 = arith.constant 2 : i32
          %add3A_186 = arith.addi %add3A_143, %add3A_185 : i32
          %lt3A_187 = arith.constant 40 : i32
          %lt3A_188 = arith.cmpi slt, %add3A_186, %lt3A_187 : i32
          %convert_element_type3A_189 = arith.extui %lt3A_188 : i1 to i32
          %cond3A_190 = arith.constant 0 : i32
          %cond3A_191 = arith.cmpi ne, %convert_element_type3A_189, %cond3A_190 : i32
          scf.if %cond3A_191 {
            %dma_wait3A_192 = arith.constant 0 : i32
            %dma_wait3A_193 = arith.constant 0 : i32
            %dma_wait3A_194 = arith.constant 0 : i32
            %dma_wait3A_195 = arith.constant 0 : i32
            %dma_wait3A_196 = tpu.memref_slice %arg15[%dma_wait3A_192, %dma_wait3A_194, %dma_wait3A_195] : memref<2x256x96xf32, #tpu.memory_space<vmem>> -> memref<1x256x96xf32, #tpu.memory_space<vmem>>
            %dma_wait3A_197 = tpu.memref_squeeze %dma_wait3A_196 : memref<1x256x96xf32, #tpu.memory_space<vmem>> -> memref<256x96xf32, #tpu.memory_space<vmem>>
            %dma_wait3A_198 = arith.constant 0 : i32
            %dma_wait3A_199 = tpu.memref_slice %arg14[%add3A_143, %dma_wait3A_198] : memref<40x256xi32, #tpu.memory_space<vmem>> -> memref<1x256xi32, #tpu.memory_space<vmem>>
            %dma_wait3A_200 = tpu.memref_squeeze %dma_wait3A_199 : memref<1x256xi32, #tpu.memory_space<vmem>> -> memref<256xi32, #tpu.memory_space<vmem>>
            %dma_wait3A_201 = arith.constant 0 : i32
            %dma_wait3A_202 = arith.constant 0 : i32
            %dma_wait3A_203 = tpu.memref_slice %arg16[%dma_wait3A_201, %dma_wait3A_202] : memref<10112x96xf32, #tpu.memory_space<vmem_shared>> -> memref<10112x96xf32, #tpu.memory_space<vmem_shared>>
            %dma_wait3A_204 = tpu.memref_slice %arg18[%dma_wait3A_193] : memref<2x!tpu.dma_semaphore, #tpu.memory_space<semaphore_mem>> -> memref<1x!tpu.dma_semaphore, #tpu.memory_space<semaphore_mem>>
            %dma_wait3A_205 = tpu.memref_squeeze %dma_wait3A_204 : memref<1x!tpu.dma_semaphore, #tpu.memory_space<semaphore_mem>> -> memref<!tpu.dma_semaphore, #tpu.memory_space<semaphore_mem>>
            tpu.wait_indirect_dma semaphore(%dma_wait3A_205 : memref<!tpu.dma_semaphore, #tpu.memory_space<semaphore_mem>>) src(%dma_wait3A_197 : memref<256x96xf32, #tpu.memory_space<vmem>>) dst(%dma_wait3A_203 : memref<10112x96xf32, #tpu.memory_space<vmem_shared>>)
            %add3A_206 = arith.constant 2 : i32
            %add3A_207 = arith.addi %add3A_143, %add3A_206 : i32
            %dma_start3A_208 = arith.constant 0 : i32
            %dma_start3A_209 = arith.constant 0 : i32
            %dma_start3A_210 = arith.constant 0 : i32
            %dma_start3A_211 = arith.constant 0 : i32
            %dma_start3A_212 = tpu.memref_slice %arg15[%dma_start3A_208, %dma_start3A_210, %dma_start3A_211] : memref<2x256x96xf32, #tpu.memory_space<vmem>> -> memref<1x256x96xf32, #tpu.memory_space<vmem>>
            %dma_start3A_213 = tpu.memref_squeeze %dma_start3A_212 : memref<1x256x96xf32, #tpu.memory_space<vmem>> -> memref<256x96xf32, #tpu.memory_space<vmem>>
            %dma_start3A_214 = arith.constant 0 : i32
            %dma_start3A_215 = tpu.memref_slice %arg13[%add3A_207, %dma_start3A_214] : memref<40x256xi32, #tpu.memory_space<vmem>> -> memref<1x256xi32, #tpu.memory_space<vmem>>
            %dma_start3A_216 = tpu.memref_squeeze %dma_start3A_215 : memref<1x256xi32, #tpu.memory_space<vmem>> -> memref<256xi32, #tpu.memory_space<vmem>>
            %dma_start3A_217 = arith.constant 0 : i32
            %dma_start3A_218 = arith.constant 0 : i32
            %dma_start3A_219 = tpu.memref_slice %arg3[%dma_start3A_217, %dma_start3A_218] : memref<10112x96xf32, #tpu.memory_space<hbm>> -> memref<10112x96xf32, #tpu.memory_space<hbm>>
            %dma_start3A_220 = tpu.memref_slice %arg17[%dma_start3A_209] : memref<2x!tpu.dma_semaphore, #tpu.memory_space<semaphore_mem>> -> memref<1x!tpu.dma_semaphore, #tpu.memory_space<semaphore_mem>>
            %dma_start3A_221 = tpu.memref_squeeze %dma_start3A_220 : memref<1x!tpu.dma_semaphore, #tpu.memory_space<semaphore_mem>> -> memref<!tpu.dma_semaphore, #tpu.memory_space<semaphore_mem>>
            tpu.enqueue_indirect_dma source(%dma_start3A_219 : memref<10112x96xf32, #tpu.memory_space<hbm>>) target(%dma_start3A_213 : memref<256x96xf32, #tpu.memory_space<vmem>>) offsets(%dma_start3A_216 : memref<256xi32, #tpu.memory_space<vmem>>) semaphore(%dma_start3A_221 : memref<!tpu.dma_semaphore, #tpu.memory_space<semaphore_mem>>)
          } else {
          }
        } else {
        }
        %mul3A_148 = arith.constant 2 : i32
        %mul3A_149 = arith.muli %mul3A_148, %scan3A_140 : i32
        %add3A_150 = arith.constant 1 : i32
        %add3A_151 = arith.addi %mul3A_149, %add3A_150 : i32
        %lt3A_152 = arith.constant 40 : i32
        %lt3A_153 = arith.cmpi slt, %add3A_151, %lt3A_152 : i32
        %convert_element_type3A_154 = arith.extui %lt3A_153 : i1 to i32
        %cond3A_155 = arith.constant 0 : i32
        %cond3A_156 = arith.cmpi ne, %convert_element_type3A_154, %cond3A_155 : i32
        scf.if %cond3A_156 {
          %dma_wait3A_157 = arith.constant 1 : i32
          %dma_wait3A_158 = arith.constant 1 : i32
          %dma_wait3A_159 = arith.constant 0 : i32
          %dma_wait3A_160 = arith.constant 0 : i32
          %dma_wait3A_161 = tpu.memref_slice %arg15[%dma_wait3A_157, %dma_wait3A_159, %dma_wait3A_160] : memref<2x256x96xf32, #tpu.memory_space<vmem>> -> memref<1x256x96xf32, #tpu.memory_space<vmem>>
          %dma_wait3A_162 = tpu.memref_squeeze %dma_wait3A_161 : memref<1x256x96xf32, #tpu.memory_space<vmem>> -> memref<256x96xf32, #tpu.memory_space<vmem>>
          %dma_wait3A_163 = arith.constant 0 : i32
          %dma_wait3A_164 = tpu.memref_slice %arg13[%add3A_151, %dma_wait3A_163] : memref<40x256xi32, #tpu.memory_space<vmem>> -> memref<1x256xi32, #tpu.memory_space<vmem>>
          %dma_wait3A_165 = tpu.memref_squeeze %dma_wait3A_164 : memref<1x256xi32, #tpu.memory_space<vmem>> -> memref<256xi32, #tpu.memory_space<vmem>>
          %dma_wait3A_166 = arith.constant 0 : i32
          %dma_wait3A_167 = arith.constant 0 : i32
          %dma_wait3A_168 = tpu.memref_slice %arg3[%dma_wait3A_166, %dma_wait3A_167] : memref<10112x96xf32, #tpu.memory_space<hbm>> -> memref<10112x96xf32, #tpu.memory_space<hbm>>
          %dma_wait3A_169 = tpu.memref_slice %arg17[%dma_wait3A_158] : memref<2x!tpu.dma_semaphore, #tpu.memory_space<semaphore_mem>> -> memref<1x!tpu.dma_semaphore, #tpu.memory_space<semaphore_mem>>
          %dma_wait3A_170 = tpu.memref_squeeze %dma_wait3A_169 : memref<1x!tpu.dma_semaphore, #tpu.memory_space<semaphore_mem>> -> memref<!tpu.dma_semaphore, #tpu.memory_space<semaphore_mem>>
          tpu.wait_indirect_dma semaphore(%dma_wait3A_170 : memref<!tpu.dma_semaphore, #tpu.memory_space<semaphore_mem>>) src(%dma_wait3A_168 : memref<10112x96xf32, #tpu.memory_space<hbm>>) dst(%dma_wait3A_162 : memref<256x96xf32, #tpu.memory_space<vmem>>)
          %dma_start3A_171 = arith.constant 1 : i32
          %dma_start3A_172 = arith.constant 1 : i32
          %dma_start3A_173 = arith.constant 0 : i32
          %dma_start3A_174 = arith.constant 0 : i32
          %dma_start3A_175 = tpu.memref_slice %arg15[%dma_start3A_171, %dma_start3A_173, %dma_start3A_174] : memref<2x256x96xf32, #tpu.memory_space<vmem>> -> memref<1x256x96xf32, #tpu.memory_space<vmem>>
          %dma_start3A_176 = tpu.memref_squeeze %dma_start3A_175 : memref<1x256x96xf32, #tpu.memory_space<vmem>> -> memref<256x96xf32, #tpu.memory_space<vmem>>
          %dma_start3A_177 = arith.constant 0 : i32
          %dma_start3A_178 = tpu.memref_slice %arg14[%add3A_151, %dma_start3A_177] : memref<40x256xi32, #tpu.memory_space<vmem>> -> memref<1x256xi32, #tpu.memory_space<vmem>>
          %dma_start3A_179 = tpu.memref_squeeze %dma_start3A_178 : memref<1x256xi32, #tpu.memory_space<vmem>> -> memref<256xi32, #tpu.memory_space<vmem>>
          %dma_start3A_180 = arith.constant 0 : i32
          %dma_start3A_181 = arith.constant 0 : i32
          %dma_start3A_182 = tpu.memref_slice %arg16[%dma_start3A_180, %dma_start3A_181] : memref<10112x96xf32, #tpu.memory_space<vmem_shared>> -> memref<10112x96xf32, #tpu.memory_space<vmem_shared>>
          %dma_start3A_183 = tpu.memref_slice %arg18[%dma_start3A_172] : memref<2x!tpu.dma_semaphore, #tpu.memory_space<semaphore_mem>> -> memref<1x!tpu.dma_semaphore, #tpu.memory_space<semaphore_mem>>
          %dma_start3A_184 = tpu.memref_squeeze %dma_start3A_183 : memref<1x!tpu.dma_semaphore, #tpu.memory_space<semaphore_mem>> -> memref<!tpu.dma_semaphore, #tpu.memory_space<semaphore_mem>>
          tpu.enqueue_indirect_dma source(%dma_start3A_176 : memref<256x96xf32, #tpu.memory_space<vmem>>) target(%dma_start3A_182 : memref<10112x96xf32, #tpu.memory_space<vmem_shared>>) offsets(%dma_start3A_179 : memref<256xi32, #tpu.memory_space<vmem>>) semaphore(%dma_start3A_184 : memref<!tpu.dma_semaphore, #tpu.memory_space<semaphore_mem>>) {add = true}
          %add3A_185 = arith.constant 2 : i32
          %add3A_186 = arith.addi %add3A_151, %add3A_185 : i32
          %lt3A_187 = arith.constant 40 : i32
          %lt3A_188 = arith.cmpi slt, %add3A_186, %lt3A_187 : i32
          %convert_element_type3A_189 = arith.extui %lt3A_188 : i1 to i32
          %cond3A_190 = arith.constant 0 : i32
          %cond3A_191 = arith.cmpi ne, %convert_element_type3A_189, %cond3A_190 : i32
          scf.if %cond3A_191 {
            %dma_wait3A_192 = arith.constant 1 : i32
            %dma_wait3A_193 = arith.constant 1 : i32
            %dma_wait3A_194 = arith.constant 0 : i32
            %dma_wait3A_195 = arith.constant 0 : i32
            %dma_wait3A_196 = tpu.memref_slice %arg15[%dma_wait3A_192, %dma_wait3A_194, %dma_wait3A_195] : memref<2x256x96xf32, #tpu.memory_space<vmem>> -> memref<1x256x96xf32, #tpu.memory_space<vmem>>
            %dma_wait3A_197 = tpu.memref_squeeze %dma_wait3A_196 : memref<1x256x96xf32, #tpu.memory_space<vmem>> -> memref<256x96xf32, #tpu.memory_space<vmem>>
            %dma_wait3A_198 = arith.constant 0 : i32
            %dma_wait3A_199 = tpu.memref_slice %arg14[%add3A_151, %dma_wait3A_198] : memref<40x256xi32, #tpu.memory_space<vmem>> -> memref<1x256xi32, #tpu.memory_space<vmem>>
            %dma_wait3A_200 = tpu.memref_squeeze %dma_wait3A_199 : memref<1x256xi32, #tpu.memory_space<vmem>> -> memref<256xi32, #tpu.memory_space<vmem>>
            %dma_wait3A_201 = arith.constant 0 : i32
            %dma_wait3A_202 = arith.constant 0 : i32
            %dma_wait3A_203 = tpu.memref_slice %arg16[%dma_wait3A_201, %dma_wait3A_202] : memref<10112x96xf32, #tpu.memory_space<vmem_shared>> -> memref<10112x96xf32, #tpu.memory_space<vmem_shared>>
            %dma_wait3A_204 = tpu.memref_slice %arg18[%dma_wait3A_193] : memref<2x!tpu.dma_semaphore, #tpu.memory_space<semaphore_mem>> -> memref<1x!tpu.dma_semaphore, #tpu.memory_space<semaphore_mem>>
            %dma_wait3A_205 = tpu.memref_squeeze %dma_wait3A_204 : memref<1x!tpu.dma_semaphore, #tpu.memory_space<semaphore_mem>> -> memref<!tpu.dma_semaphore, #tpu.memory_space<semaphore_mem>>
            tpu.wait_indirect_dma semaphore(%dma_wait3A_205 : memref<!tpu.dma_semaphore, #tpu.memory_space<semaphore_mem>>) src(%dma_wait3A_197 : memref<256x96xf32, #tpu.memory_space<vmem>>) dst(%dma_wait3A_203 : memref<10112x96xf32, #tpu.memory_space<vmem_shared>>)
            %add3A_206 = arith.constant 2 : i32
            %add3A_207 = arith.addi %add3A_151, %add3A_206 : i32
            %dma_start3A_208 = arith.constant 1 : i32
            %dma_start3A_209 = arith.constant 1 : i32
            %dma_start3A_210 = arith.constant 0 : i32
            %dma_start3A_211 = arith.constant 0 : i32
            %dma_start3A_212 = tpu.memref_slice %arg15[%dma_start3A_208, %dma_start3A_210, %dma_start3A_211] : memref<2x256x96xf32, #tpu.memory_space<vmem>> -> memref<1x256x96xf32, #tpu.memory_space<vmem>>
            %dma_start3A_213 = tpu.memref_squeeze %dma_start3A_212 : memref<1x256x96xf32, #tpu.memory_space<vmem>> -> memref<256x96xf32, #tpu.memory_space<vmem>>
            %dma_start3A_214 = arith.constant 0 : i32
            %dma_start3A_215 = tpu.memref_slice %arg13[%add3A_207, %dma_start3A_214] : memref<40x256xi32, #tpu.memory_space<vmem>> -> memref<1x256xi32, #tpu.memory_space<vmem>>
            %dma_start3A_216 = tpu.memref_squeeze %dma_start3A_215 : memref<1x256xi32, #tpu.memory_space<vmem>> -> memref<256xi32, #tpu.memory_space<vmem>>
            %dma_start3A_217 = arith.constant 0 : i32
            %dma_start3A_218 = arith.constant 0 : i32
            %dma_start3A_219 = tpu.memref_slice %arg3[%dma_start3A_217, %dma_start3A_218] : memref<10112x96xf32, #tpu.memory_space<hbm>> -> memref<10112x96xf32, #tpu.memory_space<hbm>>
            %dma_start3A_220 = tpu.memref_slice %arg17[%dma_start3A_209] : memref<2x!tpu.dma_semaphore, #tpu.memory_space<semaphore_mem>> -> memref<1x!tpu.dma_semaphore, #tpu.memory_space<semaphore_mem>>
            %dma_start3A_221 = tpu.memref_squeeze %dma_start3A_220 : memref<1x!tpu.dma_semaphore, #tpu.memory_space<semaphore_mem>> -> memref<!tpu.dma_semaphore, #tpu.memory_space<semaphore_mem>>
            tpu.enqueue_indirect_dma source(%dma_start3A_219 : memref<10112x96xf32, #tpu.memory_space<hbm>>) target(%dma_start3A_213 : memref<256x96xf32, #tpu.memory_space<vmem>>) offsets(%dma_start3A_216 : memref<256xi32, #tpu.memory_space<vmem>>) semaphore(%dma_start3A_221 : memref<!tpu.dma_semaphore, #tpu.memory_space<semaphore_mem>>)
          } else {
          }
        } else {
        }
      }
      %scan3A_108 = arith.constant 20 : i32
      %dma_wait3A_109 = arith.constant 0 : i32
      %dma_wait3A_110 = arith.constant 38 : i32
      %dma_wait3A_111 = arith.constant 0 : i32
      %dma_wait3A_112 = arith.constant 0 : i32
      %dma_wait3A_113 = arith.constant 0 : i32
      %dma_wait3A_114 = tpu.memref_slice %arg15[%dma_wait3A_109, %dma_wait3A_112, %dma_wait3A_113] : memref<2x256x96xf32, #tpu.memory_space<vmem>> -> memref<1x256x96xf32, #tpu.memory_space<vmem>>
      %dma_wait3A_115 = tpu.memref_squeeze %dma_wait3A_114 : memref<1x256x96xf32, #tpu.memory_space<vmem>> -> memref<256x96xf32, #tpu.memory_space<vmem>>
      %dma_wait3A_116 = arith.constant 0 : i32
      %dma_wait3A_117 = tpu.memref_slice %arg14[%dma_wait3A_110, %dma_wait3A_116] : memref<40x256xi32, #tpu.memory_space<vmem>> -> memref<1x256xi32, #tpu.memory_space<vmem>>
      %dma_wait3A_118 = tpu.memref_squeeze %dma_wait3A_117 : memref<1x256xi32, #tpu.memory_space<vmem>> -> memref<256xi32, #tpu.memory_space<vmem>>
      %dma_wait3A_119 = arith.constant 0 : i32
      %dma_wait3A_120 = arith.constant 0 : i32
      %dma_wait3A_121 = tpu.memref_slice %arg16[%dma_wait3A_119, %dma_wait3A_120] : memref<10112x96xf32, #tpu.memory_space<vmem_shared>> -> memref<10112x96xf32, #tpu.memory_space<vmem_shared>>
      %dma_wait3A_122 = tpu.memref_slice %arg18[%dma_wait3A_111] : memref<2x!tpu.dma_semaphore, #tpu.memory_space<semaphore_mem>> -> memref<1x!tpu.dma_semaphore, #tpu.memory_space<semaphore_mem>>
      %dma_wait3A_123 = tpu.memref_squeeze %dma_wait3A_122 : memref<1x!tpu.dma_semaphore, #tpu.memory_space<semaphore_mem>> -> memref<!tpu.dma_semaphore, #tpu.memory_space<semaphore_mem>>
      tpu.wait_indirect_dma semaphore(%dma_wait3A_123 : memref<!tpu.dma_semaphore, #tpu.memory_space<semaphore_mem>>) src(%dma_wait3A_115 : memref<256x96xf32, #tpu.memory_space<vmem>>) dst(%dma_wait3A_121 : memref<10112x96xf32, #tpu.memory_space<vmem_shared>>)
      %dma_wait3A_124 = arith.constant 1 : i32
      %dma_wait3A_125 = arith.constant 39 : i32
      %dma_wait3A_126 = arith.constant 1 : i32
      %dma_wait3A_127 = arith.constant 0 : i32
      %dma_wait3A_128 = arith.constant 0 : i32
      %dma_wait3A_129 = tpu.memref_slice %arg15[%dma_wait3A_124, %dma_wait3A_127, %dma_wait3A_128] : memref<2x256x96xf32, #tpu.memory_space<vmem>> -> memref<1x256x96xf32, #tpu.memory_space<vmem>>
      %dma_wait3A_130 = tpu.memref_squeeze %dma_wait3A_129 : memref<1x256x96xf32, #tpu.memory_space<vmem>> -> memref<256x96xf32, #tpu.memory_space<vmem>>
      %dma_wait3A_131 = arith.constant 0 : i32
      %dma_wait3A_132 = tpu.memref_slice %arg14[%dma_wait3A_125, %dma_wait3A_131] : memref<40x256xi32, #tpu.memory_space<vmem>> -> memref<1x256xi32, #tpu.memory_space<vmem>>
      %dma_wait3A_133 = tpu.memref_squeeze %dma_wait3A_132 : memref<1x256xi32, #tpu.memory_space<vmem>> -> memref<256xi32, #tpu.memory_space<vmem>>
      %dma_wait3A_134 = arith.constant 0 : i32
      %dma_wait3A_135 = arith.constant 0 : i32
      %dma_wait3A_136 = tpu.memref_slice %arg16[%dma_wait3A_134, %dma_wait3A_135] : memref<10112x96xf32, #tpu.memory_space<vmem_shared>> -> memref<10112x96xf32, #tpu.memory_space<vmem_shared>>
      %dma_wait3A_137 = tpu.memref_slice %arg18[%dma_wait3A_126] : memref<2x!tpu.dma_semaphore, #tpu.memory_space<semaphore_mem>> -> memref<1x!tpu.dma_semaphore, #tpu.memory_space<semaphore_mem>>
      %dma_wait3A_138 = tpu.memref_squeeze %dma_wait3A_137 : memref<1x!tpu.dma_semaphore, #tpu.memory_space<semaphore_mem>> -> memref<!tpu.dma_semaphore, #tpu.memory_space<semaphore_mem>>
      tpu.wait_indirect_dma semaphore(%dma_wait3A_138 : memref<!tpu.dma_semaphore, #tpu.memory_space<semaphore_mem>>) src(%dma_wait3A_130 : memref<256x96xf32, #tpu.memory_space<vmem>>) dst(%dma_wait3A_136 : memref<10112x96xf32, #tpu.memory_space<vmem_shared>>)
      %barrier3A_139 = arith.constant 0 : index
      tpu.barrier barrier_id(%barrier3A_139)
      "tpu.region"() ({
        %run_scoped3A = tpu.sem_alloc : memref<!tpu.dma_semaphore, #tpu.memory_space<semaphore_mem>>
        %dma_start3A_140 = arith.constant 0 : i32
        %dma_start3A_141 = tpu.memref_slice %arg10[%mul3A_0, %dma_start3A_140] : memref<10112x96xf32, #tpu.memory_space<hbm>> -> memref<632x96xf32, #tpu.memory_space<hbm>>
        %dma_start3A_142 = arith.constant 0 : i32
        %dma_start3A_143 = tpu.memref_slice %arg16[%mul3A_0, %dma_start3A_142] : memref<10112x96xf32, #tpu.memory_space<vmem_shared>> -> memref<632x96xf32, #tpu.memory_space<vmem_shared>>
        tpu.enqueue_dma source(%dma_start3A_143 : memref<632x96xf32, #tpu.memory_space<vmem_shared>>) target(%dma_start3A_141 : memref<632x96xf32, #tpu.memory_space<hbm>>) target_semaphore(%run_scoped3A : memref<!tpu.dma_semaphore, #tpu.memory_space<semaphore_mem>>)
        %dma_wait3A_144 = arith.constant 0 : i32
        %dma_wait3A_145 = tpu.memref_slice %arg10[%mul3A_0, %dma_wait3A_144] : memref<10112x96xf32, #tpu.memory_space<hbm>> -> memref<632x96xf32, #tpu.memory_space<hbm>>
        %dma_wait3A_146 = arith.constant 0 : i32
        %dma_wait3A_147 = tpu.memref_slice %arg16[%mul3A_0, %dma_wait3A_146] : memref<10112x96xf32, #tpu.memory_space<vmem_shared>> -> memref<632x96xf32, #tpu.memory_space<vmem_shared>>
        tpu.wait_dma2 semaphore(%run_scoped3A : memref<!tpu.dma_semaphore, #tpu.memory_space<semaphore_mem>>) src(%dma_wait3A_147 : memref<632x96xf32, #tpu.memory_space<vmem_shared>>) dst(%dma_wait3A_145 : memref<632x96xf32, #tpu.memory_space<hbm>>)
        tpu.yield
      }) : () -> ()
    } else {
    }
    %eq3A_3 = arith.constant 1 : i32
    %eq3A_4 = arith.cmpi eq, %arg0, %eq3A_3 : i32
    %convert_element_type3A_5 = arith.extui %eq3A_4 : i1 to i32
    %cond3A_6 = arith.constant 0 : i32
    %cond3A_7 = arith.cmpi ne, %convert_element_type3A_5, %cond3A_6 : i32
    scf.if %cond3A_7 {
      "tpu.region"() ({
        %run_scoped3A = tpu.sem_alloc : memref<!tpu.dma_semaphore, #tpu.memory_space<semaphore_mem>>
        %dma_start3A_140 = arith.constant 0 : i32
        %dma_start3A_141 = tpu.memref_slice %arg16[%mul3A_0, %dma_start3A_140] : memref<10112x96xf32, #tpu.memory_space<vmem_shared>> -> memref<632x96xf32, #tpu.memory_space<vmem_shared>>
        tpu.enqueue_dma source(%arg8 : memref<632x96xf32, #tpu.memory_space<hbm>>) target(%dma_start3A_141 : memref<632x96xf32, #tpu.memory_space<vmem_shared>>) target_semaphore(%run_scoped3A : memref<!tpu.dma_semaphore, #tpu.memory_space<semaphore_mem>>)
        %dma_wait3A_142 = arith.constant 0 : i32
        %dma_wait3A_143 = tpu.memref_slice %arg16[%mul3A_0, %dma_wait3A_142] : memref<10112x96xf32, #tpu.memory_space<vmem_shared>> -> memref<632x96xf32, #tpu.memory_space<vmem_shared>>
        tpu.wait_dma2 semaphore(%run_scoped3A : memref<!tpu.dma_semaphore, #tpu.memory_space<semaphore_mem>>) src(%arg8 : memref<632x96xf32, #tpu.memory_space<hbm>>) dst(%dma_wait3A_143 : memref<632x96xf32, #tpu.memory_space<vmem_shared>>)
        tpu.yield
      }) : () -> ()
      %barrier3A = arith.constant 0 : index
      tpu.barrier barrier_id(%barrier3A)
      %dma_start3A = arith.constant 0 : i32
      %dma_start3A_8 = arith.constant 0 : i32
      %dma_start3A_9 = arith.constant 0 : i32
      %dma_start3A_10 = arith.constant 0 : i32
      %dma_start3A_11 = arith.constant 0 : i32
      %dma_start3A_12 = tpu.memref_slice %arg15[%dma_start3A_8, %dma_start3A_10, %dma_start3A_11] : memref<2x256x96xf32, #tpu.memory_space<vmem>> -> memref<1x256x96xf32, #tpu.memory_space<vmem>>
      %dma_start3A_13 = tpu.memref_squeeze %dma_start3A_12 : memref<1x256x96xf32, #tpu.memory_space<vmem>> -> memref<256x96xf32, #tpu.memory_space<vmem>>
      %dma_start3A_14 = arith.constant 0 : i32
      %dma_start3A_15 = tpu.memref_slice %arg13[%dma_start3A, %dma_start3A_14] : memref<40x256xi32, #tpu.memory_space<vmem>> -> memref<1x256xi32, #tpu.memory_space<vmem>>
      %dma_start3A_16 = tpu.memref_squeeze %dma_start3A_15 : memref<1x256xi32, #tpu.memory_space<vmem>> -> memref<256xi32, #tpu.memory_space<vmem>>
      %dma_start3A_17 = arith.constant 0 : i32
      %dma_start3A_18 = arith.constant 0 : i32
      %dma_start3A_19 = tpu.memref_slice %arg4[%dma_start3A_17, %dma_start3A_18] : memref<10112x96xf32, #tpu.memory_space<hbm>> -> memref<10112x96xf32, #tpu.memory_space<hbm>>
      %dma_start3A_20 = tpu.memref_slice %arg17[%dma_start3A_9] : memref<2x!tpu.dma_semaphore, #tpu.memory_space<semaphore_mem>> -> memref<1x!tpu.dma_semaphore, #tpu.memory_space<semaphore_mem>>
      %dma_start3A_21 = tpu.memref_squeeze %dma_start3A_20 : memref<1x!tpu.dma_semaphore, #tpu.memory_space<semaphore_mem>> -> memref<!tpu.dma_semaphore, #tpu.memory_space<semaphore_mem>>
      tpu.enqueue_indirect_dma source(%dma_start3A_19 : memref<10112x96xf32, #tpu.memory_space<hbm>>) target(%dma_start3A_13 : memref<256x96xf32, #tpu.memory_space<vmem>>) offsets(%dma_start3A_16 : memref<256xi32, #tpu.memory_space<vmem>>) semaphore(%dma_start3A_21 : memref<!tpu.dma_semaphore, #tpu.memory_space<semaphore_mem>>)
      %dma_start3A_22 = arith.constant 1 : i32
      %dma_start3A_23 = arith.constant 1 : i32
      %dma_start3A_24 = arith.constant 1 : i32
      %dma_start3A_25 = arith.constant 0 : i32
      %dma_start3A_26 = arith.constant 0 : i32
      %dma_start3A_27 = tpu.memref_slice %arg15[%dma_start3A_23, %dma_start3A_25, %dma_start3A_26] : memref<2x256x96xf32, #tpu.memory_space<vmem>> -> memref<1x256x96xf32, #tpu.memory_space<vmem>>
      %dma_start3A_28 = tpu.memref_squeeze %dma_start3A_27 : memref<1x256x96xf32, #tpu.memory_space<vmem>> -> memref<256x96xf32, #tpu.memory_space<vmem>>
      %dma_start3A_29 = arith.constant 0 : i32
      %dma_start3A_30 = tpu.memref_slice %arg13[%dma_start3A_22, %dma_start3A_29] : memref<40x256xi32, #tpu.memory_space<vmem>> -> memref<1x256xi32, #tpu.memory_space<vmem>>
      %dma_start3A_31 = tpu.memref_squeeze %dma_start3A_30 : memref<1x256xi32, #tpu.memory_space<vmem>> -> memref<256xi32, #tpu.memory_space<vmem>>
      %dma_start3A_32 = arith.constant 0 : i32
      %dma_start3A_33 = arith.constant 0 : i32
      %dma_start3A_34 = tpu.memref_slice %arg4[%dma_start3A_32, %dma_start3A_33] : memref<10112x96xf32, #tpu.memory_space<hbm>> -> memref<10112x96xf32, #tpu.memory_space<hbm>>
      %dma_start3A_35 = tpu.memref_slice %arg17[%dma_start3A_24] : memref<2x!tpu.dma_semaphore, #tpu.memory_space<semaphore_mem>> -> memref<1x!tpu.dma_semaphore, #tpu.memory_space<semaphore_mem>>
      %dma_start3A_36 = tpu.memref_squeeze %dma_start3A_35 : memref<1x!tpu.dma_semaphore, #tpu.memory_space<semaphore_mem>> -> memref<!tpu.dma_semaphore, #tpu.memory_space<semaphore_mem>>
      tpu.enqueue_indirect_dma source(%dma_start3A_34 : memref<10112x96xf32, #tpu.memory_space<hbm>>) target(%dma_start3A_28 : memref<256x96xf32, #tpu.memory_space<vmem>>) offsets(%dma_start3A_31 : memref<256xi32, #tpu.memory_space<vmem>>) semaphore(%dma_start3A_36 : memref<!tpu.dma_semaphore, #tpu.memory_space<semaphore_mem>>)
      %scan3A = arith.constant 0 : i32
      %scan3A_37 = arith.constant 0 : i32
      %scan3A_38 = arith.constant 20 : i32
      %scan3A_39 = arith.addi %scan3A_37, %scan3A_38 : i32
      %scan3A_40 = arith.constant 1 : i32
      scf.for %scan3A_140 = %scan3A_37 to %scan3A_39 step %scan3A_40  : i32 {
        %mul3A_141 = arith.constant 2 : i32
        %mul3A_142 = arith.muli %mul3A_141, %scan3A_140 : i32
        %add3A = arith.constant 0 : i32
        %add3A_143 = arith.addi %mul3A_142, %add3A : i32
        %lt3A = arith.constant 40 : i32
        %lt3A_144 = arith.cmpi slt, %add3A_143, %lt3A : i32
        %convert_element_type3A_145 = arith.extui %lt3A_144 : i1 to i32
        %cond3A_146 = arith.constant 0 : i32
        %cond3A_147 = arith.cmpi ne, %convert_element_type3A_145, %cond3A_146 : i32
        scf.if %cond3A_147 {
          %dma_wait3A_157 = arith.constant 0 : i32
          %dma_wait3A_158 = arith.constant 0 : i32
          %dma_wait3A_159 = arith.constant 0 : i32
          %dma_wait3A_160 = arith.constant 0 : i32
          %dma_wait3A_161 = tpu.memref_slice %arg15[%dma_wait3A_157, %dma_wait3A_159, %dma_wait3A_160] : memref<2x256x96xf32, #tpu.memory_space<vmem>> -> memref<1x256x96xf32, #tpu.memory_space<vmem>>
          %dma_wait3A_162 = tpu.memref_squeeze %dma_wait3A_161 : memref<1x256x96xf32, #tpu.memory_space<vmem>> -> memref<256x96xf32, #tpu.memory_space<vmem>>
          %dma_wait3A_163 = arith.constant 0 : i32
          %dma_wait3A_164 = tpu.memref_slice %arg13[%add3A_143, %dma_wait3A_163] : memref<40x256xi32, #tpu.memory_space<vmem>> -> memref<1x256xi32, #tpu.memory_space<vmem>>
          %dma_wait3A_165 = tpu.memref_squeeze %dma_wait3A_164 : memref<1x256xi32, #tpu.memory_space<vmem>> -> memref<256xi32, #tpu.memory_space<vmem>>
          %dma_wait3A_166 = arith.constant 0 : i32
          %dma_wait3A_167 = arith.constant 0 : i32
          %dma_wait3A_168 = tpu.memref_slice %arg4[%dma_wait3A_166, %dma_wait3A_167] : memref<10112x96xf32, #tpu.memory_space<hbm>> -> memref<10112x96xf32, #tpu.memory_space<hbm>>
          %dma_wait3A_169 = tpu.memref_slice %arg17[%dma_wait3A_158] : memref<2x!tpu.dma_semaphore, #tpu.memory_space<semaphore_mem>> -> memref<1x!tpu.dma_semaphore, #tpu.memory_space<semaphore_mem>>
          %dma_wait3A_170 = tpu.memref_squeeze %dma_wait3A_169 : memref<1x!tpu.dma_semaphore, #tpu.memory_space<semaphore_mem>> -> memref<!tpu.dma_semaphore, #tpu.memory_space<semaphore_mem>>
          tpu.wait_indirect_dma semaphore(%dma_wait3A_170 : memref<!tpu.dma_semaphore, #tpu.memory_space<semaphore_mem>>) src(%dma_wait3A_168 : memref<10112x96xf32, #tpu.memory_space<hbm>>) dst(%dma_wait3A_162 : memref<256x96xf32, #tpu.memory_space<vmem>>)
          %dma_start3A_171 = arith.constant 0 : i32
          %dma_start3A_172 = arith.constant 0 : i32
          %dma_start3A_173 = arith.constant 0 : i32
          %dma_start3A_174 = arith.constant 0 : i32
          %dma_start3A_175 = tpu.memref_slice %arg15[%dma_start3A_171, %dma_start3A_173, %dma_start3A_174] : memref<2x256x96xf32, #tpu.memory_space<vmem>> -> memref<1x256x96xf32, #tpu.memory_space<vmem>>
          %dma_start3A_176 = tpu.memref_squeeze %dma_start3A_175 : memref<1x256x96xf32, #tpu.memory_space<vmem>> -> memref<256x96xf32, #tpu.memory_space<vmem>>
          %dma_start3A_177 = arith.constant 0 : i32
          %dma_start3A_178 = tpu.memref_slice %arg14[%add3A_143, %dma_start3A_177] : memref<40x256xi32, #tpu.memory_space<vmem>> -> memref<1x256xi32, #tpu.memory_space<vmem>>
          %dma_start3A_179 = tpu.memref_squeeze %dma_start3A_178 : memref<1x256xi32, #tpu.memory_space<vmem>> -> memref<256xi32, #tpu.memory_space<vmem>>
          %dma_start3A_180 = arith.constant 0 : i32
          %dma_start3A_181 = arith.constant 0 : i32
          %dma_start3A_182 = tpu.memref_slice %arg16[%dma_start3A_180, %dma_start3A_181] : memref<10112x96xf32, #tpu.memory_space<vmem_shared>> -> memref<10112x96xf32, #tpu.memory_space<vmem_shared>>
          %dma_start3A_183 = tpu.memref_slice %arg18[%dma_start3A_172] : memref<2x!tpu.dma_semaphore, #tpu.memory_space<semaphore_mem>> -> memref<1x!tpu.dma_semaphore, #tpu.memory_space<semaphore_mem>>
          %dma_start3A_184 = tpu.memref_squeeze %dma_start3A_183 : memref<1x!tpu.dma_semaphore, #tpu.memory_space<semaphore_mem>> -> memref<!tpu.dma_semaphore, #tpu.memory_space<semaphore_mem>>
          tpu.enqueue_indirect_dma source(%dma_start3A_176 : memref<256x96xf32, #tpu.memory_space<vmem>>) target(%dma_start3A_182 : memref<10112x96xf32, #tpu.memory_space<vmem_shared>>) offsets(%dma_start3A_179 : memref<256xi32, #tpu.memory_space<vmem>>) semaphore(%dma_start3A_184 : memref<!tpu.dma_semaphore, #tpu.memory_space<semaphore_mem>>) {add = true}
          %add3A_185 = arith.constant 2 : i32
          %add3A_186 = arith.addi %add3A_143, %add3A_185 : i32
          %lt3A_187 = arith.constant 40 : i32
          %lt3A_188 = arith.cmpi slt, %add3A_186, %lt3A_187 : i32
          %convert_element_type3A_189 = arith.extui %lt3A_188 : i1 to i32
          %cond3A_190 = arith.constant 0 : i32
          %cond3A_191 = arith.cmpi ne, %convert_element_type3A_189, %cond3A_190 : i32
          scf.if %cond3A_191 {
            %dma_wait3A_192 = arith.constant 0 : i32
            %dma_wait3A_193 = arith.constant 0 : i32
            %dma_wait3A_194 = arith.constant 0 : i32
            %dma_wait3A_195 = arith.constant 0 : i32
            %dma_wait3A_196 = tpu.memref_slice %arg15[%dma_wait3A_192, %dma_wait3A_194, %dma_wait3A_195] : memref<2x256x96xf32, #tpu.memory_space<vmem>> -> memref<1x256x96xf32, #tpu.memory_space<vmem>>
            %dma_wait3A_197 = tpu.memref_squeeze %dma_wait3A_196 : memref<1x256x96xf32, #tpu.memory_space<vmem>> -> memref<256x96xf32, #tpu.memory_space<vmem>>
            %dma_wait3A_198 = arith.constant 0 : i32
            %dma_wait3A_199 = tpu.memref_slice %arg14[%add3A_143, %dma_wait3A_198] : memref<40x256xi32, #tpu.memory_space<vmem>> -> memref<1x256xi32, #tpu.memory_space<vmem>>
            %dma_wait3A_200 = tpu.memref_squeeze %dma_wait3A_199 : memref<1x256xi32, #tpu.memory_space<vmem>> -> memref<256xi32, #tpu.memory_space<vmem>>
            %dma_wait3A_201 = arith.constant 0 : i32
            %dma_wait3A_202 = arith.constant 0 : i32
            %dma_wait3A_203 = tpu.memref_slice %arg16[%dma_wait3A_201, %dma_wait3A_202] : memref<10112x96xf32, #tpu.memory_space<vmem_shared>> -> memref<10112x96xf32, #tpu.memory_space<vmem_shared>>
            %dma_wait3A_204 = tpu.memref_slice %arg18[%dma_wait3A_193] : memref<2x!tpu.dma_semaphore, #tpu.memory_space<semaphore_mem>> -> memref<1x!tpu.dma_semaphore, #tpu.memory_space<semaphore_mem>>
            %dma_wait3A_205 = tpu.memref_squeeze %dma_wait3A_204 : memref<1x!tpu.dma_semaphore, #tpu.memory_space<semaphore_mem>> -> memref<!tpu.dma_semaphore, #tpu.memory_space<semaphore_mem>>
            tpu.wait_indirect_dma semaphore(%dma_wait3A_205 : memref<!tpu.dma_semaphore, #tpu.memory_space<semaphore_mem>>) src(%dma_wait3A_197 : memref<256x96xf32, #tpu.memory_space<vmem>>) dst(%dma_wait3A_203 : memref<10112x96xf32, #tpu.memory_space<vmem_shared>>)
            %add3A_206 = arith.constant 2 : i32
            %add3A_207 = arith.addi %add3A_143, %add3A_206 : i32
            %dma_start3A_208 = arith.constant 0 : i32
            %dma_start3A_209 = arith.constant 0 : i32
            %dma_start3A_210 = arith.constant 0 : i32
            %dma_start3A_211 = arith.constant 0 : i32
            %dma_start3A_212 = tpu.memref_slice %arg15[%dma_start3A_208, %dma_start3A_210, %dma_start3A_211] : memref<2x256x96xf32, #tpu.memory_space<vmem>> -> memref<1x256x96xf32, #tpu.memory_space<vmem>>
            %dma_start3A_213 = tpu.memref_squeeze %dma_start3A_212 : memref<1x256x96xf32, #tpu.memory_space<vmem>> -> memref<256x96xf32, #tpu.memory_space<vmem>>
            %dma_start3A_214 = arith.constant 0 : i32
            %dma_start3A_215 = tpu.memref_slice %arg13[%add3A_207, %dma_start3A_214] : memref<40x256xi32, #tpu.memory_space<vmem>> -> memref<1x256xi32, #tpu.memory_space<vmem>>
            %dma_start3A_216 = tpu.memref_squeeze %dma_start3A_215 : memref<1x256xi32, #tpu.memory_space<vmem>> -> memref<256xi32, #tpu.memory_space<vmem>>
            %dma_start3A_217 = arith.constant 0 : i32
            %dma_start3A_218 = arith.constant 0 : i32
            %dma_start3A_219 = tpu.memref_slice %arg4[%dma_start3A_217, %dma_start3A_218] : memref<10112x96xf32, #tpu.memory_space<hbm>> -> memref<10112x96xf32, #tpu.memory_space<hbm>>
            %dma_start3A_220 = tpu.memref_slice %arg17[%dma_start3A_209] : memref<2x!tpu.dma_semaphore, #tpu.memory_space<semaphore_mem>> -> memref<1x!tpu.dma_semaphore, #tpu.memory_space<semaphore_mem>>
            %dma_start3A_221 = tpu.memref_squeeze %dma_start3A_220 : memref<1x!tpu.dma_semaphore, #tpu.memory_space<semaphore_mem>> -> memref<!tpu.dma_semaphore, #tpu.memory_space<semaphore_mem>>
            tpu.enqueue_indirect_dma source(%dma_start3A_219 : memref<10112x96xf32, #tpu.memory_space<hbm>>) target(%dma_start3A_213 : memref<256x96xf32, #tpu.memory_space<vmem>>) offsets(%dma_start3A_216 : memref<256xi32, #tpu.memory_space<vmem>>) semaphore(%dma_start3A_221 : memref<!tpu.dma_semaphore, #tpu.memory_space<semaphore_mem>>)
          } else {
          }
        } else {
        }
        %mul3A_148 = arith.constant 2 : i32
        %mul3A_149 = arith.muli %mul3A_148, %scan3A_140 : i32
        %add3A_150 = arith.constant 1 : i32
        %add3A_151 = arith.addi %mul3A_149, %add3A_150 : i32
        %lt3A_152 = arith.constant 40 : i32
        %lt3A_153 = arith.cmpi slt, %add3A_151, %lt3A_152 : i32
        %convert_element_type3A_154 = arith.extui %lt3A_153 : i1 to i32
        %cond3A_155 = arith.constant 0 : i32
        %cond3A_156 = arith.cmpi ne, %convert_element_type3A_154, %cond3A_155 : i32
        scf.if %cond3A_156 {
          %dma_wait3A_157 = arith.constant 1 : i32
          %dma_wait3A_158 = arith.constant 1 : i32
          %dma_wait3A_159 = arith.constant 0 : i32
          %dma_wait3A_160 = arith.constant 0 : i32
          %dma_wait3A_161 = tpu.memref_slice %arg15[%dma_wait3A_157, %dma_wait3A_159, %dma_wait3A_160] : memref<2x256x96xf32, #tpu.memory_space<vmem>> -> memref<1x256x96xf32, #tpu.memory_space<vmem>>
          %dma_wait3A_162 = tpu.memref_squeeze %dma_wait3A_161 : memref<1x256x96xf32, #tpu.memory_space<vmem>> -> memref<256x96xf32, #tpu.memory_space<vmem>>
          %dma_wait3A_163 = arith.constant 0 : i32
          %dma_wait3A_164 = tpu.memref_slice %arg13[%add3A_151, %dma_wait3A_163] : memref<40x256xi32, #tpu.memory_space<vmem>> -> memref<1x256xi32, #tpu.memory_space<vmem>>
          %dma_wait3A_165 = tpu.memref_squeeze %dma_wait3A_164 : memref<1x256xi32, #tpu.memory_space<vmem>> -> memref<256xi32, #tpu.memory_space<vmem>>
          %dma_wait3A_166 = arith.constant 0 : i32
          %dma_wait3A_167 = arith.constant 0 : i32
          %dma_wait3A_168 = tpu.memref_slice %arg4[%dma_wait3A_166, %dma_wait3A_167] : memref<10112x96xf32, #tpu.memory_space<hbm>> -> memref<10112x96xf32, #tpu.memory_space<hbm>>
          %dma_wait3A_169 = tpu.memref_slice %arg17[%dma_wait3A_158] : memref<2x!tpu.dma_semaphore, #tpu.memory_space<semaphore_mem>> -> memref<1x!tpu.dma_semaphore, #tpu.memory_space<semaphore_mem>>
          %dma_wait3A_170 = tpu.memref_squeeze %dma_wait3A_169 : memref<1x!tpu.dma_semaphore, #tpu.memory_space<semaphore_mem>> -> memref<!tpu.dma_semaphore, #tpu.memory_space<semaphore_mem>>
          tpu.wait_indirect_dma semaphore(%dma_wait3A_170 : memref<!tpu.dma_semaphore, #tpu.memory_space<semaphore_mem>>) src(%dma_wait3A_168 : memref<10112x96xf32, #tpu.memory_space<hbm>>) dst(%dma_wait3A_162 : memref<256x96xf32, #tpu.memory_space<vmem>>)
          %dma_start3A_171 = arith.constant 1 : i32
          %dma_start3A_172 = arith.constant 1 : i32
          %dma_start3A_173 = arith.constant 0 : i32
          %dma_start3A_174 = arith.constant 0 : i32
          %dma_start3A_175 = tpu.memref_slice %arg15[%dma_start3A_171, %dma_start3A_173, %dma_start3A_174] : memref<2x256x96xf32, #tpu.memory_space<vmem>> -> memref<1x256x96xf32, #tpu.memory_space<vmem>>
          %dma_start3A_176 = tpu.memref_squeeze %dma_start3A_175 : memref<1x256x96xf32, #tpu.memory_space<vmem>> -> memref<256x96xf32, #tpu.memory_space<vmem>>
          %dma_start3A_177 = arith.constant 0 : i32
          %dma_start3A_178 = tpu.memref_slice %arg14[%add3A_151, %dma_start3A_177] : memref<40x256xi32, #tpu.memory_space<vmem>> -> memref<1x256xi32, #tpu.memory_space<vmem>>
          %dma_start3A_179 = tpu.memref_squeeze %dma_start3A_178 : memref<1x256xi32, #tpu.memory_space<vmem>> -> memref<256xi32, #tpu.memory_space<vmem>>
          %dma_start3A_180 = arith.constant 0 : i32
          %dma_start3A_181 = arith.constant 0 : i32
          %dma_start3A_182 = tpu.memref_slice %arg16[%dma_start3A_180, %dma_start3A_181] : memref<10112x96xf32, #tpu.memory_space<vmem_shared>> -> memref<10112x96xf32, #tpu.memory_space<vmem_shared>>
          %dma_start3A_183 = tpu.memref_slice %arg18[%dma_start3A_172] : memref<2x!tpu.dma_semaphore, #tpu.memory_space<semaphore_mem>> -> memref<1x!tpu.dma_semaphore, #tpu.memory_space<semaphore_mem>>
          %dma_start3A_184 = tpu.memref_squeeze %dma_start3A_183 : memref<1x!tpu.dma_semaphore, #tpu.memory_space<semaphore_mem>> -> memref<!tpu.dma_semaphore, #tpu.memory_space<semaphore_mem>>
          tpu.enqueue_indirect_dma source(%dma_start3A_176 : memref<256x96xf32, #tpu.memory_space<vmem>>) target(%dma_start3A_182 : memref<10112x96xf32, #tpu.memory_space<vmem_shared>>) offsets(%dma_start3A_179 : memref<256xi32, #tpu.memory_space<vmem>>) semaphore(%dma_start3A_184 : memref<!tpu.dma_semaphore, #tpu.memory_space<semaphore_mem>>) {add = true}
          %add3A_185 = arith.constant 2 : i32
          %add3A_186 = arith.addi %add3A_151, %add3A_185 : i32
          %lt3A_187 = arith.constant 40 : i32
          %lt3A_188 = arith.cmpi slt, %add3A_186, %lt3A_187 : i32
          %convert_element_type3A_189 = arith.extui %lt3A_188 : i1 to i32
          %cond3A_190 = arith.constant 0 : i32
          %cond3A_191 = arith.cmpi ne, %convert_element_type3A_189, %cond3A_190 : i32
          scf.if %cond3A_191 {
            %dma_wait3A_192 = arith.constant 1 : i32
            %dma_wait3A_193 = arith.constant 1 : i32
            %dma_wait3A_194 = arith.constant 0 : i32
            %dma_wait3A_195 = arith.constant 0 : i32
            %dma_wait3A_196 = tpu.memref_slice %arg15[%dma_wait3A_192, %dma_wait3A_194, %dma_wait3A_195] : memref<2x256x96xf32, #tpu.memory_space<vmem>> -> memref<1x256x96xf32, #tpu.memory_space<vmem>>
            %dma_wait3A_197 = tpu.memref_squeeze %dma_wait3A_196 : memref<1x256x96xf32, #tpu.memory_space<vmem>> -> memref<256x96xf32, #tpu.memory_space<vmem>>
            %dma_wait3A_198 = arith.constant 0 : i32
            %dma_wait3A_199 = tpu.memref_slice %arg14[%add3A_151, %dma_wait3A_198] : memref<40x256xi32, #tpu.memory_space<vmem>> -> memref<1x256xi32, #tpu.memory_space<vmem>>
            %dma_wait3A_200 = tpu.memref_squeeze %dma_wait3A_199 : memref<1x256xi32, #tpu.memory_space<vmem>> -> memref<256xi32, #tpu.memory_space<vmem>>
            %dma_wait3A_201 = arith.constant 0 : i32
            %dma_wait3A_202 = arith.constant 0 : i32
            %dma_wait3A_203 = tpu.memref_slice %arg16[%dma_wait3A_201, %dma_wait3A_202] : memref<10112x96xf32, #tpu.memory_space<vmem_shared>> -> memref<10112x96xf32, #tpu.memory_space<vmem_shared>>
            %dma_wait3A_204 = tpu.memref_slice %arg18[%dma_wait3A_193] : memref<2x!tpu.dma_semaphore, #tpu.memory_space<semaphore_mem>> -> memref<1x!tpu.dma_semaphore, #tpu.memory_space<semaphore_mem>>
            %dma_wait3A_205 = tpu.memref_squeeze %dma_wait3A_204 : memref<1x!tpu.dma_semaphore, #tpu.memory_space<semaphore_mem>> -> memref<!tpu.dma_semaphore, #tpu.memory_space<semaphore_mem>>
            tpu.wait_indirect_dma semaphore(%dma_wait3A_205 : memref<!tpu.dma_semaphore, #tpu.memory_space<semaphore_mem>>) src(%dma_wait3A_197 : memref<256x96xf32, #tpu.memory_space<vmem>>) dst(%dma_wait3A_203 : memref<10112x96xf32, #tpu.memory_space<vmem_shared>>)
            %add3A_206 = arith.constant 2 : i32
            %add3A_207 = arith.addi %add3A_151, %add3A_206 : i32
            %dma_start3A_208 = arith.constant 1 : i32
            %dma_start3A_209 = arith.constant 1 : i32
            %dma_start3A_210 = arith.constant 0 : i32
            %dma_start3A_211 = arith.constant 0 : i32
            %dma_start3A_212 = tpu.memref_slice %arg15[%dma_start3A_208, %dma_start3A_210, %dma_start3A_211] : memref<2x256x96xf32, #tpu.memory_space<vmem>> -> memref<1x256x96xf32, #tpu.memory_space<vmem>>
            %dma_start3A_213 = tpu.memref_squeeze %dma_start3A_212 : memref<1x256x96xf32, #tpu.memory_space<vmem>> -> memref<256x96xf32, #tpu.memory_space<vmem>>
            %dma_start3A_214 = arith.constant 0 : i32
            %dma_start3A_215 = tpu.memref_slice %arg13[%add3A_207, %dma_start3A_214] : memref<40x256xi32, #tpu.memory_space<vmem>> -> memref<1x256xi32, #tpu.memory_space<vmem>>
            %dma_start3A_216 = tpu.memref_squeeze %dma_start3A_215 : memref<1x256xi32, #tpu.memory_space<vmem>> -> memref<256xi32, #tpu.memory_space<vmem>>
            %dma_start3A_217 = arith.constant 0 : i32
            %dma_start3A_218 = arith.constant 0 : i32
            %dma_start3A_219 = tpu.memref_slice %arg4[%dma_start3A_217, %dma_start3A_218] : memref<10112x96xf32, #tpu.memory_space<hbm>> -> memref<10112x96xf32, #tpu.memory_space<hbm>>
            %dma_start3A_220 = tpu.memref_slice %arg17[%dma_start3A_209] : memref<2x!tpu.dma_semaphore, #tpu.memory_space<semaphore_mem>> -> memref<1x!tpu.dma_semaphore, #tpu.memory_space<semaphore_mem>>
            %dma_start3A_221 = tpu.memref_squeeze %dma_start3A_220 : memref<1x!tpu.dma_semaphore, #tpu.memory_space<semaphore_mem>> -> memref<!tpu.dma_semaphore, #tpu.memory_space<semaphore_mem>>
            tpu.enqueue_indirect_dma source(%dma_start3A_219 : memref<10112x96xf32, #tpu.memory_space<hbm>>) target(%dma_start3A_213 : memref<256x96xf32, #tpu.memory_space<vmem>>) offsets(%dma_start3A_216 : memref<256xi32, #tpu.memory_space<vmem>>) semaphore(%dma_start3A_221 : memref<!tpu.dma_semaphore, #tpu.memory_space<semaphore_mem>>)
          } else {
          }
        } else {
        }
      }
      %scan3A_41 = arith.constant 20 : i32
      %dma_wait3A = arith.constant 0 : i32
      %dma_wait3A_42 = arith.constant 38 : i32
      %dma_wait3A_43 = arith.constant 0 : i32
      %dma_wait3A_44 = arith.constant 0 : i32
      %dma_wait3A_45 = arith.constant 0 : i32
      %dma_wait3A_46 = tpu.memref_slice %arg15[%dma_wait3A, %dma_wait3A_44, %dma_wait3A_45] : memref<2x256x96xf32, #tpu.memory_space<vmem>> -> memref<1x256x96xf32, #tpu.memory_space<vmem>>
      %dma_wait3A_47 = tpu.memref_squeeze %dma_wait3A_46 : memref<1x256x96xf32, #tpu.memory_space<vmem>> -> memref<256x96xf32, #tpu.memory_space<vmem>>
      %dma_wait3A_48 = arith.constant 0 : i32
      %dma_wait3A_49 = tpu.memref_slice %arg14[%dma_wait3A_42, %dma_wait3A_48] : memref<40x256xi32, #tpu.memory_space<vmem>> -> memref<1x256xi32, #tpu.memory_space<vmem>>
      %dma_wait3A_50 = tpu.memref_squeeze %dma_wait3A_49 : memref<1x256xi32, #tpu.memory_space<vmem>> -> memref<256xi32, #tpu.memory_space<vmem>>
      %dma_wait3A_51 = arith.constant 0 : i32
      %dma_wait3A_52 = arith.constant 0 : i32
      %dma_wait3A_53 = tpu.memref_slice %arg16[%dma_wait3A_51, %dma_wait3A_52] : memref<10112x96xf32, #tpu.memory_space<vmem_shared>> -> memref<10112x96xf32, #tpu.memory_space<vmem_shared>>
      %dma_wait3A_54 = tpu.memref_slice %arg18[%dma_wait3A_43] : memref<2x!tpu.dma_semaphore, #tpu.memory_space<semaphore_mem>> -> memref<1x!tpu.dma_semaphore, #tpu.memory_space<semaphore_mem>>
      %dma_wait3A_55 = tpu.memref_squeeze %dma_wait3A_54 : memref<1x!tpu.dma_semaphore, #tpu.memory_space<semaphore_mem>> -> memref<!tpu.dma_semaphore, #tpu.memory_space<semaphore_mem>>
      tpu.wait_indirect_dma semaphore(%dma_wait3A_55 : memref<!tpu.dma_semaphore, #tpu.memory_space<semaphore_mem>>) src(%dma_wait3A_47 : memref<256x96xf32, #tpu.memory_space<vmem>>) dst(%dma_wait3A_53 : memref<10112x96xf32, #tpu.memory_space<vmem_shared>>)
      %dma_wait3A_56 = arith.constant 1 : i32
      %dma_wait3A_57 = arith.constant 39 : i32
      %dma_wait3A_58 = arith.constant 1 : i32
      %dma_wait3A_59 = arith.constant 0 : i32
      %dma_wait3A_60 = arith.constant 0 : i32
      %dma_wait3A_61 = tpu.memref_slice %arg15[%dma_wait3A_56, %dma_wait3A_59, %dma_wait3A_60] : memref<2x256x96xf32, #tpu.memory_space<vmem>> -> memref<1x256x96xf32, #tpu.memory_space<vmem>>
      %dma_wait3A_62 = tpu.memref_squeeze %dma_wait3A_61 : memref<1x256x96xf32, #tpu.memory_space<vmem>> -> memref<256x96xf32, #tpu.memory_space<vmem>>
      %dma_wait3A_63 = arith.constant 0 : i32
      %dma_wait3A_64 = tpu.memref_slice %arg14[%dma_wait3A_57, %dma_wait3A_63] : memref<40x256xi32, #tpu.memory_space<vmem>> -> memref<1x256xi32, #tpu.memory_space<vmem>>
      %dma_wait3A_65 = tpu.memref_squeeze %dma_wait3A_64 : memref<1x256xi32, #tpu.memory_space<vmem>> -> memref<256xi32, #tpu.memory_space<vmem>>
      %dma_wait3A_66 = arith.constant 0 : i32
      %dma_wait3A_67 = arith.constant 0 : i32
      %dma_wait3A_68 = tpu.memref_slice %arg16[%dma_wait3A_66, %dma_wait3A_67] : memref<10112x96xf32, #tpu.memory_space<vmem_shared>> -> memref<10112x96xf32, #tpu.memory_space<vmem_shared>>
      %dma_wait3A_69 = tpu.memref_slice %arg18[%dma_wait3A_58] : memref<2x!tpu.dma_semaphore, #tpu.memory_space<semaphore_mem>> -> memref<1x!tpu.dma_semaphore, #tpu.memory_space<semaphore_mem>>
      %dma_wait3A_70 = tpu.memref_squeeze %dma_wait3A_69 : memref<1x!tpu.dma_semaphore, #tpu.memory_space<semaphore_mem>> -> memref<!tpu.dma_semaphore, #tpu.memory_space<semaphore_mem>>
      tpu.wait_indirect_dma semaphore(%dma_wait3A_70 : memref<!tpu.dma_semaphore, #tpu.memory_space<semaphore_mem>>) src(%dma_wait3A_62 : memref<256x96xf32, #tpu.memory_space<vmem>>) dst(%dma_wait3A_68 : memref<10112x96xf32, #tpu.memory_space<vmem_shared>>)
      %barrier3A_71 = arith.constant 0 : index
      tpu.barrier barrier_id(%barrier3A_71)
      "tpu.region"() ({
        %run_scoped3A = tpu.sem_alloc : memref<!tpu.dma_semaphore, #tpu.memory_space<semaphore_mem>>
        %dma_start3A_140 = arith.constant 0 : i32
        %dma_start3A_141 = tpu.memref_slice %arg11[%mul3A_0, %dma_start3A_140] : memref<10112x96xf32, #tpu.memory_space<hbm>> -> memref<632x96xf32, #tpu.memory_space<hbm>>
        %dma_start3A_142 = arith.constant 0 : i32
        %dma_start3A_143 = tpu.memref_slice %arg16[%mul3A_0, %dma_start3A_142] : memref<10112x96xf32, #tpu.memory_space<vmem_shared>> -> memref<632x96xf32, #tpu.memory_space<vmem_shared>>
        tpu.enqueue_dma source(%dma_start3A_143 : memref<632x96xf32, #tpu.memory_space<vmem_shared>>) target(%dma_start3A_141 : memref<632x96xf32, #tpu.memory_space<hbm>>) target_semaphore(%run_scoped3A : memref<!tpu.dma_semaphore, #tpu.memory_space<semaphore_mem>>)
        %dma_wait3A_144 = arith.constant 0 : i32
        %dma_wait3A_145 = tpu.memref_slice %arg11[%mul3A_0, %dma_wait3A_144] : memref<10112x96xf32, #tpu.memory_space<hbm>> -> memref<632x96xf32, #tpu.memory_space<hbm>>
        %dma_wait3A_146 = arith.constant 0 : i32
        %dma_wait3A_147 = tpu.memref_slice %arg16[%mul3A_0, %dma_wait3A_146] : memref<10112x96xf32, #tpu.memory_space<vmem_shared>> -> memref<632x96xf32, #tpu.memory_space<vmem_shared>>
        tpu.wait_dma2 semaphore(%run_scoped3A : memref<!tpu.dma_semaphore, #tpu.memory_space<semaphore_mem>>) src(%dma_wait3A_147 : memref<632x96xf32, #tpu.memory_space<vmem_shared>>) dst(%dma_wait3A_145 : memref<632x96xf32, #tpu.memory_space<hbm>>)
        tpu.yield
      }) : () -> ()
      "tpu.region"() ({
        %run_scoped3A = tpu.sem_alloc : memref<!tpu.dma_semaphore, #tpu.memory_space<semaphore_mem>>
        %dma_start3A_140 = arith.constant 0 : i32
        %dma_start3A_141 = tpu.memref_slice %arg16[%mul3A_0, %dma_start3A_140] : memref<10112x96xf32, #tpu.memory_space<vmem_shared>> -> memref<632x96xf32, #tpu.memory_space<vmem_shared>>
        tpu.enqueue_dma source(%arg8 : memref<632x96xf32, #tpu.memory_space<hbm>>) target(%dma_start3A_141 : memref<632x96xf32, #tpu.memory_space<vmem_shared>>) target_semaphore(%run_scoped3A : memref<!tpu.dma_semaphore, #tpu.memory_space<semaphore_mem>>)
        %dma_wait3A_142 = arith.constant 0 : i32
        %dma_wait3A_143 = tpu.memref_slice %arg16[%mul3A_0, %dma_wait3A_142] : memref<10112x96xf32, #tpu.memory_space<vmem_shared>> -> memref<632x96xf32, #tpu.memory_space<vmem_shared>>
        tpu.wait_dma2 semaphore(%run_scoped3A : memref<!tpu.dma_semaphore, #tpu.memory_space<semaphore_mem>>) src(%arg8 : memref<632x96xf32, #tpu.memory_space<hbm>>) dst(%dma_wait3A_143 : memref<632x96xf32, #tpu.memory_space<vmem_shared>>)
        tpu.yield
      }) : () -> ()
      %barrier3A_72 = arith.constant 0 : index
      tpu.barrier barrier_id(%barrier3A_72)
      %dma_start3A_73 = arith.constant 0 : i32
      %dma_start3A_74 = arith.constant 0 : i32
      %dma_start3A_75 = arith.constant 0 : i32
      %dma_start3A_76 = arith.constant 0 : i32
      %dma_start3A_77 = arith.constant 0 : i32
      %dma_start3A_78 = tpu.memref_slice %arg15[%dma_start3A_74, %dma_start3A_76, %dma_start3A_77] : memref<2x256x96xf32, #tpu.memory_space<vmem>> -> memref<1x256x96xf32, #tpu.memory_space<vmem>>
      %dma_start3A_79 = tpu.memref_squeeze %dma_start3A_78 : memref<1x256x96xf32, #tpu.memory_space<vmem>> -> memref<256x96xf32, #tpu.memory_space<vmem>>
      %dma_start3A_80 = arith.constant 0 : i32
      %dma_start3A_81 = tpu.memref_slice %arg13[%dma_start3A_73, %dma_start3A_80] : memref<40x256xi32, #tpu.memory_space<vmem>> -> memref<1x256xi32, #tpu.memory_space<vmem>>
      %dma_start3A_82 = tpu.memref_squeeze %dma_start3A_81 : memref<1x256xi32, #tpu.memory_space<vmem>> -> memref<256xi32, #tpu.memory_space<vmem>>
      %dma_start3A_83 = arith.constant 0 : i32
      %dma_start3A_84 = arith.constant 0 : i32
      %dma_start3A_85 = tpu.memref_slice %arg5[%dma_start3A_83, %dma_start3A_84] : memref<10112x96xf32, #tpu.memory_space<hbm>> -> memref<10112x96xf32, #tpu.memory_space<hbm>>
      %dma_start3A_86 = tpu.memref_slice %arg17[%dma_start3A_75] : memref<2x!tpu.dma_semaphore, #tpu.memory_space<semaphore_mem>> -> memref<1x!tpu.dma_semaphore, #tpu.memory_space<semaphore_mem>>
      %dma_start3A_87 = tpu.memref_squeeze %dma_start3A_86 : memref<1x!tpu.dma_semaphore, #tpu.memory_space<semaphore_mem>> -> memref<!tpu.dma_semaphore, #tpu.memory_space<semaphore_mem>>
      tpu.enqueue_indirect_dma source(%dma_start3A_85 : memref<10112x96xf32, #tpu.memory_space<hbm>>) target(%dma_start3A_79 : memref<256x96xf32, #tpu.memory_space<vmem>>) offsets(%dma_start3A_82 : memref<256xi32, #tpu.memory_space<vmem>>) semaphore(%dma_start3A_87 : memref<!tpu.dma_semaphore, #tpu.memory_space<semaphore_mem>>)
      %dma_start3A_88 = arith.constant 1 : i32
      %dma_start3A_89 = arith.constant 1 : i32
      %dma_start3A_90 = arith.constant 1 : i32
      %dma_start3A_91 = arith.constant 0 : i32
      %dma_start3A_92 = arith.constant 0 : i32
      %dma_start3A_93 = tpu.memref_slice %arg15[%dma_start3A_89, %dma_start3A_91, %dma_start3A_92] : memref<2x256x96xf32, #tpu.memory_space<vmem>> -> memref<1x256x96xf32, #tpu.memory_space<vmem>>
      %dma_start3A_94 = tpu.memref_squeeze %dma_start3A_93 : memref<1x256x96xf32, #tpu.memory_space<vmem>> -> memref<256x96xf32, #tpu.memory_space<vmem>>
      %dma_start3A_95 = arith.constant 0 : i32
      %dma_start3A_96 = tpu.memref_slice %arg13[%dma_start3A_88, %dma_start3A_95] : memref<40x256xi32, #tpu.memory_space<vmem>> -> memref<1x256xi32, #tpu.memory_space<vmem>>
      %dma_start3A_97 = tpu.memref_squeeze %dma_start3A_96 : memref<1x256xi32, #tpu.memory_space<vmem>> -> memref<256xi32, #tpu.memory_space<vmem>>
      %dma_start3A_98 = arith.constant 0 : i32
      %dma_start3A_99 = arith.constant 0 : i32
      %dma_start3A_100 = tpu.memref_slice %arg5[%dma_start3A_98, %dma_start3A_99] : memref<10112x96xf32, #tpu.memory_space<hbm>> -> memref<10112x96xf32, #tpu.memory_space<hbm>>
      %dma_start3A_101 = tpu.memref_slice %arg17[%dma_start3A_90] : memref<2x!tpu.dma_semaphore, #tpu.memory_space<semaphore_mem>> -> memref<1x!tpu.dma_semaphore, #tpu.memory_space<semaphore_mem>>
      %dma_start3A_102 = tpu.memref_squeeze %dma_start3A_101 : memref<1x!tpu.dma_semaphore, #tpu.memory_space<semaphore_mem>> -> memref<!tpu.dma_semaphore, #tpu.memory_space<semaphore_mem>>
      tpu.enqueue_indirect_dma source(%dma_start3A_100 : memref<10112x96xf32, #tpu.memory_space<hbm>>) target(%dma_start3A_94 : memref<256x96xf32, #tpu.memory_space<vmem>>) offsets(%dma_start3A_97 : memref<256xi32, #tpu.memory_space<vmem>>) semaphore(%dma_start3A_102 : memref<!tpu.dma_semaphore, #tpu.memory_space<semaphore_mem>>)
      %scan3A_103 = arith.constant 0 : i32
      %scan3A_104 = arith.constant 0 : i32
      %scan3A_105 = arith.constant 20 : i32
      %scan3A_106 = arith.addi %scan3A_104, %scan3A_105 : i32
      %scan3A_107 = arith.constant 1 : i32
      scf.for %scan3A_140 = %scan3A_104 to %scan3A_106 step %scan3A_107  : i32 {
        %mul3A_141 = arith.constant 2 : i32
        %mul3A_142 = arith.muli %mul3A_141, %scan3A_140 : i32
        %add3A = arith.constant 0 : i32
        %add3A_143 = arith.addi %mul3A_142, %add3A : i32
        %lt3A = arith.constant 40 : i32
        %lt3A_144 = arith.cmpi slt, %add3A_143, %lt3A : i32
        %convert_element_type3A_145 = arith.extui %lt3A_144 : i1 to i32
        %cond3A_146 = arith.constant 0 : i32
        %cond3A_147 = arith.cmpi ne, %convert_element_type3A_145, %cond3A_146 : i32
        scf.if %cond3A_147 {
          %dma_wait3A_157 = arith.constant 0 : i32
          %dma_wait3A_158 = arith.constant 0 : i32
          %dma_wait3A_159 = arith.constant 0 : i32
          %dma_wait3A_160 = arith.constant 0 : i32
          %dma_wait3A_161 = tpu.memref_slice %arg15[%dma_wait3A_157, %dma_wait3A_159, %dma_wait3A_160] : memref<2x256x96xf32, #tpu.memory_space<vmem>> -> memref<1x256x96xf32, #tpu.memory_space<vmem>>
          %dma_wait3A_162 = tpu.memref_squeeze %dma_wait3A_161 : memref<1x256x96xf32, #tpu.memory_space<vmem>> -> memref<256x96xf32, #tpu.memory_space<vmem>>
          %dma_wait3A_163 = arith.constant 0 : i32
          %dma_wait3A_164 = tpu.memref_slice %arg13[%add3A_143, %dma_wait3A_163] : memref<40x256xi32, #tpu.memory_space<vmem>> -> memref<1x256xi32, #tpu.memory_space<vmem>>
          %dma_wait3A_165 = tpu.memref_squeeze %dma_wait3A_164 : memref<1x256xi32, #tpu.memory_space<vmem>> -> memref<256xi32, #tpu.memory_space<vmem>>
          %dma_wait3A_166 = arith.constant 0 : i32
          %dma_wait3A_167 = arith.constant 0 : i32
          %dma_wait3A_168 = tpu.memref_slice %arg5[%dma_wait3A_166, %dma_wait3A_167] : memref<10112x96xf32, #tpu.memory_space<hbm>> -> memref<10112x96xf32, #tpu.memory_space<hbm>>
          %dma_wait3A_169 = tpu.memref_slice %arg17[%dma_wait3A_158] : memref<2x!tpu.dma_semaphore, #tpu.memory_space<semaphore_mem>> -> memref<1x!tpu.dma_semaphore, #tpu.memory_space<semaphore_mem>>
          %dma_wait3A_170 = tpu.memref_squeeze %dma_wait3A_169 : memref<1x!tpu.dma_semaphore, #tpu.memory_space<semaphore_mem>> -> memref<!tpu.dma_semaphore, #tpu.memory_space<semaphore_mem>>
          tpu.wait_indirect_dma semaphore(%dma_wait3A_170 : memref<!tpu.dma_semaphore, #tpu.memory_space<semaphore_mem>>) src(%dma_wait3A_168 : memref<10112x96xf32, #tpu.memory_space<hbm>>) dst(%dma_wait3A_162 : memref<256x96xf32, #tpu.memory_space<vmem>>)
          %dma_start3A_171 = arith.constant 0 : i32
          %dma_start3A_172 = arith.constant 0 : i32
          %dma_start3A_173 = arith.constant 0 : i32
          %dma_start3A_174 = arith.constant 0 : i32
          %dma_start3A_175 = tpu.memref_slice %arg15[%dma_start3A_171, %dma_start3A_173, %dma_start3A_174] : memref<2x256x96xf32, #tpu.memory_space<vmem>> -> memref<1x256x96xf32, #tpu.memory_space<vmem>>
          %dma_start3A_176 = tpu.memref_squeeze %dma_start3A_175 : memref<1x256x96xf32, #tpu.memory_space<vmem>> -> memref<256x96xf32, #tpu.memory_space<vmem>>
          %dma_start3A_177 = arith.constant 0 : i32
          %dma_start3A_178 = tpu.memref_slice %arg14[%add3A_143, %dma_start3A_177] : memref<40x256xi32, #tpu.memory_space<vmem>> -> memref<1x256xi32, #tpu.memory_space<vmem>>
          %dma_start3A_179 = tpu.memref_squeeze %dma_start3A_178 : memref<1x256xi32, #tpu.memory_space<vmem>> -> memref<256xi32, #tpu.memory_space<vmem>>
          %dma_start3A_180 = arith.constant 0 : i32
          %dma_start3A_181 = arith.constant 0 : i32
          %dma_start3A_182 = tpu.memref_slice %arg16[%dma_start3A_180, %dma_start3A_181] : memref<10112x96xf32, #tpu.memory_space<vmem_shared>> -> memref<10112x96xf32, #tpu.memory_space<vmem_shared>>
          %dma_start3A_183 = tpu.memref_slice %arg18[%dma_start3A_172] : memref<2x!tpu.dma_semaphore, #tpu.memory_space<semaphore_mem>> -> memref<1x!tpu.dma_semaphore, #tpu.memory_space<semaphore_mem>>
          %dma_start3A_184 = tpu.memref_squeeze %dma_start3A_183 : memref<1x!tpu.dma_semaphore, #tpu.memory_space<semaphore_mem>> -> memref<!tpu.dma_semaphore, #tpu.memory_space<semaphore_mem>>
          tpu.enqueue_indirect_dma source(%dma_start3A_176 : memref<256x96xf32, #tpu.memory_space<vmem>>) target(%dma_start3A_182 : memref<10112x96xf32, #tpu.memory_space<vmem_shared>>) offsets(%dma_start3A_179 : memref<256xi32, #tpu.memory_space<vmem>>) semaphore(%dma_start3A_184 : memref<!tpu.dma_semaphore, #tpu.memory_space<semaphore_mem>>) {add = true}
          %add3A_185 = arith.constant 2 : i32
          %add3A_186 = arith.addi %add3A_143, %add3A_185 : i32
          %lt3A_187 = arith.constant 40 : i32
          %lt3A_188 = arith.cmpi slt, %add3A_186, %lt3A_187 : i32
          %convert_element_type3A_189 = arith.extui %lt3A_188 : i1 to i32
          %cond3A_190 = arith.constant 0 : i32
          %cond3A_191 = arith.cmpi ne, %convert_element_type3A_189, %cond3A_190 : i32
          scf.if %cond3A_191 {
            %dma_wait3A_192 = arith.constant 0 : i32
            %dma_wait3A_193 = arith.constant 0 : i32
            %dma_wait3A_194 = arith.constant 0 : i32
            %dma_wait3A_195 = arith.constant 0 : i32
            %dma_wait3A_196 = tpu.memref_slice %arg15[%dma_wait3A_192, %dma_wait3A_194, %dma_wait3A_195] : memref<2x256x96xf32, #tpu.memory_space<vmem>> -> memref<1x256x96xf32, #tpu.memory_space<vmem>>
            %dma_wait3A_197 = tpu.memref_squeeze %dma_wait3A_196 : memref<1x256x96xf32, #tpu.memory_space<vmem>> -> memref<256x96xf32, #tpu.memory_space<vmem>>
            %dma_wait3A_198 = arith.constant 0 : i32
            %dma_wait3A_199 = tpu.memref_slice %arg14[%add3A_143, %dma_wait3A_198] : memref<40x256xi32, #tpu.memory_space<vmem>> -> memref<1x256xi32, #tpu.memory_space<vmem>>
            %dma_wait3A_200 = tpu.memref_squeeze %dma_wait3A_199 : memref<1x256xi32, #tpu.memory_space<vmem>> -> memref<256xi32, #tpu.memory_space<vmem>>
            %dma_wait3A_201 = arith.constant 0 : i32
            %dma_wait3A_202 = arith.constant 0 : i32
            %dma_wait3A_203 = tpu.memref_slice %arg16[%dma_wait3A_201, %dma_wait3A_202] : memref<10112x96xf32, #tpu.memory_space<vmem_shared>> -> memref<10112x96xf32, #tpu.memory_space<vmem_shared>>
            %dma_wait3A_204 = tpu.memref_slice %arg18[%dma_wait3A_193] : memref<2x!tpu.dma_semaphore, #tpu.memory_space<semaphore_mem>> -> memref<1x!tpu.dma_semaphore, #tpu.memory_space<semaphore_mem>>
            %dma_wait3A_205 = tpu.memref_squeeze %dma_wait3A_204 : memref<1x!tpu.dma_semaphore, #tpu.memory_space<semaphore_mem>> -> memref<!tpu.dma_semaphore, #tpu.memory_space<semaphore_mem>>
            tpu.wait_indirect_dma semaphore(%dma_wait3A_205 : memref<!tpu.dma_semaphore, #tpu.memory_space<semaphore_mem>>) src(%dma_wait3A_197 : memref<256x96xf32, #tpu.memory_space<vmem>>) dst(%dma_wait3A_203 : memref<10112x96xf32, #tpu.memory_space<vmem_shared>>)
            %add3A_206 = arith.constant 2 : i32
            %add3A_207 = arith.addi %add3A_143, %add3A_206 : i32
            %dma_start3A_208 = arith.constant 0 : i32
            %dma_start3A_209 = arith.constant 0 : i32
            %dma_start3A_210 = arith.constant 0 : i32
            %dma_start3A_211 = arith.constant 0 : i32
            %dma_start3A_212 = tpu.memref_slice %arg15[%dma_start3A_208, %dma_start3A_210, %dma_start3A_211] : memref<2x256x96xf32, #tpu.memory_space<vmem>> -> memref<1x256x96xf32, #tpu.memory_space<vmem>>
            %dma_start3A_213 = tpu.memref_squeeze %dma_start3A_212 : memref<1x256x96xf32, #tpu.memory_space<vmem>> -> memref<256x96xf32, #tpu.memory_space<vmem>>
            %dma_start3A_214 = arith.constant 0 : i32
            %dma_start3A_215 = tpu.memref_slice %arg13[%add3A_207, %dma_start3A_214] : memref<40x256xi32, #tpu.memory_space<vmem>> -> memref<1x256xi32, #tpu.memory_space<vmem>>
            %dma_start3A_216 = tpu.memref_squeeze %dma_start3A_215 : memref<1x256xi32, #tpu.memory_space<vmem>> -> memref<256xi32, #tpu.memory_space<vmem>>
            %dma_start3A_217 = arith.constant 0 : i32
            %dma_start3A_218 = arith.constant 0 : i32
            %dma_start3A_219 = tpu.memref_slice %arg5[%dma_start3A_217, %dma_start3A_218] : memref<10112x96xf32, #tpu.memory_space<hbm>> -> memref<10112x96xf32, #tpu.memory_space<hbm>>
            %dma_start3A_220 = tpu.memref_slice %arg17[%dma_start3A_209] : memref<2x!tpu.dma_semaphore, #tpu.memory_space<semaphore_mem>> -> memref<1x!tpu.dma_semaphore, #tpu.memory_space<semaphore_mem>>
            %dma_start3A_221 = tpu.memref_squeeze %dma_start3A_220 : memref<1x!tpu.dma_semaphore, #tpu.memory_space<semaphore_mem>> -> memref<!tpu.dma_semaphore, #tpu.memory_space<semaphore_mem>>
            tpu.enqueue_indirect_dma source(%dma_start3A_219 : memref<10112x96xf32, #tpu.memory_space<hbm>>) target(%dma_start3A_213 : memref<256x96xf32, #tpu.memory_space<vmem>>) offsets(%dma_start3A_216 : memref<256xi32, #tpu.memory_space<vmem>>) semaphore(%dma_start3A_221 : memref<!tpu.dma_semaphore, #tpu.memory_space<semaphore_mem>>)
          } else {
          }
        } else {
        }
        %mul3A_148 = arith.constant 2 : i32
        %mul3A_149 = arith.muli %mul3A_148, %scan3A_140 : i32
        %add3A_150 = arith.constant 1 : i32
        %add3A_151 = arith.addi %mul3A_149, %add3A_150 : i32
        %lt3A_152 = arith.constant 40 : i32
        %lt3A_153 = arith.cmpi slt, %add3A_151, %lt3A_152 : i32
        %convert_element_type3A_154 = arith.extui %lt3A_153 : i1 to i32
        %cond3A_155 = arith.constant 0 : i32
        %cond3A_156 = arith.cmpi ne, %convert_element_type3A_154, %cond3A_155 : i32
        scf.if %cond3A_156 {
          %dma_wait3A_157 = arith.constant 1 : i32
          %dma_wait3A_158 = arith.constant 1 : i32
          %dma_wait3A_159 = arith.constant 0 : i32
          %dma_wait3A_160 = arith.constant 0 : i32
          %dma_wait3A_161 = tpu.memref_slice %arg15[%dma_wait3A_157, %dma_wait3A_159, %dma_wait3A_160] : memref<2x256x96xf32, #tpu.memory_space<vmem>> -> memref<1x256x96xf32, #tpu.memory_space<vmem>>
          %dma_wait3A_162 = tpu.memref_squeeze %dma_wait3A_161 : memref<1x256x96xf32, #tpu.memory_space<vmem>> -> memref<256x96xf32, #tpu.memory_space<vmem>>
          %dma_wait3A_163 = arith.constant 0 : i32
          %dma_wait3A_164 = tpu.memref_slice %arg13[%add3A_151, %dma_wait3A_163] : memref<40x256xi32, #tpu.memory_space<vmem>> -> memref<1x256xi32, #tpu.memory_space<vmem>>
          %dma_wait3A_165 = tpu.memref_squeeze %dma_wait3A_164 : memref<1x256xi32, #tpu.memory_space<vmem>> -> memref<256xi32, #tpu.memory_space<vmem>>
          %dma_wait3A_166 = arith.constant 0 : i32
          %dma_wait3A_167 = arith.constant 0 : i32
          %dma_wait3A_168 = tpu.memref_slice %arg5[%dma_wait3A_166, %dma_wait3A_167] : memref<10112x96xf32, #tpu.memory_space<hbm>> -> memref<10112x96xf32, #tpu.memory_space<hbm>>
          %dma_wait3A_169 = tpu.memref_slice %arg17[%dma_wait3A_158] : memref<2x!tpu.dma_semaphore, #tpu.memory_space<semaphore_mem>> -> memref<1x!tpu.dma_semaphore, #tpu.memory_space<semaphore_mem>>
          %dma_wait3A_170 = tpu.memref_squeeze %dma_wait3A_169 : memref<1x!tpu.dma_semaphore, #tpu.memory_space<semaphore_mem>> -> memref<!tpu.dma_semaphore, #tpu.memory_space<semaphore_mem>>
          tpu.wait_indirect_dma semaphore(%dma_wait3A_170 : memref<!tpu.dma_semaphore, #tpu.memory_space<semaphore_mem>>) src(%dma_wait3A_168 : memref<10112x96xf32, #tpu.memory_space<hbm>>) dst(%dma_wait3A_162 : memref<256x96xf32, #tpu.memory_space<vmem>>)
          %dma_start3A_171 = arith.constant 1 : i32
          %dma_start3A_172 = arith.constant 1 : i32
          %dma_start3A_173 = arith.constant 0 : i32
          %dma_start3A_174 = arith.constant 0 : i32
          %dma_start3A_175 = tpu.memref_slice %arg15[%dma_start3A_171, %dma_start3A_173, %dma_start3A_174] : memref<2x256x96xf32, #tpu.memory_space<vmem>> -> memref<1x256x96xf32, #tpu.memory_space<vmem>>
          %dma_start3A_176 = tpu.memref_squeeze %dma_start3A_175 : memref<1x256x96xf32, #tpu.memory_space<vmem>> -> memref<256x96xf32, #tpu.memory_space<vmem>>
          %dma_start3A_177 = arith.constant 0 : i32
          %dma_start3A_178 = tpu.memref_slice %arg14[%add3A_151, %dma_start3A_177] : memref<40x256xi32, #tpu.memory_space<vmem>> -> memref<1x256xi32, #tpu.memory_space<vmem>>
          %dma_start3A_179 = tpu.memref_squeeze %dma_start3A_178 : memref<1x256xi32, #tpu.memory_space<vmem>> -> memref<256xi32, #tpu.memory_space<vmem>>
          %dma_start3A_180 = arith.constant 0 : i32
          %dma_start3A_181 = arith.constant 0 : i32
          %dma_start3A_182 = tpu.memref_slice %arg16[%dma_start3A_180, %dma_start3A_181] : memref<10112x96xf32, #tpu.memory_space<vmem_shared>> -> memref<10112x96xf32, #tpu.memory_space<vmem_shared>>
          %dma_start3A_183 = tpu.memref_slice %arg18[%dma_start3A_172] : memref<2x!tpu.dma_semaphore, #tpu.memory_space<semaphore_mem>> -> memref<1x!tpu.dma_semaphore, #tpu.memory_space<semaphore_mem>>
          %dma_start3A_184 = tpu.memref_squeeze %dma_start3A_183 : memref<1x!tpu.dma_semaphore, #tpu.memory_space<semaphore_mem>> -> memref<!tpu.dma_semaphore, #tpu.memory_space<semaphore_mem>>
          tpu.enqueue_indirect_dma source(%dma_start3A_176 : memref<256x96xf32, #tpu.memory_space<vmem>>) target(%dma_start3A_182 : memref<10112x96xf32, #tpu.memory_space<vmem_shared>>) offsets(%dma_start3A_179 : memref<256xi32, #tpu.memory_space<vmem>>) semaphore(%dma_start3A_184 : memref<!tpu.dma_semaphore, #tpu.memory_space<semaphore_mem>>) {add = true}
          %add3A_185 = arith.constant 2 : i32
          %add3A_186 = arith.addi %add3A_151, %add3A_185 : i32
          %lt3A_187 = arith.constant 40 : i32
          %lt3A_188 = arith.cmpi slt, %add3A_186, %lt3A_187 : i32
          %convert_element_type3A_189 = arith.extui %lt3A_188 : i1 to i32
          %cond3A_190 = arith.constant 0 : i32
          %cond3A_191 = arith.cmpi ne, %convert_element_type3A_189, %cond3A_190 : i32
          scf.if %cond3A_191 {
            %dma_wait3A_192 = arith.constant 1 : i32
            %dma_wait3A_193 = arith.constant 1 : i32
            %dma_wait3A_194 = arith.constant 0 : i32
            %dma_wait3A_195 = arith.constant 0 : i32
            %dma_wait3A_196 = tpu.memref_slice %arg15[%dma_wait3A_192, %dma_wait3A_194, %dma_wait3A_195] : memref<2x256x96xf32, #tpu.memory_space<vmem>> -> memref<1x256x96xf32, #tpu.memory_space<vmem>>
            %dma_wait3A_197 = tpu.memref_squeeze %dma_wait3A_196 : memref<1x256x96xf32, #tpu.memory_space<vmem>> -> memref<256x96xf32, #tpu.memory_space<vmem>>
            %dma_wait3A_198 = arith.constant 0 : i32
            %dma_wait3A_199 = tpu.memref_slice %arg14[%add3A_151, %dma_wait3A_198] : memref<40x256xi32, #tpu.memory_space<vmem>> -> memref<1x256xi32, #tpu.memory_space<vmem>>
            %dma_wait3A_200 = tpu.memref_squeeze %dma_wait3A_199 : memref<1x256xi32, #tpu.memory_space<vmem>> -> memref<256xi32, #tpu.memory_space<vmem>>
            %dma_wait3A_201 = arith.constant 0 : i32
            %dma_wait3A_202 = arith.constant 0 : i32
            %dma_wait3A_203 = tpu.memref_slice %arg16[%dma_wait3A_201, %dma_wait3A_202] : memref<10112x96xf32, #tpu.memory_space<vmem_shared>> -> memref<10112x96xf32, #tpu.memory_space<vmem_shared>>
            %dma_wait3A_204 = tpu.memref_slice %arg18[%dma_wait3A_193] : memref<2x!tpu.dma_semaphore, #tpu.memory_space<semaphore_mem>> -> memref<1x!tpu.dma_semaphore, #tpu.memory_space<semaphore_mem>>
            %dma_wait3A_205 = tpu.memref_squeeze %dma_wait3A_204 : memref<1x!tpu.dma_semaphore, #tpu.memory_space<semaphore_mem>> -> memref<!tpu.dma_semaphore, #tpu.memory_space<semaphore_mem>>
            tpu.wait_indirect_dma semaphore(%dma_wait3A_205 : memref<!tpu.dma_semaphore, #tpu.memory_space<semaphore_mem>>) src(%dma_wait3A_197 : memref<256x96xf32, #tpu.memory_space<vmem>>) dst(%dma_wait3A_203 : memref<10112x96xf32, #tpu.memory_space<vmem_shared>>)
            %add3A_206 = arith.constant 2 : i32
            %add3A_207 = arith.addi %add3A_151, %add3A_206 : i32
            %dma_start3A_208 = arith.constant 1 : i32
            %dma_start3A_209 = arith.constant 1 : i32
            %dma_start3A_210 = arith.constant 0 : i32
            %dma_start3A_211 = arith.constant 0 : i32
            %dma_start3A_212 = tpu.memref_slice %arg15[%dma_start3A_208, %dma_start3A_210, %dma_start3A_211] : memref<2x256x96xf32, #tpu.memory_space<vmem>> -> memref<1x256x96xf32, #tpu.memory_space<vmem>>
            %dma_start3A_213 = tpu.memref_squeeze %dma_start3A_212 : memref<1x256x96xf32, #tpu.memory_space<vmem>> -> memref<256x96xf32, #tpu.memory_space<vmem>>
            %dma_start3A_214 = arith.constant 0 : i32
            %dma_start3A_215 = tpu.memref_slice %arg13[%add3A_207, %dma_start3A_214] : memref<40x256xi32, #tpu.memory_space<vmem>> -> memref<1x256xi32, #tpu.memory_space<vmem>>
            %dma_start3A_216 = tpu.memref_squeeze %dma_start3A_215 : memref<1x256xi32, #tpu.memory_space<vmem>> -> memref<256xi32, #tpu.memory_space<vmem>>
            %dma_start3A_217 = arith.constant 0 : i32
            %dma_start3A_218 = arith.constant 0 : i32
            %dma_start3A_219 = tpu.memref_slice %arg5[%dma_start3A_217, %dma_start3A_218] : memref<10112x96xf32, #tpu.memory_space<hbm>> -> memref<10112x96xf32, #tpu.memory_space<hbm>>
            %dma_start3A_220 = tpu.memref_slice %arg17[%dma_start3A_209] : memref<2x!tpu.dma_semaphore, #tpu.memory_space<semaphore_mem>> -> memref<1x!tpu.dma_semaphore, #tpu.memory_space<semaphore_mem>>
            %dma_start3A_221 = tpu.memref_squeeze %dma_start3A_220 : memref<1x!tpu.dma_semaphore, #tpu.memory_space<semaphore_mem>> -> memref<!tpu.dma_semaphore, #tpu.memory_space<semaphore_mem>>
            tpu.enqueue_indirect_dma source(%dma_start3A_219 : memref<10112x96xf32, #tpu.memory_space<hbm>>) target(%dma_start3A_213 : memref<256x96xf32, #tpu.memory_space<vmem>>) offsets(%dma_start3A_216 : memref<256xi32, #tpu.memory_space<vmem>>) semaphore(%dma_start3A_221 : memref<!tpu.dma_semaphore, #tpu.memory_space<semaphore_mem>>)
          } else {
          }
        } else {
        }
      }
      %scan3A_108 = arith.constant 20 : i32
      %dma_wait3A_109 = arith.constant 0 : i32
      %dma_wait3A_110 = arith.constant 38 : i32
      %dma_wait3A_111 = arith.constant 0 : i32
      %dma_wait3A_112 = arith.constant 0 : i32
      %dma_wait3A_113 = arith.constant 0 : i32
      %dma_wait3A_114 = tpu.memref_slice %arg15[%dma_wait3A_109, %dma_wait3A_112, %dma_wait3A_113] : memref<2x256x96xf32, #tpu.memory_space<vmem>> -> memref<1x256x96xf32, #tpu.memory_space<vmem>>
      %dma_wait3A_115 = tpu.memref_squeeze %dma_wait3A_114 : memref<1x256x96xf32, #tpu.memory_space<vmem>> -> memref<256x96xf32, #tpu.memory_space<vmem>>
      %dma_wait3A_116 = arith.constant 0 : i32
      %dma_wait3A_117 = tpu.memref_slice %arg14[%dma_wait3A_110, %dma_wait3A_116] : memref<40x256xi32, #tpu.memory_space<vmem>> -> memref<1x256xi32, #tpu.memory_space<vmem>>
      %dma_wait3A_118 = tpu.memref_squeeze %dma_wait3A_117 : memref<1x256xi32, #tpu.memory_space<vmem>> -> memref<256xi32, #tpu.memory_space<vmem>>
      %dma_wait3A_119 = arith.constant 0 : i32
      %dma_wait3A_120 = arith.constant 0 : i32
      %dma_wait3A_121 = tpu.memref_slice %arg16[%dma_wait3A_119, %dma_wait3A_120] : memref<10112x96xf32, #tpu.memory_space<vmem_shared>> -> memref<10112x96xf32, #tpu.memory_space<vmem_shared>>
      %dma_wait3A_122 = tpu.memref_slice %arg18[%dma_wait3A_111] : memref<2x!tpu.dma_semaphore, #tpu.memory_space<semaphore_mem>> -> memref<1x!tpu.dma_semaphore, #tpu.memory_space<semaphore_mem>>
      %dma_wait3A_123 = tpu.memref_squeeze %dma_wait3A_122 : memref<1x!tpu.dma_semaphore, #tpu.memory_space<semaphore_mem>> -> memref<!tpu.dma_semaphore, #tpu.memory_space<semaphore_mem>>
      tpu.wait_indirect_dma semaphore(%dma_wait3A_123 : memref<!tpu.dma_semaphore, #tpu.memory_space<semaphore_mem>>) src(%dma_wait3A_115 : memref<256x96xf32, #tpu.memory_space<vmem>>) dst(%dma_wait3A_121 : memref<10112x96xf32, #tpu.memory_space<vmem_shared>>)
      %dma_wait3A_124 = arith.constant 1 : i32
      %dma_wait3A_125 = arith.constant 39 : i32
      %dma_wait3A_126 = arith.constant 1 : i32
      %dma_wait3A_127 = arith.constant 0 : i32
      %dma_wait3A_128 = arith.constant 0 : i32
      %dma_wait3A_129 = tpu.memref_slice %arg15[%dma_wait3A_124, %dma_wait3A_127, %dma_wait3A_128] : memref<2x256x96xf32, #tpu.memory_space<vmem>> -> memref<1x256x96xf32, #tpu.memory_space<vmem>>
      %dma_wait3A_130 = tpu.memref_squeeze %dma_wait3A_129 : memref<1x256x96xf32, #tpu.memory_space<vmem>> -> memref<256x96xf32, #tpu.memory_space<vmem>>
      %dma_wait3A_131 = arith.constant 0 : i32
      %dma_wait3A_132 = tpu.memref_slice %arg14[%dma_wait3A_125, %dma_wait3A_131] : memref<40x256xi32, #tpu.memory_space<vmem>> -> memref<1x256xi32, #tpu.memory_space<vmem>>
      %dma_wait3A_133 = tpu.memref_squeeze %dma_wait3A_132 : memref<1x256xi32, #tpu.memory_space<vmem>> -> memref<256xi32, #tpu.memory_space<vmem>>
      %dma_wait3A_134 = arith.constant 0 : i32
      %dma_wait3A_135 = arith.constant 0 : i32
      %dma_wait3A_136 = tpu.memref_slice %arg16[%dma_wait3A_134, %dma_wait3A_135] : memref<10112x96xf32, #tpu.memory_space<vmem_shared>> -> memref<10112x96xf32, #tpu.memory_space<vmem_shared>>
      %dma_wait3A_137 = tpu.memref_slice %arg18[%dma_wait3A_126] : memref<2x!tpu.dma_semaphore, #tpu.memory_space<semaphore_mem>> -> memref<1x!tpu.dma_semaphore, #tpu.memory_space<semaphore_mem>>
      %dma_wait3A_138 = tpu.memref_squeeze %dma_wait3A_137 : memref<1x!tpu.dma_semaphore, #tpu.memory_space<semaphore_mem>> -> memref<!tpu.dma_semaphore, #tpu.memory_space<semaphore_mem>>
      tpu.wait_indirect_dma semaphore(%dma_wait3A_138 : memref<!tpu.dma_semaphore, #tpu.memory_space<semaphore_mem>>) src(%dma_wait3A_130 : memref<256x96xf32, #tpu.memory_space<vmem>>) dst(%dma_wait3A_136 : memref<10112x96xf32, #tpu.memory_space<vmem_shared>>)
      %barrier3A_139 = arith.constant 0 : index
      tpu.barrier barrier_id(%barrier3A_139)
      "tpu.region"() ({
        %run_scoped3A = tpu.sem_alloc : memref<!tpu.dma_semaphore, #tpu.memory_space<semaphore_mem>>
        %dma_start3A_140 = arith.constant 0 : i32
        %dma_start3A_141 = tpu.memref_slice %arg12[%mul3A_0, %dma_start3A_140] : memref<10112x96xf32, #tpu.memory_space<hbm>> -> memref<632x96xf32, #tpu.memory_space<hbm>>
        %dma_start3A_142 = arith.constant 0 : i32
        %dma_start3A_143 = tpu.memref_slice %arg16[%mul3A_0, %dma_start3A_142] : memref<10112x96xf32, #tpu.memory_space<vmem_shared>> -> memref<632x96xf32, #tpu.memory_space<vmem_shared>>
        tpu.enqueue_dma source(%dma_start3A_143 : memref<632x96xf32, #tpu.memory_space<vmem_shared>>) target(%dma_start3A_141 : memref<632x96xf32, #tpu.memory_space<hbm>>) target_semaphore(%run_scoped3A : memref<!tpu.dma_semaphore, #tpu.memory_space<semaphore_mem>>)
        %dma_wait3A_144 = arith.constant 0 : i32
        %dma_wait3A_145 = tpu.memref_slice %arg12[%mul3A_0, %dma_wait3A_144] : memref<10112x96xf32, #tpu.memory_space<hbm>> -> memref<632x96xf32, #tpu.memory_space<hbm>>
        %dma_wait3A_146 = arith.constant 0 : i32
        %dma_wait3A_147 = tpu.memref_slice %arg16[%mul3A_0, %dma_wait3A_146] : memref<10112x96xf32, #tpu.memory_space<vmem_shared>> -> memref<632x96xf32, #tpu.memory_space<vmem_shared>>
        tpu.wait_dma2 semaphore(%run_scoped3A : memref<!tpu.dma_semaphore, #tpu.memory_space<semaphore_mem>>) src(%dma_wait3A_147 : memref<632x96xf32, #tpu.memory_space<vmem_shared>>) dst(%dma_wait3A_145 : memref<632x96xf32, #tpu.memory_space<hbm>>)
        tpu.yield
      }) : () -> ()
    } else {
    }
    return
  }
}

module attributes {stable_mosaic.version = 14 : i64} {
  func.func @_first_body(%arg0: i32, %arg1: memref<400x384xf32, #tpu.memory_space<vmem>>, %arg2: memref<400x8xf32, #tpu.memory_space<vmem>>, %arg3: memref<384x384xf32, #tpu.memory_space<vmem>>, %arg4: memref<400x96xf32, #tpu.memory_space<vmem>>, %arg5: memref<400x96xf32, #tpu.memory_space<vmem>>, %arg6: memref<400x96xf32, #tpu.memory_space<vmem>>, %arg7: memref<400x96xf32, #tpu.memory_space<vmem>>) attributes {dimension_semantics = [#tpu.dimension_semantics<arbitrary>], iteration_bounds = array<i64: 25>, scalar_prefetch = 0 : i64, scratch_operands = 0 : i64, tpu.core_type = #tpu.core_type<tc>, window_params = [{transform_indices = @transform_0, window_bounds = array<i64: 400, 384>}, {transform_indices = @transform_1, window_bounds = array<i64: 400, 8>}, {pipeline_mode = #tpu.pipeline_mode<synchronous>, transform_indices = @transform_2, window_bounds = array<i64: 384, 384>}, {transform_indices = @transform_3, window_bounds = array<i64: 400, 96>}, {transform_indices = @transform_4, window_bounds = array<i64: 400, 96>}, {transform_indices = @transform_5, window_bounds = array<i64: 400, 96>}, {transform_indices = @transform_6, window_bounds = array<i64: 400, 96>}]} {
    %get3A = arith.constant 0 : index
    %get3A_0 = arith.constant 0 : index
    %get3A_1 = vector.load %arg2[%get3A, %get3A_0] : memref<400x8xf32, #tpu.memory_space<vmem>>, vector<400x1xf32>
    %max3A = arith.constant 1.000000e+00 : f32
    %max3A_2 = vector.broadcast %max3A : f32 to vector<400x1xf32>
    %max3A_3 = arith.maximumf %get3A_1, %max3A_2 : vector<400x1xf32>
    %rsqrt3A = math.rsqrt %max3A_3 : vector<400x1xf32>
    %get3A_4 = arith.constant 0 : index
    %get3A_5 = arith.constant 0 : index
    %get3A_6 = vector.load %arg1[%get3A_4, %get3A_5] : memref<400x384xf32, #tpu.memory_space<vmem>>, vector<400x384xf32>
    %get3A_7 = arith.constant 0 : index
    %get3A_8 = arith.constant 0 : index
    %get3A_9 = vector.load %arg3[%get3A_7, %get3A_8] : memref<384x384xf32, #tpu.memory_space<vmem>>, vector<384x384xf32>
    %dot_general3A = arith.constant dense<0.000000e+00> : vector<400x384xf32>
    %dot_general3A_10 = tpu.matmul %get3A_6, %get3A_9, %dot_general3A {dimension_numbers = #tpu.dot_dimension_numbers<[1], [0], [0], [1], [0, 0, 1, 1], [], []>, transpose_lhs_hint = false} : vector<400x384xf32>, vector<384x384xf32>, vector<400x384xf32> -> vector<400x384xf32>
    %mul3A = vector.broadcast %rsqrt3A : vector<400x1xf32> to vector<400x384xf32>
    %mul3A_11 = arith.mulf %dot_general3A_10, %mul3A : vector<400x384xf32>
    %slice3A = vector.extract_strided_slice %mul3A_11 {offsets = [0, 0], sizes = [400, 96], strides = [1, 1]} : vector<400x384xf32> to vector<400x96xf32>
    %swap3A = arith.constant 0 : index
    %swap3A_12 = arith.constant 0 : index
    %swap3A_13 = vector.load %arg4[%swap3A, %swap3A_12] : memref<400x96xf32, #tpu.memory_space<vmem>>, vector<400x96xf32>
    tpu.vector_store %arg4[%swap3A, %swap3A_12], %slice3A {strides = array<i32>} : memref<400x96xf32, #tpu.memory_space<vmem>>, vector<400x96xf32>,
    %slice3A_14 = vector.extract_strided_slice %mul3A_11 {offsets = [0, 96], sizes = [400, 96], strides = [1, 1]} : vector<400x384xf32> to vector<400x96xf32>
    %swap3A_15 = arith.constant 0 : index
    %swap3A_16 = arith.constant 0 : index
    %swap3A_17 = vector.load %arg5[%swap3A_15, %swap3A_16] : memref<400x96xf32, #tpu.memory_space<vmem>>, vector<400x96xf32>
    tpu.vector_store %arg5[%swap3A_15, %swap3A_16], %slice3A_14 {strides = array<i32>} : memref<400x96xf32, #tpu.memory_space<vmem>>, vector<400x96xf32>,
    %slice3A_18 = vector.extract_strided_slice %mul3A_11 {offsets = [0, 192], sizes = [400, 96], strides = [1, 1]} : vector<400x384xf32> to vector<400x96xf32>
    %swap3A_19 = arith.constant 0 : index
    %swap3A_20 = arith.constant 0 : index
    %swap3A_21 = vector.load %arg6[%swap3A_19, %swap3A_20] : memref<400x96xf32, #tpu.memory_space<vmem>>, vector<400x96xf32>
    tpu.vector_store %arg6[%swap3A_19, %swap3A_20], %slice3A_18 {strides = array<i32>} : memref<400x96xf32, #tpu.memory_space<vmem>>, vector<400x96xf32>,
    %slice3A_22 = vector.extract_strided_slice %mul3A_11 {offsets = [0, 288], sizes = [400, 96], strides = [1, 1]} : vector<400x384xf32> to vector<400x96xf32>
    %swap3A_23 = arith.constant 0 : index
    %swap3A_24 = arith.constant 0 : index
    %swap3A_25 = vector.load %arg7[%swap3A_23, %swap3A_24] : memref<400x96xf32, #tpu.memory_space<vmem>>, vector<400x96xf32>
    tpu.vector_store %arg7[%swap3A_23, %swap3A_24], %slice3A_22 {strides = array<i32>} : memref<400x96xf32, #tpu.memory_space<vmem>>, vector<400x96xf32>,
    return
  }
  func.func @transform_0(%arg0: i32) -> (i32, i32) {
    %c0_i32 = arith.constant 0 : i32
    %c0_i32_0 = arith.constant 0 : i32
    return %arg0, %c0_i32 : i32, i32
  }
  func.func @transform_1(%arg0: i32) -> (i32, i32) {
    %c0_i32 = arith.constant 0 : i32
    %c0_i32_0 = arith.constant 0 : i32
    return %arg0, %c0_i32 : i32, i32
  }
  func.func @transform_2(%arg0: i32) -> (i32, i32) {
    %c0_i32 = arith.constant 0 : i32
    %c0_i32_0 = arith.constant 0 : i32
    %c0_i32_1 = arith.constant 0 : i32
    return %c0_i32, %c0_i32_0 : i32, i32
  }
  func.func @transform_3(%arg0: i32) -> (i32, i32) {
    %c0_i32 = arith.constant 0 : i32
    %c0_i32_0 = arith.constant 0 : i32
    return %arg0, %c0_i32 : i32, i32
  }
  func.func @transform_4(%arg0: i32) -> (i32, i32) {
    %c0_i32 = arith.constant 0 : i32
    %c0_i32_0 = arith.constant 0 : i32
    return %arg0, %c0_i32 : i32, i32
  }
  func.func @transform_5(%arg0: i32) -> (i32, i32) {
    %c0_i32 = arith.constant 0 : i32
    %c0_i32_0 = arith.constant 0 : i32
    return %arg0, %c0_i32 : i32, i32
  }
  func.func @transform_6(%arg0: i32) -> (i32, i32) {
    %c0_i32 = arith.constant 0 : i32
    %c0_i32_0 = arith.constant 0 : i32
    return %arg0, %c0_i32 : i32, i32
  }
}

module attributes {stable_mosaic.version = 14 : i64} {
  func.func @_mid_body(%arg0: i32, %arg1: memref<632x96xf32, #tpu.memory_space<vmem>>, %arg2: memref<632x96xf32, #tpu.memory_space<vmem>>, %arg3: memref<632x96xf32, #tpu.memory_space<vmem>>, %arg4: memref<632x96xf32, #tpu.memory_space<vmem>>, %arg5: memref<632x8xf32, #tpu.memory_space<vmem>>, %arg6: memref<632x8xf32, #tpu.memory_space<vmem>>, %arg7: memref<384x384xf32, #tpu.memory_space<vmem>>, %arg8: memref<1x384xf32, #tpu.memory_space<vmem>>, %arg9: memref<632x96xf32, #tpu.memory_space<vmem>>, %arg10: memref<632x96xf32, #tpu.memory_space<vmem>>, %arg11: memref<632x96xf32, #tpu.memory_space<vmem>>, %arg12: memref<632x96xf32, #tpu.memory_space<vmem>>) attributes {dimension_semantics = [#tpu.dimension_semantics<arbitrary>], iteration_bounds = array<i64: 16>, scalar_prefetch = 0 : i64, scratch_operands = 0 : i64, tpu.core_type = #tpu.core_type<tc>, window_params = [{transform_indices = @transform_0, window_bounds = array<i64: 632, 96>}, {transform_indices = @transform_1, window_bounds = array<i64: 632, 96>}, {transform_indices = @transform_2, window_bounds = array<i64: 632, 96>}, {transform_indices = @transform_3, window_bounds = array<i64: 632, 96>}, {transform_indices = @transform_4, window_bounds = array<i64: 632, 8>}, {transform_indices = @transform_5, window_bounds = array<i64: 632, 8>}, {pipeline_mode = #tpu.pipeline_mode<synchronous>, transform_indices = @transform_6, window_bounds = array<i64: 384, 384>}, {pipeline_mode = #tpu.pipeline_mode<synchronous>, transform_indices = @transform_7, window_bounds = array<i64: 1, 384>}, {transform_indices = @transform_8, window_bounds = array<i64: 632, 96>}, {transform_indices = @transform_9, window_bounds = array<i64: 632, 96>}, {transform_indices = @transform_10, window_bounds = array<i64: 632, 96>}, {transform_indices = @transform_11, window_bounds = array<i64: 632, 96>}]} {
    %get3A = arith.constant 0 : index
    %get3A_0 = arith.constant 0 : index
    %get3A_1 = vector.load %arg1[%get3A, %get3A_0] : memref<632x96xf32, #tpu.memory_space<vmem>>, vector<632x96xf32>
    %get3A_2 = arith.constant 0 : index
    %get3A_3 = arith.constant 0 : index
    %get3A_4 = vector.load %arg2[%get3A_2, %get3A_3] : memref<632x96xf32, #tpu.memory_space<vmem>>, vector<632x96xf32>
    %get3A_5 = arith.constant 0 : index
    %get3A_6 = arith.constant 0 : index
    %get3A_7 = vector.load %arg3[%get3A_5, %get3A_6] : memref<632x96xf32, #tpu.memory_space<vmem>>, vector<632x96xf32>
    %get3A_8 = arith.constant 0 : index
    %get3A_9 = arith.constant 0 : index
    %get3A_10 = vector.load %arg4[%get3A_8, %get3A_9] : memref<632x96xf32, #tpu.memory_space<vmem>>, vector<632x96xf32>
    %concatenate3A = tpu.concatenate %get3A_1, %get3A_4, %get3A_7, %get3A_10 in 1 : vector<632x96xf32>, vector<632x96xf32>, vector<632x96xf32>, vector<632x96xf32> -> vector<632x384xf32>
    %get3A_11 = arith.constant 0 : index
    %get3A_12 = arith.constant 0 : index
    %get3A_13 = vector.load %arg5[%get3A_11, %get3A_12] : memref<632x8xf32, #tpu.memory_space<vmem>>, vector<632x1xf32>
    %max3A = arith.constant 1.000000e+00 : f32
    %max3A_14 = vector.broadcast %max3A : f32 to vector<632x1xf32>
    %max3A_15 = arith.maximumf %get3A_13, %max3A_14 : vector<632x1xf32>
    %rsqrt3A = math.rsqrt %max3A_15 : vector<632x1xf32>
    %mul3A = vector.broadcast %rsqrt3A : vector<632x1xf32> to vector<632x384xf32>
    %mul3A_16 = arith.mulf %concatenate3A, %mul3A : vector<632x384xf32>
    %get3A_17 = arith.constant 0 : index
    %get3A_18 = arith.constant 0 : index
    %get3A_19 = vector.load %arg8[%get3A_17, %get3A_18] : memref<1x384xf32, #tpu.memory_space<vmem>>, vector<1x384xf32>
    %add3A = vector.broadcast %get3A_19 : vector<1x384xf32> to vector<632x384xf32>
    %add3A_20 = arith.addf %mul3A_16, %add3A : vector<632x384xf32>
    %max3A_21 = arith.constant 0.000000e+00 : f32
    %max3A_22 = vector.broadcast %max3A_21 : f32 to vector<632x384xf32>
    %max3A_23 = arith.maximumf %add3A_20, %max3A_22 : vector<632x384xf32>
    %get3A_24 = arith.constant 0 : index
    %get3A_25 = arith.constant 0 : index
    %get3A_26 = vector.load %arg6[%get3A_24, %get3A_25] : memref<632x8xf32, #tpu.memory_space<vmem>>, vector<632x1xf32>
    %max3A_27 = arith.constant 1.000000e+00 : f32
    %max3A_28 = vector.broadcast %max3A_27 : f32 to vector<632x1xf32>
    %max3A_29 = arith.maximumf %get3A_26, %max3A_28 : vector<632x1xf32>
    %rsqrt3A_30 = math.rsqrt %max3A_29 : vector<632x1xf32>
    %get3A_31 = arith.constant 0 : index
    %get3A_32 = arith.constant 0 : index
    %get3A_33 = vector.load %arg7[%get3A_31, %get3A_32] : memref<384x384xf32, #tpu.memory_space<vmem>>, vector<384x384xf32>
    %dot_general3A = arith.constant dense<0.000000e+00> : vector<632x384xf32>
    %dot_general3A_34 = tpu.matmul %max3A_23, %get3A_33, %dot_general3A {dimension_numbers = #tpu.dot_dimension_numbers<[1], [0], [0], [1], [0, 0, 1, 1], [], []>, transpose_lhs_hint = false} : vector<632x384xf32>, vector<384x384xf32>, vector<632x384xf32> -> vector<632x384xf32>
    %mul3A_35 = vector.broadcast %rsqrt3A_30 : vector<632x1xf32> to vector<632x384xf32>
    %mul3A_36 = arith.mulf %dot_general3A_34, %mul3A_35 : vector<632x384xf32>
    %slice3A = vector.extract_strided_slice %mul3A_36 {offsets = [0, 0], sizes = [632, 96], strides = [1, 1]} : vector<632x384xf32> to vector<632x96xf32>
    %swap3A = arith.constant 0 : index
    %swap3A_37 = arith.constant 0 : index
    %swap3A_38 = vector.load %arg9[%swap3A, %swap3A_37] : memref<632x96xf32, #tpu.memory_space<vmem>>, vector<632x96xf32>
    tpu.vector_store %arg9[%swap3A, %swap3A_37], %slice3A {strides = array<i32>} : memref<632x96xf32, #tpu.memory_space<vmem>>, vector<632x96xf32>,
    %slice3A_39 = vector.extract_strided_slice %mul3A_36 {offsets = [0, 96], sizes = [632, 96], strides = [1, 1]} : vector<632x384xf32> to vector<632x96xf32>
    %swap3A_40 = arith.constant 0 : index
    %swap3A_41 = arith.constant 0 : index
    %swap3A_42 = vector.load %arg10[%swap3A_40, %swap3A_41] : memref<632x96xf32, #tpu.memory_space<vmem>>, vector<632x96xf32>
    tpu.vector_store %arg10[%swap3A_40, %swap3A_41], %slice3A_39 {strides = array<i32>} : memref<632x96xf32, #tpu.memory_space<vmem>>, vector<632x96xf32>,
    %slice3A_43 = vector.extract_strided_slice %mul3A_36 {offsets = [0, 192], sizes = [632, 96], strides = [1, 1]} : vector<632x384xf32> to vector<632x96xf32>
    %swap3A_44 = arith.constant 0 : index
    %swap3A_45 = arith.constant 0 : index
    %swap3A_46 = vector.load %arg11[%swap3A_44, %swap3A_45] : memref<632x96xf32, #tpu.memory_space<vmem>>, vector<632x96xf32>
    tpu.vector_store %arg11[%swap3A_44, %swap3A_45], %slice3A_43 {strides = array<i32>} : memref<632x96xf32, #tpu.memory_space<vmem>>, vector<632x96xf32>,
    %slice3A_47 = vector.extract_strided_slice %mul3A_36 {offsets = [0, 288], sizes = [632, 96], strides = [1, 1]} : vector<632x384xf32> to vector<632x96xf32>
    %swap3A_48 = arith.constant 0 : index
    %swap3A_49 = arith.constant 0 : index
    %swap3A_50 = vector.load %arg12[%swap3A_48, %swap3A_49] : memref<632x96xf32, #tpu.memory_space<vmem>>, vector<632x96xf32>
    tpu.vector_store %arg12[%swap3A_48, %swap3A_49], %slice3A_47 {strides = array<i32>} : memref<632x96xf32, #tpu.memory_space<vmem>>, vector<632x96xf32>,
    return
  }
  func.func @transform_0(%arg0: i32) -> (i32, i32) {
    %c0_i32 = arith.constant 0 : i32
    %c0_i32_0 = arith.constant 0 : i32
    return %arg0, %c0_i32 : i32, i32
  }
  func.func @transform_1(%arg0: i32) -> (i32, i32) {
    %c0_i32 = arith.constant 0 : i32
    %c0_i32_0 = arith.constant 0 : i32
    return %arg0, %c0_i32 : i32, i32
  }
  func.func @transform_2(%arg0: i32) -> (i32, i32) {
    %c0_i32 = arith.constant 0 : i32
    %c0_i32_0 = arith.constant 0 : i32
    return %arg0, %c0_i32 : i32, i32
  }
  func.func @transform_3(%arg0: i32) -> (i32, i32) {
    %c0_i32 = arith.constant 0 : i32
    %c0_i32_0 = arith.constant 0 : i32
    return %arg0, %c0_i32 : i32, i32
  }
  func.func @transform_4(%arg0: i32) -> (i32, i32) {
    %c0_i32 = arith.constant 0 : i32
    %c0_i32_0 = arith.constant 0 : i32
    return %arg0, %c0_i32 : i32, i32
  }
  func.func @transform_5(%arg0: i32) -> (i32, i32) {
    %c0_i32 = arith.constant 0 : i32
    %c0_i32_0 = arith.constant 0 : i32
    return %arg0, %c0_i32 : i32, i32
  }
  func.func @transform_6(%arg0: i32) -> (i32, i32) {
    %c0_i32 = arith.constant 0 : i32
    %c0_i32_0 = arith.constant 0 : i32
    %c0_i32_1 = arith.constant 0 : i32
    return %c0_i32, %c0_i32_0 : i32, i32
  }
  func.func @transform_7(%arg0: i32) -> (i32, i32) {
    %c0_i32 = arith.constant 0 : i32
    %c0_i32_0 = arith.constant 0 : i32
    %c0_i32_1 = arith.constant 0 : i32
    return %c0_i32, %c0_i32_0 : i32, i32
  }
  func.func @transform_8(%arg0: i32) -> (i32, i32) {
    %c0_i32 = arith.constant 0 : i32
    %c0_i32_0 = arith.constant 0 : i32
    return %arg0, %c0_i32 : i32, i32
  }
  func.func @transform_9(%arg0: i32) -> (i32, i32) {
    %c0_i32 = arith.constant 0 : i32
    %c0_i32_0 = arith.constant 0 : i32
    return %arg0, %c0_i32 : i32, i32
  }
  func.func @transform_10(%arg0: i32) -> (i32, i32) {
    %c0_i32 = arith.constant 0 : i32
    %c0_i32_0 = arith.constant 0 : i32
    return %arg0, %c0_i32 : i32, i32
  }
  func.func @transform_11(%arg0: i32) -> (i32, i32) {
    %c0_i32 = arith.constant 0 : i32
    %c0_i32_0 = arith.constant 0 : i32
    return %arg0, %c0_i32 : i32, i32
  }
}

module attributes {stable_mosaic.version = 14 : i64} {
  func.func @_last_body(%arg0: i32, %arg1: memref<632x96xf32, #tpu.memory_space<vmem>>, %arg2: memref<632x96xf32, #tpu.memory_space<vmem>>, %arg3: memref<632x96xf32, #tpu.memory_space<vmem>>, %arg4: memref<632x96xf32, #tpu.memory_space<vmem>>, %arg5: memref<632x8xf32, #tpu.memory_space<vmem>>, %arg6: memref<1x384xf32, #tpu.memory_space<vmem>>, %arg7: memref<384x384xf32, #tpu.memory_space<vmem>>, %arg8: memref<1x384xf32, #tpu.memory_space<vmem>>, %arg9: memref<632x384xf32, #tpu.memory_space<vmem>>) attributes {dimension_semantics = [#tpu.dimension_semantics<arbitrary>], iteration_bounds = array<i64: 16>, scalar_prefetch = 0 : i64, scratch_operands = 0 : i64, tpu.core_type = #tpu.core_type<tc>, window_params = [{transform_indices = @transform_0, window_bounds = array<i64: 632, 96>}, {transform_indices = @transform_1, window_bounds = array<i64: 632, 96>}, {transform_indices = @transform_2, window_bounds = array<i64: 632, 96>}, {transform_indices = @transform_3, window_bounds = array<i64: 632, 96>}, {transform_indices = @transform_4, window_bounds = array<i64: 632, 8>}, {pipeline_mode = #tpu.pipeline_mode<synchronous>, transform_indices = @transform_5, window_bounds = array<i64: 1, 384>}, {pipeline_mode = #tpu.pipeline_mode<synchronous>, transform_indices = @transform_6, window_bounds = array<i64: 384, 384>}, {pipeline_mode = #tpu.pipeline_mode<synchronous>, transform_indices = @transform_7, window_bounds = array<i64: 1, 384>}, {transform_indices = @transform_8, window_bounds = array<i64: 632, 384>}]} {
    %get3A = arith.constant 0 : index
    %get3A_0 = arith.constant 0 : index
    %get3A_1 = vector.load %arg1[%get3A, %get3A_0] : memref<632x96xf32, #tpu.memory_space<vmem>>, vector<632x96xf32>
    %get3A_2 = arith.constant 0 : index
    %get3A_3 = arith.constant 0 : index
    %get3A_4 = vector.load %arg2[%get3A_2, %get3A_3] : memref<632x96xf32, #tpu.memory_space<vmem>>, vector<632x96xf32>
    %get3A_5 = arith.constant 0 : index
    %get3A_6 = arith.constant 0 : index
    %get3A_7 = vector.load %arg3[%get3A_5, %get3A_6] : memref<632x96xf32, #tpu.memory_space<vmem>>, vector<632x96xf32>
    %get3A_8 = arith.constant 0 : index
    %get3A_9 = arith.constant 0 : index
    %get3A_10 = vector.load %arg4[%get3A_8, %get3A_9] : memref<632x96xf32, #tpu.memory_space<vmem>>, vector<632x96xf32>
    %concatenate3A = tpu.concatenate %get3A_1, %get3A_4, %get3A_7, %get3A_10 in 1 : vector<632x96xf32>, vector<632x96xf32>, vector<632x96xf32>, vector<632x96xf32> -> vector<632x384xf32>
    %get3A_11 = arith.constant 0 : index
    %get3A_12 = arith.constant 0 : index
    %get3A_13 = vector.load %arg5[%get3A_11, %get3A_12] : memref<632x8xf32, #tpu.memory_space<vmem>>, vector<632x1xf32>
    %max3A = arith.constant 1.000000e+00 : f32
    %max3A_14 = vector.broadcast %max3A : f32 to vector<632x1xf32>
    %max3A_15 = arith.maximumf %get3A_13, %max3A_14 : vector<632x1xf32>
    %rsqrt3A = math.rsqrt %max3A_15 : vector<632x1xf32>
    %mul3A = vector.broadcast %rsqrt3A : vector<632x1xf32> to vector<632x384xf32>
    %mul3A_16 = arith.mulf %concatenate3A, %mul3A : vector<632x384xf32>
    %get3A_17 = arith.constant 0 : index
    %get3A_18 = arith.constant 0 : index
    %get3A_19 = vector.load %arg6[%get3A_17, %get3A_18] : memref<1x384xf32, #tpu.memory_space<vmem>>, vector<1x384xf32>
    %add3A = vector.broadcast %get3A_19 : vector<1x384xf32> to vector<632x384xf32>
    %add3A_20 = arith.addf %mul3A_16, %add3A : vector<632x384xf32>
    %get3A_21 = arith.constant 0 : index
    %get3A_22 = arith.constant 0 : index
    %get3A_23 = vector.load %arg7[%get3A_21, %get3A_22] : memref<384x384xf32, #tpu.memory_space<vmem>>, vector<384x384xf32>
    %dot_general3A = arith.constant dense<0.000000e+00> : vector<632x384xf32>
    %dot_general3A_24 = tpu.matmul %add3A_20, %get3A_23, %dot_general3A {dimension_numbers = #tpu.dot_dimension_numbers<[1], [0], [0], [1], [0, 0, 1, 1], [], []>, transpose_lhs_hint = false} : vector<632x384xf32>, vector<384x384xf32>, vector<632x384xf32> -> vector<632x384xf32>
    %get3A_25 = arith.constant 0 : index
    %get3A_26 = arith.constant 0 : index
    %get3A_27 = vector.load %arg8[%get3A_25, %get3A_26] : memref<1x384xf32, #tpu.memory_space<vmem>>, vector<1x384xf32>
    %add3A_28 = vector.broadcast %get3A_27 : vector<1x384xf32> to vector<632x384xf32>
    %add3A_29 = arith.addf %dot_general3A_24, %add3A_28 : vector<632x384xf32>
    %swap3A = arith.constant 0 : index
    %swap3A_30 = arith.constant 0 : index
    %swap3A_31 = vector.load %arg9[%swap3A, %swap3A_30] : memref<632x384xf32, #tpu.memory_space<vmem>>, vector<632x384xf32>
    tpu.vector_store %arg9[%swap3A, %swap3A_30], %add3A_29 {strides = array<i32>} : memref<632x384xf32, #tpu.memory_space<vmem>>, vector<632x384xf32>,
    return
  }
  func.func @transform_0(%arg0: i32) -> (i32, i32) {
    %c0_i32 = arith.constant 0 : i32
    %c0_i32_0 = arith.constant 0 : i32
    return %arg0, %c0_i32 : i32, i32
  }
  func.func @transform_1(%arg0: i32) -> (i32, i32) {
    %c0_i32 = arith.constant 0 : i32
    %c0_i32_0 = arith.constant 0 : i32
    return %arg0, %c0_i32 : i32, i32
  }
  func.func @transform_2(%arg0: i32) -> (i32, i32) {
    %c0_i32 = arith.constant 0 : i32
    %c0_i32_0 = arith.constant 0 : i32
    return %arg0, %c0_i32 : i32, i32
  }
  func.func @transform_3(%arg0: i32) -> (i32, i32) {
    %c0_i32 = arith.constant 0 : i32
    %c0_i32_0 = arith.constant 0 : i32
    return %arg0, %c0_i32 : i32, i32
  }
  func.func @transform_4(%arg0: i32) -> (i32, i32) {
    %c0_i32 = arith.constant 0 : i32
    %c0_i32_0 = arith.constant 0 : i32
    return %arg0, %c0_i32 : i32, i32
  }
  func.func @transform_5(%arg0: i32) -> (i32, i32) {
    %c0_i32 = arith.constant 0 : i32
    %c0_i32_0 = arith.constant 0 : i32
    %c0_i32_1 = arith.constant 0 : i32
    return %c0_i32, %c0_i32_0 : i32, i32
  }
  func.func @transform_6(%arg0: i32) -> (i32, i32) {
    %c0_i32 = arith.constant 0 : i32
    %c0_i32_0 = arith.constant 0 : i32
    %c0_i32_1 = arith.constant 0 : i32
    return %c0_i32, %c0_i32_0 : i32, i32
  }
  func.func @transform_7(%arg0: i32) -> (i32, i32) {
    %c0_i32 = arith.constant 0 : i32
    %c0_i32_0 = arith.constant 0 : i32
    %c0_i32_1 = arith.constant 0 : i32
    return %c0_i32, %c0_i32_0 : i32, i32
  }
  func.func @transform_8(%arg0: i32) -> (i32, i32) {
    %c0_i32 = arith.constant 0 : i32
    %c0_i32_0 = arith.constant 0 : i32
    return %arg0, %c0_i32 : i32, i32
  }
}

</mosaic_0001>

<sc_bundles>
// kernel: kernel.10.cloned.1.call-start
scs
__scs_entry_jumppad:
0x0: {  	(pc) =	sbr.rel $0x88, $3  }
0x1: {  	(tag) =	ssettag $0x0;
	lr =	simm.s32 $0x1  }
0x2: {  	[smem:$0x3F97] =	sst lr;
	_ =	strace $0xD0000000  }
0x3: {  	_ = 	snop  }
0x4: {  	_ = 	snop  }
0x5: {  	_ = 	snop  }
0x6: {  	_ = 	snop  }
0x7: {  	_ = 	snop  }
__scs_overlays_trampoline_lowered:
0x8: {  	[smem:$0x3FA6] =	sst s0  }
0x9: {  	[smem:$0x3FA7] =	sst s1  }
0xa: {  	[smem:$0x3FA8] =	sst s2  }
0xb: {  	[smem:$0x3FA9] =	sst s3  }
0xc: {  	[smem:$0x3FAA] =	sst s4  }
0xd: {  	[smem:$0x3FAB] =	sst s5  }
0xe: {  	[smem:$0x3FAC] =	sst s6  }
0xf: {  	[smem:$0x3FAD] =	sst s7  }
0x10: {  	[smem:$0x3FAE] =	sst s8  }
0x11: {  	[smem:$0x3FAF] =	sst s9;
	s0 =	simm.s32 @!p0 $0x0  }
0x12: {  	s1 =	sld [smem:$0x3F95];
	s0 =	simm.s32 @p0 $0x1  }
0x13: {  	[smem:$0x3FB0] =	sst s0;
	s0 =	simm.s32 @!p1 $0x0  }
0x14: {  	s2 =	sld [smem:$0x3F94];
	s0 =	simm.s32 @p1 $0x1  }
0x15: {  	[smem:$0x3FB1] =	sst s0;
	s0 =	simm.s32 @!p2 $0x0  }
0x16: {  	s3 =	sld [smem:$0x3FDB];
	s0 =	simm.s32 @p2 $0x1  }
0x17: {  	s4 =	simm.s32 $0x1BF5;
	[smem:$0x3FB3] =	sst s0  }
0x18: {  	s0 =	sld [smem:$0x3F96];
	_ =	swait.ge [sflag:s4], $0x0  }
0x19: {  	s7 =	sld [smem:$0x3F97]  }
0x1a: {  	s8 =	sadd.s32 $0xFFFFE003, lr  }
0x1b: {  	s9 =	sadd.s32 $0xFFFFFEF7, lr;
	s5 =	simm.s32 $0xFFFFFFFF;
	p2 =	slt.u32 s8, $0xFFFFF086  }
0x1c: {  	p1 =	slt.u32 s9, $0xF7A;
	s5 =	simm.s32 @!p2 $0x0  }
0x1d: {  	s5 =	simm.s32 @p1 $0x1;
	p0 =	seq.s32 s7, s2  }
0x1e: {  	s7 =	smul.u32 @!p0 $0xF7A, s2;
	p2 =	seq.s32 @!p0 s5, $0x0  }
0x1f: {  	s9 =	smul.u32 $0xF7A, s1;
	s8 =	simm.s32 @!p0 $0x1BF5;
	p2 =	por !p2, p0  }
0x20: {  	[sflag:s8] =	ssyncset.s32 @!p0 $0xFFFFF086;
	s6 =	sadd.s32 @!p0 s3, s7;
	s7 =	simm.s32 @!p0 $0x108  }
0x21: {  	s3 =	sadd.s32 s3, s9;
	s6 =	sadd.s32 @!p0 $0x88, s6;
	s7 =	simm.s32 @p2 $0x1082  }
0x22: {  	[simem:s7], [sflag:s8] =	dma.local @!p0 [hbm:s6], $0xF7A  }
0x23: {  	s9 =	sor.u32 $0xD0000000, s2;
	s6 =	simm.s32 $0x108;
	_ =	swait.ge @!p0 [sflag:s8], $0x0  }
0x24: {  	s3 =	sadd.s32 $0x88, s3;
	s6 =	simm.s32 @!p1 $0x1082;
	[sflag:s4] =	ssyncset.s32 $0xFFFFF086  }
0x25: {  	[simem:s6], [sflag:s4] =	dma.local [hbm:s3], $0xF7A  }
0x26: {  	[smem:$0x3F97] =	sst s1;
	(tag) =	ssettag s2;
	_ =	strace s9  }
0x27: {  	s1 =	sld [smem:$0x3FA7]  }
0x28: {  	s2 =	sld [smem:$0x3FA8]  }
0x29: {  	s4 =	sld [smem:$0x3FAA]  }
0x2a: {  	p0 =	seq.s32 s5, $0x0;
	s5 =	sld [smem:$0x3FAB]  }
0x2b: {  	s6 =	sld [smem:$0x3FAC]  }
0x2c: {  	s7 =	sld [smem:$0x3FAD]  }
0x2d: {  	s3 =	simm.s32 $0x108;
	s8 =	sld [smem:$0x3FAE]  }
0x2e: {  	s3 =	simm.s32 @!p0 $0x1082;
	s9 =	sld [smem:$0x3FAF]  }
0x2f: {  	lr =	sadd.s32 s0, s3;
	s0 =	sld [smem:$0x3FA6]  }
0x30: {  	s3 =	sld [smem:$0x3FA9]  }
0x31: {  	[smem:$0x3FB2] =	sst s10  }
0x32: {  	s10 =	sld [smem:$0x3FB0];
	_ =	sdelay $0x3  }
0x33: {  	p0 =	seq.s32 s10, $0x1;
	s10 =	sld [smem:$0x3FB2];
	_ =	sdelay $0x3  }
0x34: {  	[smem:$0x3FB2] =	sst s10  }
0x35: {  	s10 =	sld [smem:$0x3FB1];
	_ =	sdelay $0x3  }
0x36: {  	p1 =	seq.s32 s10, $0x1;
	s10 =	sld [smem:$0x3FB2];
	_ =	sdelay $0x3  }
0x37: {  	[smem:$0x3FB2] =	sst s10  }
0x38: {  	s10 =	sld [smem:$0x3FB3]  }
0x39: {  	_ = 	snop;
	(pc) =	sbr.ind lr, $3  }
0x3a: {  	_ = 	snop  }
0x3b: {  	_ = 	snop  }
0x3c: {  	p2 =	seq.s32 s10, $0x1;
	s10 =	sld [smem:$0x3FB2]  }
0x3d: {  	_ =	shalt  }
0x3e: {  	_ =	shalt  }
0x3f: {  	_ =	shalt  }
0x40: {  	_ =	shalt  }
0x41: {  	_ =	shalt  }
0x42: {  	_ =	shalt  }
0x43: {  	_ =	shalt  }
0x44: {  	_ =	shalt  }
0x45: {  	_ =	shalt  }
0x46: {  	_ =	shalt  }
0x47: {  	_ =	shalt  }
0x48: {  	_ =	shalt  }
0x49: {  	_ =	shalt  }
0x4a: {  	_ =	shalt  }
0x4b: {  	_ =	shalt  }
0x4c: {  	_ =	shalt  }
0x4d: {  	_ =	shalt  }
0x4e: {  	_ =	shalt  }
0x4f: {  	_ =	shalt  }
0x50: {  	_ =	shalt  }
0x51: {  	_ =	shalt  }
0x52: {  	_ =	shalt  }
0x53: {  	_ =	shalt  }
0x54: {  	_ =	shalt  }
0x55: {  	_ =	shalt  }
0x56: {  	_ =	shalt  }
0x57: {  	_ =	shalt  }
0x58: {  	_ =	shalt  }
0x59: {  	_ =	shalt  }
0x5a: {  	_ =	shalt  }
0x5b: {  	_ =	shalt  }
0x5c: {  	_ =	shalt  }
0x5d: {  	_ =	shalt  }
0x5e: {  	_ =	shalt  }
0x5f: {  	_ =	shalt  }
0x60: {  	_ =	shalt  }
0x61: {  	_ =	shalt  }
0x62: {  	_ =	shalt  }
0x63: {  	_ =	shalt  }
0x64: {  	_ =	shalt  }
0x65: {  	_ =	shalt  }
0x66: {  	_ =	shalt  }
0x67: {  	_ =	shalt  }
0x68: {  	_ =	shalt  }
0x69: {  	_ =	shalt  }
0x6a: {  	_ =	shalt  }
0x6b: {  	_ =	shalt  }
0x6c: {  	_ =	shalt  }
0x6d: {  	_ =	shalt  }
0x6e: {  	_ =	shalt  }
0x6f: {  	_ =	shalt  }
0x70: {  	_ =	shalt  }
0x71: {  	_ =	shalt  }
0x72: {  	_ =	shalt  }
0x73: {  	_ =	shalt  }
0x74: {  	_ =	shalt  }
0x75: {  	_ =	shalt  }
0x76: {  	_ =	shalt  }
0x77: {  	_ =	shalt  }
0x78: {  	_ =	shalt  }
0x79: {  	_ =	shalt  }
0x7a: {  	_ =	shalt  }
0x7b: {  	_ =	shalt  }
0x7c: {  	_ =	shalt  }
0x7d: {  	_ =	shalt  }
0x7e: {  	_ =	shalt  }
0x7f: {  	_ =	shalt  }
0x80: {  	_ =	shalt  }
0x81: {  	_ =	shalt  }
0x82: {  	_ =	shalt  }
0x83: {  	_ =	shalt  }
0x84: {  	_ =	shalt  }
0x85: {  	_ =	shalt  }
0x86: {  	_ =	shalt  }
0x87: {  	_ =	shalt  }
.Lfunc_end0:
.L_simem_size_0:
called_computation_lowered:
.L_overlay_start_0:
0x88: {  	s2 =	sld [smem:$0x3FD9]  }
0x89: {  	s3 =	sld [smem:$0x3FFE];
	_ =	sdelay $0x1  }
0x8a: {  	s1 =	srdreg.scid  }
0x8b: {  	s0 =	sand.u32 $0x1, s1  }
0x8c: {  	s16 =	sshll.u32 s0, $0xA;
	s2 =	sadd.s32 s3, s2  }
0x8d: {  	s2 =	sadd.s32 s2, s16  }
0x8e: {  	[smem:$0x3FBE] =	sst s2  }
0x8f: {  	_ = 	snop  }
0x90: {  	(tm) =	ssettm $0x1  }
0x91: {  	s17 =	sld [smem:$0x3FFB];
	_ =	sdelay $0x3  }
0x92: {  	_ =	strace s17  }
0x93: {  	s2 =	sld [smem:$0x3FFC];
	_ =	sdelay $0x3  }
0x94: {  	_ =	strace s2  }
0x95: {  	s2 =	sld [smem:$0x3FFD];
	_ =	sdelay $0x3  }
0x96: {  	_ =	strace s2  }
0x97: {  	_ =	strace $0x8FFFFFFF  }
0x98: {  	s18 =	sld [smem:$0x3FDB];
	_ =	sdelay $0x1  }
0x99: {  	s19 =	simm.s32 $_scs_section_size  }
0x9a: {  	s4 =	simm.s32 $_size__tile_overlayer_lowered;
	s5 =	simm.s32 $_tile_overlayer_lowered  }
0x9b: {  	s22 =	simm.s32 $0x1BFF;
	s21 =	sshll.u32 s5, $0x1;
	s2 =	sadd.s32 s19, s18  }
0x9c: {  	s6 =	simm.s32 $0x0;
	s20 =	sshll.u32 s4, $0x1;
	s4 =	sadd.s32 s21, s2  }
0x9d: {  	[timem:s6], [sflag:s22] =	dma.local [hbm:s4], s20  }
0x9e: {  	_ =	swait.ge [sflag:s22], s20  }
0x9f: {  	s3 =	ssub.s32 $0x0, s20;
	[sflag:s22] =	ssyncset.done $0x0  }
0xa0: {  	[sflag:s22] =	ssyncadd.s32 s3;
	_ =	sdelay $0x1  }
0xa1: {  	s23 =	simm.s32 $0x1B8B  }
0xa2: {  	_ =	swait.ge [sflag:s23], $0x1  }
0xa3: {  	[sflag:s23] =	ssyncset.done $0x0  }
0xa4: {  	s25 =	simm.s32 $0x1B8E;
	s24 =	sld [smem:$0x3FFE];
	[sflag:s23] =	ssyncadd.s32 $0xFFFFFFFF  }
0xa5: {  	s26 =	simm.s32 $execute0_lowered;
	[smem:$0x3FD2] =	sst s25  }
0xa6: {  	s4 =	sshll.u32 s26, $0x1;
	_ =	strace $0x80000046;
	[dreg:$0x1] =	wrdreg $0xFFFFFFFF  }
0xa7: {  	s28 =	simm.s32 $_size_execute0_lowered;
	s2 =	sadd.s32 s2, s4;
	[dreg:$0x0] =	wrdreg $0x0  }
0xa8: {  	s4 =	sshll.u32 s28, $0x1;
	[dreg:$0x2] =	wrdreg s2  }
0xa9: {  	[dreg:$0x3] =	wrdreg s4  }
0xaa: {  	[dreg:$0x4] =	wrdreg $0xC0  }
0xab: {  	_ =	task [dreg:s6], $0x5FFFF  }
0xac: {  	[dreg:$0x1] =	wrdreg $0xFFFFFFFF  }
0xad: {  	[dreg:$0x0] =	wrdreg $0x60  }
0xae: {  	[dreg:$0x2] =	wrdreg s24  }
0xaf: {  	[dreg:$0x3] =	wrdreg $0x30000  }
0xb0: {  	[dreg:$0x4] =	wrdreg $0x9  }
0xb1: {  	_ =	task.clear_ibuf [dreg:s6], $0x5FFFF;
	_ =	strace $0x90000046  }
0xb2: {  	s29 =	simm.s32 $0x9;
	_ =	strace $0x80000048  }
0xb3: {  	_ =	swait.ge [sflag:s29], $0x1  }
0xb4: {  	[sflag:s29] =	ssyncadd.s32 $0xFFFFFFFF  }
0xb5: {  	_ =	strace $0x90000048  }
0xb6: {  	_ =	sfence  }
0xb7: {  	s30 =	sld [smem:$0x0];
	_ =	sdelay $0x2  }
0xb8: {  	s31 =	sshll.u32 s1, $0xD;
	s1 =	sshrl.u32 s1, $0x2  }
0xb9: {  	s3 =	sand.u32 $0x4000, s31;
	s1 =	sadd.s32 s1, s30  }
0xba: {  	s0 =	sor.u32 s3, s0;
	s1 =	sshll.u32 s1, $0x11  }
0xbb: {  	s0 =	sor.u32 s1, s0  }
0xbc: {  	s0 =	sadd.s32 $0x8F2B, s0  }
0xbd: {  	[sflag:s0] =	ssyncadd.remote.s32 $0x1  }
0xbe: {  	_ =	sfence.sel $0xFFFF  }
0xbf: {  	[dreg:$0x0] =	wrdreg $0xFFFFFFFF;
	(pc) =	sbr.abs _section_cstart, $3  }
0xc0: {  	[dreg:$0x1] =	wrdreg $0xFFFFFFFF  }
0xc1: {  	_ =	task.clear_ibuf [dreg:s6], $0x2FFFF;
	_ =	strace $0x9FFFFFFF  }
0xc2: {  	(tm) =	ssettm $0x7FFFFFFF  }
0xc3: {  	_ =	shalt  }
tec
execute0_lowered:
.L_overlay_start_1:
0x0: {  	(tag) =	ssettag $0x1  }
0x1: {  	s6 =	rddreg [dreg:$0x0]  }
0x2: {  	s1 =	rddreg [dreg:$0x1]  }
0x3: {  	s0 =	rddreg [dreg:$0x2];
	s2 =	simm.s32 $0x0;
	s4 =	srdreg.scid  }
0x4: {  	s3 =	stileid.u32;
	[smem:$0x7FF] =	sst s2;
	s7 =	sadd.s32 $0x5400, s6  }
0x5: {  	s8 =	sadd.s32 $0xF400, s6;
	s9 =	sand.u32 $0x1, s4;
	s4 =	sadd.s32 $0x14400, s6  }
0x6: {  	s11 =	smul.u32 $0x13C0, s3;
	s5 =	sadd.s32 $0x14600, s6;
	s12 =	sadd.s32 $0x14A00, s6  }
0x7: {  	s14 =	sadd.s32 $0x17200, s6;
	s30 =	sshll.u32 s3, $0x6;
	s31 =	smul.u32 $0x500, s3  }
0x8: {  	_ =	strace $0x80000047;
	s10 =	ssub.s32 $0x2, s9;
	p0 =	seq.s32 s9, $0x0  }
0x9: {  	s6 =	sor.u32 $0x1C01, s30;
	s13 =	sshrl.u32 s10, $0x1;
	s29 =	sadd.s32 s11, s1  }
0xa: {  	s11 =	sshrl.u32 s11, $0x3;
	s8 =	smov.u32 @p0 s7;
	s14 =	smov.u32 @p0 s12  }
0xb: {  	s12 =	simm.s32 $0x2800;
	s10 =	ssub.s32 s10, s13;
	s8 =	sadd.s32 s8, s31  }
0xc: {  	s9 =	sadd.s32 s14, s11;
	s11 =	simm.s32 $0x1;
	s13 =	simm.s32 $0x100  }
0xd: {  	s14 =	simm.s32 $0x0;
	s7 =	smax.u32 s10, $0x1;
	s10 =	sshrl.u32 s29, $0x3  }
.LBB2_1:
0xe: {  	[spmem:s10], [sflag:s6] =	dma.local [hbm:s5], $0x278  }
0xf: {  	_ =	swait.ge [sflag:s11], $0x278  }
0x10: {  	[sflag:s11] =	ssyncset.done $0x0  }
0x11: {  	[sflag:s11] =	ssyncadd.s32 $0xFFFFFD88  }
0x12: {  	[tilespmem:s12], [sflag:$0x1] =	stream.linear.gather [hbm4b:s4+s2], $0x800, $0x38;
	[tilespmem:$0x43C0] =	vst v63  }
0x13: {  	_ =	swait.ge [sflag:s11], $0x800  }
0x14: {  	[sflag:s11] =	ssyncset.done $0x0  }
0x15: {  	[sflag:s11] =	ssyncadd.s32 $0xFFFFF800  }
0x16: {  	[tilespmem:s2], [sflag:$0x1] =	stream.linear.gather [hbm4b:s8+s2], $0x2800, $0x38;
	[tilespmem:$0x43C0] =	vst v63  }
0x17: {  	_ =	swait.ge [sflag:s11], $0x2800  }
0x18: {  	[sflag:s11] =	ssyncset.done $0x0  }
0x19: {  	[sflag:s11] =	ssyncadd.s32 $0xFFFFD800  }
0x1a: {  	s15 =	simm.s32 $0x0;
	[bflag:$0x0] =	sbarrier.arrive $0xFFFF  }
0x1b: {  	[spmem:s1] =	stream.indirect.scatter.add.f32 [tilespmem:s12], [sflag:$0x1], $0x8, s15, s13, $0xb8;
	[tilespmem:$0x43C0] =	vst v63  }
0x1c: {  	_ =	swait.ge [sflag:s11], $0x800  }
0x1d: {  	s15 =	simm.s32 $0x400;
	[sflag:s11] =	ssyncset.done $0x0  }
.LBB2_2:
0x1e: {  	s16 =	sshra.s32 s15, $0x2;
	[sflag:s11] =	ssyncadd.s32 $0xFFFFF800;
	p0 =	sne.s32 s15, $0x9C00  }
0x1f: {  	[spmem:s1] =	stream.indirect.scatter.add.f32 [tilespmem:s12], [sflag:$0x1], $0x8, s16, s13, $0xb8;
	[tilespmem:$0x43C0] =	vst v63  }
.Ltmp0:
0x20: {  	_ = 	snop;
	(pc) =	sbr.rel @p0 .LBB2_2-.Ltmp0, $4  }
0x21: {  	_ = 	snop  }
0x22: {  	s15 =	sadd.s32 $0x400, s15  }
0x23: {  	_ =	swait.ge [sflag:s11], $0x800  }
0x24: {  	[sflag:s11] =	ssyncset.done $0x0  }
0x25: {  	s14 =	sadd.s32 $0x1, s14  }
0x26: {  	[sflag:s11] =	ssyncadd.s32 $0xFFFFF800;
	p0 =	sne.s32 s14, s7  }
.Ltmp1:
0x27: {  	[bflag:$0x0] =	sbarrier.arrive $0xFFFF;
	(pc) =	sbr.rel @p0 .LBB2_1-.Ltmp1, $4  }
0x28: {  	[hbm:s9], [sflag:s6] =	dma.local [spmem:s10], $0x278  }
0x29: {  	_ =	swait.ge [sflag:s11], $0x278  }
0x2a: {  	[sflag:s11] =	ssyncset.done $0x0  }
0x2b: {  	[sflag:s11] =	ssyncadd.s32 $0xFFFFFD88  }
0x2c: {  	_ =	sfence.sel $0x180000  }
0x2d: {  	[bflag:$0x0] =	sbarrier.arrive $0xFFFF  }
0x2e: {  	p0 =	sne.s32 s3, $0x0;
	_ =	strace $0x90000047  }
0x2f: {  	s0 =	sadd.s32 @!p0 $0x100000, s0;
	[bflag:$0x2] =	sbarrier.arrive $0xFFFF  }
0x30: {  	[sflag:s0] =	ssyncadd.tile.s32 @!p0 $0x1;
	_ =	shalt  }
.Lfunc_end2:
_tile_overlayer_lowered:
.L_overlay_start_2:
0x31: {  	(tag) =	ssettag $0x2  }
0x32: {  	s0 =	rddreg [dreg:$0x0];
	s2 =	stileid.u32  }
0x33: {  	s1 =	rddreg [dreg:$0x1];
	p0 =	sne.s32 s2, $0x0  }
0x34: {  	s3 =	rddreg [dreg:$0x2];
	[bflag:$0x3] =	sbarrier.arrive $0xFFFF;
	s2 =	simm.s32 @!p0 $0x1C01  }
0x35: {  	[timem:s3], [sflag:s2] =	dma.local @!p0 [hbm:s0], s1  }
0x36: {  	s0 =	simm.s32 @!p0 $0x1  }
0x37: {  	_ =	swait.ge @!p0 [sflag:s0], s1  }
0x38: {  	s1 =	ssub.s32 @!p0 $0x0, s1;
	[sflag:s0] =	ssyncset.done @!p0 $0x0  }
0x39: {  	[sflag:s0] =	ssyncadd.s32 @!p0 s1  }
0x3a: {  	[bflag:$0x3] =	sbarrier.arrive $0xFFFF  }
0x3b: {  	_ =	shalt  }

// kernel: kernel.13.cloned.1.call-start
scs
__scs_entry_jumppad:
0x0: {  	(pc) =	sbr.rel $0x88, $3  }
0x1: {  	(tag) =	ssettag $0x0;
	lr =	simm.s32 $0x1  }
0x2: {  	[smem:$0x3F97] =	sst lr;
	_ =	strace $0xD0000000  }
0x3: {  	_ = 	snop  }
0x4: {  	_ = 	snop  }
0x5: {  	_ = 	snop  }
0x6: {  	_ = 	snop  }
0x7: {  	_ = 	snop  }
__scs_overlays_trampoline_lowered:
0x8: {  	[smem:$0x3FA6] =	sst s0  }
0x9: {  	[smem:$0x3FA7] =	sst s1  }
0xa: {  	[smem:$0x3FA8] =	sst s2  }
0xb: {  	[smem:$0x3FA9] =	sst s3  }
0xc: {  	[smem:$0x3FAA] =	sst s4  }
0xd: {  	[smem:$0x3FAB] =	sst s5  }
0xe: {  	[smem:$0x3FAC] =	sst s6  }
0xf: {  	[smem:$0x3FAD] =	sst s7  }
0x10: {  	[smem:$0x3FAE] =	sst s8  }
0x11: {  	[smem:$0x3FAF] =	sst s9;
	s0 =	simm.s32 @!p0 $0x0  }
0x12: {  	s1 =	sld [smem:$0x3F95];
	s0 =	simm.s32 @p0 $0x1  }
0x13: {  	[smem:$0x3FB0] =	sst s0;
	s0 =	simm.s32 @!p1 $0x0  }
0x14: {  	s2 =	sld [smem:$0x3F94];
	s0 =	simm.s32 @p1 $0x1  }
0x15: {  	[smem:$0x3FB1] =	sst s0;
	s0 =	simm.s32 @!p2 $0x0  }
0x16: {  	s3 =	sld [smem:$0x3FDB];
	s0 =	simm.s32 @p2 $0x1  }
0x17: {  	s4 =	simm.s32 $0x1BF5;
	[smem:$0x3FB3] =	sst s0  }
0x18: {  	s0 =	sld [smem:$0x3F96];
	_ =	swait.ge [sflag:s4], $0x0  }
0x19: {  	s7 =	sld [smem:$0x3F97]  }
0x1a: {  	s8 =	sadd.s32 $0xFFFFE003, lr  }
0x1b: {  	s9 =	sadd.s32 $0xFFFFFEF7, lr;
	s5 =	simm.s32 $0xFFFFFFFF;
	p2 =	slt.u32 s8, $0xFFFFF086  }
0x1c: {  	p1 =	slt.u32 s9, $0xF7A;
	s5 =	simm.s32 @!p2 $0x0  }
0x1d: {  	s5 =	simm.s32 @p1 $0x1;
	p0 =	seq.s32 s7, s2  }
0x1e: {  	s7 =	smul.u32 @!p0 $0xF7A, s2;
	p2 =	seq.s32 @!p0 s5, $0x0  }
0x1f: {  	s9 =	smul.u32 $0xF7A, s1;
	s8 =	simm.s32 @!p0 $0x1BF5;
	p2 =	por !p2, p0  }
0x20: {  	[sflag:s8] =	ssyncset.s32 @!p0 $0xFFFFF086;
	s6 =	sadd.s32 @!p0 s3, s7;
	s7 =	simm.s32 @!p0 $0x108  }
0x21: {  	s3 =	sadd.s32 s3, s9;
	s6 =	sadd.s32 @!p0 $0x88, s6;
	s7 =	simm.s32 @p2 $0x1082  }
0x22: {  	[simem:s7], [sflag:s8] =	dma.local @!p0 [hbm:s6], $0xF7A  }
0x23: {  	s9 =	sor.u32 $0xD0000000, s2;
	s6 =	simm.s32 $0x108;
	_ =	swait.ge @!p0 [sflag:s8], $0x0  }
0x24: {  	s3 =	sadd.s32 $0x88, s3;
	s6 =	simm.s32 @!p1 $0x1082;
	[sflag:s4] =	ssyncset.s32 $0xFFFFF086  }
0x25: {  	[simem:s6], [sflag:s4] =	dma.local [hbm:s3], $0xF7A  }
0x26: {  	[smem:$0x3F97] =	sst s1;
	(tag) =	ssettag s2;
	_ =	strace s9  }
0x27: {  	s1 =	sld [smem:$0x3FA7]  }
0x28: {  	s2 =	sld [smem:$0x3FA8]  }
0x29: {  	s4 =	sld [smem:$0x3FAA]  }
0x2a: {  	p0 =	seq.s32 s5, $0x0;
	s5 =	sld [smem:$0x3FAB]  }
0x2b: {  	s6 =	sld [smem:$0x3FAC]  }
0x2c: {  	s7 =	sld [smem:$0x3FAD]  }
0x2d: {  	s3 =	simm.s32 $0x108;
	s8 =	sld [smem:$0x3FAE]  }
0x2e: {  	s3 =	simm.s32 @!p0 $0x1082;
	s9 =	sld [smem:$0x3FAF]  }
0x2f: {  	lr =	sadd.s32 s0, s3;
	s0 =	sld [smem:$0x3FA6]  }
0x30: {  	s3 =	sld [smem:$0x3FA9]  }
0x31: {  	[smem:$0x3FB2] =	sst s10  }
0x32: {  	s10 =	sld [smem:$0x3FB0];
	_ =	sdelay $0x3  }
0x33: {  	p0 =	seq.s32 s10, $0x1;
	s10 =	sld [smem:$0x3FB2];
	_ =	sdelay $0x3  }
0x34: {  	[smem:$0x3FB2] =	sst s10  }
0x35: {  	s10 =	sld [smem:$0x3FB1];
	_ =	sdelay $0x3  }
0x36: {  	p1 =	seq.s32 s10, $0x1;
	s10 =	sld [smem:$0x3FB2];
	_ =	sdelay $0x3  }
0x37: {  	[smem:$0x3FB2] =	sst s10  }
0x38: {  	s10 =	sld [smem:$0x3FB3]  }
0x39: {  	_ = 	snop;
	(pc) =	sbr.ind lr, $3  }
0x3a: {  	_ = 	snop  }
0x3b: {  	_ = 	snop  }
0x3c: {  	p2 =	seq.s32 s10, $0x1;
	s10 =	sld [smem:$0x3FB2]  }
0x3d: {  	_ =	shalt  }
0x3e: {  	_ =	shalt  }
0x3f: {  	_ =	shalt  }
0x40: {  	_ =	shalt  }
0x41: {  	_ =	shalt  }
0x42: {  	_ =	shalt  }
0x43: {  	_ =	shalt  }
0x44: {  	_ =	shalt  }
0x45: {  	_ =	shalt  }
0x46: {  	_ =	shalt  }
0x47: {  	_ =	shalt  }
0x48: {  	_ =	shalt  }
0x49: {  	_ =	shalt  }
0x4a: {  	_ =	shalt  }
0x4b: {  	_ =	shalt  }
0x4c: {  	_ =	shalt  }
0x4d: {  	_ =	shalt  }
0x4e: {  	_ =	shalt  }
0x4f: {  	_ =	shalt  }
0x50: {  	_ =	shalt  }
0x51: {  	_ =	shalt  }
0x52: {  	_ =	shalt  }
0x53: {  	_ =	shalt  }
0x54: {  	_ =	shalt  }
0x55: {  	_ =	shalt  }
0x56: {  	_ =	shalt  }
0x57: {  	_ =	shalt  }
0x58: {  	_ =	shalt  }
0x59: {  	_ =	shalt  }
0x5a: {  	_ =	shalt  }
0x5b: {  	_ =	shalt  }
0x5c: {  	_ =	shalt  }
0x5d: {  	_ =	shalt  }
0x5e: {  	_ =	shalt  }
0x5f: {  	_ =	shalt  }
0x60: {  	_ =	shalt  }
0x61: {  	_ =	shalt  }
0x62: {  	_ =	shalt  }
0x63: {  	_ =	shalt  }
0x64: {  	_ =	shalt  }
0x65: {  	_ =	shalt  }
0x66: {  	_ =	shalt  }
0x67: {  	_ =	shalt  }
0x68: {  	_ =	shalt  }
0x69: {  	_ =	shalt  }
0x6a: {  	_ =	shalt  }
0x6b: {  	_ =	shalt  }
0x6c: {  	_ =	shalt  }
0x6d: {  	_ =	shalt  }
0x6e: {  	_ =	shalt  }
0x6f: {  	_ =	shalt  }
0x70: {  	_ =	shalt  }
0x71: {  	_ =	shalt  }
0x72: {  	_ =	shalt  }
0x73: {  	_ =	shalt  }
0x74: {  	_ =	shalt  }
0x75: {  	_ =	shalt  }
0x76: {  	_ =	shalt  }
0x77: {  	_ =	shalt  }
0x78: {  	_ =	shalt  }
0x79: {  	_ =	shalt  }
0x7a: {  	_ =	shalt  }
0x7b: {  	_ =	shalt  }
0x7c: {  	_ =	shalt  }
0x7d: {  	_ =	shalt  }
0x7e: {  	_ =	shalt  }
0x7f: {  	_ =	shalt  }
0x80: {  	_ =	shalt  }
0x81: {  	_ =	shalt  }
0x82: {  	_ =	shalt  }
0x83: {  	_ =	shalt  }
0x84: {  	_ =	shalt  }
0x85: {  	_ =	shalt  }
0x86: {  	_ =	shalt  }
0x87: {  	_ =	shalt  }
.Lfunc_end0:
.L_simem_size_0:
called_computation.1_lowered:
.L_overlay_start_0:
0x88: {  	s2 =	sld [smem:$0x3FD9]  }
0x89: {  	s3 =	sld [smem:$0x3FFE];
	_ =	sdelay $0x1  }
0x8a: {  	s1 =	srdreg.scid  }
0x8b: {  	s0 =	sand.u32 $0x1, s1  }
0x8c: {  	s17 =	sshll.u32 s0, $0xA;
	s2 =	sadd.s32 s3, s2  }
0x8d: {  	s2 =	sadd.s32 s2, s17  }
0x8e: {  	[smem:$0x3FBE] =	sst s2  }
0x8f: {  	_ = 	snop  }
0x90: {  	s2 =	sld [smem:$0x3FD0];
	(tm) =	ssettm $0x1  }
0x91: {  	s18 =	sld [smem:$0x3FFB];
	_ =	sdelay $0x3  }
0x92: {  	_ =	strace s18  }
0x93: {  	s3 =	sld [smem:$0x3FFC];
	_ =	sdelay $0x3  }
0x94: {  	_ =	strace s3  }
0x95: {  	s3 =	sld [smem:$0x3FFD];
	_ =	sdelay $0x3  }
0x96: {  	_ =	strace s3  }
0x97: {  	_ =	strace $0x8FFFFFFF  }
0x98: {  	s19 =	sld [smem:$0x3FDB];
	_ =	sdelay $0x1  }
0x99: {  	s4 =	simm.s32 $_scs_section_size  }
0x9a: {  	s5 =	simm.s32 $_size__tile_overlayer_lowered;
	s6 =	simm.s32 $_tile_overlayer_lowered  }
0x9b: {  	s22 =	simm.s32 $0x1BFF;
	s21 =	sshll.u32 s6, $0x1;
	s3 =	sadd.s32 s4, s19  }
0x9c: {  	s7 =	simm.s32 $0x0;
	s20 =	sshll.u32 s5, $0x1;
	s5 =	sadd.s32 s21, s3  }
0x9d: {  	[timem:s7], [sflag:s22] =	dma.local [hbm:s5], s20  }
0x9e: {  	_ =	swait.ge [sflag:s22], s20  }
0x9f: {  	s4 =	ssub.s32 $0x0, s20;
	[sflag:s22] =	ssyncset.done $0x0  }
0xa0: {  	[sflag:s22] =	ssyncadd.s32 s4;
	_ =	sdelay $0x1  }
0xa1: {  	s23 =	simm.s32 $0x1B8B  }
0xa2: {  	_ =	swait.ge [sflag:s23], $0x1  }
0xa3: {  	[sflag:s23] =	ssyncset.done $0x0  }
0xa4: {  	s25 =	simm.s32 $0x1B8E;
	s24 =	sld [smem:$0x3FFE];
	[sflag:s23] =	ssyncadd.s32 $0xFFFFFFFF  }
0xa5: {  	s26 =	simm.s32 $execute0_lowered;
	[smem:$0x3FD2] =	sst s25  }
0xa6: {  	s5 =	sshll.u32 s26, $0x1;
	_ =	strace $0x80000049;
	[dreg:$0x1] =	wrdreg $0xFFFFFFFF  }
0xa7: {  	s28 =	simm.s32 $_size_execute0_lowered;
	s3 =	sadd.s32 s3, s5;
	[dreg:$0x0] =	wrdreg $0x0  }
0xa8: {  	s5 =	sshll.u32 s28, $0x1;
	[dreg:$0x2] =	wrdreg s3  }
0xa9: {  	[dreg:$0x3] =	wrdreg s5  }
0xaa: {  	[dreg:$0x4] =	wrdreg $0xC0  }
0xab: {  	_ =	task [dreg:s7], $0x5FFFF  }
0xac: {  	[dreg:$0x1] =	wrdreg $0xFFFFFFFF  }
0xad: {  	[dreg:$0x0] =	wrdreg $0x60  }
0xae: {  	[dreg:$0x2] =	wrdreg s24  }
0xaf: {  	[dreg:$0x3] =	wrdreg s2  }
0xb0: {  	[dreg:$0x4] =	wrdreg $0x110000  }
0xb1: {  	[dreg:$0x5] =	wrdreg $0x9  }
0xb2: {  	_ =	task.clear_ibuf [dreg:s7], $0x6FFFF;
	_ =	strace $0x90000049  }
0xb3: {  	s29 =	simm.s32 $0x9;
	_ =	strace $0x8000004B  }
0xb4: {  	_ =	swait.ge [sflag:s29], $0x1  }
0xb5: {  	[sflag:s29] =	ssyncadd.s32 $0xFFFFFFFF  }
0xb6: {  	_ =	strace $0x9000004B  }
0xb7: {  	_ =	sfence  }
0xb8: {  	s30 =	sld [smem:$0x0];
	_ =	sdelay $0x2  }
0xb9: {  	s31 =	sshll.u32 s1, $0xD;
	s1 =	sshrl.u32 s1, $0x2  }
0xba: {  	s3 =	sand.u32 $0x4000, s31;
	s1 =	sadd.s32 s1, s30  }
0xbb: {  	s0 =	sor.u32 s3, s0;
	s1 =	sshll.u32 s1, $0x11  }
0xbc: {  	s0 =	sor.u32 s1, s0  }
0xbd: {  	s0 =	sadd.s32 $0x8F2B, s0  }
0xbe: {  	[sflag:s0] =	ssyncadd.remote.s32 $0x1  }
0xbf: {  	_ =	sfence.sel $0xFFFF  }
0xc0: {  	[dreg:$0x0] =	wrdreg $0xFFFFFFFF;
	(pc) =	sbr.abs _section_cstart, $3  }
0xc1: {  	[dreg:$0x1] =	wrdreg $0xFFFFFFFF  }
0xc2: {  	_ =	task.clear_ibuf [dreg:s7], $0x2FFFF;
	_ =	strace $0x9FFFFFFF  }
0xc3: {  	(tm) =	ssettm $0x7FFFFFFF  }
tec
execute0_lowered:
.L_overlay_start_1:
0x0: {  	(tag) =	ssettag $0x1  }
0x1: {  	s0 =	rddreg [dreg:$0x0]  }
0x2: {  	s2 =	rddreg [dreg:$0x1]  }
0x3: {  	s1 =	rddreg [dreg:$0x2];
	s3 =	simm.s32 $0x0  }
0x4: {  	s18 =	stileid.u32;
	s9 =	srdreg.scid;
	s21 =	simm.s32 $0x100  }
0x5: {  	s22 =	simm.s32 $0x5000;
	s23 =	simm.s32 $0xB000;
	s24 =	simm.s32 $0x1  }
0x6: {  	s28 =	simm.s32 $0x4;
	s29 =	simm.s32 $0x4E00;
	s30 =	simm.s32 $0x4F00  }
0x7: {  	s31 =	simm.s32 $0x0;
	[smem:$0x7FF] =	sst s3;
	s4 =	sadd.s32 $0x59200, s0  }
0x8: {  	s5 =	sadd.s32 $0x76800, s0;
	s8 =	smul.u32 $0x500, s18;
	s6 =	sadd.s32 $0x93E00, s0  }
0x9: {  	s14 =	smul.u32 $0xED00, s18;
	s7 =	sadd.s32 $0xB1400, s0;
	s15 =	sand.u32 $0x1, s9  }
0xa: {  	s10 =	sadd.s32 $0xCEA00, s0;
	s11 =	sadd.s32 $0x109E00, s0;
	s26 =	sshll.u32 s18, $0x6  }
0xb: {  	_ =	strace $0x8000004A;
	s12 =	ssub.s32 $0x2, s15;
	p0 =	seq.s32 s15, $0x1  }
0xc: {  	s19 =	sor.u32 $0x1C05, s26;
	s26 =	simm.s32 $0x2;
	s13 =	sadd.s32 s8, s0  }
.Ltmp0:
0xd: {  	s8 =	sadd.s32 $0x14400, s0;
	s9 =	sshrl.u32 s14, $0x3;
	(pc) =	sbr.rel .LBB2_1-.Ltmp0, $4  }
0xe: {  	s17 =	sshrl.u32 s12, $0x1;
	s20 =	sadd.s32 s14, s1;
	s16 =	sadd.s32 s9, s0  }
0xf: {  	s25 =	ssub.s32 s12, s17;
	s12 =	sadd.s32 $0xA400, s13;
	s13 =	sadd.s32 $0xF400, s13  }
0x10: {  	s14 =	sadd.s32 s2, s9;
	s17 =	simm.s32 $0x5;
	s20 =	sshrl.u32 s20, $0x3  }
0x11: {  	s15 =	sadd.s32 $0xEC400, s16;
	s16 =	smax.u32 s25, $0x1;
	s25 =	simm.s32 $0x3  }
.LBB2_11:
0x12: {  	[tilespmem:s23], [sflag:$0x2] =	stream.indirect.gather [hbm4b:s7+s21], $0x60, s2, s21, $0xb8;
	[tilespmem:$0x1FD00] =	vst v63  }
0x13: {  	s0 =	smov.u32 s11  }
.LBB2_12:
0x14: {  	_ =	swait.ge [sflag:s24], $0x6000  }
0x15: {  	[sflag:s24] =	ssyncset.done $0x0  }
0x16: {  	[sflag:s24] =	ssyncadd.s32 $0xFFFFA000  }
0x17: {  	[spmem:s1] =	stream.indirect.scatter.add.f32 [tilespmem:s22], [sflag:$0x3], $0x60, s29, s21, $0xb8;
	[tilespmem:$0x1FD00] =	vst v63  }
0x18: {  	_ =	swait.ge [sflag:s26], $0x6000  }
0x19: {  	[sflag:s26] =	ssyncset.done $0x0  }
0x1a: {  	[sflag:s26] =	ssyncadd.s32 $0xFFFFA000  }
0x1b: {  	[spmem:s1] =	stream.indirect.scatter.add.f32 [tilespmem:s23], [sflag:$0x4], $0x60, s30, s21, $0xb8;
	[tilespmem:$0x1FD00] =	vst v63  }
0x1c: {  	_ =	swait.ge [sflag:s25], $0x6000  }
0x1d: {  	[sflag:s25] =	ssyncset.done $0x0  }
0x1e: {  	[sflag:s25] =	ssyncadd.s32 $0xFFFFA000  }
0x1f: {  	_ =	swait.ge [sflag:s28], $0x6000  }
0x20: {  	s31 =	sadd.s32 $0x1, s31;
	[sflag:s28] =	ssyncset.done $0x0  }
0x21: {  	p1 =	sne.s32 s31, s16;
	[sflag:s28] =	ssyncadd.s32 $0xFFFFA000  }
.Ltmp1:
0x22: {  	s0 =	sadd.s32 s0, s9;
	[bflag:$0x0] =	sbarrier.arrive $0xFFFF;
	(pc) =	sbr.rel @!p1 .LBB2_13-.Ltmp1, $4  }
0x23: {  	[hbm:s0], [sflag:s19] =	dma.local [spmem:s20], $0x1DA0  }
0x24: {  	_ =	swait.ge [sflag:s17], $0x1DA0  }
0x25: {  	[sflag:s17] =	ssyncset.done $0x0  }
0x26: {  	[sflag:s17] =	ssyncadd.s32 $0xFFFFE260  }
.LBB2_1:
0x27: {  	[tilespmem:s3], [sflag:$0x5] =	stream.linear.gather [hbm4b:s12+s3], $0x2800, $0x38;
	[tilespmem:$0x1FD00] =	vst v63  }
0x28: {  	_ =	swait.ge [sflag:s17], $0x2800  }
0x29: {  	[sflag:s17] =	ssyncset.done $0x0  }
0x2a: {  	s0 =	simm.s32 $0x2800;
	[sflag:s17] =	ssyncadd.s32 $0xFFFFD800  }
0x2b: {  	[tilespmem:s0], [sflag:$0x5] =	stream.linear.gather [hbm4b:s13+s3], $0x2800, $0x38;
	[tilespmem:$0x1FD00] =	vst v63  }
0x2c: {  	_ =	swait.ge [sflag:s17], $0x2800  }
0x2d: {  	[sflag:s17] =	ssyncset.done $0x0  }
0x2e: {  	[sflag:s17] =	ssyncadd.s32 $0xFFFFD800  }
0x2f: {  	[spmem:s20], [sflag:s19] =	dma.local [hbm:s8], $0x1DA0  }
.Ltmp2:
0x30: {  	_ =	swait.ge [sflag:s17], $0x1DA0;
	(pc) =	sbr.rel @!p0 .LBB2_2-.Ltmp2, $4  }
0x31: {  	[sflag:s17] =	ssyncset.done $0x0  }
0x32: {  	[sflag:s17] =	ssyncadd.s32 $0xFFFFE260  }
0x33: {  	[bflag:$0x0] =	sbarrier.arrive $0xFFFF  }
0x34: {  	s0 =	simm.s32 $0x0  }
0x35: {  	[tilespmem:s22], [sflag:$0x1] =	stream.indirect.gather [hbm4b:s6+s21], $0x60, s0, s21, $0xb8;
	[tilespmem:$0x1FD00] =	vst v63  }
0x36: {  	_ = 	snop  }
0x37: {  	[tilespmem:s23], [sflag:$0x2] =	stream.indirect.gather [hbm4b:s6+s21], $0x60, s21, s21, $0xb8;
	[tilespmem:$0x1FD00] =	vst v63  }
0x38: {  	_ =	swait.ge [sflag:s24], $0x6000  }
0x39: {  	[sflag:s24] =	ssyncset.done $0x0  }
0x3a: {  	s18 =	simm.s32 $0x2800;
	[sflag:s24] =	ssyncadd.s32 $0xFFFFA000  }
0x3b: {  	[spmem:s1] =	stream.indirect.scatter.add.f32 [tilespmem:s22], [sflag:$0x3], $0x60, s18, s21, $0xb8;
	[tilespmem:$0x1FD00] =	vst v63  }
0x3c: {  	_ =	swait.ge [sflag:s25], $0x6000  }
0x3d: {  	[sflag:s25] =	ssyncset.done $0x0  }
0x3e: {  	s2 =	simm.s32 $0x200;
	[sflag:s25] =	ssyncadd.s32 $0xFFFFA000  }
0x3f: {  	[tilespmem:s22], [sflag:$0x1] =	stream.indirect.gather [hbm4b:s6+s21], $0x60, s2, s21, $0xb8;
	[tilespmem:$0x1FD00] =	vst v63  }
0x40: {  	_ =	swait.ge [sflag:s26], $0x6000  }
0x41: {  	[sflag:s26] =	ssyncset.done $0x0  }
0x42: {  	s18 =	simm.s32 $0x2900;
	[sflag:s26] =	ssyncadd.s32 $0xFFFFA000  }
0x43: {  	[spmem:s1] =	stream.indirect.scatter.add.f32 [tilespmem:s23], [sflag:$0x4], $0x60, s18, s21, $0xb8;
	[tilespmem:$0x1FD00] =	vst v63  }
0x44: {  	_ =	swait.ge [sflag:s28], $0x6000  }
0x45: {  	[sflag:s28] =	ssyncset.done $0x0  }
0x46: {  	s0 =	simm.s32 $0x800;
	s2 =	simm.s32 $0x300;
	[sflag:s28] =	ssyncadd.s32 $0xFFFFA000  }
.LBB2_8:
0x47: {  	[tilespmem:s23], [sflag:$0x2] =	stream.indirect.gather [hbm4b:s6+s21], $0x60, s2, s21, $0xb8;
	[tilespmem:$0x1FD00] =	vst v63  }
0x48: {  	s2 =	smov.u32 s0  }
0x49: {  	p1 =	sne.s32 s0, $0x9000;
	s0 =	sadd.s32 $0x800, s0;
	_ =	swait.ge [sflag:s24], $0x6000  }
0x4a: {  	s2 =	sshra.s32 s2, $0x2;
	[sflag:s24] =	ssyncset.done $0x0  }
0x4b: {  	s18 =	sadd.s32 $0x2800, s2;
	[sflag:s24] =	ssyncadd.s32 $0xFFFFA000  }
0x4c: {  	[spmem:s1] =	stream.indirect.scatter.add.f32 [tilespmem:s22], [sflag:$0x3], $0x60, s18, s21, $0xb8;
	[tilespmem:$0x1FD00] =	vst v63  }
0x4d: {  	_ =	swait.ge [sflag:s25], $0x6000  }
0x4e: {  	[sflag:s25] =	ssyncset.done $0x0  }
0x4f: {  	s18 =	sadd.s32 $0x200, s2;
	[sflag:s25] =	ssyncadd.s32 $0xFFFFA000  }
0x50: {  	[tilespmem:s22], [sflag:$0x1] =	stream.indirect.gather [hbm4b:s6+s21], $0x60, s18, s21, $0xb8;
	[tilespmem:$0x1FD00] =	vst v63  }
0x51: {  	_ =	swait.ge [sflag:s26], $0x6000  }
0x52: {  	[sflag:s26] =	ssyncset.done $0x0  }
.Ltmp3:
0x53: {  	s18 =	sadd.s32 $0x2900, s2;
	[sflag:s26] =	ssyncadd.s32 $0xFFFFA000;
	(pc) =	sbr.rel @p1 .LBB2_8-.Ltmp3, $4  }
0x54: {  	[spmem:s1] =	stream.indirect.scatter.add.f32 [tilespmem:s23], [sflag:$0x4], $0x60, s18, s21, $0xb8;
	[tilespmem:$0x1FD00] =	vst v63  }
0x55: {  	_ =	swait.ge [sflag:s28], $0x6000  }
0x56: {  	[sflag:s28] =	ssyncset.done $0x0  }
0x57: {  	s2 =	sadd.s32 $0x300, s2;
	[sflag:s28] =	ssyncadd.s32 $0xFFFFA000  }
0x58: {  	[tilespmem:s23], [sflag:$0x2] =	stream.indirect.gather [hbm4b:s6+s21], $0x60, s2, s21, $0xb8;
	[tilespmem:$0x1FD00] =	vst v63  }
0x59: {  	_ =	swait.ge [sflag:s24], $0x6000  }
0x5a: {  	[sflag:s24] =	ssyncset.done $0x0  }
0x5b: {  	[sflag:s24] =	ssyncadd.s32 $0xFFFFA000  }
0x5c: {  	[spmem:s1] =	stream.indirect.scatter.add.f32 [tilespmem:s22], [sflag:$0x3], $0x60, s29, s21, $0xb8;
	[tilespmem:$0x1FD00] =	vst v63  }
0x5d: {  	_ =	swait.ge [sflag:s26], $0x6000  }
0x5e: {  	[sflag:s26] =	ssyncset.done $0x0  }
0x5f: {  	[sflag:s26] =	ssyncadd.s32 $0xFFFFA000  }
0x60: {  	[spmem:s1] =	stream.indirect.scatter.add.f32 [tilespmem:s23], [sflag:$0x4], $0x60, s30, s21, $0xb8;
	[tilespmem:$0x1FD00] =	vst v63  }
0x61: {  	_ =	swait.ge [sflag:s25], $0x6000  }
0x62: {  	[sflag:s25] =	ssyncset.done $0x0  }
0x63: {  	[sflag:s25] =	ssyncadd.s32 $0xFFFFA000  }
0x64: {  	_ =	swait.ge [sflag:s28], $0x6000  }
0x65: {  	[sflag:s28] =	ssyncset.done $0x0  }
0x66: {  	[sflag:s28] =	ssyncadd.s32 $0xFFFFA000  }
0x67: {  	[bflag:$0x0] =	sbarrier.arrive $0xFFFF  }
0x68: {  	[hbm:s15], [sflag:s19] =	dma.local [spmem:s20], $0x1DA0  }
0x69: {  	_ =	swait.ge [sflag:s17], $0x1DA0  }
0x6a: {  	[sflag:s17] =	ssyncset.done $0x0  }
0x6b: {  	[sflag:s17] =	ssyncadd.s32 $0xFFFFE260  }
0x6c: {  	[spmem:s20], [sflag:s19] =	dma.local [hbm:s8], $0x1DA0  }
0x6d: {  	_ =	swait.ge [sflag:s17], $0x1DA0  }
0x6e: {  	[sflag:s17] =	ssyncset.done $0x0  }
0x6f: {  	[sflag:s17] =	ssyncadd.s32 $0xFFFFE260  }
0x70: {  	s0 =	simm.s32 $0x0;
	[bflag:$0x0] =	sbarrier.arrive $0xFFFF  }
0x71: {  	[tilespmem:s22], [sflag:$0x1] =	stream.indirect.gather [hbm4b:s7+s21], $0x60, s0, s21, $0xb8;
	[tilespmem:$0x1FD00] =	vst v63  }
0x72: {  	_ = 	snop  }
0x73: {  	[tilespmem:s23], [sflag:$0x2] =	stream.indirect.gather [hbm4b:s7+s21], $0x60, s21, s21, $0xb8;
	[tilespmem:$0x1FD00] =	vst v63  }
0x74: {  	_ =	swait.ge [sflag:s24], $0x6000  }
0x75: {  	[sflag:s24] =	ssyncset.done $0x0  }
0x76: {  	s18 =	simm.s32 $0x2800;
	[sflag:s24] =	ssyncadd.s32 $0xFFFFA000  }
0x77: {  	[spmem:s1] =	stream.indirect.scatter.add.f32 [tilespmem:s22], [sflag:$0x3], $0x60, s18, s21, $0xb8;
	[tilespmem:$0x1FD00] =	vst v63  }
0x78: {  	_ =	swait.ge [sflag:s25], $0x6000  }
0x79: {  	[sflag:s25] =	ssyncset.done $0x0  }
0x7a: {  	s2 =	simm.s32 $0x200;
	[sflag:s25] =	ssyncadd.s32 $0xFFFFA000  }
0x7b: {  	[tilespmem:s22], [sflag:$0x1] =	stream.indirect.gather [hbm4b:s7+s21], $0x60, s2, s21, $0xb8;
	[tilespmem:$0x1FD00] =	vst v63  }
0x7c: {  	_ =	swait.ge [sflag:s26], $0x6000  }
0x7d: {  	[sflag:s26] =	ssyncset.done $0x0  }
0x7e: {  	s18 =	simm.s32 $0x2900;
	[sflag:s26] =	ssyncadd.s32 $0xFFFFA000  }
0x7f: {  	[spmem:s1] =	stream.indirect.scatter.add.f32 [tilespmem:s23], [sflag:$0x4], $0x60, s18, s21, $0xb8;
	[tilespmem:$0x1FD00] =	vst v63  }
0x80: {  	_ =	swait.ge [sflag:s28], $0x6000  }
0x81: {  	[sflag:s28] =	ssyncset.done $0x0  }
0x82: {  	s0 =	simm.s32 $0x800;
	s2 =	simm.s32 $0x300;
	[sflag:s28] =	ssyncadd.s32 $0xFFFFA000  }
.LBB2_10:
0x83: {  	[tilespmem:s23], [sflag:$0x2] =	stream.indirect.gather [hbm4b:s7+s21], $0x60, s2, s21, $0xb8;
	[tilespmem:$0x1FD00] =	vst v63  }
0x84: {  	s2 =	smov.u32 s0  }
0x85: {  	p1 =	sne.s32 s0, $0x9000;
	s0 =	sadd.s32 $0x800, s0;
	_ =	swait.ge [sflag:s24], $0x6000  }
0x86: {  	s2 =	sshra.s32 s2, $0x2;
	[sflag:s24] =	ssyncset.done $0x0  }
0x87: {  	s18 =	sadd.s32 $0x2800, s2;
	[sflag:s24] =	ssyncadd.s32 $0xFFFFA000  }
0x88: {  	[spmem:s1] =	stream.indirect.scatter.add.f32 [tilespmem:s22], [sflag:$0x3], $0x60, s18, s21, $0xb8;
	[tilespmem:$0x1FD00] =	vst v63  }
0x89: {  	_ =	swait.ge [sflag:s25], $0x6000  }
0x8a: {  	[sflag:s25] =	ssyncset.done $0x0  }
0x8b: {  	s18 =	sadd.s32 $0x200, s2;
	[sflag:s25] =	ssyncadd.s32 $0xFFFFA000  }
0x8c: {  	[tilespmem:s22], [sflag:$0x1] =	stream.indirect.gather [hbm4b:s7+s21], $0x60, s18, s21, $0xb8;
	[tilespmem:$0x1FD00] =	vst v63  }
0x8d: {  	_ =	swait.ge [sflag:s26], $0x6000  }
0x8e: {  	[sflag:s26] =	ssyncset.done $0x0  }
.Ltmp4:
0x8f: {  	s18 =	sadd.s32 $0x2900, s2;
	[sflag:s26] =	ssyncadd.s32 $0xFFFFA000;
	(pc) =	sbr.rel @p1 .LBB2_10-.Ltmp4, $4  }
0x90: {  	[spmem:s1] =	stream.indirect.scatter.add.f32 [tilespmem:s23], [sflag:$0x4], $0x60, s18, s21, $0xb8;
	[tilespmem:$0x1FD00] =	vst v63  }
0x91: {  	_ =	swait.ge [sflag:s28], $0x6000  }
0x92: {  	[sflag:s28] =	ssyncset.done $0x0  }
0x93: {  	s2 =	sadd.s32 $0x300, s2;
	[sflag:s28] =	ssyncadd.s32 $0xFFFFA000  }
.Ltmp5:
0x94: {  	_ = 	snop;
	(pc) =	sbr.rel .LBB2_11-.Ltmp5, $1  }
0x95: {  	_ =	sdelay $0x3  }
.LBB2_2:
0x96: {  	[tilespmem:s22], [sflag:$0x1] =	stream.indirect.gather [hbm4b:s4+s21], $0x60, s0, s21, $0xb8;
	[tilespmem:$0x1FD00] =	vst v63  }
0x97: {  	_ = 	snop  }
0x98: {  	[tilespmem:s23], [sflag:$0x2] =	stream.indirect.gather [hbm4b:s4+s21], $0x60, s21, s21, $0xb8;
	[tilespmem:$0x1FD00] =	vst v63  }
0x99: {  	_ =	swait.ge [sflag:s24], $0x6000  }
0x9a: {  	[sflag:s24] =	ssyncset.done $0x0  }
0x9b: {  	s18 =	simm.s32 $0x2800;
	[sflag:s24] =	ssyncadd.s32 $0xFFFFA000  }
0x9c: {  	[spmem:s1] =	stream.indirect.scatter.add.f32 [tilespmem:s22], [sflag:$0x3], $0x60, s18, s21, $0xb8;
	[tilespmem:$0x1FD00] =	vst v63  }
0x9d: {  	_ =	swait.ge [sflag:s25], $0x6000  }
0x9e: {  	[sflag:s25] =	ssyncset.done $0x0  }
0x9f: {  	s2 =	simm.s32 $0x200;
	[sflag:s25] =	ssyncadd.s32 $0xFFFFA000  }
0xa0: {  	[tilespmem:s22], [sflag:$0x1] =	stream.indirect.gather [hbm4b:s4+s21], $0x60, s2, s21, $0xb8;
	[tilespmem:$0x1FD00] =	vst v63  }
0xa1: {  	_ =	swait.ge [sflag:s26], $0x6000  }
0xa2: {  	[sflag:s26] =	ssyncset.done $0x0  }
0xa3: {  	s18 =	simm.s32 $0x2900;
	[sflag:s26] =	ssyncadd.s32 $0xFFFFA000  }
0xa4: {  	[spmem:s1] =	stream.indirect.scatter.add.f32 [tilespmem:s23], [sflag:$0x4], $0x60, s18, s21, $0xb8;
	[tilespmem:$0x1FD00] =	vst v63  }
0xa5: {  	_ =	swait.ge [sflag:s28], $0x6000  }
0xa6: {  	[sflag:s28] =	ssyncset.done $0x0  }
0xa7: {  	s0 =	simm.s32 $0x800;
	s2 =	simm.s32 $0x300;
	[sflag:s28] =	ssyncadd.s32 $0xFFFFA000  }
.LBB2_3:
0xa8: {  	[tilespmem:s23], [sflag:$0x2] =	stream.indirect.gather [hbm4b:s4+s21], $0x60, s2, s21, $0xb8;
	[tilespmem:$0x1FD00] =	vst v63  }
0xa9: {  	s2 =	smov.u32 s0  }
0xaa: {  	p1 =	sne.s32 s0, $0x9000;
	s0 =	sadd.s32 $0x800, s0;
	_ =	swait.ge [sflag:s24], $0x6000  }
0xab: {  	s2 =	sshra.s32 s2, $0x2;
	[sflag:s24] =	ssyncset.done $0x0  }
0xac: {  	s18 =	sadd.s32 $0x2800, s2;
	[sflag:s24] =	ssyncadd.s32 $0xFFFFA000  }
0xad: {  	[spmem:s1] =	stream.indirect.scatter.add.f32 [tilespmem:s22], [sflag:$0x3], $0x60, s18, s21, $0xb8;
	[tilespmem:$0x1FD00] =	vst v63  }
0xae: {  	_ =	swait.ge [sflag:s25], $0x6000  }
0xaf: {  	[sflag:s25] =	ssyncset.done $0x0  }
0xb0: {  	s18 =	sadd.s32 $0x200, s2;
	[sflag:s25] =	ssyncadd.s32 $0xFFFFA000  }
0xb1: {  	[tilespmem:s22], [sflag:$0x1] =	stream.indirect.gather [hbm4b:s4+s21], $0x60, s18, s21, $0xb8;
	[tilespmem:$0x1FD00] =	vst v63  }
0xb2: {  	_ =	swait.ge [sflag:s26], $0x6000  }
0xb3: {  	[sflag:s26] =	ssyncset.done $0x0  }
.Ltmp6:
0xb4: {  	s18 =	sadd.s32 $0x2900, s2;
	[sflag:s26] =	ssyncadd.s32 $0xFFFFA000;
	(pc) =	sbr.rel @p1 .LBB2_3-.Ltmp6, $4  }
0xb5: {  	[spmem:s1] =	stream.indirect.scatter.add.f32 [tilespmem:s23], [sflag:$0x4], $0x60, s18, s21, $0xb8;
	[tilespmem:$0x1FD00] =	vst v63  }
0xb6: {  	_ =	swait.ge [sflag:s28], $0x6000  }
0xb7: {  	[sflag:s28] =	ssyncset.done $0x0  }
0xb8: {  	s2 =	sadd.s32 $0x300, s2;
	[sflag:s28] =	ssyncadd.s32 $0xFFFFA000  }
0xb9: {  	[tilespmem:s23], [sflag:$0x2] =	stream.indirect.gather [hbm4b:s4+s21], $0x60, s2, s21, $0xb8;
	[tilespmem:$0x1FD00] =	vst v63  }
0xba: {  	_ =	swait.ge [sflag:s24], $0x6000  }
0xbb: {  	[sflag:s24] =	ssyncset.done $0x0  }
0xbc: {  	[sflag:s24] =	ssyncadd.s32 $0xFFFFA000  }
0xbd: {  	[spmem:s1] =	stream.indirect.scatter.add.f32 [tilespmem:s22], [sflag:$0x3], $0x60, s29, s21, $0xb8;
	[tilespmem:$0x1FD00] =	vst v63  }
0xbe: {  	_ =	swait.ge [sflag:s26], $0x6000  }
0xbf: {  	[sflag:s26] =	ssyncset.done $0x0  }
0xc0: {  	[sflag:s26] =	ssyncadd.s32 $0xFFFFA000  }
0xc1: {  	[spmem:s1] =	stream.indirect.scatter.add.f32 [tilespmem:s23], [sflag:$0x4], $0x60, s30, s21, $0xb8;
	[tilespmem:$0x1FD00] =	vst v63  }
0xc2: {  	_ =	swait.ge [sflag:s25], $0x6000  }
0xc3: {  	[sflag:s25] =	ssyncset.done $0x0  }
0xc4: {  	[sflag:s25] =	ssyncadd.s32 $0xFFFFA000  }
0xc5: {  	_ =	swait.ge [sflag:s28], $0x6000  }
0xc6: {  	[sflag:s28] =	ssyncset.done $0x0  }
0xc7: {  	[sflag:s28] =	ssyncadd.s32 $0xFFFFA000  }
0xc8: {  	[bflag:$0x0] =	sbarrier.arrive $0xFFFF  }
0xc9: {  	[hbm:s14], [sflag:s19] =	dma.local [spmem:s20], $0x1DA0  }
0xca: {  	_ =	swait.ge [sflag:s17], $0x1DA0  }
0xcb: {  	[sflag:s17] =	ssyncset.done $0x0  }
0xcc: {  	[sflag:s17] =	ssyncadd.s32 $0xFFFFE260  }
0xcd: {  	[spmem:s20], [sflag:s19] =	dma.local [hbm:s8], $0x1DA0  }
0xce: {  	_ =	swait.ge [sflag:s17], $0x1DA0  }
0xcf: {  	[sflag:s17] =	ssyncset.done $0x0  }
0xd0: {  	[sflag:s17] =	ssyncadd.s32 $0xFFFFE260  }
0xd1: {  	s0 =	simm.s32 $0x0;
	[bflag:$0x0] =	sbarrier.arrive $0xFFFF  }
0xd2: {  	[tilespmem:s22], [sflag:$0x1] =	stream.indirect.gather [hbm4b:s5+s21], $0x60, s0, s21, $0xb8;
	[tilespmem:$0x1FD00] =	vst v63  }
0xd3: {  	_ = 	snop  }
0xd4: {  	[tilespmem:s23], [sflag:$0x2] =	stream.indirect.gather [hbm4b:s5+s21], $0x60, s21, s21, $0xb8;
	[tilespmem:$0x1FD00] =	vst v63  }
0xd5: {  	_ =	swait.ge [sflag:s24], $0x6000  }
0xd6: {  	[sflag:s24] =	ssyncset.done $0x0  }
0xd7: {  	s18 =	simm.s32 $0x2800;
	[sflag:s24] =	ssyncadd.s32 $0xFFFFA000  }
0xd8: {  	[spmem:s1] =	stream.indirect.scatter.add.f32 [tilespmem:s22], [sflag:$0x3], $0x60, s18, s21, $0xb8;
	[tilespmem:$0x1FD00] =	vst v63  }
0xd9: {  	_ =	swait.ge [sflag:s25], $0x6000  }
0xda: {  	[sflag:s25] =	ssyncset.done $0x0  }
0xdb: {  	s2 =	simm.s32 $0x200;
	[sflag:s25] =	ssyncadd.s32 $0xFFFFA000  }
0xdc: {  	[tilespmem:s22], [sflag:$0x1] =	stream.indirect.gather [hbm4b:s5+s21], $0x60, s2, s21, $0xb8;
	[tilespmem:$0x1FD00] =	vst v63  }
0xdd: {  	_ =	swait.ge [sflag:s26], $0x6000  }
0xde: {  	[sflag:s26] =	ssyncset.done $0x0  }
0xdf: {  	s18 =	simm.s32 $0x2900;
	[sflag:s26] =	ssyncadd.s32 $0xFFFFA000  }
0xe0: {  	[spmem:s1] =	stream.indirect.scatter.add.f32 [tilespmem:s23], [sflag:$0x4], $0x60, s18, s21, $0xb8;
	[tilespmem:$0x1FD00] =	vst v63  }
0xe1: {  	_ =	swait.ge [sflag:s28], $0x6000  }
0xe2: {  	[sflag:s28] =	ssyncset.done $0x0  }
0xe3: {  	s0 =	simm.s32 $0x800;
	s2 =	simm.s32 $0x300;
	[sflag:s28] =	ssyncadd.s32 $0xFFFFA000  }
.LBB2_5:
0xe4: {  	[tilespmem:s23], [sflag:$0x2] =	stream.indirect.gather [hbm4b:s5+s21], $0x60, s2, s21, $0xb8;
	[tilespmem:$0x1FD00] =	vst v63  }
0xe5: {  	s2 =	smov.u32 s0  }
0xe6: {  	p1 =	seq.s32 s0, $0x9000;
	s0 =	sadd.s32 $0x800, s0;
	_ =	swait.ge [sflag:s24], $0x6000  }
0xe7: {  	s2 =	sshra.s32 s2, $0x2;
	[sflag:s24] =	ssyncset.done $0x0  }
0xe8: {  	s18 =	sadd.s32 $0x2800, s2;
	[sflag:s24] =	ssyncadd.s32 $0xFFFFA000  }
0xe9: {  	[spmem:s1] =	stream.indirect.scatter.add.f32 [tilespmem:s22], [sflag:$0x3], $0x60, s18, s21, $0xb8;
	[tilespmem:$0x1FD00] =	vst v63  }
0xea: {  	_ =	swait.ge [sflag:s25], $0x6000  }
0xeb: {  	[sflag:s25] =	ssyncset.done $0x0  }
0xec: {  	s18 =	sadd.s32 $0x200, s2;
	[sflag:s25] =	ssyncadd.s32 $0xFFFFA000  }
0xed: {  	[tilespmem:s22], [sflag:$0x1] =	stream.indirect.gather [hbm4b:s5+s21], $0x60, s18, s21, $0xb8;
	[tilespmem:$0x1FD00] =	vst v63  }
0xee: {  	_ =	swait.ge [sflag:s26], $0x6000  }
0xef: {  	[sflag:s26] =	ssyncset.done $0x0  }
.Ltmp7:
0xf0: {  	s18 =	sadd.s32 $0x2900, s2;
	[sflag:s26] =	ssyncadd.s32 $0xFFFFA000;
	(pc) =	sbr.rel @!p1 .LBB2_5-.Ltmp7, $4  }
0xf1: {  	[spmem:s1] =	stream.indirect.scatter.add.f32 [tilespmem:s23], [sflag:$0x4], $0x60, s18, s21, $0xb8;
	[tilespmem:$0x1FD00] =	vst v63  }
0xf2: {  	_ =	swait.ge [sflag:s28], $0x6000  }
0xf3: {  	[sflag:s28] =	ssyncset.done $0x0  }
0xf4: {  	s2 =	sadd.s32 $0x300, s2;
	[sflag:s28] =	ssyncadd.s32 $0xFFFFA000  }
.Ltmp8:
0xf5: {  	(pc) =	sbr.rel .LBB2_12-.Ltmp8, $3  }
0xf6: {  	_ =	sdelay $0x1  }
0xf7: {  	[tilespmem:s23], [sflag:$0x2] =	stream.indirect.gather [hbm4b:s5+s21], $0x60, s2, s21, $0xb8;
	[tilespmem:$0x1FD00] =	vst v63  }
0xf8: {  	s0 =	smov.u32 s10  }
.LBB2_13:
0xf9: {  	_ =	sfence.sel $0x180000  }
0xfa: {  	[bflag:$0x0] =	sbarrier.arrive $0xFFFF  }
0xfb: {  	_ =	strace $0x9000004A  }
0xfc: {  	s0 =	stileid.u32;
	[bflag:$0x2] =	sbarrier.arrive $0xFFFF  }
0xfd: {  	p0 =	sne.s32 s0, $0x0;
	s0 =	rddreg [dreg:$0x3]  }
0xfe: {  	s0 =	sadd.s32 @!p0 $0x100000, s0  }
0xff: {  	[sflag:s0] =	ssyncadd.tile.s32 @!p0 $0x1;
	_ =	shalt  }
.Lfunc_end2:
_tile_overlayer_lowered:
.L_overlay_start_2:
0x100: {  	(tag) =	ssettag $0x2  }
0x101: {  	s0 =	rddreg [dreg:$0x0];
	s2 =	stileid.u32  }
0x102: {  	s1 =	rddreg [dreg:$0x1];
	p0 =	sne.s32 s2, $0x0  }
0x103: {  	s3 =	rddreg [dreg:$0x2];
	[bflag:$0x3] =	sbarrier.arrive $0xFFFF;
	s2 =	simm.s32 @!p0 $0x1C05  }
0x104: {  	[timem:s3], [sflag:s2] =	dma.local @!p0 [hbm:s0], s1  }
0x105: {  	s0 =	simm.s32 @!p0 $0x5  }
0x106: {  	_ =	swait.ge @!p0 [sflag:s0], s1  }
0x107: {  	s1 =	ssub.s32 @!p0 $0x0, s1;
	[sflag:s0] =	ssyncset.done @!p0 $0x0  }
0x108: {  	[sflag:s0] =	ssyncadd.s32 @!p0 s1  }
0x109: {  	[bflag:$0x3] =	sbarrier.arrive $0xFFFF  }
0x10a: {  	_ =	shalt  }

// kernel: kernel.16.cloned.1.call-start
scs
__scs_entry_jumppad:
0x0: {  	(pc) =	sbr.rel $0x88, $3  }
0x1: {  	(tag) =	ssettag $0x0;
	lr =	simm.s32 $0x1  }
0x2: {  	[smem:$0x3F97] =	sst lr;
	_ =	strace $0xD0000000  }
0x3: {  	_ = 	snop  }
0x4: {  	_ = 	snop  }
0x5: {  	_ = 	snop  }
0x6: {  	_ = 	snop  }
0x7: {  	_ = 	snop  }
__scs_overlays_trampoline_lowered:
0x8: {  	[smem:$0x3FA6] =	sst s0  }
0x9: {  	[smem:$0x3FA7] =	sst s1  }
0xa: {  	[smem:$0x3FA8] =	sst s2  }
0xb: {  	[smem:$0x3FA9] =	sst s3  }
0xc: {  	[smem:$0x3FAA] =	sst s4  }
0xd: {  	[smem:$0x3FAB] =	sst s5  }
0xe: {  	[smem:$0x3FAC] =	sst s6  }
0xf: {  	[smem:$0x3FAD] =	sst s7  }
0x10: {  	[smem:$0x3FAE] =	sst s8  }
0x11: {  	[smem:$0x3FAF] =	sst s9;
	s0 =	simm.s32 @!p0 $0x0  }
0x12: {  	s1 =	sld [smem:$0x3F95];
	s0 =	simm.s32 @p0 $0x1  }
0x13: {  	[smem:$0x3FB0] =	sst s0;
	s0 =	simm.s32 @!p1 $0x0  }
0x14: {  	s2 =	sld [smem:$0x3F94];
	s0 =	simm.s32 @p1 $0x1  }
0x15: {  	[smem:$0x3FB1] =	sst s0;
	s0 =	simm.s32 @!p2 $0x0  }
0x16: {  	s3 =	sld [smem:$0x3FDB];
	s0 =	simm.s32 @p2 $0x1  }
0x17: {  	s4 =	simm.s32 $0x1BF5;
	[smem:$0x3FB3] =	sst s0  }
0x18: {  	s0 =	sld [smem:$0x3F96];
	_ =	swait.ge [sflag:s4], $0x0  }
0x19: {  	s7 =	sld [smem:$0x3F97]  }
0x1a: {  	s8 =	sadd.s32 $0xFFFFE003, lr  }
0x1b: {  	s9 =	sadd.s32 $0xFFFFFEF7, lr;
	s5 =	simm.s32 $0xFFFFFFFF;
	p2 =	slt.u32 s8, $0xFFFFF086  }
0x1c: {  	p1 =	slt.u32 s9, $0xF7A;
	s5 =	simm.s32 @!p2 $0x0  }
0x1d: {  	s5 =	simm.s32 @p1 $0x1;
	p0 =	seq.s32 s7, s2  }
0x1e: {  	s7 =	smul.u32 @!p0 $0xF7A, s2;
	p2 =	seq.s32 @!p0 s5, $0x0  }
0x1f: {  	s9 =	smul.u32 $0xF7A, s1;
	s8 =	simm.s32 @!p0 $0x1BF5;
	p2 =	por !p2, p0  }
0x20: {  	[sflag:s8] =	ssyncset.s32 @!p0 $0xFFFFF086;
	s6 =	sadd.s32 @!p0 s3, s7;
	s7 =	simm.s32 @!p0 $0x108  }
0x21: {  	s3 =	sadd.s32 s3, s9;
	s6 =	sadd.s32 @!p0 $0x88, s6;
	s7 =	simm.s32 @p2 $0x1082  }
0x22: {  	[simem:s7], [sflag:s8] =	dma.local @!p0 [hbm:s6], $0xF7A  }
0x23: {  	s9 =	sor.u32 $0xD0000000, s2;
	s6 =	simm.s32 $0x108;
	_ =	swait.ge @!p0 [sflag:s8], $0x0  }
0x24: {  	s3 =	sadd.s32 $0x88, s3;
	s6 =	simm.s32 @!p1 $0x1082;
	[sflag:s4] =	ssyncset.s32 $0xFFFFF086  }
0x25: {  	[simem:s6], [sflag:s4] =	dma.local [hbm:s3], $0xF7A  }
0x26: {  	[smem:$0x3F97] =	sst s1;
	(tag) =	ssettag s2;
	_ =	strace s9  }
0x27: {  	s1 =	sld [smem:$0x3FA7]  }
0x28: {  	s2 =	sld [smem:$0x3FA8]  }
0x29: {  	s4 =	sld [smem:$0x3FAA]  }
0x2a: {  	p0 =	seq.s32 s5, $0x0;
	s5 =	sld [smem:$0x3FAB]  }
0x2b: {  	s6 =	sld [smem:$0x3FAC]  }
0x2c: {  	s7 =	sld [smem:$0x3FAD]  }
0x2d: {  	s3 =	simm.s32 $0x108;
	s8 =	sld [smem:$0x3FAE]  }
0x2e: {  	s3 =	simm.s32 @!p0 $0x1082;
	s9 =	sld [smem:$0x3FAF]  }
0x2f: {  	lr =	sadd.s32 s0, s3;
	s0 =	sld [smem:$0x3FA6]  }
0x30: {  	s3 =	sld [smem:$0x3FA9]  }
0x31: {  	[smem:$0x3FB2] =	sst s10  }
0x32: {  	s10 =	sld [smem:$0x3FB0];
	_ =	sdelay $0x3  }
0x33: {  	p0 =	seq.s32 s10, $0x1;
	s10 =	sld [smem:$0x3FB2];
	_ =	sdelay $0x3  }
0x34: {  	[smem:$0x3FB2] =	sst s10  }
0x35: {  	s10 =	sld [smem:$0x3FB1];
	_ =	sdelay $0x3  }
0x36: {  	p1 =	seq.s32 s10, $0x1;
	s10 =	sld [smem:$0x3FB2];
	_ =	sdelay $0x3  }
0x37: {  	[smem:$0x3FB2] =	sst s10  }
0x38: {  	s10 =	sld [smem:$0x3FB3]  }
0x39: {  	_ = 	snop;
	(pc) =	sbr.ind lr, $3  }
0x3a: {  	_ = 	snop  }
0x3b: {  	_ = 	snop  }
0x3c: {  	p2 =	seq.s32 s10, $0x1;
	s10 =	sld [smem:$0x3FB2]  }
0x3d: {  	_ =	shalt  }
0x3e: {  	_ =	shalt  }
0x3f: {  	_ =	shalt  }
0x40: {  	_ =	shalt  }
0x41: {  	_ =	shalt  }
0x42: {  	_ =	shalt  }
0x43: {  	_ =	shalt  }
0x44: {  	_ =	shalt  }
0x45: {  	_ =	shalt  }
0x46: {  	_ =	shalt  }
0x47: {  	_ =	shalt  }
0x48: {  	_ =	shalt  }
0x49: {  	_ =	shalt  }
0x4a: {  	_ =	shalt  }
0x4b: {  	_ =	shalt  }
0x4c: {  	_ =	shalt  }
0x4d: {  	_ =	shalt  }
0x4e: {  	_ =	shalt  }
0x4f: {  	_ =	shalt  }
0x50: {  	_ =	shalt  }
0x51: {  	_ =	shalt  }
0x52: {  	_ =	shalt  }
0x53: {  	_ =	shalt  }
0x54: {  	_ =	shalt  }
0x55: {  	_ =	shalt  }
0x56: {  	_ =	shalt  }
0x57: {  	_ =	shalt  }
0x58: {  	_ =	shalt  }
0x59: {  	_ =	shalt  }
0x5a: {  	_ =	shalt  }
0x5b: {  	_ =	shalt  }
0x5c: {  	_ =	shalt  }
0x5d: {  	_ =	shalt  }
0x5e: {  	_ =	shalt  }
0x5f: {  	_ =	shalt  }
0x60: {  	_ =	shalt  }
0x61: {  	_ =	shalt  }
0x62: {  	_ =	shalt  }
0x63: {  	_ =	shalt  }
0x64: {  	_ =	shalt  }
0x65: {  	_ =	shalt  }
0x66: {  	_ =	shalt  }
0x67: {  	_ =	shalt  }
0x68: {  	_ =	shalt  }
0x69: {  	_ =	shalt  }
0x6a: {  	_ =	shalt  }
0x6b: {  	_ =	shalt  }
0x6c: {  	_ =	shalt  }
0x6d: {  	_ =	shalt  }
0x6e: {  	_ =	shalt  }
0x6f: {  	_ =	shalt  }
0x70: {  	_ =	shalt  }
0x71: {  	_ =	shalt  }
0x72: {  	_ =	shalt  }
0x73: {  	_ =	shalt  }
0x74: {  	_ =	shalt  }
0x75: {  	_ =	shalt  }
0x76: {  	_ =	shalt  }
0x77: {  	_ =	shalt  }
0x78: {  	_ =	shalt  }
0x79: {  	_ =	shalt  }
0x7a: {  	_ =	shalt  }
0x7b: {  	_ =	shalt  }
0x7c: {  	_ =	shalt  }
0x7d: {  	_ =	shalt  }
0x7e: {  	_ =	shalt  }
0x7f: {  	_ =	shalt  }
0x80: {  	_ =	shalt  }
0x81: {  	_ =	shalt  }
0x82: {  	_ =	shalt  }
0x83: {  	_ =	shalt  }
0x84: {  	_ =	shalt  }
0x85: {  	_ =	shalt  }
0x86: {  	_ =	shalt  }
0x87: {  	_ =	shalt  }
.Lfunc_end0:
.L_simem_size_0:
called_computation.2_lowered:
.L_overlay_start_0:
0x88: {  	s2 =	sld [smem:$0x3FD9]  }
0x89: {  	s3 =	sld [smem:$0x3FFE];
	_ =	sdelay $0x1  }
0x8a: {  	s1 =	srdreg.scid  }
0x8b: {  	s0 =	sand.u32 $0x1, s1  }
0x8c: {  	s17 =	sshll.u32 s0, $0xA;
	s2 =	sadd.s32 s3, s2  }
0x8d: {  	s2 =	sadd.s32 s2, s17  }
0x8e: {  	[smem:$0x3FBE] =	sst s2  }
0x8f: {  	_ = 	snop  }
0x90: {  	s2 =	sld [smem:$0x3FD0];
	(tm) =	ssettm $0x1  }
0x91: {  	s18 =	sld [smem:$0x3FFB];
	_ =	sdelay $0x3  }
0x92: {  	_ =	strace s18  }
0x93: {  	s3 =	sld [smem:$0x3FFC];
	_ =	sdelay $0x3  }
0x94: {  	_ =	strace s3  }
0x95: {  	s3 =	sld [smem:$0x3FFD];
	_ =	sdelay $0x3  }
0x96: {  	_ =	strace s3  }
0x97: {  	_ =	strace $0x8FFFFFFF  }
0x98: {  	s19 =	sld [smem:$0x3FDB];
	_ =	sdelay $0x1  }
0x99: {  	s4 =	simm.s32 $_scs_section_size  }
0x9a: {  	s5 =	simm.s32 $_size__tile_overlayer_lowered;
	s6 =	simm.s32 $_tile_overlayer_lowered  }
0x9b: {  	s22 =	simm.s32 $0x1BFF;
	s21 =	sshll.u32 s6, $0x1;
	s3 =	sadd.s32 s4, s19  }
0x9c: {  	s7 =	simm.s32 $0x0;
	s20 =	sshll.u32 s5, $0x1;
	s5 =	sadd.s32 s21, s3  }
0x9d: {  	[timem:s7], [sflag:s22] =	dma.local [hbm:s5], s20  }
0x9e: {  	_ =	swait.ge [sflag:s22], s20  }
0x9f: {  	s4 =	ssub.s32 $0x0, s20;
	[sflag:s22] =	ssyncset.done $0x0  }
0xa0: {  	[sflag:s22] =	ssyncadd.s32 s4;
	_ =	sdelay $0x1  }
0xa1: {  	s23 =	simm.s32 $0x1B8B  }
0xa2: {  	_ =	swait.ge [sflag:s23], $0x1  }
0xa3: {  	[sflag:s23] =	ssyncset.done $0x0  }
0xa4: {  	s25 =	simm.s32 $0x1B8E;
	s24 =	sld [smem:$0x3FFE];
	[sflag:s23] =	ssyncadd.s32 $0xFFFFFFFF  }
0xa5: {  	s26 =	simm.s32 $execute0_lowered;
	[smem:$0x3FD2] =	sst s25  }
0xa6: {  	s5 =	sshll.u32 s26, $0x1;
	_ =	strace $0x8000004C;
	[dreg:$0x1] =	wrdreg $0xFFFFFFFF  }
0xa7: {  	s28 =	simm.s32 $_size_execute0_lowered;
	s3 =	sadd.s32 s3, s5;
	[dreg:$0x0] =	wrdreg $0x0  }
0xa8: {  	s5 =	sshll.u32 s28, $0x1;
	[dreg:$0x2] =	wrdreg s3  }
0xa9: {  	[dreg:$0x3] =	wrdreg s5  }
0xaa: {  	[dreg:$0x4] =	wrdreg $0xC0  }
0xab: {  	_ =	task [dreg:s7], $0x5FFFF  }
0xac: {  	[dreg:$0x1] =	wrdreg $0xFFFFFFFF  }
0xad: {  	[dreg:$0x0] =	wrdreg $0x60  }
0xae: {  	[dreg:$0x2] =	wrdreg s2  }
0xaf: {  	[dreg:$0x3] =	wrdreg s24  }
0xb0: {  	[dreg:$0x4] =	wrdreg $0x110000  }
0xb1: {  	[dreg:$0x5] =	wrdreg $0x9  }
0xb2: {  	_ =	task.clear_ibuf [dreg:s7], $0x6FFFF;
	_ =	strace $0x9000004C  }
0xb3: {  	s29 =	simm.s32 $0x9;
	_ =	strace $0x8000004E  }
0xb4: {  	_ =	swait.ge [sflag:s29], $0x1  }
0xb5: {  	[sflag:s29] =	ssyncadd.s32 $0xFFFFFFFF  }
0xb6: {  	_ =	strace $0x9000004E  }
0xb7: {  	_ =	sfence  }
0xb8: {  	s30 =	sld [smem:$0x0];
	_ =	sdelay $0x2  }
0xb9: {  	s31 =	sshll.u32 s1, $0xD;
	s1 =	sshrl.u32 s1, $0x2  }
0xba: {  	s3 =	sand.u32 $0x4000, s31;
	s1 =	sadd.s32 s1, s30  }
0xbb: {  	s0 =	sor.u32 s3, s0;
	s1 =	sshll.u32 s1, $0x11  }
0xbc: {  	s0 =	sor.u32 s1, s0  }
0xbd: {  	s0 =	sadd.s32 $0x8F2B, s0  }
0xbe: {  	[sflag:s0] =	ssyncadd.remote.s32 $0x1  }
0xbf: {  	_ =	sfence.sel $0xFFFF  }
0xc0: {  	[dreg:$0x0] =	wrdreg $0xFFFFFFFF;
	(pc) =	sbr.abs _section_cstart, $3  }
0xc1: {  	[dreg:$0x1] =	wrdreg $0xFFFFFFFF  }
0xc2: {  	_ =	task.clear_ibuf [dreg:s7], $0x2FFFF;
	_ =	strace $0x9FFFFFFF  }
0xc3: {  	(tm) =	ssettm $0x7FFFFFFF  }
tec
execute0_lowered:
.L_overlay_start_1:
0x0: {  	(tag) =	ssettag $0x1  }
0x1: {  	s1 =	rddreg [dreg:$0x0]  }
0x2: {  	s0 =	rddreg [dreg:$0x1]  }
0x3: {  	s3 =	rddreg [dreg:$0x2]  }
0x4: {  	s4 =	simm.s32 $0x0;
	s18 =	stileid.u32;
	s8 =	srdreg.scid  }
0x5: {  	s17 =	simm.s32 $0x5;
	s21 =	simm.s32 $0x100;
	s22 =	simm.s32 $0x5000  }
0x6: {  	s23 =	simm.s32 $0xB000;
	s28 =	simm.s32 $0x4;
	s29 =	simm.s32 $0x4E00  }
0x7: {  	s30 =	simm.s32 $0x4F00;
	s31 =	simm.s32 $0x0;
	[smem:$0x7FF] =	sst s4  }
0x8: {  	s5 =	sadd.s32 $0x59200, s0;
	s2 =	smul.u32 $0x500, s18;
	s6 =	sadd.s32 $0x76C00, s0  }
0x9: {  	s14 =	smul.u32 $0xED00, s18;
	s7 =	sadd.s32 $0x94600, s0;
	s15 =	sand.u32 $0x1, s8  }
0xa: {  	s8 =	sadd.s32 $0x14400, s0;
	s10 =	sadd.s32 $0xB2000, s0;
	s11 =	sadd.s32 $0x14F000, s0  }
0xb: {  	s26 =	sshll.u32 s18, $0x6;
	_ =	strace $0x8000004D;
	s12 =	ssub.s32 $0x2, s15  }
0xc: {  	p0 =	seq.s32 s15, $0x1;
	s19 =	sor.u32 $0x1C05, s26;
	s26 =	simm.s32 $0x2  }
.Ltmp0:
0xd: {  	s2 =	sadd.s32 s2, s0;
	s9 =	sshrl.u32 s14, $0x3;
	(pc) =	sbr.rel .LBB2_1-.Ltmp0, $4  }
0xe: {  	s13 =	sshrl.u32 s12, $0x1;
	s25 =	sadd.s32 s14, s3;
	s16 =	sadd.s32 s9, s0  }
0xf: {  	s24 =	ssub.s32 s12, s13;
	s12 =	sadd.s32 $0xA400, s2;
	s13 =	sadd.s32 $0xF400, s2  }
0x10: {  	s20 =	sshrl.u32 s25, $0x3;
	s25 =	simm.s32 $0x3;
	s14 =	sadd.s32 $0xCFA00, s16  }
0x11: {  	s15 =	sadd.s32 $0xED400, s16;
	s16 =	smax.u32 s24, $0x1;
	s24 =	simm.s32 $0x1  }
.LBB2_11:
0x12: {  	[tilespmem:s23], [sflag:$0x2] =	stream.indirect.gather [hbm4b:s7+s21], $0x60, s2, s21, $0xb8;
	[tilespmem:$0x1FD00] =	vst v63  }
0x13: {  	s0 =	smov.u32 s11  }
.LBB2_12:
0x14: {  	_ =	swait.ge [sflag:s24], $0x6000  }
0x15: {  	[sflag:s24] =	ssyncset.done $0x0  }
0x16: {  	[sflag:s24] =	ssyncadd.s32 $0xFFFFA000  }
0x17: {  	[spmem:s3] =	stream.indirect.scatter.add.f32 [tilespmem:s22], [sflag:$0x3], $0x60, s29, s21, $0xb8;
	[tilespmem:$0x1FD00] =	vst v63  }
0x18: {  	_ =	swait.ge [sflag:s26], $0x6000  }
0x19: {  	[sflag:s26] =	ssyncset.done $0x0  }
0x1a: {  	[sflag:s26] =	ssyncadd.s32 $0xFFFFA000  }
0x1b: {  	[spmem:s3] =	stream.indirect.scatter.add.f32 [tilespmem:s23], [sflag:$0x4], $0x60, s30, s21, $0xb8;
	[tilespmem:$0x1FD00] =	vst v63  }
0x1c: {  	_ =	swait.ge [sflag:s25], $0x6000  }
0x1d: {  	[sflag:s25] =	ssyncset.done $0x0  }
0x1e: {  	[sflag:s25] =	ssyncadd.s32 $0xFFFFA000  }
0x1f: {  	_ =	swait.ge [sflag:s28], $0x6000  }
0x20: {  	s31 =	sadd.s32 $0x1, s31;
	[sflag:s28] =	ssyncset.done $0x0  }
0x21: {  	p1 =	sne.s32 s31, s16;
	[sflag:s28] =	ssyncadd.s32 $0xFFFFA000  }
.Ltmp1:
0x22: {  	s0 =	sadd.s32 s0, s9;
	[bflag:$0x0] =	sbarrier.arrive $0xFFFF;
	(pc) =	sbr.rel @!p1 .LBB2_13-.Ltmp1, $4  }
0x23: {  	[hbm:s0], [sflag:s19] =	dma.local [spmem:s20], $0x1DA0  }
0x24: {  	_ =	swait.ge [sflag:s17], $0x1DA0  }
0x25: {  	[sflag:s17] =	ssyncset.done $0x0  }
0x26: {  	[sflag:s17] =	ssyncadd.s32 $0xFFFFE260  }
.LBB2_1:
0x27: {  	[tilespmem:s4], [sflag:$0x5] =	stream.linear.gather [hbm4b:s12+s4], $0x2800, $0x38;
	[tilespmem:$0x1FD00] =	vst v63  }
0x28: {  	_ =	swait.ge [sflag:s17], $0x2800  }
0x29: {  	[sflag:s17] =	ssyncset.done $0x0  }
0x2a: {  	s0 =	simm.s32 $0x2800;
	[sflag:s17] =	ssyncadd.s32 $0xFFFFD800  }
0x2b: {  	[tilespmem:s0], [sflag:$0x5] =	stream.linear.gather [hbm4b:s13+s4], $0x2800, $0x38;
	[tilespmem:$0x1FD00] =	vst v63  }
0x2c: {  	_ =	swait.ge [sflag:s17], $0x2800  }
0x2d: {  	[sflag:s17] =	ssyncset.done $0x0  }
0x2e: {  	[sflag:s17] =	ssyncadd.s32 $0xFFFFD800  }
0x2f: {  	[spmem:s20], [sflag:s19] =	dma.local [hbm:s8], $0x1DA0  }
.Ltmp2:
0x30: {  	_ =	swait.ge [sflag:s17], $0x1DA0;
	(pc) =	sbr.rel @!p0 .LBB2_2-.Ltmp2, $4  }
0x31: {  	[sflag:s17] =	ssyncset.done $0x0  }
0x32: {  	[sflag:s17] =	ssyncadd.s32 $0xFFFFE260  }
0x33: {  	[bflag:$0x0] =	sbarrier.arrive $0xFFFF  }
0x34: {  	s0 =	simm.s32 $0x0  }
0x35: {  	[tilespmem:s22], [sflag:$0x1] =	stream.indirect.gather [hbm4b:s6+s21], $0x60, s0, s21, $0xb8;
	[tilespmem:$0x1FD00] =	vst v63  }
0x36: {  	_ = 	snop  }
0x37: {  	[tilespmem:s23], [sflag:$0x2] =	stream.indirect.gather [hbm4b:s6+s21], $0x60, s21, s21, $0xb8;
	[tilespmem:$0x1FD00] =	vst v63  }
0x38: {  	_ =	swait.ge [sflag:s24], $0x6000  }
0x39: {  	[sflag:s24] =	ssyncset.done $0x0  }
0x3a: {  	s18 =	simm.s32 $0x2800;
	[sflag:s24] =	ssyncadd.s32 $0xFFFFA000  }
0x3b: {  	[spmem:s3] =	stream.indirect.scatter.add.f32 [tilespmem:s22], [sflag:$0x3], $0x60, s18, s21, $0xb8;
	[tilespmem:$0x1FD00] =	vst v63  }
0x3c: {  	_ =	swait.ge [sflag:s25], $0x6000  }
0x3d: {  	[sflag:s25] =	ssyncset.done $0x0  }
0x3e: {  	s2 =	simm.s32 $0x200;
	[sflag:s25] =	ssyncadd.s32 $0xFFFFA000  }
0x3f: {  	[tilespmem:s22], [sflag:$0x1] =	stream.indirect.gather [hbm4b:s6+s21], $0x60, s2, s21, $0xb8;
	[tilespmem:$0x1FD00] =	vst v63  }
0x40: {  	_ =	swait.ge [sflag:s26], $0x6000  }
0x41: {  	[sflag:s26] =	ssyncset.done $0x0  }
0x42: {  	s18 =	simm.s32 $0x2900;
	[sflag:s26] =	ssyncadd.s32 $0xFFFFA000  }
0x43: {  	[spmem:s3] =	stream.indirect.scatter.add.f32 [tilespmem:s23], [sflag:$0x4], $0x60, s18, s21, $0xb8;
	[tilespmem:$0x1FD00] =	vst v63  }
0x44: {  	_ =	swait.ge [sflag:s28], $0x6000  }
0x45: {  	[sflag:s28] =	ssyncset.done $0x0  }
0x46: {  	s0 =	simm.s32 $0x800;
	s2 =	simm.s32 $0x300;
	[sflag:s28] =	ssyncadd.s32 $0xFFFFA000  }
.LBB2_8:
0x47: {  	[tilespmem:s23], [sflag:$0x2] =	stream.indirect.gather [hbm4b:s6+s21], $0x60, s2, s21, $0xb8;
	[tilespmem:$0x1FD00] =	vst v63  }
0x48: {  	s2 =	smov.u32 s0  }
0x49: {  	p1 =	sne.s32 s0, $0x9000;
	s0 =	sadd.s32 $0x800, s0;
	_ =	swait.ge [sflag:s24], $0x6000  }
0x4a: {  	s2 =	sshra.s32 s2, $0x2;
	[sflag:s24] =	ssyncset.done $0x0  }
0x4b: {  	s18 =	sadd.s32 $0x2800, s2;
	[sflag:s24] =	ssyncadd.s32 $0xFFFFA000  }
0x4c: {  	[spmem:s3] =	stream.indirect.scatter.add.f32 [tilespmem:s22], [sflag:$0x3], $0x60, s18, s21, $0xb8;
	[tilespmem:$0x1FD00] =	vst v63  }
0x4d: {  	_ =	swait.ge [sflag:s25], $0x6000  }
0x4e: {  	[sflag:s25] =	ssyncset.done $0x0  }
0x4f: {  	s18 =	sadd.s32 $0x200, s2;
	[sflag:s25] =	ssyncadd.s32 $0xFFFFA000  }
0x50: {  	[tilespmem:s22], [sflag:$0x1] =	stream.indirect.gather [hbm4b:s6+s21], $0x60, s18, s21, $0xb8;
	[tilespmem:$0x1FD00] =	vst v63  }
0x51: {  	_ =	swait.ge [sflag:s26], $0x6000  }
0x52: {  	[sflag:s26] =	ssyncset.done $0x0  }
.Ltmp3:
0x53: {  	s18 =	sadd.s32 $0x2900, s2;
	[sflag:s26] =	ssyncadd.s32 $0xFFFFA000;
	(pc) =	sbr.rel @p1 .LBB2_8-.Ltmp3, $4  }
0x54: {  	[spmem:s3] =	stream.indirect.scatter.add.f32 [tilespmem:s23], [sflag:$0x4], $0x60, s18, s21, $0xb8;
	[tilespmem:$0x1FD00] =	vst v63  }
0x55: {  	_ =	swait.ge [sflag:s28], $0x6000  }
0x56: {  	[sflag:s28] =	ssyncset.done $0x0  }
0x57: {  	s2 =	sadd.s32 $0x300, s2;
	[sflag:s28] =	ssyncadd.s32 $0xFFFFA000  }
0x58: {  	[tilespmem:s23], [sflag:$0x2] =	stream.indirect.gather [hbm4b:s6+s21], $0x60, s2, s21, $0xb8;
	[tilespmem:$0x1FD00] =	vst v63  }
0x59: {  	_ =	swait.ge [sflag:s24], $0x6000  }
0x5a: {  	[sflag:s24] =	ssyncset.done $0x0  }
0x5b: {  	[sflag:s24] =	ssyncadd.s32 $0xFFFFA000  }
0x5c: {  	[spmem:s3] =	stream.indirect.scatter.add.f32 [tilespmem:s22], [sflag:$0x3], $0x60, s29, s21, $0xb8;
	[tilespmem:$0x1FD00] =	vst v63  }
0x5d: {  	_ =	swait.ge [sflag:s26], $0x6000  }
0x5e: {  	[sflag:s26] =	ssyncset.done $0x0  }
0x5f: {  	[sflag:s26] =	ssyncadd.s32 $0xFFFFA000  }
0x60: {  	[spmem:s3] =	stream.indirect.scatter.add.f32 [tilespmem:s23], [sflag:$0x4], $0x60, s30, s21, $0xb8;
	[tilespmem:$0x1FD00] =	vst v63  }
0x61: {  	_ =	swait.ge [sflag:s25], $0x6000  }
0x62: {  	[sflag:s25] =	ssyncset.done $0x0  }
0x63: {  	[sflag:s25] =	ssyncadd.s32 $0xFFFFA000  }
0x64: {  	_ =	swait.ge [sflag:s28], $0x6000  }
0x65: {  	[sflag:s28] =	ssyncset.done $0x0  }
0x66: {  	[sflag:s28] =	ssyncadd.s32 $0xFFFFA000  }
0x67: {  	[bflag:$0x0] =	sbarrier.arrive $0xFFFF  }
0x68: {  	[hbm:s15], [sflag:s19] =	dma.local [spmem:s20], $0x1DA0  }
0x69: {  	_ =	swait.ge [sflag:s17], $0x1DA0  }
0x6a: {  	[sflag:s17] =	ssyncset.done $0x0  }
0x6b: {  	[sflag:s17] =	ssyncadd.s32 $0xFFFFE260  }
0x6c: {  	[spmem:s20], [sflag:s19] =	dma.local [hbm:s8], $0x1DA0  }
0x6d: {  	_ =	swait.ge [sflag:s17], $0x1DA0  }
0x6e: {  	[sflag:s17] =	ssyncset.done $0x0  }
0x6f: {  	[sflag:s17] =	ssyncadd.s32 $0xFFFFE260  }
0x70: {  	s0 =	simm.s32 $0x0;
	[bflag:$0x0] =	sbarrier.arrive $0xFFFF  }
0x71: {  	[tilespmem:s22], [sflag:$0x1] =	stream.indirect.gather [hbm4b:s7+s21], $0x60, s0, s21, $0xb8;
	[tilespmem:$0x1FD00] =	vst v63  }
0x72: {  	_ = 	snop  }
0x73: {  	[tilespmem:s23], [sflag:$0x2] =	stream.indirect.gather [hbm4b:s7+s21], $0x60, s21, s21, $0xb8;
	[tilespmem:$0x1FD00] =	vst v63  }
0x74: {  	_ =	swait.ge [sflag:s24], $0x6000  }
0x75: {  	[sflag:s24] =	ssyncset.done $0x0  }
0x76: {  	s18 =	simm.s32 $0x2800;
	[sflag:s24] =	ssyncadd.s32 $0xFFFFA000  }
0x77: {  	[spmem:s3] =	stream.indirect.scatter.add.f32 [tilespmem:s22], [sflag:$0x3], $0x60, s18, s21, $0xb8;
	[tilespmem:$0x1FD00] =	vst v63  }
0x78: {  	_ =	swait.ge [sflag:s25], $0x6000  }
0x79: {  	[sflag:s25] =	ssyncset.done $0x0  }
0x7a: {  	s2 =	simm.s32 $0x200;
	[sflag:s25] =	ssyncadd.s32 $0xFFFFA000  }
0x7b: {  	[tilespmem:s22], [sflag:$0x1] =	stream.indirect.gather [hbm4b:s7+s21], $0x60, s2, s21, $0xb8;
	[tilespmem:$0x1FD00] =	vst v63  }
0x7c: {  	_ =	swait.ge [sflag:s26], $0x6000  }
0x7d: {  	[sflag:s26] =	ssyncset.done $0x0  }
0x7e: {  	s18 =	simm.s32 $0x2900;
	[sflag:s26] =	ssyncadd.s32 $0xFFFFA000  }
0x7f: {  	[spmem:s3] =	stream.indirect.scatter.add.f32 [tilespmem:s23], [sflag:$0x4], $0x60, s18, s21, $0xb8;
	[tilespmem:$0x1FD00] =	vst v63  }
0x80: {  	_ =	swait.ge [sflag:s28], $0x6000  }
0x81: {  	[sflag:s28] =	ssyncset.done $0x0  }
0x82: {  	s0 =	simm.s32 $0x800;
	s2 =	simm.s32 $0x300;
	[sflag:s28] =	ssyncadd.s32 $0xFFFFA000  }
.LBB2_10:
0x83: {  	[tilespmem:s23], [sflag:$0x2] =	stream.indirect.gather [hbm4b:s7+s21], $0x60, s2, s21, $0xb8;
	[tilespmem:$0x1FD00] =	vst v63  }
0x84: {  	s2 =	smov.u32 s0  }
0x85: {  	p1 =	sne.s32 s0, $0x9000;
	s0 =	sadd.s32 $0x800, s0;
	_ =	swait.ge [sflag:s24], $0x6000  }
0x86: {  	s2 =	sshra.s32 s2, $0x2;
	[sflag:s24] =	ssyncset.done $0x0  }
0x87: {  	s18 =	sadd.s32 $0x2800, s2;
	[sflag:s24] =	ssyncadd.s32 $0xFFFFA000  }
0x88: {  	[spmem:s3] =	stream.indirect.scatter.add.f32 [tilespmem:s22], [sflag:$0x3], $0x60, s18, s21, $0xb8;
	[tilespmem:$0x1FD00] =	vst v63  }
0x89: {  	_ =	swait.ge [sflag:s25], $0x6000  }
0x8a: {  	[sflag:s25] =	ssyncset.done $0x0  }
0x8b: {  	s18 =	sadd.s32 $0x200, s2;
	[sflag:s25] =	ssyncadd.s32 $0xFFFFA000  }
0x8c: {  	[tilespmem:s22], [sflag:$0x1] =	stream.indirect.gather [hbm4b:s7+s21], $0x60, s18, s21, $0xb8;
	[tilespmem:$0x1FD00] =	vst v63  }
0x8d: {  	_ =	swait.ge [sflag:s26], $0x6000  }
0x8e: {  	[sflag:s26] =	ssyncset.done $0x0  }
.Ltmp4:
0x8f: {  	s18 =	sadd.s32 $0x2900, s2;
	[sflag:s26] =	ssyncadd.s32 $0xFFFFA000;
	(pc) =	sbr.rel @p1 .LBB2_10-.Ltmp4, $4  }
0x90: {  	[spmem:s3] =	stream.indirect.scatter.add.f32 [tilespmem:s23], [sflag:$0x4], $0x60, s18, s21, $0xb8;
	[tilespmem:$0x1FD00] =	vst v63  }
0x91: {  	_ =	swait.ge [sflag:s28], $0x6000  }
0x92: {  	[sflag:s28] =	ssyncset.done $0x0  }
0x93: {  	s2 =	sadd.s32 $0x300, s2;
	[sflag:s28] =	ssyncadd.s32 $0xFFFFA000  }
.Ltmp5:
0x94: {  	_ = 	snop;
	(pc) =	sbr.rel .LBB2_11-.Ltmp5, $1  }
0x95: {  	_ =	sdelay $0x3  }
.LBB2_2:
0x96: {  	[tilespmem:s22], [sflag:$0x1] =	stream.indirect.gather [hbm4b:s1+s21], $0x60, s0, s21, $0xb8;
	[tilespmem:$0x1FD00] =	vst v63  }
0x97: {  	_ = 	snop  }
0x98: {  	[tilespmem:s23], [sflag:$0x2] =	stream.indirect.gather [hbm4b:s1+s21], $0x60, s21, s21, $0xb8;
	[tilespmem:$0x1FD00] =	vst v63  }
0x99: {  	_ =	swait.ge [sflag:s24], $0x6000  }
0x9a: {  	[sflag:s24] =	ssyncset.done $0x0  }
0x9b: {  	s18 =	simm.s32 $0x2800;
	[sflag:s24] =	ssyncadd.s32 $0xFFFFA000  }
0x9c: {  	[spmem:s3] =	stream.indirect.scatter.add.f32 [tilespmem:s22], [sflag:$0x3], $0x60, s18, s21, $0xb8;
	[tilespmem:$0x1FD00] =	vst v63  }
0x9d: {  	_ =	swait.ge [sflag:s25], $0x6000  }
0x9e: {  	[sflag:s25] =	ssyncset.done $0x0  }
0x9f: {  	s2 =	simm.s32 $0x200;
	[sflag:s25] =	ssyncadd.s32 $0xFFFFA000  }
0xa0: {  	[tilespmem:s22], [sflag:$0x1] =	stream.indirect.gather [hbm4b:s1+s21], $0x60, s2, s21, $0xb8;
	[tilespmem:$0x1FD00] =	vst v63  }
0xa1: {  	_ =	swait.ge [sflag:s26], $0x6000  }
0xa2: {  	[sflag:s26] =	ssyncset.done $0x0  }
0xa3: {  	s18 =	simm.s32 $0x2900;
	[sflag:s26] =	ssyncadd.s32 $0xFFFFA000  }
0xa4: {  	[spmem:s3] =	stream.indirect.scatter.add.f32 [tilespmem:s23], [sflag:$0x4], $0x60, s18, s21, $0xb8;
	[tilespmem:$0x1FD00] =	vst v63  }
0xa5: {  	_ =	swait.ge [sflag:s28], $0x6000  }
0xa6: {  	[sflag:s28] =	ssyncset.done $0x0  }
0xa7: {  	s0 =	simm.s32 $0x800;
	s2 =	simm.s32 $0x300;
	[sflag:s28] =	ssyncadd.s32 $0xFFFFA000  }
.LBB2_3:
0xa8: {  	[tilespmem:s23], [sflag:$0x2] =	stream.indirect.gather [hbm4b:s1+s21], $0x60, s2, s21, $0xb8;
	[tilespmem:$0x1FD00] =	vst v63  }
0xa9: {  	s2 =	smov.u32 s0  }
0xaa: {  	p1 =	sne.s32 s0, $0x9000;
	s0 =	sadd.s32 $0x800, s0;
	_ =	swait.ge [sflag:s24], $0x6000  }
0xab: {  	s2 =	sshra.s32 s2, $0x2;
	[sflag:s24] =	ssyncset.done $0x0  }
0xac: {  	s18 =	sadd.s32 $0x2800, s2;
	[sflag:s24] =	ssyncadd.s32 $0xFFFFA000  }
0xad: {  	[spmem:s3] =	stream.indirect.scatter.add.f32 [tilespmem:s22], [sflag:$0x3], $0x60, s18, s21, $0xb8;
	[tilespmem:$0x1FD00] =	vst v63  }
0xae: {  	_ =	swait.ge [sflag:s25], $0x6000  }
0xaf: {  	[sflag:s25] =	ssyncset.done $0x0  }
0xb0: {  	s18 =	sadd.s32 $0x200, s2;
	[sflag:s25] =	ssyncadd.s32 $0xFFFFA000  }
0xb1: {  	[tilespmem:s22], [sflag:$0x1] =	stream.indirect.gather [hbm4b:s1+s21], $0x60, s18, s21, $0xb8;
	[tilespmem:$0x1FD00] =	vst v63  }
0xb2: {  	_ =	swait.ge [sflag:s26], $0x6000  }
0xb3: {  	[sflag:s26] =	ssyncset.done $0x0  }
.Ltmp6:
0xb4: {  	s18 =	sadd.s32 $0x2900, s2;
	[sflag:s26] =	ssyncadd.s32 $0xFFFFA000;
	(pc) =	sbr.rel @p1 .LBB2_3-.Ltmp6, $4  }
0xb5: {  	[spmem:s3] =	stream.indirect.scatter.add.f32 [tilespmem:s23], [sflag:$0x4], $0x60, s18, s21, $0xb8;
	[tilespmem:$0x1FD00] =	vst v63  }
0xb6: {  	_ =	swait.ge [sflag:s28], $0x6000  }
0xb7: {  	[sflag:s28] =	ssyncset.done $0x0  }
0xb8: {  	s2 =	sadd.s32 $0x300, s2;
	[sflag:s28] =	ssyncadd.s32 $0xFFFFA000  }
0xb9: {  	[tilespmem:s23], [sflag:$0x2] =	stream.indirect.gather [hbm4b:s1+s21], $0x60, s2, s21, $0xb8;
	[tilespmem:$0x1FD00] =	vst v63  }
0xba: {  	_ =	swait.ge [sflag:s24], $0x6000  }
0xbb: {  	[sflag:s24] =	ssyncset.done $0x0  }
0xbc: {  	[sflag:s24] =	ssyncadd.s32 $0xFFFFA000  }
0xbd: {  	[spmem:s3] =	stream.indirect.scatter.add.f32 [tilespmem:s22], [sflag:$0x3], $0x60, s29, s21, $0xb8;
	[tilespmem:$0x1FD00] =	vst v63  }
0xbe: {  	_ =	swait.ge [sflag:s26], $0x6000  }
0xbf: {  	[sflag:s26] =	ssyncset.done $0x0  }
0xc0: {  	[sflag:s26] =	ssyncadd.s32 $0xFFFFA000  }
0xc1: {  	[spmem:s3] =	stream.indirect.scatter.add.f32 [tilespmem:s23], [sflag:$0x4], $0x60, s30, s21, $0xb8;
	[tilespmem:$0x1FD00] =	vst v63  }
0xc2: {  	_ =	swait.ge [sflag:s25], $0x6000  }
0xc3: {  	[sflag:s25] =	ssyncset.done $0x0  }
0xc4: {  	[sflag:s25] =	ssyncadd.s32 $0xFFFFA000  }
0xc5: {  	_ =	swait.ge [sflag:s28], $0x6000  }
0xc6: {  	[sflag:s28] =	ssyncset.done $0x0  }
0xc7: {  	[sflag:s28] =	ssyncadd.s32 $0xFFFFA000  }
0xc8: {  	[bflag:$0x0] =	sbarrier.arrive $0xFFFF  }
0xc9: {  	[hbm:s14], [sflag:s19] =	dma.local [spmem:s20], $0x1DA0  }
0xca: {  	_ =	swait.ge [sflag:s17], $0x1DA0  }
0xcb: {  	[sflag:s17] =	ssyncset.done $0x0  }
0xcc: {  	[sflag:s17] =	ssyncadd.s32 $0xFFFFE260  }
0xcd: {  	[spmem:s20], [sflag:s19] =	dma.local [hbm:s8], $0x1DA0  }
0xce: {  	_ =	swait.ge [sflag:s17], $0x1DA0  }
0xcf: {  	[sflag:s17] =	ssyncset.done $0x0  }
0xd0: {  	[sflag:s17] =	ssyncadd.s32 $0xFFFFE260  }
0xd1: {  	s0 =	simm.s32 $0x0;
	[bflag:$0x0] =	sbarrier.arrive $0xFFFF  }
0xd2: {  	[tilespmem:s22], [sflag:$0x1] =	stream.indirect.gather [hbm4b:s5+s21], $0x60, s0, s21, $0xb8;
	[tilespmem:$0x1FD00] =	vst v63  }
0xd3: {  	_ = 	snop  }
0xd4: {  	[tilespmem:s23], [sflag:$0x2] =	stream.indirect.gather [hbm4b:s5+s21], $0x60, s21, s21, $0xb8;
	[tilespmem:$0x1FD00] =	vst v63  }
0xd5: {  	_ =	swait.ge [sflag:s24], $0x6000  }
0xd6: {  	[sflag:s24] =	ssyncset.done $0x0  }
0xd7: {  	s18 =	simm.s32 $0x2800;
	[sflag:s24] =	ssyncadd.s32 $0xFFFFA000  }
0xd8: {  	[spmem:s3] =	stream.indirect.scatter.add.f32 [tilespmem:s22], [sflag:$0x3], $0x60, s18, s21, $0xb8;
	[tilespmem:$0x1FD00] =	vst v63  }
0xd9: {  	_ =	swait.ge [sflag:s25], $0x6000  }
0xda: {  	[sflag:s25] =	ssyncset.done $0x0  }
0xdb: {  	s2 =	simm.s32 $0x200;
	[sflag:s25] =	ssyncadd.s32 $0xFFFFA000  }
0xdc: {  	[tilespmem:s22], [sflag:$0x1] =	stream.indirect.gather [hbm4b:s5+s21], $0x60, s2, s21, $0xb8;
	[tilespmem:$0x1FD00] =	vst v63  }
0xdd: {  	_ =	swait.ge [sflag:s26], $0x6000  }
0xde: {  	[sflag:s26] =	ssyncset.done $0x0  }
0xdf: {  	s18 =	simm.s32 $0x2900;
	[sflag:s26] =	ssyncadd.s32 $0xFFFFA000  }
0xe0: {  	[spmem:s3] =	stream.indirect.scatter.add.f32 [tilespmem:s23], [sflag:$0x4], $0x60, s18, s21, $0xb8;
	[tilespmem:$0x1FD00] =	vst v63  }
0xe1: {  	_ =	swait.ge [sflag:s28], $0x6000  }
0xe2: {  	[sflag:s28] =	ssyncset.done $0x0  }
0xe3: {  	s0 =	simm.s32 $0x800;
	s2 =	simm.s32 $0x300;
	[sflag:s28] =	ssyncadd.s32 $0xFFFFA000  }
.LBB2_5:
0xe4: {  	[tilespmem:s23], [sflag:$0x2] =	stream.indirect.gather [hbm4b:s5+s21], $0x60, s2, s21, $0xb8;
	[tilespmem:$0x1FD00] =	vst v63  }
0xe5: {  	s2 =	smov.u32 s0  }
0xe6: {  	p1 =	seq.s32 s0, $0x9000;
	s0 =	sadd.s32 $0x800, s0;
	_ =	swait.ge [sflag:s24], $0x6000  }
0xe7: {  	s2 =	sshra.s32 s2, $0x2;
	[sflag:s24] =	ssyncset.done $0x0  }
0xe8: {  	s18 =	sadd.s32 $0x2800, s2;
	[sflag:s24] =	ssyncadd.s32 $0xFFFFA000  }
0xe9: {  	[spmem:s3] =	stream.indirect.scatter.add.f32 [tilespmem:s22], [sflag:$0x3], $0x60, s18, s21, $0xb8;
	[tilespmem:$0x1FD00] =	vst v63  }
0xea: {  	_ =	swait.ge [sflag:s25], $0x6000  }
0xeb: {  	[sflag:s25] =	ssyncset.done $0x0  }
0xec: {  	s18 =	sadd.s32 $0x200, s2;
	[sflag:s25] =	ssyncadd.s32 $0xFFFFA000  }
0xed: {  	[tilespmem:s22], [sflag:$0x1] =	stream.indirect.gather [hbm4b:s5+s21], $0x60, s18, s21, $0xb8;
	[tilespmem:$0x1FD00] =	vst v63  }
0xee: {  	_ =	swait.ge [sflag:s26], $0x6000  }
0xef: {  	[sflag:s26] =	ssyncset.done $0x0  }
.Ltmp7:
0xf0: {  	s18 =	sadd.s32 $0x2900, s2;
	[sflag:s26] =	ssyncadd.s32 $0xFFFFA000;
	(pc) =	sbr.rel @!p1 .LBB2_5-.Ltmp7, $4  }
0xf1: {  	[spmem:s3] =	stream.indirect.scatter.add.f32 [tilespmem:s23], [sflag:$0x4], $0x60, s18, s21, $0xb8;
	[tilespmem:$0x1FD00] =	vst v63  }
0xf2: {  	_ =	swait.ge [sflag:s28], $0x6000  }
0xf3: {  	[sflag:s28] =	ssyncset.done $0x0  }
0xf4: {  	s2 =	sadd.s32 $0x300, s2;
	[sflag:s28] =	ssyncadd.s32 $0xFFFFA000  }
.Ltmp8:
0xf5: {  	(pc) =	sbr.rel .LBB2_12-.Ltmp8, $3  }
0xf6: {  	_ =	sdelay $0x1  }
0xf7: {  	[tilespmem:s23], [sflag:$0x2] =	stream.indirect.gather [hbm4b:s5+s21], $0x60, s2, s21, $0xb8;
	[tilespmem:$0x1FD00] =	vst v63  }
0xf8: {  	s0 =	smov.u32 s10  }
.LBB2_13:
0xf9: {  	_ =	sfence.sel $0x180000  }
0xfa: {  	[bflag:$0x0] =	sbarrier.arrive $0xFFFF  }
0xfb: {  	_ =	strace $0x9000004D  }
0xfc: {  	s0 =	stileid.u32;
	[bflag:$0x2] =	sbarrier.arrive $0xFFFF  }
0xfd: {  	p0 =	sne.s32 s0, $0x0;
	s0 =	rddreg [dreg:$0x3]  }
0xfe: {  	s0 =	sadd.s32 @!p0 $0x100000, s0  }
0xff: {  	[sflag:s0] =	ssyncadd.tile.s32 @!p0 $0x1;
	_ =	shalt  }
.Lfunc_end2:
_tile_overlayer_lowered:
.L_overlay_start_2:
0x100: {  	(tag) =	ssettag $0x2  }
0x101: {  	s0 =	rddreg [dreg:$0x0];
	s2 =	stileid.u32  }
0x102: {  	s1 =	rddreg [dreg:$0x1];
	p0 =	sne.s32 s2, $0x0  }
0x103: {  	s3 =	rddreg [dreg:$0x2];
	[bflag:$0x3] =	sbarrier.arrive $0xFFFF;
	s2 =	simm.s32 @!p0 $0x1C05  }
0x104: {  	[timem:s3], [sflag:s2] =	dma.local @!p0 [hbm:s0], s1  }
0x105: {  	s0 =	simm.s32 @!p0 $0x5  }
0x106: {  	_ =	swait.ge @!p0 [sflag:s0], s1  }
0x107: {  	s1 =	ssub.s32 @!p0 $0x0, s1;
	[sflag:s0] =	ssyncset.done @!p0 $0x0  }
0x108: {  	[sflag:s0] =	ssyncadd.s32 @!p0 s1  }
0x109: {  	[bflag:$0x3] =	sbarrier.arrive $0xFFFF  }
0x10a: {  	_ =	shalt  }

// kernel: kernel.19.cloned.1.call-start
scs
__scs_entry_jumppad:
0x0: {  	(pc) =	sbr.rel $0x88, $3  }
0x1: {  	(tag) =	ssettag $0x0;
	lr =	simm.s32 $0x1  }
0x2: {  	[smem:$0x3F97] =	sst lr;
	_ =	strace $0xD0000000  }
0x3: {  	_ = 	snop  }
0x4: {  	_ = 	snop  }
0x5: {  	_ = 	snop  }
0x6: {  	_ = 	snop  }
0x7: {  	_ = 	snop  }
__scs_overlays_trampoline_lowered:
0x8: {  	[smem:$0x3FA6] =	sst s0  }
0x9: {  	[smem:$0x3FA7] =	sst s1  }
0xa: {  	[smem:$0x3FA8] =	sst s2  }
0xb: {  	[smem:$0x3FA9] =	sst s3  }
0xc: {  	[smem:$0x3FAA] =	sst s4  }
0xd: {  	[smem:$0x3FAB] =	sst s5  }
0xe: {  	[smem:$0x3FAC] =	sst s6  }
0xf: {  	[smem:$0x3FAD] =	sst s7  }
0x10: {  	[smem:$0x3FAE] =	sst s8  }
0x11: {  	[smem:$0x3FAF] =	sst s9;
	s0 =	simm.s32 @!p0 $0x0  }
0x12: {  	s1 =	sld [smem:$0x3F95];
	s0 =	simm.s32 @p0 $0x1  }
0x13: {  	[smem:$0x3FB0] =	sst s0;
	s0 =	simm.s32 @!p1 $0x0  }
0x14: {  	s2 =	sld [smem:$0x3F94];
	s0 =	simm.s32 @p1 $0x1  }
0x15: {  	[smem:$0x3FB1] =	sst s0;
	s0 =	simm.s32 @!p2 $0x0  }
0x16: {  	s3 =	sld [smem:$0x3FDB];
	s0 =	simm.s32 @p2 $0x1  }
0x17: {  	s4 =	simm.s32 $0x1BF5;
	[smem:$0x3FB3] =	sst s0  }
0x18: {  	s0 =	sld [smem:$0x3F96];
	_ =	swait.ge [sflag:s4], $0x0  }
0x19: {  	s7 =	sld [smem:$0x3F97]  }
0x1a: {  	s8 =	sadd.s32 $0xFFFFE003, lr  }
0x1b: {  	s9 =	sadd.s32 $0xFFFFFEF7, lr;
	s5 =	simm.s32 $0xFFFFFFFF;
	p2 =	slt.u32 s8, $0xFFFFF086  }
0x1c: {  	p1 =	slt.u32 s9, $0xF7A;
	s5 =	simm.s32 @!p2 $0x0  }
0x1d: {  	s5 =	simm.s32 @p1 $0x1;
	p0 =	seq.s32 s7, s2  }
0x1e: {  	s7 =	smul.u32 @!p0 $0xF7A, s2;
	p2 =	seq.s32 @!p0 s5, $0x0  }
0x1f: {  	s9 =	smul.u32 $0xF7A, s1;
	s8 =	simm.s32 @!p0 $0x1BF5;
	p2 =	por !p2, p0  }
0x20: {  	[sflag:s8] =	ssyncset.s32 @!p0 $0xFFFFF086;
	s6 =	sadd.s32 @!p0 s3, s7;
	s7 =	simm.s32 @!p0 $0x108  }
0x21: {  	s3 =	sadd.s32 s3, s9;
	s6 =	sadd.s32 @!p0 $0x88, s6;
	s7 =	simm.s32 @p2 $0x1082  }
0x22: {  	[simem:s7], [sflag:s8] =	dma.local @!p0 [hbm:s6], $0xF7A  }
0x23: {  	s9 =	sor.u32 $0xD0000000, s2;
	s6 =	simm.s32 $0x108;
	_ =	swait.ge @!p0 [sflag:s8], $0x0  }
0x24: {  	s3 =	sadd.s32 $0x88, s3;
	s6 =	simm.s32 @!p1 $0x1082;
	[sflag:s4] =	ssyncset.s32 $0xFFFFF086  }
0x25: {  	[simem:s6], [sflag:s4] =	dma.local [hbm:s3], $0xF7A  }
0x26: {  	[smem:$0x3F97] =	sst s1;
	(tag) =	ssettag s2;
	_ =	strace s9  }
0x27: {  	s1 =	sld [smem:$0x3FA7]  }
0x28: {  	s2 =	sld [smem:$0x3FA8]  }
0x29: {  	s4 =	sld [smem:$0x3FAA]  }
0x2a: {  	p0 =	seq.s32 s5, $0x0;
	s5 =	sld [smem:$0x3FAB]  }
0x2b: {  	s6 =	sld [smem:$0x3FAC]  }
0x2c: {  	s7 =	sld [smem:$0x3FAD]  }
0x2d: {  	s3 =	simm.s32 $0x108;
	s8 =	sld [smem:$0x3FAE]  }
0x2e: {  	s3 =	simm.s32 @!p0 $0x1082;
	s9 =	sld [smem:$0x3FAF]  }
0x2f: {  	lr =	sadd.s32 s0, s3;
	s0 =	sld [smem:$0x3FA6]  }
0x30: {  	s3 =	sld [smem:$0x3FA9]  }
0x31: {  	[smem:$0x3FB2] =	sst s10  }
0x32: {  	s10 =	sld [smem:$0x3FB0];
	_ =	sdelay $0x3  }
0x33: {  	p0 =	seq.s32 s10, $0x1;
	s10 =	sld [smem:$0x3FB2];
	_ =	sdelay $0x3  }
0x34: {  	[smem:$0x3FB2] =	sst s10  }
0x35: {  	s10 =	sld [smem:$0x3FB1];
	_ =	sdelay $0x3  }
0x36: {  	p1 =	seq.s32 s10, $0x1;
	s10 =	sld [smem:$0x3FB2];
	_ =	sdelay $0x3  }
0x37: {  	[smem:$0x3FB2] =	sst s10  }
0x38: {  	s10 =	sld [smem:$0x3FB3]  }
0x39: {  	_ = 	snop;
	(pc) =	sbr.ind lr, $3  }
0x3a: {  	_ = 	snop  }
0x3b: {  	_ = 	snop  }
0x3c: {  	p2 =	seq.s32 s10, $0x1;
	s10 =	sld [smem:$0x3FB2]  }
0x3d: {  	_ =	shalt  }
0x3e: {  	_ =	shalt  }
0x3f: {  	_ =	shalt  }
0x40: {  	_ =	shalt  }
0x41: {  	_ =	shalt  }
0x42: {  	_ =	shalt  }
0x43: {  	_ =	shalt  }
0x44: {  	_ =	shalt  }
0x45: {  	_ =	shalt  }
0x46: {  	_ =	shalt  }
0x47: {  	_ =	shalt  }
0x48: {  	_ =	shalt  }
0x49: {  	_ =	shalt  }
0x4a: {  	_ =	shalt  }
0x4b: {  	_ =	shalt  }
0x4c: {  	_ =	shalt  }
0x4d: {  	_ =	shalt  }
0x4e: {  	_ =	shalt  }
0x4f: {  	_ =	shalt  }
0x50: {  	_ =	shalt  }
0x51: {  	_ =	shalt  }
0x52: {  	_ =	shalt  }
0x53: {  	_ =	shalt  }
0x54: {  	_ =	shalt  }
0x55: {  	_ =	shalt  }
0x56: {  	_ =	shalt  }
0x57: {  	_ =	shalt  }
0x58: {  	_ =	shalt  }
0x59: {  	_ =	shalt  }
0x5a: {  	_ =	shalt  }
0x5b: {  	_ =	shalt  }
0x5c: {  	_ =	shalt  }
0x5d: {  	_ =	shalt  }
0x5e: {  	_ =	shalt  }
0x5f: {  	_ =	shalt  }
0x60: {  	_ =	shalt  }
0x61: {  	_ =	shalt  }
0x62: {  	_ =	shalt  }
0x63: {  	_ =	shalt  }
0x64: {  	_ =	shalt  }
0x65: {  	_ =	shalt  }
0x66: {  	_ =	shalt  }
0x67: {  	_ =	shalt  }
0x68: {  	_ =	shalt  }
0x69: {  	_ =	shalt  }
0x6a: {  	_ =	shalt  }
0x6b: {  	_ =	shalt  }
0x6c: {  	_ =	shalt  }
0x6d: {  	_ =	shalt  }
0x6e: {  	_ =	shalt  }
0x6f: {  	_ =	shalt  }
0x70: {  	_ =	shalt  }
0x71: {  	_ =	shalt  }
0x72: {  	_ =	shalt  }
0x73: {  	_ =	shalt  }
0x74: {  	_ =	shalt  }
0x75: {  	_ =	shalt  }
0x76: {  	_ =	shalt  }
0x77: {  	_ =	shalt  }
0x78: {  	_ =	shalt  }
0x79: {  	_ =	shalt  }
0x7a: {  	_ =	shalt  }
0x7b: {  	_ =	shalt  }
0x7c: {  	_ =	shalt  }
0x7d: {  	_ =	shalt  }
0x7e: {  	_ =	shalt  }
0x7f: {  	_ =	shalt  }
0x80: {  	_ =	shalt  }
0x81: {  	_ =	shalt  }
0x82: {  	_ =	shalt  }
0x83: {  	_ =	shalt  }
0x84: {  	_ =	shalt  }
0x85: {  	_ =	shalt  }
0x86: {  	_ =	shalt  }
0x87: {  	_ =	shalt  }
.Lfunc_end0:
.L_simem_size_0:
called_computation.3_lowered:
.L_overlay_start_0:
0x88: {  	s2 =	sld [smem:$0x3FD9]  }
0x89: {  	s3 =	sld [smem:$0x3FFE];
	_ =	sdelay $0x1  }
0x8a: {  	s1 =	srdreg.scid  }
0x8b: {  	s0 =	sand.u32 $0x1, s1  }
0x8c: {  	s17 =	sshll.u32 s0, $0xA;
	s2 =	sadd.s32 s3, s2  }
0x8d: {  	s2 =	sadd.s32 s2, s17  }
0x8e: {  	[smem:$0x3FBE] =	sst s2  }
0x8f: {  	_ = 	snop  }
0x90: {  	s2 =	sld [smem:$0x3FD0];
	(tm) =	ssettm $0x1  }
0x91: {  	s18 =	sld [smem:$0x3FFB];
	_ =	sdelay $0x3  }
0x92: {  	_ =	strace s18  }
0x93: {  	s3 =	sld [smem:$0x3FFC];
	_ =	sdelay $0x3  }
0x94: {  	_ =	strace s3  }
0x95: {  	s3 =	sld [smem:$0x3FFD];
	_ =	sdelay $0x3  }
0x96: {  	_ =	strace s3  }
0x97: {  	_ =	strace $0x8FFFFFFF  }
0x98: {  	s19 =	sld [smem:$0x3FDB];
	_ =	sdelay $0x1  }
0x99: {  	s4 =	simm.s32 $_scs_section_size  }
0x9a: {  	s5 =	simm.s32 $_size__tile_overlayer_lowered;
	s6 =	simm.s32 $_tile_overlayer_lowered  }
0x9b: {  	s22 =	simm.s32 $0x1BFF;
	s21 =	sshll.u32 s6, $0x1;
	s3 =	sadd.s32 s4, s19  }
0x9c: {  	s7 =	simm.s32 $0x0;
	s20 =	sshll.u32 s5, $0x1;
	s5 =	sadd.s32 s21, s3  }
0x9d: {  	[timem:s7], [sflag:s22] =	dma.local [hbm:s5], s20  }
0x9e: {  	_ =	swait.ge [sflag:s22], s20  }
0x9f: {  	s4 =	ssub.s32 $0x0, s20;
	[sflag:s22] =	ssyncset.done $0x0  }
0xa0: {  	[sflag:s22] =	ssyncadd.s32 s4;
	_ =	sdelay $0x1  }
0xa1: {  	s23 =	simm.s32 $0x1B8B  }
0xa2: {  	_ =	swait.ge [sflag:s23], $0x1  }
0xa3: {  	[sflag:s23] =	ssyncset.done $0x0  }
0xa4: {  	s25 =	simm.s32 $0x1B8E;
	s24 =	sld [smem:$0x3FFE];
	[sflag:s23] =	ssyncadd.s32 $0xFFFFFFFF  }
0xa5: {  	s26 =	simm.s32 $execute0_lowered;
	[smem:$0x3FD2] =	sst s25  }
0xa6: {  	s5 =	sshll.u32 s26, $0x1;
	_ =	strace $0x8000004F;
	[dreg:$0x1] =	wrdreg $0xFFFFFFFF  }
0xa7: {  	s28 =	simm.s32 $_size_execute0_lowered;
	s3 =	sadd.s32 s3, s5;
	[dreg:$0x0] =	wrdreg $0x0  }
0xa8: {  	s5 =	sshll.u32 s28, $0x1;
	[dreg:$0x2] =	wrdreg s3  }
0xa9: {  	[dreg:$0x3] =	wrdreg s5  }
0xaa: {  	[dreg:$0x4] =	wrdreg $0xC0  }
0xab: {  	_ =	task [dreg:s7], $0x5FFFF  }
0xac: {  	[dreg:$0x1] =	wrdreg $0xFFFFFFFF  }
0xad: {  	[dreg:$0x0] =	wrdreg $0x60  }
0xae: {  	[dreg:$0x2] =	wrdreg s2  }
0xaf: {  	[dreg:$0x3] =	wrdreg s24  }
0xb0: {  	[dreg:$0x4] =	wrdreg $0x110000  }
0xb1: {  	[dreg:$0x5] =	wrdreg $0x9  }
0xb2: {  	_ =	task.clear_ibuf [dreg:s7], $0x6FFFF;
	_ =	strace $0x9000004F  }
0xb3: {  	s29 =	simm.s32 $0x9;
	_ =	strace $0x80000051  }
0xb4: {  	_ =	swait.ge [sflag:s29], $0x1  }
0xb5: {  	[sflag:s29] =	ssyncadd.s32 $0xFFFFFFFF  }
0xb6: {  	_ =	strace $0x90000051  }
0xb7: {  	_ =	sfence  }
0xb8: {  	s30 =	sld [smem:$0x0];
	_ =	sdelay $0x2  }
0xb9: {  	s31 =	sshll.u32 s1, $0xD;
	s1 =	sshrl.u32 s1, $0x2  }
0xba: {  	s3 =	sand.u32 $0x4000, s31;
	s1 =	sadd.s32 s1, s30  }
0xbb: {  	s0 =	sor.u32 s3, s0;
	s1 =	sshll.u32 s1, $0x11  }
0xbc: {  	s0 =	sor.u32 s1, s0  }
0xbd: {  	s0 =	sadd.s32 $0x8F2B, s0  }
0xbe: {  	[sflag:s0] =	ssyncadd.remote.s32 $0x1  }
0xbf: {  	_ =	sfence.sel $0xFFFF  }
0xc0: {  	[dreg:$0x0] =	wrdreg $0xFFFFFFFF;
	(pc) =	sbr.abs _section_cstart, $3  }
0xc1: {  	[dreg:$0x1] =	wrdreg $0xFFFFFFFF  }
0xc2: {  	_ =	task.clear_ibuf [dreg:s7], $0x2FFFF;
	_ =	strace $0x9FFFFFFF  }
0xc3: {  	(tm) =	ssettm $0x7FFFFFFF  }
tec
execute0_lowered:
.L_overlay_start_1:
0x0: {  	(tag) =	ssettag $0x1  }
0x1: {  	s1 =	rddreg [dreg:$0x0]  }
0x2: {  	s0 =	rddreg [dreg:$0x1]  }
0x3: {  	s3 =	rddreg [dreg:$0x2]  }
0x4: {  	s4 =	simm.s32 $0x0;
	s18 =	stileid.u32;
	s8 =	srdreg.scid  }
0x5: {  	s17 =	simm.s32 $0x5;
	s21 =	simm.s32 $0x100;
	s22 =	simm.s32 $0x5000  }
0x6: {  	s23 =	simm.s32 $0xB000;
	s28 =	simm.s32 $0x4;
	s29 =	simm.s32 $0x4E00  }
0x7: {  	s30 =	simm.s32 $0x4F00;
	s31 =	simm.s32 $0x0;
	[smem:$0x7FF] =	sst s4  }
0x8: {  	s5 =	sadd.s32 $0x16200, s0;
	s2 =	smul.u32 $0x500, s18;
	s6 =	sadd.s32 $0x33C00, s0  }
0x9: {  	s14 =	smul.u32 $0xED00, s18;
	s7 =	sadd.s32 $0x51600, s0;
	s15 =	sand.u32 $0x1, s8  }
0xa: {  	s8 =	sadd.s32 $0x14400, s0;
	s10 =	sadd.s32 $0x6F000, s0;
	s11 =	sadd.s32 $0xC7E00, s0  }
0xb: {  	s26 =	sshll.u32 s18, $0x6;
	_ =	strace $0x80000050;
	s12 =	ssub.s32 $0x2, s15  }
0xc: {  	p0 =	seq.s32 s15, $0x1;
	s19 =	sor.u32 $0x1C05, s26;
	s26 =	simm.s32 $0x2  }
.Ltmp0:
0xd: {  	s2 =	sadd.s32 s2, s0;
	s9 =	sshrl.u32 s14, $0x3;
	(pc) =	sbr.rel .LBB2_1-.Ltmp0, $4  }
0xe: {  	s13 =	sshrl.u32 s12, $0x1;
	s25 =	sadd.s32 s14, s3;
	s16 =	sadd.s32 s9, s0  }
0xf: {  	s24 =	ssub.s32 s12, s13;
	s12 =	sadd.s32 $0xA400, s2;
	s13 =	sadd.s32 $0xF400, s2  }
0x10: {  	s20 =	sshrl.u32 s25, $0x3;
	s25 =	simm.s32 $0x3;
	s14 =	sadd.s32 $0x8CA00, s16  }
0x11: {  	s15 =	sadd.s32 $0xAA400, s16;
	s16 =	smax.u32 s24, $0x1;
	s24 =	simm.s32 $0x1  }
.LBB2_11:
0x12: {  	[tilespmem:s23], [sflag:$0x2] =	stream.indirect.gather [hbm4b:s7+s21], $0x60, s2, s21, $0xb8;
	[tilespmem:$0x1FD00] =	vst v63  }
0x13: {  	s0 =	smov.u32 s11  }
.LBB2_12:
0x14: {  	_ =	swait.ge [sflag:s24], $0x6000  }
0x15: {  	[sflag:s24] =	ssyncset.done $0x0  }
0x16: {  	[sflag:s24] =	ssyncadd.s32 $0xFFFFA000  }
0x17: {  	[spmem:s3] =	stream.indirect.scatter.add.f32 [tilespmem:s22], [sflag:$0x3], $0x60, s29, s21, $0xb8;
	[tilespmem:$0x1FD00] =	vst v63  }
0x18: {  	_ =	swait.ge [sflag:s26], $0x6000  }
0x19: {  	[sflag:s26] =	ssyncset.done $0x0  }
0x1a: {  	[sflag:s26] =	ssyncadd.s32 $0xFFFFA000  }
0x1b: {  	[spmem:s3] =	stream.indirect.scatter.add.f32 [tilespmem:s23], [sflag:$0x4], $0x60, s30, s21, $0xb8;
	[tilespmem:$0x1FD00] =	vst v63  }
0x1c: {  	_ =	swait.ge [sflag:s25], $0x6000  }
0x1d: {  	[sflag:s25] =	ssyncset.done $0x0  }
0x1e: {  	[sflag:s25] =	ssyncadd.s32 $0xFFFFA000  }
0x1f: {  	_ =	swait.ge [sflag:s28], $0x6000  }
0x20: {  	s31 =	sadd.s32 $0x1, s31;
	[sflag:s28] =	ssyncset.done $0x0  }
0x21: {  	p1 =	sne.s32 s31, s16;
	[sflag:s28] =	ssyncadd.s32 $0xFFFFA000  }
.Ltmp1:
0x22: {  	s0 =	sadd.s32 s0, s9;
	[bflag:$0x0] =	sbarrier.arrive $0xFFFF;
	(pc) =	sbr.rel @!p1 .LBB2_13-.Ltmp1, $4  }
0x23: {  	[hbm:s0], [sflag:s19] =	dma.local [spmem:s20], $0x1DA0  }
0x24: {  	_ =	swait.ge [sflag:s17], $0x1DA0  }
0x25: {  	[sflag:s17] =	ssyncset.done $0x0  }
0x26: {  	[sflag:s17] =	ssyncadd.s32 $0xFFFFE260  }
.LBB2_1:
0x27: {  	[tilespmem:s4], [sflag:$0x5] =	stream.linear.gather [hbm4b:s12+s4], $0x2800, $0x38;
	[tilespmem:$0x1FD00] =	vst v63  }
0x28: {  	_ =	swait.ge [sflag:s17], $0x2800  }
0x29: {  	[sflag:s17] =	ssyncset.done $0x0  }
0x2a: {  	s0 =	simm.s32 $0x2800;
	[sflag:s17] =	ssyncadd.s32 $0xFFFFD800  }
0x2b: {  	[tilespmem:s0], [sflag:$0x5] =	stream.linear.gather [hbm4b:s13+s4], $0x2800, $0x38;
	[tilespmem:$0x1FD00] =	vst v63  }
0x2c: {  	_ =	swait.ge [sflag:s17], $0x2800  }
0x2d: {  	[sflag:s17] =	ssyncset.done $0x0  }
0x2e: {  	[sflag:s17] =	ssyncadd.s32 $0xFFFFD800  }
0x2f: {  	[spmem:s20], [sflag:s19] =	dma.local [hbm:s8], $0x1DA0  }
.Ltmp2:
0x30: {  	_ =	swait.ge [sflag:s17], $0x1DA0;
	(pc) =	sbr.rel @!p0 .LBB2_2-.Ltmp2, $4  }
0x31: {  	[sflag:s17] =	ssyncset.done $0x0  }
0x32: {  	[sflag:s17] =	ssyncadd.s32 $0xFFFFE260  }
0x33: {  	[bflag:$0x0] =	sbarrier.arrive $0xFFFF  }
0x34: {  	s0 =	simm.s32 $0x0  }
0x35: {  	[tilespmem:s22], [sflag:$0x1] =	stream.indirect.gather [hbm4b:s6+s21], $0x60, s0, s21, $0xb8;
	[tilespmem:$0x1FD00] =	vst v63  }
0x36: {  	_ = 	snop  }
0x37: {  	[tilespmem:s23], [sflag:$0x2] =	stream.indirect.gather [hbm4b:s6+s21], $0x60, s21, s21, $0xb8;
	[tilespmem:$0x1FD00] =	vst v63  }
0x38: {  	_ =	swait.ge [sflag:s24], $0x6000  }
0x39: {  	[sflag:s24] =	ssyncset.done $0x0  }
0x3a: {  	s18 =	simm.s32 $0x2800;
	[sflag:s24] =	ssyncadd.s32 $0xFFFFA000  }
0x3b: {  	[spmem:s3] =	stream.indirect.scatter.add.f32 [tilespmem:s22], [sflag:$0x3], $0x60, s18, s21, $0xb8;
	[tilespmem:$0x1FD00] =	vst v63  }
0x3c: {  	_ =	swait.ge [sflag:s25], $0x6000  }
0x3d: {  	[sflag:s25] =	ssyncset.done $0x0  }
0x3e: {  	s2 =	simm.s32 $0x200;
	[sflag:s25] =	ssyncadd.s32 $0xFFFFA000  }
0x3f: {  	[tilespmem:s22], [sflag:$0x1] =	stream.indirect.gather [hbm4b:s6+s21], $0x60, s2, s21, $0xb8;
	[tilespmem:$0x1FD00] =	vst v63  }
0x40: {  	_ =	swait.ge [sflag:s26], $0x6000  }
0x41: {  	[sflag:s26] =	ssyncset.done $0x0  }
0x42: {  	s18 =	simm.s32 $0x2900;
	[sflag:s26] =	ssyncadd.s32 $0xFFFFA000  }
0x43: {  	[spmem:s3] =	stream.indirect.scatter.add.f32 [tilespmem:s23], [sflag:$0x4], $0x60, s18, s21, $0xb8;
	[tilespmem:$0x1FD00] =	vst v63  }
0x44: {  	_ =	swait.ge [sflag:s28], $0x6000  }
0x45: {  	[sflag:s28] =	ssyncset.done $0x0  }
0x46: {  	s0 =	simm.s32 $0x800;
	s2 =	simm.s32 $0x300;
	[sflag:s28] =	ssyncadd.s32 $0xFFFFA000  }
.LBB2_8:
0x47: {  	[tilespmem:s23], [sflag:$0x2] =	stream.indirect.gather [hbm4b:s6+s21], $0x60, s2, s21, $0xb8;
	[tilespmem:$0x1FD00] =	vst v63  }
0x48: {  	s2 =	smov.u32 s0  }
0x49: {  	p1 =	sne.s32 s0, $0x9000;
	s0 =	sadd.s32 $0x800, s0;
	_ =	swait.ge [sflag:s24], $0x6000  }
0x4a: {  	s2 =	sshra.s32 s2, $0x2;
	[sflag:s24] =	ssyncset.done $0x0  }
0x4b: {  	s18 =	sadd.s32 $0x2800, s2;
	[sflag:s24] =	ssyncadd.s32 $0xFFFFA000  }
0x4c: {  	[spmem:s3] =	stream.indirect.scatter.add.f32 [tilespmem:s22], [sflag:$0x3], $0x60, s18, s21, $0xb8;
	[tilespmem:$0x1FD00] =	vst v63  }
0x4d: {  	_ =	swait.ge [sflag:s25], $0x6000  }
0x4e: {  	[sflag:s25] =	ssyncset.done $0x0  }
0x4f: {  	s18 =	sadd.s32 $0x200, s2;
	[sflag:s25] =	ssyncadd.s32 $0xFFFFA000  }
0x50: {  	[tilespmem:s22], [sflag:$0x1] =	stream.indirect.gather [hbm4b:s6+s21], $0x60, s18, s21, $0xb8;
	[tilespmem:$0x1FD00] =	vst v63  }
0x51: {  	_ =	swait.ge [sflag:s26], $0x6000  }
0x52: {  	[sflag:s26] =	ssyncset.done $0x0  }
.Ltmp3:
0x53: {  	s18 =	sadd.s32 $0x2900, s2;
	[sflag:s26] =	ssyncadd.s32 $0xFFFFA000;
	(pc) =	sbr.rel @p1 .LBB2_8-.Ltmp3, $4  }
0x54: {  	[spmem:s3] =	stream.indirect.scatter.add.f32 [tilespmem:s23], [sflag:$0x4], $0x60, s18, s21, $0xb8;
	[tilespmem:$0x1FD00] =	vst v63  }
0x55: {  	_ =	swait.ge [sflag:s28], $0x6000  }
0x56: {  	[sflag:s28] =	ssyncset.done $0x0  }
0x57: {  	s2 =	sadd.s32 $0x300, s2;
	[sflag:s28] =	ssyncadd.s32 $0xFFFFA000  }
0x58: {  	[tilespmem:s23], [sflag:$0x2] =	stream.indirect.gather [hbm4b:s6+s21], $0x60, s2, s21, $0xb8;
	[tilespmem:$0x1FD00] =	vst v63  }
0x59: {  	_ =	swait.ge [sflag:s24], $0x6000  }
0x5a: {  	[sflag:s24] =	ssyncset.done $0x0  }
0x5b: {  	[sflag:s24] =	ssyncadd.s32 $0xFFFFA000  }
0x5c: {  	[spmem:s3] =	stream.indirect.scatter.add.f32 [tilespmem:s22], [sflag:$0x3], $0x60, s29, s21, $0xb8;
	[tilespmem:$0x1FD00] =	vst v63  }
0x5d: {  	_ =	swait.ge [sflag:s26], $0x6000  }
0x5e: {  	[sflag:s26] =	ssyncset.done $0x0  }
0x5f: {  	[sflag:s26] =	ssyncadd.s32 $0xFFFFA000  }
0x60: {  	[spmem:s3] =	stream.indirect.scatter.add.f32 [tilespmem:s23], [sflag:$0x4], $0x60, s30, s21, $0xb8;
	[tilespmem:$0x1FD00] =	vst v63  }
0x61: {  	_ =	swait.ge [sflag:s25], $0x6000  }
0x62: {  	[sflag:s25] =	ssyncset.done $0x0  }
0x63: {  	[sflag:s25] =	ssyncadd.s32 $0xFFFFA000  }
0x64: {  	_ =	swait.ge [sflag:s28], $0x6000  }
0x65: {  	[sflag:s28] =	ssyncset.done $0x0  }
0x66: {  	[sflag:s28] =	ssyncadd.s32 $0xFFFFA000  }
0x67: {  	[bflag:$0x0] =	sbarrier.arrive $0xFFFF  }
0x68: {  	[hbm:s15], [sflag:s19] =	dma.local [spmem:s20], $0x1DA0  }
0x69: {  	_ =	swait.ge [sflag:s17], $0x1DA0  }
0x6a: {  	[sflag:s17] =	ssyncset.done $0x0  }
0x6b: {  	[sflag:s17] =	ssyncadd.s32 $0xFFFFE260  }
0x6c: {  	[spmem:s20], [sflag:s19] =	dma.local [hbm:s8], $0x1DA0  }
0x6d: {  	_ =	swait.ge [sflag:s17], $0x1DA0  }
0x6e: {  	[sflag:s17] =	ssyncset.done $0x0  }
0x6f: {  	[sflag:s17] =	ssyncadd.s32 $0xFFFFE260  }
0x70: {  	s0 =	simm.s32 $0x0;
	[bflag:$0x0] =	sbarrier.arrive $0xFFFF  }
0x71: {  	[tilespmem:s22], [sflag:$0x1] =	stream.indirect.gather [hbm4b:s7+s21], $0x60, s0, s21, $0xb8;
	[tilespmem:$0x1FD00] =	vst v63  }
0x72: {  	_ = 	snop  }
0x73: {  	[tilespmem:s23], [sflag:$0x2] =	stream.indirect.gather [hbm4b:s7+s21], $0x60, s21, s21, $0xb8;
	[tilespmem:$0x1FD00] =	vst v63  }
0x74: {  	_ =	swait.ge [sflag:s24], $0x6000  }
0x75: {  	[sflag:s24] =	ssyncset.done $0x0  }
0x76: {  	s18 =	simm.s32 $0x2800;
	[sflag:s24] =	ssyncadd.s32 $0xFFFFA000  }
0x77: {  	[spmem:s3] =	stream.indirect.scatter.add.f32 [tilespmem:s22], [sflag:$0x3], $0x60, s18, s21, $0xb8;
	[tilespmem:$0x1FD00] =	vst v63  }
0x78: {  	_ =	swait.ge [sflag:s25], $0x6000  }
0x79: {  	[sflag:s25] =	ssyncset.done $0x0  }
0x7a: {  	s2 =	simm.s32 $0x200;
	[sflag:s25] =	ssyncadd.s32 $0xFFFFA000  }
0x7b: {  	[tilespmem:s22], [sflag:$0x1] =	stream.indirect.gather [hbm4b:s7+s21], $0x60, s2, s21, $0xb8;
	[tilespmem:$0x1FD00] =	vst v63  }
0x7c: {  	_ =	swait.ge [sflag:s26], $0x6000  }
0x7d: {  	[sflag:s26] =	ssyncset.done $0x0  }
0x7e: {  	s18 =	simm.s32 $0x2900;
	[sflag:s26] =	ssyncadd.s32 $0xFFFFA000  }
0x7f: {  	[spmem:s3] =	stream.indirect.scatter.add.f32 [tilespmem:s23], [sflag:$0x4], $0x60, s18, s21, $0xb8;
	[tilespmem:$0x1FD00] =	vst v63  }
0x80: {  	_ =	swait.ge [sflag:s28], $0x6000  }
0x81: {  	[sflag:s28] =	ssyncset.done $0x0  }
0x82: {  	s0 =	simm.s32 $0x800;
	s2 =	simm.s32 $0x300;
	[sflag:s28] =	ssyncadd.s32 $0xFFFFA000  }
.LBB2_10:
0x83: {  	[tilespmem:s23], [sflag:$0x2] =	stream.indirect.gather [hbm4b:s7+s21], $0x60, s2, s21, $0xb8;
	[tilespmem:$0x1FD00] =	vst v63  }
0x84: {  	s2 =	smov.u32 s0  }
0x85: {  	p1 =	sne.s32 s0, $0x9000;
	s0 =	sadd.s32 $0x800, s0;
	_ =	swait.ge [sflag:s24], $0x6000  }
0x86: {  	s2 =	sshra.s32 s2, $0x2;
	[sflag:s24] =	ssyncset.done $0x0  }
0x87: {  	s18 =	sadd.s32 $0x2800, s2;
	[sflag:s24] =	ssyncadd.s32 $0xFFFFA000  }
0x88: {  	[spmem:s3] =	stream.indirect.scatter.add.f32 [tilespmem:s22], [sflag:$0x3], $0x60, s18, s21, $0xb8;
	[tilespmem:$0x1FD00] =	vst v63  }
0x89: {  	_ =	swait.ge [sflag:s25], $0x6000  }
0x8a: {  	[sflag:s25] =	ssyncset.done $0x0  }
0x8b: {  	s18 =	sadd.s32 $0x200, s2;
	[sflag:s25] =	ssyncadd.s32 $0xFFFFA000  }
0x8c: {  	[tilespmem:s22], [sflag:$0x1] =	stream.indirect.gather [hbm4b:s7+s21], $0x60, s18, s21, $0xb8;
	[tilespmem:$0x1FD00] =	vst v63  }
0x8d: {  	_ =	swait.ge [sflag:s26], $0x6000  }
0x8e: {  	[sflag:s26] =	ssyncset.done $0x0  }
.Ltmp4:
0x8f: {  	s18 =	sadd.s32 $0x2900, s2;
	[sflag:s26] =	ssyncadd.s32 $0xFFFFA000;
	(pc) =	sbr.rel @p1 .LBB2_10-.Ltmp4, $4  }
0x90: {  	[spmem:s3] =	stream.indirect.scatter.add.f32 [tilespmem:s23], [sflag:$0x4], $0x60, s18, s21, $0xb8;
	[tilespmem:$0x1FD00] =	vst v63  }
0x91: {  	_ =	swait.ge [sflag:s28], $0x6000  }
0x92: {  	[sflag:s28] =	ssyncset.done $0x0  }
0x93: {  	s2 =	sadd.s32 $0x300, s2;
	[sflag:s28] =	ssyncadd.s32 $0xFFFFA000  }
.Ltmp5:
0x94: {  	_ = 	snop;
	(pc) =	sbr.rel .LBB2_11-.Ltmp5, $1  }
0x95: {  	_ =	sdelay $0x3  }
.LBB2_2:
0x96: {  	[tilespmem:s22], [sflag:$0x1] =	stream.indirect.gather [hbm4b:s1+s21], $0x60, s0, s21, $0xb8;
	[tilespmem:$0x1FD00] =	vst v63  }
0x97: {  	_ = 	snop  }
0x98: {  	[tilespmem:s23], [sflag:$0x2] =	stream.indirect.gather [hbm4b:s1+s21], $0x60, s21, s21, $0xb8;
	[tilespmem:$0x1FD00] =	vst v63  }
0x99: {  	_ =	swait.ge [sflag:s24], $0x6000  }
0x9a: {  	[sflag:s24] =	ssyncset.done $0x0  }
0x9b: {  	s18 =	simm.s32 $0x2800;
	[sflag:s24] =	ssyncadd.s32 $0xFFFFA000  }
0x9c: {  	[spmem:s3] =	stream.indirect.scatter.add.f32 [tilespmem:s22], [sflag:$0x3], $0x60, s18, s21, $0xb8;
	[tilespmem:$0x1FD00] =	vst v63  }
0x9d: {  	_ =	swait.ge [sflag:s25], $0x6000  }
0x9e: {  	[sflag:s25] =	ssyncset.done $0x0  }
0x9f: {  	s2 =	simm.s32 $0x200;
	[sflag:s25] =	ssyncadd.s32 $0xFFFFA000  }
0xa0: {  	[tilespmem:s22], [sflag:$0x1] =	stream.indirect.gather [hbm4b:s1+s21], $0x60, s2, s21, $0xb8;
	[tilespmem:$0x1FD00] =	vst v63  }
0xa1: {  	_ =	swait.ge [sflag:s26], $0x6000  }
0xa2: {  	[sflag:s26] =	ssyncset.done $0x0  }
0xa3: {  	s18 =	simm.s32 $0x2900;
	[sflag:s26] =	ssyncadd.s32 $0xFFFFA000  }
0xa4: {  	[spmem:s3] =	stream.indirect.scatter.add.f32 [tilespmem:s23], [sflag:$0x4], $0x60, s18, s21, $0xb8;
	[tilespmem:$0x1FD00] =	vst v63  }
0xa5: {  	_ =	swait.ge [sflag:s28], $0x6000  }
0xa6: {  	[sflag:s28] =	ssyncset.done $0x0  }
0xa7: {  	s0 =	simm.s32 $0x800;
	s2 =	simm.s32 $0x300;
	[sflag:s28] =	ssyncadd.s32 $0xFFFFA000  }
.LBB2_3:
0xa8: {  	[tilespmem:s23], [sflag:$0x2] =	stream.indirect.gather [hbm4b:s1+s21], $0x60, s2, s21, $0xb8;
	[tilespmem:$0x1FD00] =	vst v63  }
0xa9: {  	s2 =	smov.u32 s0  }
0xaa: {  	p1 =	sne.s32 s0, $0x9000;
	s0 =	sadd.s32 $0x800, s0;
	_ =	swait.ge [sflag:s24], $0x6000  }
0xab: {  	s2 =	sshra.s32 s2, $0x2;
	[sflag:s24] =	ssyncset.done $0x0  }
0xac: {  	s18 =	sadd.s32 $0x2800, s2;
	[sflag:s24] =	ssyncadd.s32 $0xFFFFA000  }
0xad: {  	[spmem:s3] =	stream.indirect.scatter.add.f32 [tilespmem:s22], [sflag:$0x3], $0x60, s18, s21, $0xb8;
	[tilespmem:$0x1FD00] =	vst v63  }
0xae: {  	_ =	swait.ge [sflag:s25], $0x6000  }
0xaf: {  	[sflag:s25] =	ssyncset.done $0x0  }
0xb0: {  	s18 =	sadd.s32 $0x200, s2;
	[sflag:s25] =	ssyncadd.s32 $0xFFFFA000  }
0xb1: {  	[tilespmem:s22], [sflag:$0x1] =	stream.indirect.gather [hbm4b:s1+s21], $0x60, s18, s21, $0xb8;
	[tilespmem:$0x1FD00] =	vst v63  }
0xb2: {  	_ =	swait.ge [sflag:s26], $0x6000  }
0xb3: {  	[sflag:s26] =	ssyncset.done $0x0  }
.Ltmp6:
0xb4: {  	s18 =	sadd.s32 $0x2900, s2;
	[sflag:s26] =	ssyncadd.s32 $0xFFFFA000;
	(pc) =	sbr.rel @p1 .LBB2_3-.Ltmp6, $4  }
0xb5: {  	[spmem:s3] =	stream.indirect.scatter.add.f32 [tilespmem:s23], [sflag:$0x4], $0x60, s18, s21, $0xb8;
	[tilespmem:$0x1FD00] =	vst v63  }
0xb6: {  	_ =	swait.ge [sflag:s28], $0x6000  }
0xb7: {  	[sflag:s28] =	ssyncset.done $0x0  }
0xb8: {  	s2 =	sadd.s32 $0x300, s2;
	[sflag:s28] =	ssyncadd.s32 $0xFFFFA000  }
0xb9: {  	[tilespmem:s23], [sflag:$0x2] =	stream.indirect.gather [hbm4b:s1+s21], $0x60, s2, s21, $0xb8;
	[tilespmem:$0x1FD00] =	vst v63  }
0xba: {  	_ =	swait.ge [sflag:s24], $0x6000  }
0xbb: {  	[sflag:s24] =	ssyncset.done $0x0  }
0xbc: {  	[sflag:s24] =	ssyncadd.s32 $0xFFFFA000  }
0xbd: {  	[spmem:s3] =	stream.indirect.scatter.add.f32 [tilespmem:s22], [sflag:$0x3], $0x60, s29, s21, $0xb8;
	[tilespmem:$0x1FD00] =	vst v63  }
0xbe: {  	_ =	swait.ge [sflag:s26], $0x6000  }
0xbf: {  	[sflag:s26] =	ssyncset.done $0x0  }
0xc0: {  	[sflag:s26] =	ssyncadd.s32 $0xFFFFA000  }
0xc1: {  	[spmem:s3] =	stream.indirect.scatter.add.f32 [tilespmem:s23], [sflag:$0x4], $0x60, s30, s21, $0xb8;
	[tilespmem:$0x1FD00] =	vst v63  }
0xc2: {  	_ =	swait.ge [sflag:s25], $0x6000  }
0xc3: {  	[sflag:s25] =	ssyncset.done $0x0  }
0xc4: {  	[sflag:s25] =	ssyncadd.s32 $0xFFFFA000  }
0xc5: {  	_ =	swait.ge [sflag:s28], $0x6000  }
0xc6: {  	[sflag:s28] =	ssyncset.done $0x0  }
0xc7: {  	[sflag:s28] =	ssyncadd.s32 $0xFFFFA000  }
0xc8: {  	[bflag:$0x0] =	sbarrier.arrive $0xFFFF  }
0xc9: {  	[hbm:s14], [sflag:s19] =	dma.local [spmem:s20], $0x1DA0  }
0xca: {  	_ =	swait.ge [sflag:s17], $0x1DA0  }
0xcb: {  	[sflag:s17] =	ssyncset.done $0x0  }
0xcc: {  	[sflag:s17] =	ssyncadd.s32 $0xFFFFE260  }
0xcd: {  	[spmem:s20], [sflag:s19] =	dma.local [hbm:s8], $0x1DA0  }
0xce: {  	_ =	swait.ge [sflag:s17], $0x1DA0  }
0xcf: {  	[sflag:s17] =	ssyncset.done $0x0  }
0xd0: {  	[sflag:s17] =	ssyncadd.s32 $0xFFFFE260  }
0xd1: {  	s0 =	simm.s32 $0x0;
	[bflag:$0x0] =	sbarrier.arrive $0xFFFF  }
0xd2: {  	[tilespmem:s22], [sflag:$0x1] =	stream.indirect.gather [hbm4b:s5+s21], $0x60, s0, s21, $0xb8;
	[tilespmem:$0x1FD00] =	vst v63  }
0xd3: {  	_ = 	snop  }
0xd4: {  	[tilespmem:s23], [sflag:$0x2] =	stream.indirect.gather [hbm4b:s5+s21], $0x60, s21, s21, $0xb8;
	[tilespmem:$0x1FD00] =	vst v63  }
0xd5: {  	_ =	swait.ge [sflag:s24], $0x6000  }
0xd6: {  	[sflag:s24] =	ssyncset.done $0x0  }
0xd7: {  	s18 =	simm.s32 $0x2800;
	[sflag:s24] =	ssyncadd.s32 $0xFFFFA000  }
0xd8: {  	[spmem:s3] =	stream.indirect.scatter.add.f32 [tilespmem:s22], [sflag:$0x3], $0x60, s18, s21, $0xb8;
	[tilespmem:$0x1FD00] =	vst v63  }
0xd9: {  	_ =	swait.ge [sflag:s25], $0x6000  }
0xda: {  	[sflag:s25] =	ssyncset.done $0x0  }
0xdb: {  	s2 =	simm.s32 $0x200;
	[sflag:s25] =	ssyncadd.s32 $0xFFFFA000  }
0xdc: {  	[tilespmem:s22], [sflag:$0x1] =	stream.indirect.gather [hbm4b:s5+s21], $0x60, s2, s21, $0xb8;
	[tilespmem:$0x1FD00] =	vst v63  }
0xdd: {  	_ =	swait.ge [sflag:s26], $0x6000  }
0xde: {  	[sflag:s26] =	ssyncset.done $0x0  }
0xdf: {  	s18 =	simm.s32 $0x2900;
	[sflag:s26] =	ssyncadd.s32 $0xFFFFA000  }
0xe0: {  	[spmem:s3] =	stream.indirect.scatter.add.f32 [tilespmem:s23], [sflag:$0x4], $0x60, s18, s21, $0xb8;
	[tilespmem:$0x1FD00] =	vst v63  }
0xe1: {  	_ =	swait.ge [sflag:s28], $0x6000  }
0xe2: {  	[sflag:s28] =	ssyncset.done $0x0  }
0xe3: {  	s0 =	simm.s32 $0x800;
	s2 =	simm.s32 $0x300;
	[sflag:s28] =	ssyncadd.s32 $0xFFFFA000  }
.LBB2_5:
0xe4: {  	[tilespmem:s23], [sflag:$0x2] =	stream.indirect.gather [hbm4b:s5+s21], $0x60, s2, s21, $0xb8;
	[tilespmem:$0x1FD00] =	vst v63  }
0xe5: {  	s2 =	smov.u32 s0  }
0xe6: {  	p1 =	seq.s32 s0, $0x9000;
	s0 =	sadd.s32 $0x800, s0;
	_ =	swait.ge [sflag:s24], $0x6000  }
0xe7: {  	s2 =	sshra.s32 s2, $0x2;
	[sflag:s24] =	ssyncset.done $0x0  }
0xe8: {  	s18 =	sadd.s32 $0x2800, s2;
	[sflag:s24] =	ssyncadd.s32 $0xFFFFA000  }
0xe9: {  	[spmem:s3] =	stream.indirect.scatter.add.f32 [tilespmem:s22], [sflag:$0x3], $0x60, s18, s21, $0xb8;
	[tilespmem:$0x1FD00] =	vst v63  }
0xea: {  	_ =	swait.ge [sflag:s25], $0x6000  }
0xeb: {  	[sflag:s25] =	ssyncset.done $0x0  }
0xec: {  	s18 =	sadd.s32 $0x200, s2;
	[sflag:s25] =	ssyncadd.s32 $0xFFFFA000  }
0xed: {  	[tilespmem:s22], [sflag:$0x1] =	stream.indirect.gather [hbm4b:s5+s21], $0x60, s18, s21, $0xb8;
	[tilespmem:$0x1FD00] =	vst v63  }
0xee: {  	_ =	swait.ge [sflag:s26], $0x6000  }
0xef: {  	[sflag:s26] =	ssyncset.done $0x0  }
.Ltmp7:
0xf0: {  	s18 =	sadd.s32 $0x2900, s2;
	[sflag:s26] =	ssyncadd.s32 $0xFFFFA000;
	(pc) =	sbr.rel @!p1 .LBB2_5-.Ltmp7, $4  }
0xf1: {  	[spmem:s3] =	stream.indirect.scatter.add.f32 [tilespmem:s23], [sflag:$0x4], $0x60, s18, s21, $0xb8;
	[tilespmem:$0x1FD00] =	vst v63  }
0xf2: {  	_ =	swait.ge [sflag:s28], $0x6000  }
0xf3: {  	[sflag:s28] =	ssyncset.done $0x0  }
0xf4: {  	s2 =	sadd.s32 $0x300, s2;
	[sflag:s28] =	ssyncadd.s32 $0xFFFFA000  }
.Ltmp8:
0xf5: {  	(pc) =	sbr.rel .LBB2_12-.Ltmp8, $3  }
0xf6: {  	_ =	sdelay $0x1  }
0xf7: {  	[tilespmem:s23], [sflag:$0x2] =	stream.indirect.gather [hbm4b:s5+s21], $0x60, s2, s21, $0xb8;
	[tilespmem:$0x1FD00] =	vst v63  }
0xf8: {  	s0 =	smov.u32 s10  }
.LBB2_13:
0xf9: {  	_ =	sfence.sel $0x180000  }
0xfa: {  	[bflag:$0x0] =	sbarrier.arrive $0xFFFF  }
0xfb: {  	_ =	strace $0x90000050  }
0xfc: {  	s0 =	stileid.u32;
	[bflag:$0x2] =	sbarrier.arrive $0xFFFF  }
0xfd: {  	p0 =	sne.s32 s0, $0x0;
	s0 =	rddreg [dreg:$0x3]  }
0xfe: {  	s0 =	sadd.s32 @!p0 $0x100000, s0  }
0xff: {  	[sflag:s0] =	ssyncadd.tile.s32 @!p0 $0x1;
	_ =	shalt  }
.Lfunc_end2:
_tile_overlayer_lowered:
.L_overlay_start_2:
0x100: {  	(tag) =	ssettag $0x2  }
0x101: {  	s0 =	rddreg [dreg:$0x0];
	s2 =	stileid.u32  }
0x102: {  	s1 =	rddreg [dreg:$0x1];
	p0 =	sne.s32 s2, $0x0  }
0x103: {  	s3 =	rddreg [dreg:$0x2];
	[bflag:$0x3] =	sbarrier.arrive $0xFFFF;
	s2 =	simm.s32 @!p0 $0x1C05  }
0x104: {  	[timem:s3], [sflag:s2] =	dma.local @!p0 [hbm:s0], s1  }
0x105: {  	s0 =	simm.s32 @!p0 $0x5  }
0x106: {  	_ =	swait.ge @!p0 [sflag:s0], s1  }
0x107: {  	s1 =	ssub.s32 @!p0 $0x0, s1;
	[sflag:s0] =	ssyncset.done @!p0 $0x0  }
0x108: {  	[sflag:s0] =	ssyncadd.s32 @!p0 s1  }
0x109: {  	[bflag:$0x3] =	sbarrier.arrive $0xFFFF  }
0x10a: {  	_ =	shalt  }

</sc_bundles>
